<compile_context>
chip_gen: v7x
topology: tpu7x:2x2x1
jax: 0.10.2.dev20260603
libtpu: 0.0.44.dev20260713+nightly
codegen_flags: <defaults>
</compile_context>

<pallas_src>
import functools

import jax
import jax.numpy as jnp
from jax import lax
from jax.experimental import pallas as pl
from jax.experimental.pallas import tpu as pltpu
from jax.experimental.pallas import tpu_sc as plsc


NW = 32
G = 4
NBUF = 6
LEAD = 5
LANES = 16
UNROLL = 4


def _kernel_sc(x, pos_table):
    chunk, b, d = x.shape
    per_w = chunk // NW
    steps = per_w // G

    mesh = plsc.VectorSubcoreMesh(core_axis_name="c", subcore_axis_name="s")

    scratch = (
        [pltpu.VMEM((G, d), jnp.float32) for _ in range(NBUF)]
        + [pltpu.VMEM((G, b, d), jnp.float32) for _ in range(NBUF)]
        + [pltpu.SemaphoreType.DMA for _ in range(2 * NBUF)]
    )

    @functools.partial(
        pl.kernel,
        mesh=mesh,
        out_type=jax.ShapeDtypeStruct((chunk, b, d), jnp.float32),
        scratch_types=scratch,
    )
    def k(x_hbm, pos_hbm, out_hbm, *bufs):
        pos_v = bufs[0:NBUF]
        x_v = bufs[NBUF:2 * NBUF]
        in_sem = bufs[2 * NBUF:3 * NBUF]
        out_sem = bufs[3 * NBUF:4 * NBUF]

        wid = lax.axis_index("s") * 2 + lax.axis_index("c")
        i_base = wid * per_w

        def issue_in(s, p):
            i0 = i_base + s * G
            pltpu.async_copy(pos_hbm.at[pl.ds(i0, G)], pos_v[p], in_sem[p])
            pltpu.async_copy(x_hbm.at[pl.ds(i0, G)], x_v[p], in_sem[p])

        def wait_in(p):
            pltpu.make_async_copy(pos_hbm.at[pl.ds(0, G)], pos_v[p],
                                  in_sem[p]).wait()
            pltpu.make_async_copy(x_hbm.at[pl.ds(0, G)], x_v[p],
                                  in_sem[p]).wait()

        def issue_out(s, p):
            i0 = i_base + s * G
            pltpu.async_copy(x_v[p], out_hbm.at[pl.ds(i0, G)], out_sem[p])

        def wait_out(p):
            pltpu.make_async_copy(x_v[p], out_hbm.at[pl.ds(0, G)],
                                  out_sem[p]).wait()

        groups_per_row = d // (LANES * UNROLL)
        assert groups_per_row & (groups_per_row - 1) == 0
        gshift = groups_per_row.bit_length() - 1

        def compute(p):
            pv_ref = pos_v[p]
            xv_ref = x_v[p]

            def body(t, c):
                g = t >> gshift
                j4 = t & (groups_per_row - 1)
                for u in range(UNROLL):
                    coff = (j4 * UNROLL + u) * LANES
                    pv = pv_ref[g, pl.ds(coff, LANES)]
                    for bb in range(b):
                        plsc.addupdate(xv_ref.at[g, bb, pl.ds(coff, LANES)],
                                       pv)
                return c

            lax.fori_loop(0, G * d // (LANES * UNROLL), body, 0)

        for s in range(LEAD):
            issue_in(s, s % NBUF)

        for s in range(LEAD):
            p = s % NBUF
            wait_in(p)
            compute(p)
            issue_out(s, p)
            r = (s + LEAD) % NBUF
            if s + LEAD - NBUF >= 0:
                wait_out(r)
            issue_in(s + LEAD, r)

        n_steady = ((steps - 2 * LEAD) // NBUF) * NBUF

        def steady(it, carry):
            for p0 in range(NBUF):
                s = LEAD + it * NBUF + p0
                p = (LEAD + p0) % NBUF
                wait_in(p)
                compute(p)
                issue_out(s, p)
                r = (p + LEAD) % NBUF
                wait_out(r)
                issue_in(s + LEAD, r)
            return carry

        lax.fori_loop(0, n_steady // NBUF, steady, 0)

        for s in range(LEAD + n_steady, steps):
            p = s % NBUF
            wait_in(p)
            compute(p)
            issue_out(s, p)
            if s + LEAD < steps:
                r = (p + LEAD) % NBUF
                if s + LEAD - NBUF >= 0:
                    wait_out(r)
                issue_in(s + LEAD, r)

        for p in range(NBUF):
            wait_out(p)

    return k(x, pos_table[:chunk])


def kernel(x, pos_table):
    return _kernel_sc(x, pos_table)

# --- scband reference (transcript-rebuilt; emitter-appended) ---
"""Pipeline reference for scband-positional-encoding-24378234372717 (READ-ONLY COPY).

The authoritative reference and input builder live on the scoring server;
editing this copy changes nothing except your own understanding.
"""

import jax, jax.numpy as jnp
import numpy as np

CHUNK = 8192
B = 4
D_MODEL = 1024
MAX_LEN = 8192


def setup_inputs(seed: int = 0) -> dict:
    key = jax.random.key(seed)
    k1, k2 = jax.random.split(key)
    x = jax.random.normal(k1, (CHUNK, B, D_MODEL), dtype=jnp.float32)
    # learned positional embedding table (nn.Embedding(max_len, d_model, padding_idx=0))
    pos_table = jax.random.normal(k2, (MAX_LEN, D_MODEL), dtype=jnp.float32)
    pos_table = pos_table.at[0].set(0.0)  # padding_idx=0 row zeroed, as torch init does
    return {"x": x, "pos_table": pos_table}


def reference(x, pos_table):
    chunk_size, Bd, d_model = x.shape
    # position_ids = arange(chunk_size).unsqueeze(1) -> [chunk_size, 1]
    position_ids = jnp.arange(chunk_size, dtype=jnp.int32)
    # embedding lookup -> [chunk_size, 1, d_model]
    position_enc = jnp.take(pos_table, position_ids, axis=0)[:, None, :]
    # expand to [chunk_size, B, d_model]
    position_enc = jnp.broadcast_to(position_enc, (chunk_size, Bd, d_model))
    out = x + position_enc
    # dropout is identity in eval mode
    return out

if __name__ == "__main__":
    import jax
    _d = setup_inputs()
    print(jax.jit(kernel)(*tuple(_d.values())))

</pallas_src>

<mosaic_0001>
#map = affine_map<(d0, d1) -> (0, 0, 0)>
#map1 = affine_map<(d0, d1) -> (0, 0)>
module attributes {stable_mosaic.version = 14 : i64} {
  func.func @k(%arg0: i32, %arg1: i32, %arg2: memref<8192x4x1024xf32, #tpu.memory_space<hbm>>, %arg3: memref<8192x1024xf32, #tpu.memory_space<hbm>>, %arg4: memref<8192x4x1024xf32, #tpu.memory_space<hbm>>, %arg5: memref<4x1024xf32, #tpu.memory_space<vmem>>, %arg6: memref<4x1024xf32, #tpu.memory_space<vmem>>, %arg7: memref<4x1024xf32, #tpu.memory_space<vmem>>, %arg8: memref<4x1024xf32, #tpu.memory_space<vmem>>, %arg9: memref<4x1024xf32, #tpu.memory_space<vmem>>, %arg10: memref<4x1024xf32, #tpu.memory_space<vmem>>, %arg11: memref<4x4x1024xf32, #tpu.memory_space<vmem>>, %arg12: memref<4x4x1024xf32, #tpu.memory_space<vmem>>, %arg13: memref<4x4x1024xf32, #tpu.memory_space<vmem>>, %arg14: memref<4x4x1024xf32, #tpu.memory_space<vmem>>, %arg15: memref<4x4x1024xf32, #tpu.memory_space<vmem>>, %arg16: memref<4x4x1024xf32, #tpu.memory_space<vmem>>, %arg17: memref<!tpu.dma_semaphore, #tpu.memory_space<semaphore_mem>>, %arg18: memref<!tpu.dma_semaphore, #tpu.memory_space<semaphore_mem>>, %arg19: memref<!tpu.dma_semaphore, #tpu.memory_space<semaphore_mem>>, %arg20: memref<!tpu.dma_semaphore, #tpu.memory_space<semaphore_mem>>, %arg21: memref<!tpu.dma_semaphore, #tpu.memory_space<semaphore_mem>>, %arg22: memref<!tpu.dma_semaphore, #tpu.memory_space<semaphore_mem>>, %arg23: memref<!tpu.dma_semaphore, #tpu.memory_space<semaphore_mem>>, %arg24: memref<!tpu.dma_semaphore, #tpu.memory_space<semaphore_mem>>, %arg25: memref<!tpu.dma_semaphore, #tpu.memory_space<semaphore_mem>>, %arg26: memref<!tpu.dma_semaphore, #tpu.memory_space<semaphore_mem>>, %arg27: memref<!tpu.dma_semaphore, #tpu.memory_space<semaphore_mem>>, %arg28: memref<!tpu.dma_semaphore, #tpu.memory_space<semaphore_mem>>) attributes {dimension_semantics = [#tpu.dimension_semantics<core_parallel>, #tpu.dimension_semantics<subcore_parallel>], iteration_bounds = array<i64: 2, 16>, scalar_prefetch = 0 : i64, scratch_operands = 24 : i64, tpu.core_type = #tpu.core_type<sc_vector_subcore>, window_params = [{transform_indices = #map}, {transform_indices = #map1}, {transform_indices = #map}]} {
    %mul3A = arith.constant 2 : i32
    %mul3A_0 = arith.muli %arg1, %mul3A : i32
    %add3A = arith.addi %mul3A_0, %arg0 : i32
    %mul3A_1 = arith.constant 256 : i32
    %mul3A_2 = arith.muli %add3A, %mul3A_1 : i32
    %add3A_3 = arith.constant 0 : i32
    %add3A_4 = arith.addi %mul3A_2, %add3A_3 : i32
    %dma_start3A = arith.constant 0 : i32
    %dma_start3A_5 = tpu.memref_slice %arg3[%add3A_4, %dma_start3A] : memref<8192x1024xf32, #tpu.memory_space<hbm>> -> memref<4x1024xf32, #tpu.memory_space<hbm>>
    %dma_start3A_6 = arith.constant 0 : i32
    %dma_start3A_7 = tpu.memref_slice %arg3[%add3A_4, %dma_start3A_6] : memref<8192x1024xf32, #tpu.memory_space<hbm>> -> memref<4x1024xf32, #tpu.memory_space<hbm>>
    tpu.enqueue_dma source(%dma_start3A_7 : memref<4x1024xf32, #tpu.memory_space<hbm>>) target(%arg5 : memref<4x1024xf32, #tpu.memory_space<vmem>>) target_semaphore(%arg17 : memref<!tpu.dma_semaphore, #tpu.memory_space<semaphore_mem>>)
    %dma_start3A_8 = arith.constant 0 : i32
    %dma_start3A_9 = arith.constant 0 : i32
    %dma_start3A_10 = tpu.memref_slice %arg2[%add3A_4, %dma_start3A_8, %dma_start3A_9] : memref<8192x4x1024xf32, #tpu.memory_space<hbm>> -> memref<4x4x1024xf32, #tpu.memory_space<hbm>>
    %dma_start3A_11 = arith.constant 0 : i32
    %dma_start3A_12 = arith.constant 0 : i32
    %dma_start3A_13 = tpu.memref_slice %arg2[%add3A_4, %dma_start3A_11, %dma_start3A_12] : memref<8192x4x1024xf32, #tpu.memory_space<hbm>> -> memref<4x4x1024xf32, #tpu.memory_space<hbm>>
    tpu.enqueue_dma source(%dma_start3A_13 : memref<4x4x1024xf32, #tpu.memory_space<hbm>>) target(%arg11 : memref<4x4x1024xf32, #tpu.memory_space<vmem>>) target_semaphore(%arg17 : memref<!tpu.dma_semaphore, #tpu.memory_space<semaphore_mem>>)
    %add3A_14 = arith.constant 4 : i32
    %add3A_15 = arith.addi %mul3A_2, %add3A_14 : i32
    %dma_start3A_16 = arith.constant 0 : i32
    %dma_start3A_17 = tpu.memref_slice %arg3[%add3A_15, %dma_start3A_16] : memref<8192x1024xf32, #tpu.memory_space<hbm>> -> memref<4x1024xf32, #tpu.memory_space<hbm>>
    %dma_start3A_18 = arith.constant 0 : i32
    %dma_start3A_19 = tpu.memref_slice %arg3[%add3A_15, %dma_start3A_18] : memref<8192x1024xf32, #tpu.memory_space<hbm>> -> memref<4x1024xf32, #tpu.memory_space<hbm>>
    tpu.enqueue_dma source(%dma_start3A_19 : memref<4x1024xf32, #tpu.memory_space<hbm>>) target(%arg6 : memref<4x1024xf32, #tpu.memory_space<vmem>>) target_semaphore(%arg18 : memref<!tpu.dma_semaphore, #tpu.memory_space<semaphore_mem>>)
    %dma_start3A_20 = arith.constant 0 : i32
    %dma_start3A_21 = arith.constant 0 : i32
    %dma_start3A_22 = tpu.memref_slice %arg2[%add3A_15, %dma_start3A_20, %dma_start3A_21] : memref<8192x4x1024xf32, #tpu.memory_space<hbm>> -> memref<4x4x1024xf32, #tpu.memory_space<hbm>>
    %dma_start3A_23 = arith.constant 0 : i32
    %dma_start3A_24 = arith.constant 0 : i32
    %dma_start3A_25 = tpu.memref_slice %arg2[%add3A_15, %dma_start3A_23, %dma_start3A_24] : memref<8192x4x1024xf32, #tpu.memory_space<hbm>> -> memref<4x4x1024xf32, #tpu.memory_space<hbm>>
    tpu.enqueue_dma source(%dma_start3A_25 : memref<4x4x1024xf32, #tpu.memory_space<hbm>>) target(%arg12 : memref<4x4x1024xf32, #tpu.memory_space<vmem>>) target_semaphore(%arg18 : memref<!tpu.dma_semaphore, #tpu.memory_space<semaphore_mem>>)
    %add3A_26 = arith.constant 8 : i32
    %add3A_27 = arith.addi %mul3A_2, %add3A_26 : i32
    %dma_start3A_28 = arith.constant 0 : i32
    %dma_start3A_29 = tpu.memref_slice %arg3[%add3A_27, %dma_start3A_28] : memref<8192x1024xf32, #tpu.memory_space<hbm>> -> memref<4x1024xf32, #tpu.memory_space<hbm>>
    %dma_start3A_30 = arith.constant 0 : i32
    %dma_start3A_31 = tpu.memref_slice %arg3[%add3A_27, %dma_start3A_30] : memref<8192x1024xf32, #tpu.memory_space<hbm>> -> memref<4x1024xf32, #tpu.memory_space<hbm>>
    tpu.enqueue_dma source(%dma_start3A_31 : memref<4x1024xf32, #tpu.memory_space<hbm>>) target(%arg7 : memref<4x1024xf32, #tpu.memory_space<vmem>>) target_semaphore(%arg19 : memref<!tpu.dma_semaphore, #tpu.memory_space<semaphore_mem>>)
    %dma_start3A_32 = arith.constant 0 : i32
    %dma_start3A_33 = arith.constant 0 : i32
    %dma_start3A_34 = tpu.memref_slice %arg2[%add3A_27, %dma_start3A_32, %dma_start3A_33] : memref<8192x4x1024xf32, #tpu.memory_space<hbm>> -> memref<4x4x1024xf32, #tpu.memory_space<hbm>>
    %dma_start3A_35 = arith.constant 0 : i32
    %dma_start3A_36 = arith.constant 0 : i32
    %dma_start3A_37 = tpu.memref_slice %arg2[%add3A_27, %dma_start3A_35, %dma_start3A_36] : memref<8192x4x1024xf32, #tpu.memory_space<hbm>> -> memref<4x4x1024xf32, #tpu.memory_space<hbm>>
    tpu.enqueue_dma source(%dma_start3A_37 : memref<4x4x1024xf32, #tpu.memory_space<hbm>>) target(%arg13 : memref<4x4x1024xf32, #tpu.memory_space<vmem>>) target_semaphore(%arg19 : memref<!tpu.dma_semaphore, #tpu.memory_space<semaphore_mem>>)
    %add3A_38 = arith.constant 12 : i32
    %add3A_39 = arith.addi %mul3A_2, %add3A_38 : i32
    %dma_start3A_40 = arith.constant 0 : i32
    %dma_start3A_41 = tpu.memref_slice %arg3[%add3A_39, %dma_start3A_40] : memref<8192x1024xf32, #tpu.memory_space<hbm>> -> memref<4x1024xf32, #tpu.memory_space<hbm>>
    %dma_start3A_42 = arith.constant 0 : i32
    %dma_start3A_43 = tpu.memref_slice %arg3[%add3A_39, %dma_start3A_42] : memref<8192x1024xf32, #tpu.memory_space<hbm>> -> memref<4x1024xf32, #tpu.memory_space<hbm>>
    tpu.enqueue_dma source(%dma_start3A_43 : memref<4x1024xf32, #tpu.memory_space<hbm>>) target(%arg8 : memref<4x1024xf32, #tpu.memory_space<vmem>>) target_semaphore(%arg20 : memref<!tpu.dma_semaphore, #tpu.memory_space<semaphore_mem>>)
    %dma_start3A_44 = arith.constant 0 : i32
    %dma_start3A_45 = arith.constant 0 : i32
    %dma_start3A_46 = tpu.memref_slice %arg2[%add3A_39, %dma_start3A_44, %dma_start3A_45] : memref<8192x4x1024xf32, #tpu.memory_space<hbm>> -> memref<4x4x1024xf32, #tpu.memory_space<hbm>>
    %dma_start3A_47 = arith.constant 0 : i32
    %dma_start3A_48 = arith.constant 0 : i32
    %dma_start3A_49 = tpu.memref_slice %arg2[%add3A_39, %dma_start3A_47, %dma_start3A_48] : memref<8192x4x1024xf32, #tpu.memory_space<hbm>> -> memref<4x4x1024xf32, #tpu.memory_space<hbm>>
    tpu.enqueue_dma source(%dma_start3A_49 : memref<4x4x1024xf32, #tpu.memory_space<hbm>>) target(%arg14 : memref<4x4x1024xf32, #tpu.memory_space<vmem>>) target_semaphore(%arg20 : memref<!tpu.dma_semaphore, #tpu.memory_space<semaphore_mem>>)
    %add3A_50 = arith.constant 16 : i32
    %add3A_51 = arith.addi %mul3A_2, %add3A_50 : i32
    %dma_start3A_52 = arith.constant 0 : i32
    %dma_start3A_53 = tpu.memref_slice %arg3[%add3A_51, %dma_start3A_52] : memref<8192x1024xf32, #tpu.memory_space<hbm>> -> memref<4x1024xf32, #tpu.memory_space<hbm>>
    %dma_start3A_54 = arith.constant 0 : i32
    %dma_start3A_55 = tpu.memref_slice %arg3[%add3A_51, %dma_start3A_54] : memref<8192x1024xf32, #tpu.memory_space<hbm>> -> memref<4x1024xf32, #tpu.memory_space<hbm>>
    tpu.enqueue_dma source(%dma_start3A_55 : memref<4x1024xf32, #tpu.memory_space<hbm>>) target(%arg9 : memref<4x1024xf32, #tpu.memory_space<vmem>>) target_semaphore(%arg21 : memref<!tpu.dma_semaphore, #tpu.memory_space<semaphore_mem>>)
    %dma_start3A_56 = arith.constant 0 : i32
    %dma_start3A_57 = arith.constant 0 : i32
    %dma_start3A_58 = tpu.memref_slice %arg2[%add3A_51, %dma_start3A_56, %dma_start3A_57] : memref<8192x4x1024xf32, #tpu.memory_space<hbm>> -> memref<4x4x1024xf32, #tpu.memory_space<hbm>>
    %dma_start3A_59 = arith.constant 0 : i32
    %dma_start3A_60 = arith.constant 0 : i32
    %dma_start3A_61 = tpu.memref_slice %arg2[%add3A_51, %dma_start3A_59, %dma_start3A_60] : memref<8192x4x1024xf32, #tpu.memory_space<hbm>> -> memref<4x4x1024xf32, #tpu.memory_space<hbm>>
    tpu.enqueue_dma source(%dma_start3A_61 : memref<4x4x1024xf32, #tpu.memory_space<hbm>>) target(%arg15 : memref<4x4x1024xf32, #tpu.memory_space<vmem>>) target_semaphore(%arg21 : memref<!tpu.dma_semaphore, #tpu.memory_space<semaphore_mem>>)
    %dma_wait3A = arith.constant 0 : i32
    %dma_wait3A_62 = arith.constant 0 : i32
    %dma_wait3A_63 = tpu.memref_slice %arg3[%dma_wait3A, %dma_wait3A_62] : memref<8192x1024xf32, #tpu.memory_space<hbm>> -> memref<4x1024xf32, #tpu.memory_space<hbm>>
    %dma_wait3A_64 = arith.constant 0 : i32
    %dma_wait3A_65 = arith.constant 0 : i32
    %dma_wait3A_66 = tpu.memref_slice %arg3[%dma_wait3A_64, %dma_wait3A_65] : memref<8192x1024xf32, #tpu.memory_space<hbm>> -> memref<4x1024xf32, #tpu.memory_space<hbm>>
    tpu.wait_dma2 semaphore(%arg17 : memref<!tpu.dma_semaphore, #tpu.memory_space<semaphore_mem>>) src(%dma_wait3A_66 : memref<4x1024xf32, #tpu.memory_space<hbm>>) dst(%arg5 : memref<4x1024xf32, #tpu.memory_space<vmem>>)
    %dma_wait3A_67 = arith.constant 0 : i32
    %dma_wait3A_68 = arith.constant 0 : i32
    %dma_wait3A_69 = arith.constant 0 : i32
    %dma_wait3A_70 = tpu.memref_slice %arg2[%dma_wait3A_67, %dma_wait3A_68, %dma_wait3A_69] : memref<8192x4x1024xf32, #tpu.memory_space<hbm>> -> memref<4x4x1024xf32, #tpu.memory_space<hbm>>
    %dma_wait3A_71 = arith.constant 0 : i32
    %dma_wait3A_72 = arith.constant 0 : i32
    %dma_wait3A_73 = arith.constant 0 : i32
    %dma_wait3A_74 = tpu.memref_slice %arg2[%dma_wait3A_71, %dma_wait3A_72, %dma_wait3A_73] : memref<8192x4x1024xf32, #tpu.memory_space<hbm>> -> memref<4x4x1024xf32, #tpu.memory_space<hbm>>
    tpu.wait_dma2 semaphore(%arg17 : memref<!tpu.dma_semaphore, #tpu.memory_space<semaphore_mem>>) src(%dma_wait3A_74 : memref<4x4x1024xf32, #tpu.memory_space<hbm>>) dst(%arg11 : memref<4x4x1024xf32, #tpu.memory_space<vmem>>)
    %scan3A = arith.constant 0 : i32
    %scan3A_75 = arith.constant 0 : i32
    %scan3A_76 = arith.constant 64 : i32
    %scan3A_77 = arith.addi %scan3A_75, %scan3A_76 : i32
    %scan3A_78 = arith.constant 1 : i32
    scf.for %scan3A_486 = %scan3A_75 to %scan3A_77 step %scan3A_78  : i32 {
      %shift_right_arithmetic3A = arith.constant 4 : i32
      %shift_right_arithmetic3A_487 = arith.shrsi %scan3A_486, %shift_right_arithmetic3A : i32
      %and3A = arith.constant 15 : i32
      %and3A_488 = arith.andi %scan3A_486, %and3A : i32
      %mul3A_489 = arith.constant 4 : i32
      %mul3A_490 = arith.muli %and3A_488, %mul3A_489 : i32
      %add3A_491 = arith.constant 0 : i32
      %add3A_492 = arith.addi %mul3A_490, %add3A_491 : i32
      %mul3A_493 = arith.constant 16 : i32
      %mul3A_494 = arith.muli %add3A_492, %mul3A_493 : i32
      %get3A = arith.index_cast %shift_right_arithmetic3A_487 : i32 to index
      %get3A_495 = arith.index_cast %mul3A_494 : i32 to index
      %get3A_496 = tpu.vector_load %arg5[%get3A, %get3A_495] {strides = array<i32>} : memref<4x1024xf32, #tpu.memory_space<vmem>>, vector<1x16xf32>,
      %get3A_497 = vector.shape_cast %get3A_496 : vector<1x16xf32> to vector<16xf32>
      %swap3A = arith.constant 0 : i32
      %swap3A_498 = arith.index_cast %shift_right_arithmetic3A_487 : i32 to index
      %swap3A_499 = arith.index_cast %swap3A : i32 to index
      %swap3A_500 = arith.index_cast %mul3A_494 : i32 to index
      %swap3A_501 = tpu.vector_load %arg11[%swap3A_498, %swap3A_499, %swap3A_500] {strides = array<i32>} : memref<4x4x1024xf32, #tpu.memory_space<vmem>>, vector<1x1x16xf32>,
      %swap3A_502 = vector.shape_cast %swap3A_501 : vector<1x1x16xf32> to vector<16xf32>
      %swap3A_503 = vector.shape_cast %get3A_497 : vector<16xf32> to vector<1x1x16xf32>
      tpu.vector_store %arg11[%swap3A_498, %swap3A_499, %swap3A_500], %swap3A_503 {add = true, strides = array<i32>} : memref<4x4x1024xf32, #tpu.memory_space<vmem>>, vector<1x1x16xf32>,
      %swap3A_504 = arith.constant 1 : i32
      %swap3A_505 = arith.index_cast %shift_right_arithmetic3A_487 : i32 to index
      %swap3A_506 = arith.index_cast %swap3A_504 : i32 to index
      %swap3A_507 = arith.index_cast %mul3A_494 : i32 to index
      %swap3A_508 = tpu.vector_load %arg11[%swap3A_505, %swap3A_506, %swap3A_507] {strides = array<i32>} : memref<4x4x1024xf32, #tpu.memory_space<vmem>>, vector<1x1x16xf32>,
      %swap3A_509 = vector.shape_cast %swap3A_508 : vector<1x1x16xf32> to vector<16xf32>
      %swap3A_510 = vector.shape_cast %get3A_497 : vector<16xf32> to vector<1x1x16xf32>
      tpu.vector_store %arg11[%swap3A_505, %swap3A_506, %swap3A_507], %swap3A_510 {add = true, strides = array<i32>} : memref<4x4x1024xf32, #tpu.memory_space<vmem>>, vector<1x1x16xf32>,
      %swap3A_511 = arith.constant 2 : i32
      %swap3A_512 = arith.index_cast %shift_right_arithmetic3A_487 : i32 to index
      %swap3A_513 = arith.index_cast %swap3A_511 : i32 to index
      %swap3A_514 = arith.index_cast %mul3A_494 : i32 to index
      %swap3A_515 = tpu.vector_load %arg11[%swap3A_512, %swap3A_513, %swap3A_514] {strides = array<i32>} : memref<4x4x1024xf32, #tpu.memory_space<vmem>>, vector<1x1x16xf32>,
      %swap3A_516 = vector.shape_cast %swap3A_515 : vector<1x1x16xf32> to vector<16xf32>
      %swap3A_517 = vector.shape_cast %get3A_497 : vector<16xf32> to vector<1x1x16xf32>
      tpu.vector_store %arg11[%swap3A_512, %swap3A_513, %swap3A_514], %swap3A_517 {add = true, strides = array<i32>} : memref<4x4x1024xf32, #tpu.memory_space<vmem>>, vector<1x1x16xf32>,
      %swap3A_518 = arith.constant 3 : i32
      %swap3A_519 = arith.index_cast %shift_right_arithmetic3A_487 : i32 to index
      %swap3A_520 = arith.index_cast %swap3A_518 : i32 to index
      %swap3A_521 = arith.index_cast %mul3A_494 : i32 to index
      %swap3A_522 = tpu.vector_load %arg11[%swap3A_519, %swap3A_520, %swap3A_521] {strides = array<i32>} : memref<4x4x1024xf32, #tpu.memory_space<vmem>>, vector<1x1x16xf32>,
      %swap3A_523 = vector.shape_cast %swap3A_522 : vector<1x1x16xf32> to vector<16xf32>
      %swap3A_524 = vector.shape_cast %get3A_497 : vector<16xf32> to vector<1x1x16xf32>
      tpu.vector_store %arg11[%swap3A_519, %swap3A_520, %swap3A_521], %swap3A_524 {add = true, strides = array<i32>} : memref<4x4x1024xf32, #tpu.memory_space<vmem>>, vector<1x1x16xf32>,
      %mul3A_525 = arith.constant 4 : i32
      %mul3A_526 = arith.muli %and3A_488, %mul3A_525 : i32
      %add3A_527 = arith.constant 1 : i32
      %add3A_528 = arith.addi %mul3A_526, %add3A_527 : i32
      %mul3A_529 = arith.constant 16 : i32
      %mul3A_530 = arith.muli %add3A_528, %mul3A_529 : i32
      %get3A_531 = arith.index_cast %shift_right_arithmetic3A_487 : i32 to index
      %get3A_532 = arith.index_cast %mul3A_530 : i32 to index
      %get3A_533 = tpu.vector_load %arg5[%get3A_531, %get3A_532] {strides = array<i32>} : memref<4x1024xf32, #tpu.memory_space<vmem>>, vector<1x16xf32>,
      %get3A_534 = vector.shape_cast %get3A_533 : vector<1x16xf32> to vector<16xf32>
      %swap3A_535 = arith.constant 0 : i32
      %swap3A_536 = arith.index_cast %shift_right_arithmetic3A_487 : i32 to index
      %swap3A_537 = arith.index_cast %swap3A_535 : i32 to index
      %swap3A_538 = arith.index_cast %mul3A_530 : i32 to index
      %swap3A_539 = tpu.vector_load %arg11[%swap3A_536, %swap3A_537, %swap3A_538] {strides = array<i32>} : memref<4x4x1024xf32, #tpu.memory_space<vmem>>, vector<1x1x16xf32>,
      %swap3A_540 = vector.shape_cast %swap3A_539 : vector<1x1x16xf32> to vector<16xf32>
      %swap3A_541 = vector.shape_cast %get3A_534 : vector<16xf32> to vector<1x1x16xf32>
      tpu.vector_store %arg11[%swap3A_536, %swap3A_537, %swap3A_538], %swap3A_541 {add = true, strides = array<i32>} : memref<4x4x1024xf32, #tpu.memory_space<vmem>>, vector<1x1x16xf32>,
      %swap3A_542 = arith.constant 1 : i32
      %swap3A_543 = arith.index_cast %shift_right_arithmetic3A_487 : i32 to index
      %swap3A_544 = arith.index_cast %swap3A_542 : i32 to index
      %swap3A_545 = arith.index_cast %mul3A_530 : i32 to index
      %swap3A_546 = tpu.vector_load %arg11[%swap3A_543, %swap3A_544, %swap3A_545] {strides = array<i32>} : memref<4x4x1024xf32, #tpu.memory_space<vmem>>, vector<1x1x16xf32>,
      %swap3A_547 = vector.shape_cast %swap3A_546 : vector<1x1x16xf32> to vector<16xf32>
      %swap3A_548 = vector.shape_cast %get3A_534 : vector<16xf32> to vector<1x1x16xf32>
      tpu.vector_store %arg11[%swap3A_543, %swap3A_544, %swap3A_545], %swap3A_548 {add = true, strides = array<i32>} : memref<4x4x1024xf32, #tpu.memory_space<vmem>>, vector<1x1x16xf32>,
      %swap3A_549 = arith.constant 2 : i32
      %swap3A_550 = arith.index_cast %shift_right_arithmetic3A_487 : i32 to index
      %swap3A_551 = arith.index_cast %swap3A_549 : i32 to index
      %swap3A_552 = arith.index_cast %mul3A_530 : i32 to index
      %swap3A_553 = tpu.vector_load %arg11[%swap3A_550, %swap3A_551, %swap3A_552] {strides = array<i32>} : memref<4x4x1024xf32, #tpu.memory_space<vmem>>, vector<1x1x16xf32>,
      %swap3A_554 = vector.shape_cast %swap3A_553 : vector<1x1x16xf32> to vector<16xf32>
      %swap3A_555 = vector.shape_cast %get3A_534 : vector<16xf32> to vector<1x1x16xf32>
      tpu.vector_store %arg11[%swap3A_550, %swap3A_551, %swap3A_552], %swap3A_555 {add = true, strides = array<i32>} : memref<4x4x1024xf32, #tpu.memory_space<vmem>>, vector<1x1x16xf32>,
      %swap3A_556 = arith.constant 3 : i32
      %swap3A_557 = arith.index_cast %shift_right_arithmetic3A_487 : i32 to index
      %swap3A_558 = arith.index_cast %swap3A_556 : i32 to index
      %swap3A_559 = arith.index_cast %mul3A_530 : i32 to index
      %swap3A_560 = tpu.vector_load %arg11[%swap3A_557, %swap3A_558, %swap3A_559] {strides = array<i32>} : memref<4x4x1024xf32, #tpu.memory_space<vmem>>, vector<1x1x16xf32>,
      %swap3A_561 = vector.shape_cast %swap3A_560 : vector<1x1x16xf32> to vector<16xf32>
      %swap3A_562 = vector.shape_cast %get3A_534 : vector<16xf32> to vector<1x1x16xf32>
      tpu.vector_store %arg11[%swap3A_557, %swap3A_558, %swap3A_559], %swap3A_562 {add = true, strides = array<i32>} : memref<4x4x1024xf32, #tpu.memory_space<vmem>>, vector<1x1x16xf32>,
      %mul3A_563 = arith.constant 4 : i32
      %mul3A_564 = arith.muli %and3A_488, %mul3A_563 : i32
      %add3A_565 = arith.constant 2 : i32
      %add3A_566 = arith.addi %mul3A_564, %add3A_565 : i32
      %mul3A_567 = arith.constant 16 : i32
      %mul3A_568 = arith.muli %add3A_566, %mul3A_567 : i32
      %get3A_569 = arith.index_cast %shift_right_arithmetic3A_487 : i32 to index
      %get3A_570 = arith.index_cast %mul3A_568 : i32 to index
      %get3A_571 = tpu.vector_load %arg5[%get3A_569, %get3A_570] {strides = array<i32>} : memref<4x1024xf32, #tpu.memory_space<vmem>>, vector<1x16xf32>,
      %get3A_572 = vector.shape_cast %get3A_571 : vector<1x16xf32> to vector<16xf32>
      %swap3A_573 = arith.constant 0 : i32
      %swap3A_574 = arith.index_cast %shift_right_arithmetic3A_487 : i32 to index
      %swap3A_575 = arith.index_cast %swap3A_573 : i32 to index
      %swap3A_576 = arith.index_cast %mul3A_568 : i32 to index
      %swap3A_577 = tpu.vector_load %arg11[%swap3A_574, %swap3A_575, %swap3A_576] {strides = array<i32>} : memref<4x4x1024xf32, #tpu.memory_space<vmem>>, vector<1x1x16xf32>,
      %swap3A_578 = vector.shape_cast %swap3A_577 : vector<1x1x16xf32> to vector<16xf32>
      %swap3A_579 = vector.shape_cast %get3A_572 : vector<16xf32> to vector<1x1x16xf32>
      tpu.vector_store %arg11[%swap3A_574, %swap3A_575, %swap3A_576], %swap3A_579 {add = true, strides = array<i32>} : memref<4x4x1024xf32, #tpu.memory_space<vmem>>, vector<1x1x16xf32>,
      %swap3A_580 = arith.constant 1 : i32
      %swap3A_581 = arith.index_cast %shift_right_arithmetic3A_487 : i32 to index
      %swap3A_582 = arith.index_cast %swap3A_580 : i32 to index
      %swap3A_583 = arith.index_cast %mul3A_568 : i32 to index
      %swap3A_584 = tpu.vector_load %arg11[%swap3A_581, %swap3A_582, %swap3A_583] {strides = array<i32>} : memref<4x4x1024xf32, #tpu.memory_space<vmem>>, vector<1x1x16xf32>,
      %swap3A_585 = vector.shape_cast %swap3A_584 : vector<1x1x16xf32> to vector<16xf32>
      %swap3A_586 = vector.shape_cast %get3A_572 : vector<16xf32> to vector<1x1x16xf32>
      tpu.vector_store %arg11[%swap3A_581, %swap3A_582, %swap3A_583], %swap3A_586 {add = true, strides = array<i32>} : memref<4x4x1024xf32, #tpu.memory_space<vmem>>, vector<1x1x16xf32>,
      %swap3A_587 = arith.constant 2 : i32
      %swap3A_588 = arith.index_cast %shift_right_arithmetic3A_487 : i32 to index
      %swap3A_589 = arith.index_cast %swap3A_587 : i32 to index
      %swap3A_590 = arith.index_cast %mul3A_568 : i32 to index
      %swap3A_591 = tpu.vector_load %arg11[%swap3A_588, %swap3A_589, %swap3A_590] {strides = array<i32>} : memref<4x4x1024xf32, #tpu.memory_space<vmem>>, vector<1x1x16xf32>,
      %swap3A_592 = vector.shape_cast %swap3A_591 : vector<1x1x16xf32> to vector<16xf32>
      %swap3A_593 = vector.shape_cast %get3A_572 : vector<16xf32> to vector<1x1x16xf32>
      tpu.vector_store %arg11[%swap3A_588, %swap3A_589, %swap3A_590], %swap3A_593 {add = true, strides = array<i32>} : memref<4x4x1024xf32, #tpu.memory_space<vmem>>, vector<1x1x16xf32>,
      %swap3A_594 = arith.constant 3 : i32
      %swap3A_595 = arith.index_cast %shift_right_arithmetic3A_487 : i32 to index
      %swap3A_596 = arith.index_cast %swap3A_594 : i32 to index
      %swap3A_597 = arith.index_cast %mul3A_568 : i32 to index
      %swap3A_598 = tpu.vector_load %arg11[%swap3A_595, %swap3A_596, %swap3A_597] {strides = array<i32>} : memref<4x4x1024xf32, #tpu.memory_space<vmem>>, vector<1x1x16xf32>,
      %swap3A_599 = vector.shape_cast %swap3A_598 : vector<1x1x16xf32> to vector<16xf32>
      %swap3A_600 = vector.shape_cast %get3A_572 : vector<16xf32> to vector<1x1x16xf32>
      tpu.vector_store %arg11[%swap3A_595, %swap3A_596, %swap3A_597], %swap3A_600 {add = true, strides = array<i32>} : memref<4x4x1024xf32, #tpu.memory_space<vmem>>, vector<1x1x16xf32>,
      %mul3A_601 = arith.constant 4 : i32
      %mul3A_602 = arith.muli %and3A_488, %mul3A_601 : i32
      %add3A_603 = arith.constant 3 : i32
      %add3A_604 = arith.addi %mul3A_602, %add3A_603 : i32
      %mul3A_605 = arith.constant 16 : i32
      %mul3A_606 = arith.muli %add3A_604, %mul3A_605 : i32
      %get3A_607 = arith.index_cast %shift_right_arithmetic3A_487 : i32 to index
      %get3A_608 = arith.index_cast %mul3A_606 : i32 to index
      %get3A_609 = tpu.vector_load %arg5[%get3A_607, %get3A_608] {strides = array<i32>} : memref<4x1024xf32, #tpu.memory_space<vmem>>, vector<1x16xf32>,
      %get3A_610 = vector.shape_cast %get3A_609 : vector<1x16xf32> to vector<16xf32>
      %swap3A_611 = arith.constant 0 : i32
      %swap3A_612 = arith.index_cast %shift_right_arithmetic3A_487 : i32 to index
      %swap3A_613 = arith.index_cast %swap3A_611 : i32 to index
      %swap3A_614 = arith.index_cast %mul3A_606 : i32 to index
      %swap3A_615 = tpu.vector_load %arg11[%swap3A_612, %swap3A_613, %swap3A_614] {strides = array<i32>} : memref<4x4x1024xf32, #tpu.memory_space<vmem>>, vector<1x1x16xf32>,
      %swap3A_616 = vector.shape_cast %swap3A_615 : vector<1x1x16xf32> to vector<16xf32>
      %swap3A_617 = vector.shape_cast %get3A_610 : vector<16xf32> to vector<1x1x16xf32>
      tpu.vector_store %arg11[%swap3A_612, %swap3A_613, %swap3A_614], %swap3A_617 {add = true, strides = array<i32>} : memref<4x4x1024xf32, #tpu.memory_space<vmem>>, vector<1x1x16xf32>,
      %swap3A_618 = arith.constant 1 : i32
      %swap3A_619 = arith.index_cast %shift_right_arithmetic3A_487 : i32 to index
      %swap3A_620 = arith.index_cast %swap3A_618 : i32 to index
      %swap3A_621 = arith.index_cast %mul3A_606 : i32 to index
      %swap3A_622 = tpu.vector_load %arg11[%swap3A_619, %swap3A_620, %swap3A_621] {strides = array<i32>} : memref<4x4x1024xf32, #tpu.memory_space<vmem>>, vector<1x1x16xf32>,
      %swap3A_623 = vector.shape_cast %swap3A_622 : vector<1x1x16xf32> to vector<16xf32>
      %swap3A_624 = vector.shape_cast %get3A_610 : vector<16xf32> to vector<1x1x16xf32>
      tpu.vector_store %arg11[%swap3A_619, %swap3A_620, %swap3A_621], %swap3A_624 {add = true, strides = array<i32>} : memref<4x4x1024xf32, #tpu.memory_space<vmem>>, vector<1x1x16xf32>,
      %swap3A_625 = arith.constant 2 : i32
      %swap3A_626 = arith.index_cast %shift_right_arithmetic3A_487 : i32 to index
      %swap3A_627 = arith.index_cast %swap3A_625 : i32 to index
      %swap3A_628 = arith.index_cast %mul3A_606 : i32 to index
      %swap3A_629 = tpu.vector_load %arg11[%swap3A_626, %swap3A_627, %swap3A_628] {strides = array<i32>} : memref<4x4x1024xf32, #tpu.memory_space<vmem>>, vector<1x1x16xf32>,
      %swap3A_630 = vector.shape_cast %swap3A_629 : vector<1x1x16xf32> to vector<16xf32>
      %swap3A_631 = vector.shape_cast %get3A_610 : vector<16xf32> to vector<1x1x16xf32>
      tpu.vector_store %arg11[%swap3A_626, %swap3A_627, %swap3A_628], %swap3A_631 {add = true, strides = array<i32>} : memref<4x4x1024xf32, #tpu.memory_space<vmem>>, vector<1x1x16xf32>,
      %swap3A_632 = arith.constant 3 : i32
      %swap3A_633 = arith.index_cast %shift_right_arithmetic3A_487 : i32 to index
      %swap3A_634 = arith.index_cast %swap3A_632 : i32 to index
      %swap3A_635 = arith.index_cast %mul3A_606 : i32 to index
      %swap3A_636 = tpu.vector_load %arg11[%swap3A_633, %swap3A_634, %swap3A_635] {strides = array<i32>} : memref<4x4x1024xf32, #tpu.memory_space<vmem>>, vector<1x1x16xf32>,
      %swap3A_637 = vector.shape_cast %swap3A_636 : vector<1x1x16xf32> to vector<16xf32>
      %swap3A_638 = vector.shape_cast %get3A_610 : vector<16xf32> to vector<1x1x16xf32>
      tpu.vector_store %arg11[%swap3A_633, %swap3A_634, %swap3A_635], %swap3A_638 {add = true, strides = array<i32>} : memref<4x4x1024xf32, #tpu.memory_space<vmem>>, vector<1x1x16xf32>,
    }
    %scan3A_79 = arith.constant 64 : i32
    %add3A_80 = arith.constant 0 : i32
    %add3A_81 = arith.addi %mul3A_2, %add3A_80 : i32
    %dma_start3A_82 = arith.constant 0 : i32
    %dma_start3A_83 = arith.constant 0 : i32
    %dma_start3A_84 = tpu.memref_slice %arg4[%add3A_81, %dma_start3A_82, %dma_start3A_83] : memref<8192x4x1024xf32, #tpu.memory_space<hbm>> -> memref<4x4x1024xf32, #tpu.memory_space<hbm>>
    %dma_start3A_85 = arith.constant 0 : i32
    %dma_start3A_86 = arith.constant 0 : i32
    %dma_start3A_87 = tpu.memref_slice %arg4[%add3A_81, %dma_start3A_85, %dma_start3A_86] : memref<8192x4x1024xf32, #tpu.memory_space<hbm>> -> memref<4x4x1024xf32, #tpu.memory_space<hbm>>
    tpu.enqueue_dma source(%arg11 : memref<4x4x1024xf32, #tpu.memory_space<vmem>>) target(%dma_start3A_87 : memref<4x4x1024xf32, #tpu.memory_space<hbm>>) target_semaphore(%arg23 : memref<!tpu.dma_semaphore, #tpu.memory_space<semaphore_mem>>)
    %add3A_88 = arith.constant 20 : i32
    %add3A_89 = arith.addi %mul3A_2, %add3A_88 : i32
    %dma_start3A_90 = arith.constant 0 : i32
    %dma_start3A_91 = tpu.memref_slice %arg3[%add3A_89, %dma_start3A_90] : memref<8192x1024xf32, #tpu.memory_space<hbm>> -> memref<4x1024xf32, #tpu.memory_space<hbm>>
    %dma_start3A_92 = arith.constant 0 : i32
    %dma_start3A_93 = tpu.memref_slice %arg3[%add3A_89, %dma_start3A_92] : memref<8192x1024xf32, #tpu.memory_space<hbm>> -> memref<4x1024xf32, #tpu.memory_space<hbm>>
    tpu.enqueue_dma source(%dma_start3A_93 : memref<4x1024xf32, #tpu.memory_space<hbm>>) target(%arg10 : memref<4x1024xf32, #tpu.memory_space<vmem>>) target_semaphore(%arg22 : memref<!tpu.dma_semaphore, #tpu.memory_space<semaphore_mem>>)
    %dma_start3A_94 = arith.constant 0 : i32
    %dma_start3A_95 = arith.constant 0 : i32
    %dma_start3A_96 = tpu.memref_slice %arg2[%add3A_89, %dma_start3A_94, %dma_start3A_95] : memref<8192x4x1024xf32, #tpu.memory_space<hbm>> -> memref<4x4x1024xf32, #tpu.memory_space<hbm>>
    %dma_start3A_97 = arith.constant 0 : i32
    %dma_start3A_98 = arith.constant 0 : i32
    %dma_start3A_99 = tpu.memref_slice %arg2[%add3A_89, %dma_start3A_97, %dma_start3A_98] : memref<8192x4x1024xf32, #tpu.memory_space<hbm>> -> memref<4x4x1024xf32, #tpu.memory_space<hbm>>
    tpu.enqueue_dma source(%dma_start3A_99 : memref<4x4x1024xf32, #tpu.memory_space<hbm>>) target(%arg16 : memref<4x4x1024xf32, #tpu.memory_space<vmem>>) target_semaphore(%arg22 : memref<!tpu.dma_semaphore, #tpu.memory_space<semaphore_mem>>)
    %dma_wait3A_100 = arith.constant 0 : i32
    %dma_wait3A_101 = arith.constant 0 : i32
    %dma_wait3A_102 = tpu.memref_slice %arg3[%dma_wait3A_100, %dma_wait3A_101] : memref<8192x1024xf32, #tpu.memory_space<hbm>> -> memref<4x1024xf32, #tpu.memory_space<hbm>>
    %dma_wait3A_103 = arith.constant 0 : i32
    %dma_wait3A_104 = arith.constant 0 : i32
    %dma_wait3A_105 = tpu.memref_slice %arg3[%dma_wait3A_103, %dma_wait3A_104] : memref<8192x1024xf32, #tpu.memory_space<hbm>> -> memref<4x1024xf32, #tpu.memory_space<hbm>>
    tpu.wait_dma2 semaphore(%arg18 : memref<!tpu.dma_semaphore, #tpu.memory_space<semaphore_mem>>) src(%dma_wait3A_105 : memref<4x1024xf32, #tpu.memory_space<hbm>>) dst(%arg6 : memref<4x1024xf32, #tpu.memory_space<vmem>>)
    %dma_wait3A_106 = arith.constant 0 : i32
    %dma_wait3A_107 = arith.constant 0 : i32
    %dma_wait3A_108 = arith.constant 0 : i32
    %dma_wait3A_109 = tpu.memref_slice %arg2[%dma_wait3A_106, %dma_wait3A_107, %dma_wait3A_108] : memref<8192x4x1024xf32, #tpu.memory_space<hbm>> -> memref<4x4x1024xf32, #tpu.memory_space<hbm>>
    %dma_wait3A_110 = arith.constant 0 : i32
    %dma_wait3A_111 = arith.constant 0 : i32
    %dma_wait3A_112 = arith.constant 0 : i32
    %dma_wait3A_113 = tpu.memref_slice %arg2[%dma_wait3A_110, %dma_wait3A_111, %dma_wait3A_112] : memref<8192x4x1024xf32, #tpu.memory_space<hbm>> -> memref<4x4x1024xf32, #tpu.memory_space<hbm>>
    tpu.wait_dma2 semaphore(%arg18 : memref<!tpu.dma_semaphore, #tpu.memory_space<semaphore_mem>>) src(%dma_wait3A_113 : memref<4x4x1024xf32, #tpu.memory_space<hbm>>) dst(%arg12 : memref<4x4x1024xf32, #tpu.memory_space<vmem>>)
    %scan3A_114 = arith.constant 0 : i32
    %scan3A_115 = arith.constant 0 : i32
    %scan3A_116 = arith.constant 64 : i32
    %scan3A_117 = arith.addi %scan3A_115, %scan3A_116 : i32
    %scan3A_118 = arith.constant 1 : i32
    scf.for %scan3A_486 = %scan3A_115 to %scan3A_117 step %scan3A_118  : i32 {
      %shift_right_arithmetic3A = arith.constant 4 : i32
      %shift_right_arithmetic3A_487 = arith.shrsi %scan3A_486, %shift_right_arithmetic3A : i32
      %and3A = arith.constant 15 : i32
      %and3A_488 = arith.andi %scan3A_486, %and3A : i32
      %mul3A_489 = arith.constant 4 : i32
      %mul3A_490 = arith.muli %and3A_488, %mul3A_489 : i32
      %add3A_491 = arith.constant 0 : i32
      %add3A_492 = arith.addi %mul3A_490, %add3A_491 : i32
      %mul3A_493 = arith.constant 16 : i32
      %mul3A_494 = arith.muli %add3A_492, %mul3A_493 : i32
      %get3A = arith.index_cast %shift_right_arithmetic3A_487 : i32 to index
      %get3A_495 = arith.index_cast %mul3A_494 : i32 to index
      %get3A_496 = tpu.vector_load %arg6[%get3A, %get3A_495] {strides = array<i32>} : memref<4x1024xf32, #tpu.memory_space<vmem>>, vector<1x16xf32>,
      %get3A_497 = vector.shape_cast %get3A_496 : vector<1x16xf32> to vector<16xf32>
      %swap3A = arith.constant 0 : i32
      %swap3A_498 = arith.index_cast %shift_right_arithmetic3A_487 : i32 to index
      %swap3A_499 = arith.index_cast %swap3A : i32 to index
      %swap3A_500 = arith.index_cast %mul3A_494 : i32 to index
      %swap3A_501 = tpu.vector_load %arg12[%swap3A_498, %swap3A_499, %swap3A_500] {strides = array<i32>} : memref<4x4x1024xf32, #tpu.memory_space<vmem>>, vector<1x1x16xf32>,
      %swap3A_502 = vector.shape_cast %swap3A_501 : vector<1x1x16xf32> to vector<16xf32>
      %swap3A_503 = vector.shape_cast %get3A_497 : vector<16xf32> to vector<1x1x16xf32>
      tpu.vector_store %arg12[%swap3A_498, %swap3A_499, %swap3A_500], %swap3A_503 {add = true, strides = array<i32>} : memref<4x4x1024xf32, #tpu.memory_space<vmem>>, vector<1x1x16xf32>,
      %swap3A_504 = arith.constant 1 : i32
      %swap3A_505 = arith.index_cast %shift_right_arithmetic3A_487 : i32 to index
      %swap3A_506 = arith.index_cast %swap3A_504 : i32 to index
      %swap3A_507 = arith.index_cast %mul3A_494 : i32 to index
      %swap3A_508 = tpu.vector_load %arg12[%swap3A_505, %swap3A_506, %swap3A_507] {strides = array<i32>} : memref<4x4x1024xf32, #tpu.memory_space<vmem>>, vector<1x1x16xf32>,
      %swap3A_509 = vector.shape_cast %swap3A_508 : vector<1x1x16xf32> to vector<16xf32>
      %swap3A_510 = vector.shape_cast %get3A_497 : vector<16xf32> to vector<1x1x16xf32>
      tpu.vector_store %arg12[%swap3A_505, %swap3A_506, %swap3A_507], %swap3A_510 {add = true, strides = array<i32>} : memref<4x4x1024xf32, #tpu.memory_space<vmem>>, vector<1x1x16xf32>,
      %swap3A_511 = arith.constant 2 : i32
      %swap3A_512 = arith.index_cast %shift_right_arithmetic3A_487 : i32 to index
      %swap3A_513 = arith.index_cast %swap3A_511 : i32 to index
      %swap3A_514 = arith.index_cast %mul3A_494 : i32 to index
      %swap3A_515 = tpu.vector_load %arg12[%swap3A_512, %swap3A_513, %swap3A_514] {strides = array<i32>} : memref<4x4x1024xf32, #tpu.memory_space<vmem>>, vector<1x1x16xf32>,
      %swap3A_516 = vector.shape_cast %swap3A_515 : vector<1x1x16xf32> to vector<16xf32>
      %swap3A_517 = vector.shape_cast %get3A_497 : vector<16xf32> to vector<1x1x16xf32>
      tpu.vector_store %arg12[%swap3A_512, %swap3A_513, %swap3A_514], %swap3A_517 {add = true, strides = array<i32>} : memref<4x4x1024xf32, #tpu.memory_space<vmem>>, vector<1x1x16xf32>,
      %swap3A_518 = arith.constant 3 : i32
      %swap3A_519 = arith.index_cast %shift_right_arithmetic3A_487 : i32 to index
      %swap3A_520 = arith.index_cast %swap3A_518 : i32 to index
      %swap3A_521 = arith.index_cast %mul3A_494 : i32 to index
      %swap3A_522 = tpu.vector_load %arg12[%swap3A_519, %swap3A_520, %swap3A_521] {strides = array<i32>} : memref<4x4x1024xf32, #tpu.memory_space<vmem>>, vector<1x1x16xf32>,
      %swap3A_523 = vector.shape_cast %swap3A_522 : vector<1x1x16xf32> to vector<16xf32>
      %swap3A_524 = vector.shape_cast %get3A_497 : vector<16xf32> to vector<1x1x16xf32>
      tpu.vector_store %arg12[%swap3A_519, %swap3A_520, %swap3A_521], %swap3A_524 {add = true, strides = array<i32>} : memref<4x4x1024xf32, #tpu.memory_space<vmem>>, vector<1x1x16xf32>,
      %mul3A_525 = arith.constant 4 : i32
      %mul3A_526 = arith.muli %and3A_488, %mul3A_525 : i32
      %add3A_527 = arith.constant 1 : i32
      %add3A_528 = arith.addi %mul3A_526, %add3A_527 : i32
      %mul3A_529 = arith.constant 16 : i32
      %mul3A_530 = arith.muli %add3A_528, %mul3A_529 : i32
      %get3A_531 = arith.index_cast %shift_right_arithmetic3A_487 : i32 to index
      %get3A_532 = arith.index_cast %mul3A_530 : i32 to index
      %get3A_533 = tpu.vector_load %arg6[%get3A_531, %get3A_532] {strides = array<i32>} : memref<4x1024xf32, #tpu.memory_space<vmem>>, vector<1x16xf32>,
      %get3A_534 = vector.shape_cast %get3A_533 : vector<1x16xf32> to vector<16xf32>
      %swap3A_535 = arith.constant 0 : i32
      %swap3A_536 = arith.index_cast %shift_right_arithmetic3A_487 : i32 to index
      %swap3A_537 = arith.index_cast %swap3A_535 : i32 to index
      %swap3A_538 = arith.index_cast %mul3A_530 : i32 to index
      %swap3A_539 = tpu.vector_load %arg12[%swap3A_536, %swap3A_537, %swap3A_538] {strides = array<i32>} : memref<4x4x1024xf32, #tpu.memory_space<vmem>>, vector<1x1x16xf32>,
      %swap3A_540 = vector.shape_cast %swap3A_539 : vector<1x1x16xf32> to vector<16xf32>
      %swap3A_541 = vector.shape_cast %get3A_534 : vector<16xf32> to vector<1x1x16xf32>
      tpu.vector_store %arg12[%swap3A_536, %swap3A_537, %swap3A_538], %swap3A_541 {add = true, strides = array<i32>} : memref<4x4x1024xf32, #tpu.memory_space<vmem>>, vector<1x1x16xf32>,
      %swap3A_542 = arith.constant 1 : i32
      %swap3A_543 = arith.index_cast %shift_right_arithmetic3A_487 : i32 to index
      %swap3A_544 = arith.index_cast %swap3A_542 : i32 to index
      %swap3A_545 = arith.index_cast %mul3A_530 : i32 to index
      %swap3A_546 = tpu.vector_load %arg12[%swap3A_543, %swap3A_544, %swap3A_545] {strides = array<i32>} : memref<4x4x1024xf32, #tpu.memory_space<vmem>>, vector<1x1x16xf32>,
      %swap3A_547 = vector.shape_cast %swap3A_546 : vector<1x1x16xf32> to vector<16xf32>
      %swap3A_548 = vector.shape_cast %get3A_534 : vector<16xf32> to vector<1x1x16xf32>
      tpu.vector_store %arg12[%swap3A_543, %swap3A_544, %swap3A_545], %swap3A_548 {add = true, strides = array<i32>} : memref<4x4x1024xf32, #tpu.memory_space<vmem>>, vector<1x1x16xf32>,
      %swap3A_549 = arith.constant 2 : i32
      %swap3A_550 = arith.index_cast %shift_right_arithmetic3A_487 : i32 to index
      %swap3A_551 = arith.index_cast %swap3A_549 : i32 to index
      %swap3A_552 = arith.index_cast %mul3A_530 : i32 to index
      %swap3A_553 = tpu.vector_load %arg12[%swap3A_550, %swap3A_551, %swap3A_552] {strides = array<i32>} : memref<4x4x1024xf32, #tpu.memory_space<vmem>>, vector<1x1x16xf32>,
      %swap3A_554 = vector.shape_cast %swap3A_553 : vector<1x1x16xf32> to vector<16xf32>
      %swap3A_555 = vector.shape_cast %get3A_534 : vector<16xf32> to vector<1x1x16xf32>
      tpu.vector_store %arg12[%swap3A_550, %swap3A_551, %swap3A_552], %swap3A_555 {add = true, strides = array<i32>} : memref<4x4x1024xf32, #tpu.memory_space<vmem>>, vector<1x1x16xf32>,
      %swap3A_556 = arith.constant 3 : i32
      %swap3A_557 = arith.index_cast %shift_right_arithmetic3A_487 : i32 to index
      %swap3A_558 = arith.index_cast %swap3A_556 : i32 to index
      %swap3A_559 = arith.index_cast %mul3A_530 : i32 to index
      %swap3A_560 = tpu.vector_load %arg12[%swap3A_557, %swap3A_558, %swap3A_559] {strides = array<i32>} : memref<4x4x1024xf32, #tpu.memory_space<vmem>>, vector<1x1x16xf32>,
      %swap3A_561 = vector.shape_cast %swap3A_560 : vector<1x1x16xf32> to vector<16xf32>
      %swap3A_562 = vector.shape_cast %get3A_534 : vector<16xf32> to vector<1x1x16xf32>
      tpu.vector_store %arg12[%swap3A_557, %swap3A_558, %swap3A_559], %swap3A_562 {add = true, strides = array<i32>} : memref<4x4x1024xf32, #tpu.memory_space<vmem>>, vector<1x1x16xf32>,
      %mul3A_563 = arith.constant 4 : i32
      %mul3A_564 = arith.muli %and3A_488, %mul3A_563 : i32
      %add3A_565 = arith.constant 2 : i32
      %add3A_566 = arith.addi %mul3A_564, %add3A_565 : i32
      %mul3A_567 = arith.constant 16 : i32
      %mul3A_568 = arith.muli %add3A_566, %mul3A_567 : i32
      %get3A_569 = arith.index_cast %shift_right_arithmetic3A_487 : i32 to index
      %get3A_570 = arith.index_cast %mul3A_568 : i32 to index
      %get3A_571 = tpu.vector_load %arg6[%get3A_569, %get3A_570] {strides = array<i32>} : memref<4x1024xf32, #tpu.memory_space<vmem>>, vector<1x16xf32>,
      %get3A_572 = vector.shape_cast %get3A_571 : vector<1x16xf32> to vector<16xf32>
      %swap3A_573 = arith.constant 0 : i32
      %swap3A_574 = arith.index_cast %shift_right_arithmetic3A_487 : i32 to index
      %swap3A_575 = arith.index_cast %swap3A_573 : i32 to index
      %swap3A_576 = arith.index_cast %mul3A_568 : i32 to index
      %swap3A_577 = tpu.vector_load %arg12[%swap3A_574, %swap3A_575, %swap3A_576] {strides = array<i32>} : memref<4x4x1024xf32, #tpu.memory_space<vmem>>, vector<1x1x16xf32>,
      %swap3A_578 = vector.shape_cast %swap3A_577 : vector<1x1x16xf32> to vector<16xf32>
      %swap3A_579 = vector.shape_cast %get3A_572 : vector<16xf32> to vector<1x1x16xf32>
      tpu.vector_store %arg12[%swap3A_574, %swap3A_575, %swap3A_576], %swap3A_579 {add = true, strides = array<i32>} : memref<4x4x1024xf32, #tpu.memory_space<vmem>>, vector<1x1x16xf32>,
      %swap3A_580 = arith.constant 1 : i32
      %swap3A_581 = arith.index_cast %shift_right_arithmetic3A_487 : i32 to index
      %swap3A_582 = arith.index_cast %swap3A_580 : i32 to index
      %swap3A_583 = arith.index_cast %mul3A_568 : i32 to index
      %swap3A_584 = tpu.vector_load %arg12[%swap3A_581, %swap3A_582, %swap3A_583] {strides = array<i32>} : memref<4x4x1024xf32, #tpu.memory_space<vmem>>, vector<1x1x16xf32>,
      %swap3A_585 = vector.shape_cast %swap3A_584 : vector<1x1x16xf32> to vector<16xf32>
      %swap3A_586 = vector.shape_cast %get3A_572 : vector<16xf32> to vector<1x1x16xf32>
      tpu.vector_store %arg12[%swap3A_581, %swap3A_582, %swap3A_583], %swap3A_586 {add = true, strides = array<i32>} : memref<4x4x1024xf32, #tpu.memory_space<vmem>>, vector<1x1x16xf32>,
      %swap3A_587 = arith.constant 2 : i32
      %swap3A_588 = arith.index_cast %shift_right_arithmetic3A_487 : i32 to index
      %swap3A_589 = arith.index_cast %swap3A_587 : i32 to index
      %swap3A_590 = arith.index_cast %mul3A_568 : i32 to index
      %swap3A_591 = tpu.vector_load %arg12[%swap3A_588, %swap3A_589, %swap3A_590] {strides = array<i32>} : memref<4x4x1024xf32, #tpu.memory_space<vmem>>, vector<1x1x16xf32>,
      %swap3A_592 = vector.shape_cast %swap3A_591 : vector<1x1x16xf32> to vector<16xf32>
      %swap3A_593 = vector.shape_cast %get3A_572 : vector<16xf32> to vector<1x1x16xf32>
      tpu.vector_store %arg12[%swap3A_588, %swap3A_589, %swap3A_590], %swap3A_593 {add = true, strides = array<i32>} : memref<4x4x1024xf32, #tpu.memory_space<vmem>>, vector<1x1x16xf32>,
      %swap3A_594 = arith.constant 3 : i32
      %swap3A_595 = arith.index_cast %shift_right_arithmetic3A_487 : i32 to index
      %swap3A_596 = arith.index_cast %swap3A_594 : i32 to index
      %swap3A_597 = arith.index_cast %mul3A_568 : i32 to index
      %swap3A_598 = tpu.vector_load %arg12[%swap3A_595, %swap3A_596, %swap3A_597] {strides = array<i32>} : memref<4x4x1024xf32, #tpu.memory_space<vmem>>, vector<1x1x16xf32>,
      %swap3A_599 = vector.shape_cast %swap3A_598 : vector<1x1x16xf32> to vector<16xf32>
      %swap3A_600 = vector.shape_cast %get3A_572 : vector<16xf32> to vector<1x1x16xf32>
      tpu.vector_store %arg12[%swap3A_595, %swap3A_596, %swap3A_597], %swap3A_600 {add = true, strides = array<i32>} : memref<4x4x1024xf32, #tpu.memory_space<vmem>>, vector<1x1x16xf32>,
      %mul3A_601 = arith.constant 4 : i32
      %mul3A_602 = arith.muli %and3A_488, %mul3A_601 : i32
      %add3A_603 = arith.constant 3 : i32
      %add3A_604 = arith.addi %mul3A_602, %add3A_603 : i32
      %mul3A_605 = arith.constant 16 : i32
      %mul3A_606 = arith.muli %add3A_604, %mul3A_605 : i32
      %get3A_607 = arith.index_cast %shift_right_arithmetic3A_487 : i32 to index
      %get3A_608 = arith.index_cast %mul3A_606 : i32 to index
      %get3A_609 = tpu.vector_load %arg6[%get3A_607, %get3A_608] {strides = array<i32>} : memref<4x1024xf32, #tpu.memory_space<vmem>>, vector<1x16xf32>,
      %get3A_610 = vector.shape_cast %get3A_609 : vector<1x16xf32> to vector<16xf32>
      %swap3A_611 = arith.constant 0 : i32
      %swap3A_612 = arith.index_cast %shift_right_arithmetic3A_487 : i32 to index
      %swap3A_613 = arith.index_cast %swap3A_611 : i32 to index
      %swap3A_614 = arith.index_cast %mul3A_606 : i32 to index
      %swap3A_615 = tpu.vector_load %arg12[%swap3A_612, %swap3A_613, %swap3A_614] {strides = array<i32>} : memref<4x4x1024xf32, #tpu.memory_space<vmem>>, vector<1x1x16xf32>,
      %swap3A_616 = vector.shape_cast %swap3A_615 : vector<1x1x16xf32> to vector<16xf32>
      %swap3A_617 = vector.shape_cast %get3A_610 : vector<16xf32> to vector<1x1x16xf32>
      tpu.vector_store %arg12[%swap3A_612, %swap3A_613, %swap3A_614], %swap3A_617 {add = true, strides = array<i32>} : memref<4x4x1024xf32, #tpu.memory_space<vmem>>, vector<1x1x16xf32>,
      %swap3A_618 = arith.constant 1 : i32
      %swap3A_619 = arith.index_cast %shift_right_arithmetic3A_487 : i32 to index
      %swap3A_620 = arith.index_cast %swap3A_618 : i32 to index
      %swap3A_621 = arith.index_cast %mul3A_606 : i32 to index
      %swap3A_622 = tpu.vector_load %arg12[%swap3A_619, %swap3A_620, %swap3A_621] {strides = array<i32>} : memref<4x4x1024xf32, #tpu.memory_space<vmem>>, vector<1x1x16xf32>,
      %swap3A_623 = vector.shape_cast %swap3A_622 : vector<1x1x16xf32> to vector<16xf32>
      %swap3A_624 = vector.shape_cast %get3A_610 : vector<16xf32> to vector<1x1x16xf32>
      tpu.vector_store %arg12[%swap3A_619, %swap3A_620, %swap3A_621], %swap3A_624 {add = true, strides = array<i32>} : memref<4x4x1024xf32, #tpu.memory_space<vmem>>, vector<1x1x16xf32>,
      %swap3A_625 = arith.constant 2 : i32
      %swap3A_626 = arith.index_cast %shift_right_arithmetic3A_487 : i32 to index
      %swap3A_627 = arith.index_cast %swap3A_625 : i32 to index
      %swap3A_628 = arith.index_cast %mul3A_606 : i32 to index
      %swap3A_629 = tpu.vector_load %arg12[%swap3A_626, %swap3A_627, %swap3A_628] {strides = array<i32>} : memref<4x4x1024xf32, #tpu.memory_space<vmem>>, vector<1x1x16xf32>,
      %swap3A_630 = vector.shape_cast %swap3A_629 : vector<1x1x16xf32> to vector<16xf32>
      %swap3A_631 = vector.shape_cast %get3A_610 : vector<16xf32> to vector<1x1x16xf32>
      tpu.vector_store %arg12[%swap3A_626, %swap3A_627, %swap3A_628], %swap3A_631 {add = true, strides = array<i32>} : memref<4x4x1024xf32, #tpu.memory_space<vmem>>, vector<1x1x16xf32>,
      %swap3A_632 = arith.constant 3 : i32
      %swap3A_633 = arith.index_cast %shift_right_arithmetic3A_487 : i32 to index
      %swap3A_634 = arith.index_cast %swap3A_632 : i32 to index
      %swap3A_635 = arith.index_cast %mul3A_606 : i32 to index
      %swap3A_636 = tpu.vector_load %arg12[%swap3A_633, %swap3A_634, %swap3A_635] {strides = array<i32>} : memref<4x4x1024xf32, #tpu.memory_space<vmem>>, vector<1x1x16xf32>,
      %swap3A_637 = vector.shape_cast %swap3A_636 : vector<1x1x16xf32> to vector<16xf32>
      %swap3A_638 = vector.shape_cast %get3A_610 : vector<16xf32> to vector<1x1x16xf32>
      tpu.vector_store %arg12[%swap3A_633, %swap3A_634, %swap3A_635], %swap3A_638 {add = true, strides = array<i32>} : memref<4x4x1024xf32, #tpu.memory_space<vmem>>, vector<1x1x16xf32>,
    }
    %scan3A_119 = arith.constant 64 : i32
    %add3A_120 = arith.constant 4 : i32
    %add3A_121 = arith.addi %mul3A_2, %add3A_120 : i32
    %dma_start3A_122 = arith.constant 0 : i32
    %dma_start3A_123 = arith.constant 0 : i32
    %dma_start3A_124 = tpu.memref_slice %arg4[%add3A_121, %dma_start3A_122, %dma_start3A_123] : memref<8192x4x1024xf32, #tpu.memory_space<hbm>> -> memref<4x4x1024xf32, #tpu.memory_space<hbm>>
    %dma_start3A_125 = arith.constant 0 : i32
    %dma_start3A_126 = arith.constant 0 : i32
    %dma_start3A_127 = tpu.memref_slice %arg4[%add3A_121, %dma_start3A_125, %dma_start3A_126] : memref<8192x4x1024xf32, #tpu.memory_space<hbm>> -> memref<4x4x1024xf32, #tpu.memory_space<hbm>>
    tpu.enqueue_dma source(%arg12 : memref<4x4x1024xf32, #tpu.memory_space<vmem>>) target(%dma_start3A_127 : memref<4x4x1024xf32, #tpu.memory_space<hbm>>) target_semaphore(%arg24 : memref<!tpu.dma_semaphore, #tpu.memory_space<semaphore_mem>>)
    %dma_wait3A_128 = arith.constant 0 : i32
    %dma_wait3A_129 = arith.constant 0 : i32
    %dma_wait3A_130 = arith.constant 0 : i32
    %dma_wait3A_131 = tpu.memref_slice %arg4[%dma_wait3A_128, %dma_wait3A_129, %dma_wait3A_130] : memref<8192x4x1024xf32, #tpu.memory_space<hbm>> -> memref<4x4x1024xf32, #tpu.memory_space<hbm>>
    %dma_wait3A_132 = arith.constant 0 : i32
    %dma_wait3A_133 = arith.constant 0 : i32
    %dma_wait3A_134 = arith.constant 0 : i32
    %dma_wait3A_135 = tpu.memref_slice %arg4[%dma_wait3A_132, %dma_wait3A_133, %dma_wait3A_134] : memref<8192x4x1024xf32, #tpu.memory_space<hbm>> -> memref<4x4x1024xf32, #tpu.memory_space<hbm>>
    tpu.wait_dma2 semaphore(%arg23 : memref<!tpu.dma_semaphore, #tpu.memory_space<semaphore_mem>>) src(%arg11 : memref<4x4x1024xf32, #tpu.memory_space<vmem>>) dst(%dma_wait3A_135 : memref<4x4x1024xf32, #tpu.memory_space<hbm>>)
    %add3A_136 = arith.constant 24 : i32
    %add3A_137 = arith.addi %mul3A_2, %add3A_136 : i32
    %dma_start3A_138 = arith.constant 0 : i32
    %dma_start3A_139 = tpu.memref_slice %arg3[%add3A_137, %dma_start3A_138] : memref<8192x1024xf32, #tpu.memory_space<hbm>> -> memref<4x1024xf32, #tpu.memory_space<hbm>>
    %dma_start3A_140 = arith.constant 0 : i32
    %dma_start3A_141 = tpu.memref_slice %arg3[%add3A_137, %dma_start3A_140] : memref<8192x1024xf32, #tpu.memory_space<hbm>> -> memref<4x1024xf32, #tpu.memory_space<hbm>>
    tpu.enqueue_dma source(%dma_start3A_141 : memref<4x1024xf32, #tpu.memory_space<hbm>>) target(%arg5 : memref<4x1024xf32, #tpu.memory_space<vmem>>) target_semaphore(%arg17 : memref<!tpu.dma_semaphore, #tpu.memory_space<semaphore_mem>>)
    %dma_start3A_142 = arith.constant 0 : i32
    %dma_start3A_143 = arith.constant 0 : i32
    %dma_start3A_144 = tpu.memref_slice %arg2[%add3A_137, %dma_start3A_142, %dma_start3A_143] : memref<8192x4x1024xf32, #tpu.memory_space<hbm>> -> memref<4x4x1024xf32, #tpu.memory_space<hbm>>
    %dma_start3A_145 = arith.constant 0 : i32
    %dma_start3A_146 = arith.constant 0 : i32
    %dma_start3A_147 = tpu.memref_slice %arg2[%add3A_137, %dma_start3A_145, %dma_start3A_146] : memref<8192x4x1024xf32, #tpu.memory_space<hbm>> -> memref<4x4x1024xf32, #tpu.memory_space<hbm>>
    tpu.enqueue_dma source(%dma_start3A_147 : memref<4x4x1024xf32, #tpu.memory_space<hbm>>) target(%arg11 : memref<4x4x1024xf32, #tpu.memory_space<vmem>>) target_semaphore(%arg17 : memref<!tpu.dma_semaphore, #tpu.memory_space<semaphore_mem>>)
    %dma_wait3A_148 = arith.constant 0 : i32
    %dma_wait3A_149 = arith.constant 0 : i32
    %dma_wait3A_150 = tpu.memref_slice %arg3[%dma_wait3A_148, %dma_wait3A_149] : memref<8192x1024xf32, #tpu.memory_space<hbm>> -> memref<4x1024xf32, #tpu.memory_space<hbm>>
    %dma_wait3A_151 = arith.constant 0 : i32
    %dma_wait3A_152 = arith.constant 0 : i32
    %dma_wait3A_153 = tpu.memref_slice %arg3[%dma_wait3A_151, %dma_wait3A_152] : memref<8192x1024xf32, #tpu.memory_space<hbm>> -> memref<4x1024xf32, #tpu.memory_space<hbm>>
    tpu.wait_dma2 semaphore(%arg19 : memref<!tpu.dma_semaphore, #tpu.memory_space<semaphore_mem>>) src(%dma_wait3A_153 : memref<4x1024xf32, #tpu.memory_space<hbm>>) dst(%arg7 : memref<4x1024xf32, #tpu.memory_space<vmem>>)
    %dma_wait3A_154 = arith.constant 0 : i32
    %dma_wait3A_155 = arith.constant 0 : i32
    %dma_wait3A_156 = arith.constant 0 : i32
    %dma_wait3A_157 = tpu.memref_slice %arg2[%dma_wait3A_154, %dma_wait3A_155, %dma_wait3A_156] : memref<8192x4x1024xf32, #tpu.memory_space<hbm>> -> memref<4x4x1024xf32, #tpu.memory_space<hbm>>
    %dma_wait3A_158 = arith.constant 0 : i32
    %dma_wait3A_159 = arith.constant 0 : i32
    %dma_wait3A_160 = arith.constant 0 : i32
    %dma_wait3A_161 = tpu.memref_slice %arg2[%dma_wait3A_158, %dma_wait3A_159, %dma_wait3A_160] : memref<8192x4x1024xf32, #tpu.memory_space<hbm>> -> memref<4x4x1024xf32, #tpu.memory_space<hbm>>
    tpu.wait_dma2 semaphore(%arg19 : memref<!tpu.dma_semaphore, #tpu.memory_space<semaphore_mem>>) src(%dma_wait3A_161 : memref<4x4x1024xf32, #tpu.memory_space<hbm>>) dst(%arg13 : memref<4x4x1024xf32, #tpu.memory_space<vmem>>)
    %scan3A_162 = arith.constant 0 : i32
    %scan3A_163 = arith.constant 0 : i32
    %scan3A_164 = arith.constant 64 : i32
    %scan3A_165 = arith.addi %scan3A_163, %scan3A_164 : i32
    %scan3A_166 = arith.constant 1 : i32
    scf.for %scan3A_486 = %scan3A_163 to %scan3A_165 step %scan3A_166  : i32 {
      %shift_right_arithmetic3A = arith.constant 4 : i32
      %shift_right_arithmetic3A_487 = arith.shrsi %scan3A_486, %shift_right_arithmetic3A : i32
      %and3A = arith.constant 15 : i32
      %and3A_488 = arith.andi %scan3A_486, %and3A : i32
      %mul3A_489 = arith.constant 4 : i32
      %mul3A_490 = arith.muli %and3A_488, %mul3A_489 : i32
      %add3A_491 = arith.constant 0 : i32
      %add3A_492 = arith.addi %mul3A_490, %add3A_491 : i32
      %mul3A_493 = arith.constant 16 : i32
      %mul3A_494 = arith.muli %add3A_492, %mul3A_493 : i32
      %get3A = arith.index_cast %shift_right_arithmetic3A_487 : i32 to index
      %get3A_495 = arith.index_cast %mul3A_494 : i32 to index
      %get3A_496 = tpu.vector_load %arg7[%get3A, %get3A_495] {strides = array<i32>} : memref<4x1024xf32, #tpu.memory_space<vmem>>, vector<1x16xf32>,
      %get3A_497 = vector.shape_cast %get3A_496 : vector<1x16xf32> to vector<16xf32>
      %swap3A = arith.constant 0 : i32
      %swap3A_498 = arith.index_cast %shift_right_arithmetic3A_487 : i32 to index
      %swap3A_499 = arith.index_cast %swap3A : i32 to index
      %swap3A_500 = arith.index_cast %mul3A_494 : i32 to index
      %swap3A_501 = tpu.vector_load %arg13[%swap3A_498, %swap3A_499, %swap3A_500] {strides = array<i32>} : memref<4x4x1024xf32, #tpu.memory_space<vmem>>, vector<1x1x16xf32>,
      %swap3A_502 = vector.shape_cast %swap3A_501 : vector<1x1x16xf32> to vector<16xf32>
      %swap3A_503 = vector.shape_cast %get3A_497 : vector<16xf32> to vector<1x1x16xf32>
      tpu.vector_store %arg13[%swap3A_498, %swap3A_499, %swap3A_500], %swap3A_503 {add = true, strides = array<i32>} : memref<4x4x1024xf32, #tpu.memory_space<vmem>>, vector<1x1x16xf32>,
      %swap3A_504 = arith.constant 1 : i32
      %swap3A_505 = arith.index_cast %shift_right_arithmetic3A_487 : i32 to index
      %swap3A_506 = arith.index_cast %swap3A_504 : i32 to index
      %swap3A_507 = arith.index_cast %mul3A_494 : i32 to index
      %swap3A_508 = tpu.vector_load %arg13[%swap3A_505, %swap3A_506, %swap3A_507] {strides = array<i32>} : memref<4x4x1024xf32, #tpu.memory_space<vmem>>, vector<1x1x16xf32>,
      %swap3A_509 = vector.shape_cast %swap3A_508 : vector<1x1x16xf32> to vector<16xf32>
      %swap3A_510 = vector.shape_cast %get3A_497 : vector<16xf32> to vector<1x1x16xf32>
      tpu.vector_store %arg13[%swap3A_505, %swap3A_506, %swap3A_507], %swap3A_510 {add = true, strides = array<i32>} : memref<4x4x1024xf32, #tpu.memory_space<vmem>>, vector<1x1x16xf32>,
      %swap3A_511 = arith.constant 2 : i32
      %swap3A_512 = arith.index_cast %shift_right_arithmetic3A_487 : i32 to index
      %swap3A_513 = arith.index_cast %swap3A_511 : i32 to index
      %swap3A_514 = arith.index_cast %mul3A_494 : i32 to index
      %swap3A_515 = tpu.vector_load %arg13[%swap3A_512, %swap3A_513, %swap3A_514] {strides = array<i32>} : memref<4x4x1024xf32, #tpu.memory_space<vmem>>, vector<1x1x16xf32>,
      %swap3A_516 = vector.shape_cast %swap3A_515 : vector<1x1x16xf32> to vector<16xf32>
      %swap3A_517 = vector.shape_cast %get3A_497 : vector<16xf32> to vector<1x1x16xf32>
      tpu.vector_store %arg13[%swap3A_512, %swap3A_513, %swap3A_514], %swap3A_517 {add = true, strides = array<i32>} : memref<4x4x1024xf32, #tpu.memory_space<vmem>>, vector<1x1x16xf32>,
      %swap3A_518 = arith.constant 3 : i32
      %swap3A_519 = arith.index_cast %shift_right_arithmetic3A_487 : i32 to index
      %swap3A_520 = arith.index_cast %swap3A_518 : i32 to index
      %swap3A_521 = arith.index_cast %mul3A_494 : i32 to index
      %swap3A_522 = tpu.vector_load %arg13[%swap3A_519, %swap3A_520, %swap3A_521] {strides = array<i32>} : memref<4x4x1024xf32, #tpu.memory_space<vmem>>, vector<1x1x16xf32>,
      %swap3A_523 = vector.shape_cast %swap3A_522 : vector<1x1x16xf32> to vector<16xf32>
      %swap3A_524 = vector.shape_cast %get3A_497 : vector<16xf32> to vector<1x1x16xf32>
      tpu.vector_store %arg13[%swap3A_519, %swap3A_520, %swap3A_521], %swap3A_524 {add = true, strides = array<i32>} : memref<4x4x1024xf32, #tpu.memory_space<vmem>>, vector<1x1x16xf32>,
      %mul3A_525 = arith.constant 4 : i32
      %mul3A_526 = arith.muli %and3A_488, %mul3A_525 : i32
      %add3A_527 = arith.constant 1 : i32
      %add3A_528 = arith.addi %mul3A_526, %add3A_527 : i32
      %mul3A_529 = arith.constant 16 : i32
      %mul3A_530 = arith.muli %add3A_528, %mul3A_529 : i32
      %get3A_531 = arith.index_cast %shift_right_arithmetic3A_487 : i32 to index
      %get3A_532 = arith.index_cast %mul3A_530 : i32 to index
      %get3A_533 = tpu.vector_load %arg7[%get3A_531, %get3A_532] {strides = array<i32>} : memref<4x1024xf32, #tpu.memory_space<vmem>>, vector<1x16xf32>,
      %get3A_534 = vector.shape_cast %get3A_533 : vector<1x16xf32> to vector<16xf32>
      %swap3A_535 = arith.constant 0 : i32
      %swap3A_536 = arith.index_cast %shift_right_arithmetic3A_487 : i32 to index
      %swap3A_537 = arith.index_cast %swap3A_535 : i32 to index
      %swap3A_538 = arith.index_cast %mul3A_530 : i32 to index
      %swap3A_539 = tpu.vector_load %arg13[%swap3A_536, %swap3A_537, %swap3A_538] {strides = array<i32>} : memref<4x4x1024xf32, #tpu.memory_space<vmem>>, vector<1x1x16xf32>,
      %swap3A_540 = vector.shape_cast %swap3A_539 : vector<1x1x16xf32> to vector<16xf32>
      %swap3A_541 = vector.shape_cast %get3A_534 : vector<16xf32> to vector<1x1x16xf32>
      tpu.vector_store %arg13[%swap3A_536, %swap3A_537, %swap3A_538], %swap3A_541 {add = true, strides = array<i32>} : memref<4x4x1024xf32, #tpu.memory_space<vmem>>, vector<1x1x16xf32>,
      %swap3A_542 = arith.constant 1 : i32
      %swap3A_543 = arith.index_cast %shift_right_arithmetic3A_487 : i32 to index
      %swap3A_544 = arith.index_cast %swap3A_542 : i32 to index
      %swap3A_545 = arith.index_cast %mul3A_530 : i32 to index
      %swap3A_546 = tpu.vector_load %arg13[%swap3A_543, %swap3A_544, %swap3A_545] {strides = array<i32>} : memref<4x4x1024xf32, #tpu.memory_space<vmem>>, vector<1x1x16xf32>,
      %swap3A_547 = vector.shape_cast %swap3A_546 : vector<1x1x16xf32> to vector<16xf32>
      %swap3A_548 = vector.shape_cast %get3A_534 : vector<16xf32> to vector<1x1x16xf32>
      tpu.vector_store %arg13[%swap3A_543, %swap3A_544, %swap3A_545], %swap3A_548 {add = true, strides = array<i32>} : memref<4x4x1024xf32, #tpu.memory_space<vmem>>, vector<1x1x16xf32>,
      %swap3A_549 = arith.constant 2 : i32
      %swap3A_550 = arith.index_cast %shift_right_arithmetic3A_487 : i32 to index
      %swap3A_551 = arith.index_cast %swap3A_549 : i32 to index
      %swap3A_552 = arith.index_cast %mul3A_530 : i32 to index
      %swap3A_553 = tpu.vector_load %arg13[%swap3A_550, %swap3A_551, %swap3A_552] {strides = array<i32>} : memref<4x4x1024xf32, #tpu.memory_space<vmem>>, vector<1x1x16xf32>,
      %swap3A_554 = vector.shape_cast %swap3A_553 : vector<1x1x16xf32> to vector<16xf32>
      %swap3A_555 = vector.shape_cast %get3A_534 : vector<16xf32> to vector<1x1x16xf32>
      tpu.vector_store %arg13[%swap3A_550, %swap3A_551, %swap3A_552], %swap3A_555 {add = true, strides = array<i32>} : memref<4x4x1024xf32, #tpu.memory_space<vmem>>, vector<1x1x16xf32>,
      %swap3A_556 = arith.constant 3 : i32
      %swap3A_557 = arith.index_cast %shift_right_arithmetic3A_487 : i32 to index
      %swap3A_558 = arith.index_cast %swap3A_556 : i32 to index
      %swap3A_559 = arith.index_cast %mul3A_530 : i32 to index
      %swap3A_560 = tpu.vector_load %arg13[%swap3A_557, %swap3A_558, %swap3A_559] {strides = array<i32>} : memref<4x4x1024xf32, #tpu.memory_space<vmem>>, vector<1x1x16xf32>,
      %swap3A_561 = vector.shape_cast %swap3A_560 : vector<1x1x16xf32> to vector<16xf32>
      %swap3A_562 = vector.shape_cast %get3A_534 : vector<16xf32> to vector<1x1x16xf32>
      tpu.vector_store %arg13[%swap3A_557, %swap3A_558, %swap3A_559], %swap3A_562 {add = true, strides = array<i32>} : memref<4x4x1024xf32, #tpu.memory_space<vmem>>, vector<1x1x16xf32>,
      %mul3A_563 = arith.constant 4 : i32
      %mul3A_564 = arith.muli %and3A_488, %mul3A_563 : i32
      %add3A_565 = arith.constant 2 : i32
      %add3A_566 = arith.addi %mul3A_564, %add3A_565 : i32
      %mul3A_567 = arith.constant 16 : i32
      %mul3A_568 = arith.muli %add3A_566, %mul3A_567 : i32
      %get3A_569 = arith.index_cast %shift_right_arithmetic3A_487 : i32 to index
      %get3A_570 = arith.index_cast %mul3A_568 : i32 to index
      %get3A_571 = tpu.vector_load %arg7[%get3A_569, %get3A_570] {strides = array<i32>} : memref<4x1024xf32, #tpu.memory_space<vmem>>, vector<1x16xf32>,
      %get3A_572 = vector.shape_cast %get3A_571 : vector<1x16xf32> to vector<16xf32>
      %swap3A_573 = arith.constant 0 : i32
      %swap3A_574 = arith.index_cast %shift_right_arithmetic3A_487 : i32 to index
      %swap3A_575 = arith.index_cast %swap3A_573 : i32 to index
      %swap3A_576 = arith.index_cast %mul3A_568 : i32 to index
      %swap3A_577 = tpu.vector_load %arg13[%swap3A_574, %swap3A_575, %swap3A_576] {strides = array<i32>} : memref<4x4x1024xf32, #tpu.memory_space<vmem>>, vector<1x1x16xf32>,
      %swap3A_578 = vector.shape_cast %swap3A_577 : vector<1x1x16xf32> to vector<16xf32>
      %swap3A_579 = vector.shape_cast %get3A_572 : vector<16xf32> to vector<1x1x16xf32>
      tpu.vector_store %arg13[%swap3A_574, %swap3A_575, %swap3A_576], %swap3A_579 {add = true, strides = array<i32>} : memref<4x4x1024xf32, #tpu.memory_space<vmem>>, vector<1x1x16xf32>,
      %swap3A_580 = arith.constant 1 : i32
      %swap3A_581 = arith.index_cast %shift_right_arithmetic3A_487 : i32 to index
      %swap3A_582 = arith.index_cast %swap3A_580 : i32 to index
      %swap3A_583 = arith.index_cast %mul3A_568 : i32 to index
      %swap3A_584 = tpu.vector_load %arg13[%swap3A_581, %swap3A_582, %swap3A_583] {strides = array<i32>} : memref<4x4x1024xf32, #tpu.memory_space<vmem>>, vector<1x1x16xf32>,
      %swap3A_585 = vector.shape_cast %swap3A_584 : vector<1x1x16xf32> to vector<16xf32>
      %swap3A_586 = vector.shape_cast %get3A_572 : vector<16xf32> to vector<1x1x16xf32>
      tpu.vector_store %arg13[%swap3A_581, %swap3A_582, %swap3A_583], %swap3A_586 {add = true, strides = array<i32>} : memref<4x4x1024xf32, #tpu.memory_space<vmem>>, vector<1x1x16xf32>,
      %swap3A_587 = arith.constant 2 : i32
      %swap3A_588 = arith.index_cast %shift_right_arithmetic3A_487 : i32 to index
      %swap3A_589 = arith.index_cast %swap3A_587 : i32 to index
      %swap3A_590 = arith.index_cast %mul3A_568 : i32 to index
      %swap3A_591 = tpu.vector_load %arg13[%swap3A_588, %swap3A_589, %swap3A_590] {strides = array<i32>} : memref<4x4x1024xf32, #tpu.memory_space<vmem>>, vector<1x1x16xf32>,
      %swap3A_592 = vector.shape_cast %swap3A_591 : vector<1x1x16xf32> to vector<16xf32>
      %swap3A_593 = vector.shape_cast %get3A_572 : vector<16xf32> to vector<1x1x16xf32>
      tpu.vector_store %arg13[%swap3A_588, %swap3A_589, %swap3A_590], %swap3A_593 {add = true, strides = array<i32>} : memref<4x4x1024xf32, #tpu.memory_space<vmem>>, vector<1x1x16xf32>,
      %swap3A_594 = arith.constant 3 : i32
      %swap3A_595 = arith.index_cast %shift_right_arithmetic3A_487 : i32 to index
      %swap3A_596 = arith.index_cast %swap3A_594 : i32 to index
      %swap3A_597 = arith.index_cast %mul3A_568 : i32 to index
      %swap3A_598 = tpu.vector_load %arg13[%swap3A_595, %swap3A_596, %swap3A_597] {strides = array<i32>} : memref<4x4x1024xf32, #tpu.memory_space<vmem>>, vector<1x1x16xf32>,
      %swap3A_599 = vector.shape_cast %swap3A_598 : vector<1x1x16xf32> to vector<16xf32>
      %swap3A_600 = vector.shape_cast %get3A_572 : vector<16xf32> to vector<1x1x16xf32>
      tpu.vector_store %arg13[%swap3A_595, %swap3A_596, %swap3A_597], %swap3A_600 {add = true, strides = array<i32>} : memref<4x4x1024xf32, #tpu.memory_space<vmem>>, vector<1x1x16xf32>,
      %mul3A_601 = arith.constant 4 : i32
      %mul3A_602 = arith.muli %and3A_488, %mul3A_601 : i32
      %add3A_603 = arith.constant 3 : i32
      %add3A_604 = arith.addi %mul3A_602, %add3A_603 : i32
      %mul3A_605 = arith.constant 16 : i32
      %mul3A_606 = arith.muli %add3A_604, %mul3A_605 : i32
      %get3A_607 = arith.index_cast %shift_right_arithmetic3A_487 : i32 to index
      %get3A_608 = arith.index_cast %mul3A_606 : i32 to index
      %get3A_609 = tpu.vector_load %arg7[%get3A_607, %get3A_608] {strides = array<i32>} : memref<4x1024xf32, #tpu.memory_space<vmem>>, vector<1x16xf32>,
      %get3A_610 = vector.shape_cast %get3A_609 : vector<1x16xf32> to vector<16xf32>
      %swap3A_611 = arith.constant 0 : i32
      %swap3A_612 = arith.index_cast %shift_right_arithmetic3A_487 : i32 to index
      %swap3A_613 = arith.index_cast %swap3A_611 : i32 to index
      %swap3A_614 = arith.index_cast %mul3A_606 : i32 to index
      %swap3A_615 = tpu.vector_load %arg13[%swap3A_612, %swap3A_613, %swap3A_614] {strides = array<i32>} : memref<4x4x1024xf32, #tpu.memory_space<vmem>>, vector<1x1x16xf32>,
      %swap3A_616 = vector.shape_cast %swap3A_615 : vector<1x1x16xf32> to vector<16xf32>
      %swap3A_617 = vector.shape_cast %get3A_610 : vector<16xf32> to vector<1x1x16xf32>
      tpu.vector_store %arg13[%swap3A_612, %swap3A_613, %swap3A_614], %swap3A_617 {add = true, strides = array<i32>} : memref<4x4x1024xf32, #tpu.memory_space<vmem>>, vector<1x1x16xf32>,
      %swap3A_618 = arith.constant 1 : i32
      %swap3A_619 = arith.index_cast %shift_right_arithmetic3A_487 : i32 to index
      %swap3A_620 = arith.index_cast %swap3A_618 : i32 to index
      %swap3A_621 = arith.index_cast %mul3A_606 : i32 to index
      %swap3A_622 = tpu.vector_load %arg13[%swap3A_619, %swap3A_620, %swap3A_621] {strides = array<i32>} : memref<4x4x1024xf32, #tpu.memory_space<vmem>>, vector<1x1x16xf32>,
      %swap3A_623 = vector.shape_cast %swap3A_622 : vector<1x1x16xf32> to vector<16xf32>
      %swap3A_624 = vector.shape_cast %get3A_610 : vector<16xf32> to vector<1x1x16xf32>
      tpu.vector_store %arg13[%swap3A_619, %swap3A_620, %swap3A_621], %swap3A_624 {add = true, strides = array<i32>} : memref<4x4x1024xf32, #tpu.memory_space<vmem>>, vector<1x1x16xf32>,
      %swap3A_625 = arith.constant 2 : i32
      %swap3A_626 = arith.index_cast %shift_right_arithmetic3A_487 : i32 to index
      %swap3A_627 = arith.index_cast %swap3A_625 : i32 to index
      %swap3A_628 = arith.index_cast %mul3A_606 : i32 to index
      %swap3A_629 = tpu.vector_load %arg13[%swap3A_626, %swap3A_627, %swap3A_628] {strides = array<i32>} : memref<4x4x1024xf32, #tpu.memory_space<vmem>>, vector<1x1x16xf32>,
      %swap3A_630 = vector.shape_cast %swap3A_629 : vector<1x1x16xf32> to vector<16xf32>
      %swap3A_631 = vector.shape_cast %get3A_610 : vector<16xf32> to vector<1x1x16xf32>
      tpu.vector_store %arg13[%swap3A_626, %swap3A_627, %swap3A_628], %swap3A_631 {add = true, strides = array<i32>} : memref<4x4x1024xf32, #tpu.memory_space<vmem>>, vector<1x1x16xf32>,
      %swap3A_632 = arith.constant 3 : i32
      %swap3A_633 = arith.index_cast %shift_right_arithmetic3A_487 : i32 to index
      %swap3A_634 = arith.index_cast %swap3A_632 : i32 to index
      %swap3A_635 = arith.index_cast %mul3A_606 : i32 to index
      %swap3A_636 = tpu.vector_load %arg13[%swap3A_633, %swap3A_634, %swap3A_635] {strides = array<i32>} : memref<4x4x1024xf32, #tpu.memory_space<vmem>>, vector<1x1x16xf32>,
      %swap3A_637 = vector.shape_cast %swap3A_636 : vector<1x1x16xf32> to vector<16xf32>
      %swap3A_638 = vector.shape_cast %get3A_610 : vector<16xf32> to vector<1x1x16xf32>
      tpu.vector_store %arg13[%swap3A_633, %swap3A_634, %swap3A_635], %swap3A_638 {add = true, strides = array<i32>} : memref<4x4x1024xf32, #tpu.memory_space<vmem>>, vector<1x1x16xf32>,
    }
    %scan3A_167 = arith.constant 64 : i32
    %add3A_168 = arith.constant 8 : i32
    %add3A_169 = arith.addi %mul3A_2, %add3A_168 : i32
    %dma_start3A_170 = arith.constant 0 : i32
    %dma_start3A_171 = arith.constant 0 : i32
    %dma_start3A_172 = tpu.memref_slice %arg4[%add3A_169, %dma_start3A_170, %dma_start3A_171] : memref<8192x4x1024xf32, #tpu.memory_space<hbm>> -> memref<4x4x1024xf32, #tpu.memory_space<hbm>>
    %dma_start3A_173 = arith.constant 0 : i32
    %dma_start3A_174 = arith.constant 0 : i32
    %dma_start3A_175 = tpu.memref_slice %arg4[%add3A_169, %dma_start3A_173, %dma_start3A_174] : memref<8192x4x1024xf32, #tpu.memory_space<hbm>> -> memref<4x4x1024xf32, #tpu.memory_space<hbm>>
    tpu.enqueue_dma source(%arg13 : memref<4x4x1024xf32, #tpu.memory_space<vmem>>) target(%dma_start3A_175 : memref<4x4x1024xf32, #tpu.memory_space<hbm>>) target_semaphore(%arg25 : memref<!tpu.dma_semaphore, #tpu.memory_space<semaphore_mem>>)
    %dma_wait3A_176 = arith.constant 0 : i32
    %dma_wait3A_177 = arith.constant 0 : i32
    %dma_wait3A_178 = arith.constant 0 : i32
    %dma_wait3A_179 = tpu.memref_slice %arg4[%dma_wait3A_176, %dma_wait3A_177, %dma_wait3A_178] : memref<8192x4x1024xf32, #tpu.memory_space<hbm>> -> memref<4x4x1024xf32, #tpu.memory_space<hbm>>
    %dma_wait3A_180 = arith.constant 0 : i32
    %dma_wait3A_181 = arith.constant 0 : i32
    %dma_wait3A_182 = arith.constant 0 : i32
    %dma_wait3A_183 = tpu.memref_slice %arg4[%dma_wait3A_180, %dma_wait3A_181, %dma_wait3A_182] : memref<8192x4x1024xf32, #tpu.memory_space<hbm>> -> memref<4x4x1024xf32, #tpu.memory_space<hbm>>
    tpu.wait_dma2 semaphore(%arg24 : memref<!tpu.dma_semaphore, #tpu.memory_space<semaphore_mem>>) src(%arg12 : memref<4x4x1024xf32, #tpu.memory_space<vmem>>) dst(%dma_wait3A_183 : memref<4x4x1024xf32, #tpu.memory_space<hbm>>)
    %add3A_184 = arith.constant 28 : i32
    %add3A_185 = arith.addi %mul3A_2, %add3A_184 : i32
    %dma_start3A_186 = arith.constant 0 : i32
    %dma_start3A_187 = tpu.memref_slice %arg3[%add3A_185, %dma_start3A_186] : memref<8192x1024xf32, #tpu.memory_space<hbm>> -> memref<4x1024xf32, #tpu.memory_space<hbm>>
    %dma_start3A_188 = arith.constant 0 : i32
    %dma_start3A_189 = tpu.memref_slice %arg3[%add3A_185, %dma_start3A_188] : memref<8192x1024xf32, #tpu.memory_space<hbm>> -> memref<4x1024xf32, #tpu.memory_space<hbm>>
    tpu.enqueue_dma source(%dma_start3A_189 : memref<4x1024xf32, #tpu.memory_space<hbm>>) target(%arg6 : memref<4x1024xf32, #tpu.memory_space<vmem>>) target_semaphore(%arg18 : memref<!tpu.dma_semaphore, #tpu.memory_space<semaphore_mem>>)
    %dma_start3A_190 = arith.constant 0 : i32
    %dma_start3A_191 = arith.constant 0 : i32
    %dma_start3A_192 = tpu.memref_slice %arg2[%add3A_185, %dma_start3A_190, %dma_start3A_191] : memref<8192x4x1024xf32, #tpu.memory_space<hbm>> -> memref<4x4x1024xf32, #tpu.memory_space<hbm>>
    %dma_start3A_193 = arith.constant 0 : i32
    %dma_start3A_194 = arith.constant 0 : i32
    %dma_start3A_195 = tpu.memref_slice %arg2[%add3A_185, %dma_start3A_193, %dma_start3A_194] : memref<8192x4x1024xf32, #tpu.memory_space<hbm>> -> memref<4x4x1024xf32, #tpu.memory_space<hbm>>
    tpu.enqueue_dma source(%dma_start3A_195 : memref<4x4x1024xf32, #tpu.memory_space<hbm>>) target(%arg12 : memref<4x4x1024xf32, #tpu.memory_space<vmem>>) target_semaphore(%arg18 : memref<!tpu.dma_semaphore, #tpu.memory_space<semaphore_mem>>)
    %dma_wait3A_196 = arith.constant 0 : i32
    %dma_wait3A_197 = arith.constant 0 : i32
    %dma_wait3A_198 = tpu.memref_slice %arg3[%dma_wait3A_196, %dma_wait3A_197] : memref<8192x1024xf32, #tpu.memory_space<hbm>> -> memref<4x1024xf32, #tpu.memory_space<hbm>>
    %dma_wait3A_199 = arith.constant 0 : i32
    %dma_wait3A_200 = arith.constant 0 : i32
    %dma_wait3A_201 = tpu.memref_slice %arg3[%dma_wait3A_199, %dma_wait3A_200] : memref<8192x1024xf32, #tpu.memory_space<hbm>> -> memref<4x1024xf32, #tpu.memory_space<hbm>>
    tpu.wait_dma2 semaphore(%arg20 : memref<!tpu.dma_semaphore, #tpu.memory_space<semaphore_mem>>) src(%dma_wait3A_201 : memref<4x1024xf32, #tpu.memory_space<hbm>>) dst(%arg8 : memref<4x1024xf32, #tpu.memory_space<vmem>>)
    %dma_wait3A_202 = arith.constant 0 : i32
    %dma_wait3A_203 = arith.constant 0 : i32
    %dma_wait3A_204 = arith.constant 0 : i32
    %dma_wait3A_205 = tpu.memref_slice %arg2[%dma_wait3A_202, %dma_wait3A_203, %dma_wait3A_204] : memref<8192x4x1024xf32, #tpu.memory_space<hbm>> -> memref<4x4x1024xf32, #tpu.memory_space<hbm>>
    %dma_wait3A_206 = arith.constant 0 : i32
    %dma_wait3A_207 = arith.constant 0 : i32
    %dma_wait3A_208 = arith.constant 0 : i32
    %dma_wait3A_209 = tpu.memref_slice %arg2[%dma_wait3A_206, %dma_wait3A_207, %dma_wait3A_208] : memref<8192x4x1024xf32, #tpu.memory_space<hbm>> -> memref<4x4x1024xf32, #tpu.memory_space<hbm>>
    tpu.wait_dma2 semaphore(%arg20 : memref<!tpu.dma_semaphore, #tpu.memory_space<semaphore_mem>>) src(%dma_wait3A_209 : memref<4x4x1024xf32, #tpu.memory_space<hbm>>) dst(%arg14 : memref<4x4x1024xf32, #tpu.memory_space<vmem>>)
    %scan3A_210 = arith.constant 0 : i32
    %scan3A_211 = arith.constant 0 : i32
    %scan3A_212 = arith.constant 64 : i32
    %scan3A_213 = arith.addi %scan3A_211, %scan3A_212 : i32
    %scan3A_214 = arith.constant 1 : i32
    scf.for %scan3A_486 = %scan3A_211 to %scan3A_213 step %scan3A_214  : i32 {
      %shift_right_arithmetic3A = arith.constant 4 : i32
      %shift_right_arithmetic3A_487 = arith.shrsi %scan3A_486, %shift_right_arithmetic3A : i32
      %and3A = arith.constant 15 : i32
      %and3A_488 = arith.andi %scan3A_486, %and3A : i32
      %mul3A_489 = arith.constant 4 : i32
      %mul3A_490 = arith.muli %and3A_488, %mul3A_489 : i32
      %add3A_491 = arith.constant 0 : i32
      %add3A_492 = arith.addi %mul3A_490, %add3A_491 : i32
      %mul3A_493 = arith.constant 16 : i32
      %mul3A_494 = arith.muli %add3A_492, %mul3A_493 : i32
      %get3A = arith.index_cast %shift_right_arithmetic3A_487 : i32 to index
      %get3A_495 = arith.index_cast %mul3A_494 : i32 to index
      %get3A_496 = tpu.vector_load %arg8[%get3A, %get3A_495] {strides = array<i32>} : memref<4x1024xf32, #tpu.memory_space<vmem>>, vector<1x16xf32>,
      %get3A_497 = vector.shape_cast %get3A_496 : vector<1x16xf32> to vector<16xf32>
      %swap3A = arith.constant 0 : i32
      %swap3A_498 = arith.index_cast %shift_right_arithmetic3A_487 : i32 to index
      %swap3A_499 = arith.index_cast %swap3A : i32 to index
      %swap3A_500 = arith.index_cast %mul3A_494 : i32 to index
      %swap3A_501 = tpu.vector_load %arg14[%swap3A_498, %swap3A_499, %swap3A_500] {strides = array<i32>} : memref<4x4x1024xf32, #tpu.memory_space<vmem>>, vector<1x1x16xf32>,
      %swap3A_502 = vector.shape_cast %swap3A_501 : vector<1x1x16xf32> to vector<16xf32>
      %swap3A_503 = vector.shape_cast %get3A_497 : vector<16xf32> to vector<1x1x16xf32>
      tpu.vector_store %arg14[%swap3A_498, %swap3A_499, %swap3A_500], %swap3A_503 {add = true, strides = array<i32>} : memref<4x4x1024xf32, #tpu.memory_space<vmem>>, vector<1x1x16xf32>,
      %swap3A_504 = arith.constant 1 : i32
      %swap3A_505 = arith.index_cast %shift_right_arithmetic3A_487 : i32 to index
      %swap3A_506 = arith.index_cast %swap3A_504 : i32 to index
      %swap3A_507 = arith.index_cast %mul3A_494 : i32 to index
      %swap3A_508 = tpu.vector_load %arg14[%swap3A_505, %swap3A_506, %swap3A_507] {strides = array<i32>} : memref<4x4x1024xf32, #tpu.memory_space<vmem>>, vector<1x1x16xf32>,
      %swap3A_509 = vector.shape_cast %swap3A_508 : vector<1x1x16xf32> to vector<16xf32>
      %swap3A_510 = vector.shape_cast %get3A_497 : vector<16xf32> to vector<1x1x16xf32>
      tpu.vector_store %arg14[%swap3A_505, %swap3A_506, %swap3A_507], %swap3A_510 {add = true, strides = array<i32>} : memref<4x4x1024xf32, #tpu.memory_space<vmem>>, vector<1x1x16xf32>,
      %swap3A_511 = arith.constant 2 : i32
      %swap3A_512 = arith.index_cast %shift_right_arithmetic3A_487 : i32 to index
      %swap3A_513 = arith.index_cast %swap3A_511 : i32 to index
      %swap3A_514 = arith.index_cast %mul3A_494 : i32 to index
      %swap3A_515 = tpu.vector_load %arg14[%swap3A_512, %swap3A_513, %swap3A_514] {strides = array<i32>} : memref<4x4x1024xf32, #tpu.memory_space<vmem>>, vector<1x1x16xf32>,
      %swap3A_516 = vector.shape_cast %swap3A_515 : vector<1x1x16xf32> to vector<16xf32>
      %swap3A_517 = vector.shape_cast %get3A_497 : vector<16xf32> to vector<1x1x16xf32>
      tpu.vector_store %arg14[%swap3A_512, %swap3A_513, %swap3A_514], %swap3A_517 {add = true, strides = array<i32>} : memref<4x4x1024xf32, #tpu.memory_space<vmem>>, vector<1x1x16xf32>,
      %swap3A_518 = arith.constant 3 : i32
      %swap3A_519 = arith.index_cast %shift_right_arithmetic3A_487 : i32 to index
      %swap3A_520 = arith.index_cast %swap3A_518 : i32 to index
      %swap3A_521 = arith.index_cast %mul3A_494 : i32 to index
      %swap3A_522 = tpu.vector_load %arg14[%swap3A_519, %swap3A_520, %swap3A_521] {strides = array<i32>} : memref<4x4x1024xf32, #tpu.memory_space<vmem>>, vector<1x1x16xf32>,
      %swap3A_523 = vector.shape_cast %swap3A_522 : vector<1x1x16xf32> to vector<16xf32>
      %swap3A_524 = vector.shape_cast %get3A_497 : vector<16xf32> to vector<1x1x16xf32>
      tpu.vector_store %arg14[%swap3A_519, %swap3A_520, %swap3A_521], %swap3A_524 {add = true, strides = array<i32>} : memref<4x4x1024xf32, #tpu.memory_space<vmem>>, vector<1x1x16xf32>,
      %mul3A_525 = arith.constant 4 : i32
      %mul3A_526 = arith.muli %and3A_488, %mul3A_525 : i32
      %add3A_527 = arith.constant 1 : i32
      %add3A_528 = arith.addi %mul3A_526, %add3A_527 : i32
      %mul3A_529 = arith.constant 16 : i32
      %mul3A_530 = arith.muli %add3A_528, %mul3A_529 : i32
      %get3A_531 = arith.index_cast %shift_right_arithmetic3A_487 : i32 to index
      %get3A_532 = arith.index_cast %mul3A_530 : i32 to index
      %get3A_533 = tpu.vector_load %arg8[%get3A_531, %get3A_532] {strides = array<i32>} : memref<4x1024xf32, #tpu.memory_space<vmem>>, vector<1x16xf32>,
      %get3A_534 = vector.shape_cast %get3A_533 : vector<1x16xf32> to vector<16xf32>
      %swap3A_535 = arith.constant 0 : i32
      %swap3A_536 = arith.index_cast %shift_right_arithmetic3A_487 : i32 to index
      %swap3A_537 = arith.index_cast %swap3A_535 : i32 to index
      %swap3A_538 = arith.index_cast %mul3A_530 : i32 to index
      %swap3A_539 = tpu.vector_load %arg14[%swap3A_536, %swap3A_537, %swap3A_538] {strides = array<i32>} : memref<4x4x1024xf32, #tpu.memory_space<vmem>>, vector<1x1x16xf32>,
      %swap3A_540 = vector.shape_cast %swap3A_539 : vector<1x1x16xf32> to vector<16xf32>
      %swap3A_541 = vector.shape_cast %get3A_534 : vector<16xf32> to vector<1x1x16xf32>
      tpu.vector_store %arg14[%swap3A_536, %swap3A_537, %swap3A_538], %swap3A_541 {add = true, strides = array<i32>} : memref<4x4x1024xf32, #tpu.memory_space<vmem>>, vector<1x1x16xf32>,
      %swap3A_542 = arith.constant 1 : i32
      %swap3A_543 = arith.index_cast %shift_right_arithmetic3A_487 : i32 to index
      %swap3A_544 = arith.index_cast %swap3A_542 : i32 to index
      %swap3A_545 = arith.index_cast %mul3A_530 : i32 to index
      %swap3A_546 = tpu.vector_load %arg14[%swap3A_543, %swap3A_544, %swap3A_545] {strides = array<i32>} : memref<4x4x1024xf32, #tpu.memory_space<vmem>>, vector<1x1x16xf32>,
      %swap3A_547 = vector.shape_cast %swap3A_546 : vector<1x1x16xf32> to vector<16xf32>
      %swap3A_548 = vector.shape_cast %get3A_534 : vector<16xf32> to vector<1x1x16xf32>
      tpu.vector_store %arg14[%swap3A_543, %swap3A_544, %swap3A_545], %swap3A_548 {add = true, strides = array<i32>} : memref<4x4x1024xf32, #tpu.memory_space<vmem>>, vector<1x1x16xf32>,
      %swap3A_549 = arith.constant 2 : i32
      %swap3A_550 = arith.index_cast %shift_right_arithmetic3A_487 : i32 to index
      %swap3A_551 = arith.index_cast %swap3A_549 : i32 to index
      %swap3A_552 = arith.index_cast %mul3A_530 : i32 to index
      %swap3A_553 = tpu.vector_load %arg14[%swap3A_550, %swap3A_551, %swap3A_552] {strides = array<i32>} : memref<4x4x1024xf32, #tpu.memory_space<vmem>>, vector<1x1x16xf32>,
      %swap3A_554 = vector.shape_cast %swap3A_553 : vector<1x1x16xf32> to vector<16xf32>
      %swap3A_555 = vector.shape_cast %get3A_534 : vector<16xf32> to vector<1x1x16xf32>
      tpu.vector_store %arg14[%swap3A_550, %swap3A_551, %swap3A_552], %swap3A_555 {add = true, strides = array<i32>} : memref<4x4x1024xf32, #tpu.memory_space<vmem>>, vector<1x1x16xf32>,
      %swap3A_556 = arith.constant 3 : i32
      %swap3A_557 = arith.index_cast %shift_right_arithmetic3A_487 : i32 to index
      %swap3A_558 = arith.index_cast %swap3A_556 : i32 to index
      %swap3A_559 = arith.index_cast %mul3A_530 : i32 to index
      %swap3A_560 = tpu.vector_load %arg14[%swap3A_557, %swap3A_558, %swap3A_559] {strides = array<i32>} : memref<4x4x1024xf32, #tpu.memory_space<vmem>>, vector<1x1x16xf32>,
      %swap3A_561 = vector.shape_cast %swap3A_560 : vector<1x1x16xf32> to vector<16xf32>
      %swap3A_562 = vector.shape_cast %get3A_534 : vector<16xf32> to vector<1x1x16xf32>
      tpu.vector_store %arg14[%swap3A_557, %swap3A_558, %swap3A_559], %swap3A_562 {add = true, strides = array<i32>} : memref<4x4x1024xf32, #tpu.memory_space<vmem>>, vector<1x1x16xf32>,
      %mul3A_563 = arith.constant 4 : i32
      %mul3A_564 = arith.muli %and3A_488, %mul3A_563 : i32
      %add3A_565 = arith.constant 2 : i32
      %add3A_566 = arith.addi %mul3A_564, %add3A_565 : i32
      %mul3A_567 = arith.constant 16 : i32
      %mul3A_568 = arith.muli %add3A_566, %mul3A_567 : i32
      %get3A_569 = arith.index_cast %shift_right_arithmetic3A_487 : i32 to index
      %get3A_570 = arith.index_cast %mul3A_568 : i32 to index
      %get3A_571 = tpu.vector_load %arg8[%get3A_569, %get3A_570] {strides = array<i32>} : memref<4x1024xf32, #tpu.memory_space<vmem>>, vector<1x16xf32>,
      %get3A_572 = vector.shape_cast %get3A_571 : vector<1x16xf32> to vector<16xf32>
      %swap3A_573 = arith.constant 0 : i32
      %swap3A_574 = arith.index_cast %shift_right_arithmetic3A_487 : i32 to index
      %swap3A_575 = arith.index_cast %swap3A_573 : i32 to index
      %swap3A_576 = arith.index_cast %mul3A_568 : i32 to index
      %swap3A_577 = tpu.vector_load %arg14[%swap3A_574, %swap3A_575, %swap3A_576] {strides = array<i32>} : memref<4x4x1024xf32, #tpu.memory_space<vmem>>, vector<1x1x16xf32>,
      %swap3A_578 = vector.shape_cast %swap3A_577 : vector<1x1x16xf32> to vector<16xf32>
      %swap3A_579 = vector.shape_cast %get3A_572 : vector<16xf32> to vector<1x1x16xf32>
      tpu.vector_store %arg14[%swap3A_574, %swap3A_575, %swap3A_576], %swap3A_579 {add = true, strides = array<i32>} : memref<4x4x1024xf32, #tpu.memory_space<vmem>>, vector<1x1x16xf32>,
      %swap3A_580 = arith.constant 1 : i32
      %swap3A_581 = arith.index_cast %shift_right_arithmetic3A_487 : i32 to index
      %swap3A_582 = arith.index_cast %swap3A_580 : i32 to index
      %swap3A_583 = arith.index_cast %mul3A_568 : i32 to index
      %swap3A_584 = tpu.vector_load %arg14[%swap3A_581, %swap3A_582, %swap3A_583] {strides = array<i32>} : memref<4x4x1024xf32, #tpu.memory_space<vmem>>, vector<1x1x16xf32>,
      %swap3A_585 = vector.shape_cast %swap3A_584 : vector<1x1x16xf32> to vector<16xf32>
      %swap3A_586 = vector.shape_cast %get3A_572 : vector<16xf32> to vector<1x1x16xf32>
      tpu.vector_store %arg14[%swap3A_581, %swap3A_582, %swap3A_583], %swap3A_586 {add = true, strides = array<i32>} : memref<4x4x1024xf32, #tpu.memory_space<vmem>>, vector<1x1x16xf32>,
      %swap3A_587 = arith.constant 2 : i32
      %swap3A_588 = arith.index_cast %shift_right_arithmetic3A_487 : i32 to index
      %swap3A_589 = arith.index_cast %swap3A_587 : i32 to index
      %swap3A_590 = arith.index_cast %mul3A_568 : i32 to index
      %swap3A_591 = tpu.vector_load %arg14[%swap3A_588, %swap3A_589, %swap3A_590] {strides = array<i32>} : memref<4x4x1024xf32, #tpu.memory_space<vmem>>, vector<1x1x16xf32>,
      %swap3A_592 = vector.shape_cast %swap3A_591 : vector<1x1x16xf32> to vector<16xf32>
      %swap3A_593 = vector.shape_cast %get3A_572 : vector<16xf32> to vector<1x1x16xf32>
      tpu.vector_store %arg14[%swap3A_588, %swap3A_589, %swap3A_590], %swap3A_593 {add = true, strides = array<i32>} : memref<4x4x1024xf32, #tpu.memory_space<vmem>>, vector<1x1x16xf32>,
      %swap3A_594 = arith.constant 3 : i32
      %swap3A_595 = arith.index_cast %shift_right_arithmetic3A_487 : i32 to index
      %swap3A_596 = arith.index_cast %swap3A_594 : i32 to index
      %swap3A_597 = arith.index_cast %mul3A_568 : i32 to index
      %swap3A_598 = tpu.vector_load %arg14[%swap3A_595, %swap3A_596, %swap3A_597] {strides = array<i32>} : memref<4x4x1024xf32, #tpu.memory_space<vmem>>, vector<1x1x16xf32>,
      %swap3A_599 = vector.shape_cast %swap3A_598 : vector<1x1x16xf32> to vector<16xf32>
      %swap3A_600 = vector.shape_cast %get3A_572 : vector<16xf32> to vector<1x1x16xf32>
      tpu.vector_store %arg14[%swap3A_595, %swap3A_596, %swap3A_597], %swap3A_600 {add = true, strides = array<i32>} : memref<4x4x1024xf32, #tpu.memory_space<vmem>>, vector<1x1x16xf32>,
      %mul3A_601 = arith.constant 4 : i32
      %mul3A_602 = arith.muli %and3A_488, %mul3A_601 : i32
      %add3A_603 = arith.constant 3 : i32
      %add3A_604 = arith.addi %mul3A_602, %add3A_603 : i32
      %mul3A_605 = arith.constant 16 : i32
      %mul3A_606 = arith.muli %add3A_604, %mul3A_605 : i32
      %get3A_607 = arith.index_cast %shift_right_arithmetic3A_487 : i32 to index
      %get3A_608 = arith.index_cast %mul3A_606 : i32 to index
      %get3A_609 = tpu.vector_load %arg8[%get3A_607, %get3A_608] {strides = array<i32>} : memref<4x1024xf32, #tpu.memory_space<vmem>>, vector<1x16xf32>,
      %get3A_610 = vector.shape_cast %get3A_609 : vector<1x16xf32> to vector<16xf32>
      %swap3A_611 = arith.constant 0 : i32
      %swap3A_612 = arith.index_cast %shift_right_arithmetic3A_487 : i32 to index
      %swap3A_613 = arith.index_cast %swap3A_611 : i32 to index
      %swap3A_614 = arith.index_cast %mul3A_606 : i32 to index
      %swap3A_615 = tpu.vector_load %arg14[%swap3A_612, %swap3A_613, %swap3A_614] {strides = array<i32>} : memref<4x4x1024xf32, #tpu.memory_space<vmem>>, vector<1x1x16xf32>,
      %swap3A_616 = vector.shape_cast %swap3A_615 : vector<1x1x16xf32> to vector<16xf32>
      %swap3A_617 = vector.shape_cast %get3A_610 : vector<16xf32> to vector<1x1x16xf32>
      tpu.vector_store %arg14[%swap3A_612, %swap3A_613, %swap3A_614], %swap3A_617 {add = true, strides = array<i32>} : memref<4x4x1024xf32, #tpu.memory_space<vmem>>, vector<1x1x16xf32>,
      %swap3A_618 = arith.constant 1 : i32
      %swap3A_619 = arith.index_cast %shift_right_arithmetic3A_487 : i32 to index
      %swap3A_620 = arith.index_cast %swap3A_618 : i32 to index
      %swap3A_621 = arith.index_cast %mul3A_606 : i32 to index
      %swap3A_622 = tpu.vector_load %arg14[%swap3A_619, %swap3A_620, %swap3A_621] {strides = array<i32>} : memref<4x4x1024xf32, #tpu.memory_space<vmem>>, vector<1x1x16xf32>,
      %swap3A_623 = vector.shape_cast %swap3A_622 : vector<1x1x16xf32> to vector<16xf32>
      %swap3A_624 = vector.shape_cast %get3A_610 : vector<16xf32> to vector<1x1x16xf32>
      tpu.vector_store %arg14[%swap3A_619, %swap3A_620, %swap3A_621], %swap3A_624 {add = true, strides = array<i32>} : memref<4x4x1024xf32, #tpu.memory_space<vmem>>, vector<1x1x16xf32>,
      %swap3A_625 = arith.constant 2 : i32
      %swap3A_626 = arith.index_cast %shift_right_arithmetic3A_487 : i32 to index
      %swap3A_627 = arith.index_cast %swap3A_625 : i32 to index
      %swap3A_628 = arith.index_cast %mul3A_606 : i32 to index
      %swap3A_629 = tpu.vector_load %arg14[%swap3A_626, %swap3A_627, %swap3A_628] {strides = array<i32>} : memref<4x4x1024xf32, #tpu.memory_space<vmem>>, vector<1x1x16xf32>,
      %swap3A_630 = vector.shape_cast %swap3A_629 : vector<1x1x16xf32> to vector<16xf32>
      %swap3A_631 = vector.shape_cast %get3A_610 : vector<16xf32> to vector<1x1x16xf32>
      tpu.vector_store %arg14[%swap3A_626, %swap3A_627, %swap3A_628], %swap3A_631 {add = true, strides = array<i32>} : memref<4x4x1024xf32, #tpu.memory_space<vmem>>, vector<1x1x16xf32>,
      %swap3A_632 = arith.constant 3 : i32
      %swap3A_633 = arith.index_cast %shift_right_arithmetic3A_487 : i32 to index
      %swap3A_634 = arith.index_cast %swap3A_632 : i32 to index
      %swap3A_635 = arith.index_cast %mul3A_606 : i32 to index
      %swap3A_636 = tpu.vector_load %arg14[%swap3A_633, %swap3A_634, %swap3A_635] {strides = array<i32>} : memref<4x4x1024xf32, #tpu.memory_space<vmem>>, vector<1x1x16xf32>,
      %swap3A_637 = vector.shape_cast %swap3A_636 : vector<1x1x16xf32> to vector<16xf32>
      %swap3A_638 = vector.shape_cast %get3A_610 : vector<16xf32> to vector<1x1x16xf32>
      tpu.vector_store %arg14[%swap3A_633, %swap3A_634, %swap3A_635], %swap3A_638 {add = true, strides = array<i32>} : memref<4x4x1024xf32, #tpu.memory_space<vmem>>, vector<1x1x16xf32>,
    }
    %scan3A_215 = arith.constant 64 : i32
    %add3A_216 = arith.constant 12 : i32
    %add3A_217 = arith.addi %mul3A_2, %add3A_216 : i32
    %dma_start3A_218 = arith.constant 0 : i32
    %dma_start3A_219 = arith.constant 0 : i32
    %dma_start3A_220 = tpu.memref_slice %arg4[%add3A_217, %dma_start3A_218, %dma_start3A_219] : memref<8192x4x1024xf32, #tpu.memory_space<hbm>> -> memref<4x4x1024xf32, #tpu.memory_space<hbm>>
    %dma_start3A_221 = arith.constant 0 : i32
    %dma_start3A_222 = arith.constant 0 : i32
    %dma_start3A_223 = tpu.memref_slice %arg4[%add3A_217, %dma_start3A_221, %dma_start3A_222] : memref<8192x4x1024xf32, #tpu.memory_space<hbm>> -> memref<4x4x1024xf32, #tpu.memory_space<hbm>>
    tpu.enqueue_dma source(%arg14 : memref<4x4x1024xf32, #tpu.memory_space<vmem>>) target(%dma_start3A_223 : memref<4x4x1024xf32, #tpu.memory_space<hbm>>) target_semaphore(%arg26 : memref<!tpu.dma_semaphore, #tpu.memory_space<semaphore_mem>>)
    %dma_wait3A_224 = arith.constant 0 : i32
    %dma_wait3A_225 = arith.constant 0 : i32
    %dma_wait3A_226 = arith.constant 0 : i32
    %dma_wait3A_227 = tpu.memref_slice %arg4[%dma_wait3A_224, %dma_wait3A_225, %dma_wait3A_226] : memref<8192x4x1024xf32, #tpu.memory_space<hbm>> -> memref<4x4x1024xf32, #tpu.memory_space<hbm>>
    %dma_wait3A_228 = arith.constant 0 : i32
    %dma_wait3A_229 = arith.constant 0 : i32
    %dma_wait3A_230 = arith.constant 0 : i32
    %dma_wait3A_231 = tpu.memref_slice %arg4[%dma_wait3A_228, %dma_wait3A_229, %dma_wait3A_230] : memref<8192x4x1024xf32, #tpu.memory_space<hbm>> -> memref<4x4x1024xf32, #tpu.memory_space<hbm>>
    tpu.wait_dma2 semaphore(%arg25 : memref<!tpu.dma_semaphore, #tpu.memory_space<semaphore_mem>>) src(%arg13 : memref<4x4x1024xf32, #tpu.memory_space<vmem>>) dst(%dma_wait3A_231 : memref<4x4x1024xf32, #tpu.memory_space<hbm>>)
    %add3A_232 = arith.constant 32 : i32
    %add3A_233 = arith.addi %mul3A_2, %add3A_232 : i32
    %dma_start3A_234 = arith.constant 0 : i32
    %dma_start3A_235 = tpu.memref_slice %arg3[%add3A_233, %dma_start3A_234] : memref<8192x1024xf32, #tpu.memory_space<hbm>> -> memref<4x1024xf32, #tpu.memory_space<hbm>>
    %dma_start3A_236 = arith.constant 0 : i32
    %dma_start3A_237 = tpu.memref_slice %arg3[%add3A_233, %dma_start3A_236] : memref<8192x1024xf32, #tpu.memory_space<hbm>> -> memref<4x1024xf32, #tpu.memory_space<hbm>>
    tpu.enqueue_dma source(%dma_start3A_237 : memref<4x1024xf32, #tpu.memory_space<hbm>>) target(%arg7 : memref<4x1024xf32, #tpu.memory_space<vmem>>) target_semaphore(%arg19 : memref<!tpu.dma_semaphore, #tpu.memory_space<semaphore_mem>>)
    %dma_start3A_238 = arith.constant 0 : i32
    %dma_start3A_239 = arith.constant 0 : i32
    %dma_start3A_240 = tpu.memref_slice %arg2[%add3A_233, %dma_start3A_238, %dma_start3A_239] : memref<8192x4x1024xf32, #tpu.memory_space<hbm>> -> memref<4x4x1024xf32, #tpu.memory_space<hbm>>
    %dma_start3A_241 = arith.constant 0 : i32
    %dma_start3A_242 = arith.constant 0 : i32
    %dma_start3A_243 = tpu.memref_slice %arg2[%add3A_233, %dma_start3A_241, %dma_start3A_242] : memref<8192x4x1024xf32, #tpu.memory_space<hbm>> -> memref<4x4x1024xf32, #tpu.memory_space<hbm>>
    tpu.enqueue_dma source(%dma_start3A_243 : memref<4x4x1024xf32, #tpu.memory_space<hbm>>) target(%arg13 : memref<4x4x1024xf32, #tpu.memory_space<vmem>>) target_semaphore(%arg19 : memref<!tpu.dma_semaphore, #tpu.memory_space<semaphore_mem>>)
    %dma_wait3A_244 = arith.constant 0 : i32
    %dma_wait3A_245 = arith.constant 0 : i32
    %dma_wait3A_246 = tpu.memref_slice %arg3[%dma_wait3A_244, %dma_wait3A_245] : memref<8192x1024xf32, #tpu.memory_space<hbm>> -> memref<4x1024xf32, #tpu.memory_space<hbm>>
    %dma_wait3A_247 = arith.constant 0 : i32
    %dma_wait3A_248 = arith.constant 0 : i32
    %dma_wait3A_249 = tpu.memref_slice %arg3[%dma_wait3A_247, %dma_wait3A_248] : memref<8192x1024xf32, #tpu.memory_space<hbm>> -> memref<4x1024xf32, #tpu.memory_space<hbm>>
    tpu.wait_dma2 semaphore(%arg21 : memref<!tpu.dma_semaphore, #tpu.memory_space<semaphore_mem>>) src(%dma_wait3A_249 : memref<4x1024xf32, #tpu.memory_space<hbm>>) dst(%arg9 : memref<4x1024xf32, #tpu.memory_space<vmem>>)
    %dma_wait3A_250 = arith.constant 0 : i32
    %dma_wait3A_251 = arith.constant 0 : i32
    %dma_wait3A_252 = arith.constant 0 : i32
    %dma_wait3A_253 = tpu.memref_slice %arg2[%dma_wait3A_250, %dma_wait3A_251, %dma_wait3A_252] : memref<8192x4x1024xf32, #tpu.memory_space<hbm>> -> memref<4x4x1024xf32, #tpu.memory_space<hbm>>
    %dma_wait3A_254 = arith.constant 0 : i32
    %dma_wait3A_255 = arith.constant 0 : i32
    %dma_wait3A_256 = arith.constant 0 : i32
    %dma_wait3A_257 = tpu.memref_slice %arg2[%dma_wait3A_254, %dma_wait3A_255, %dma_wait3A_256] : memref<8192x4x1024xf32, #tpu.memory_space<hbm>> -> memref<4x4x1024xf32, #tpu.memory_space<hbm>>
    tpu.wait_dma2 semaphore(%arg21 : memref<!tpu.dma_semaphore, #tpu.memory_space<semaphore_mem>>) src(%dma_wait3A_257 : memref<4x4x1024xf32, #tpu.memory_space<hbm>>) dst(%arg15 : memref<4x4x1024xf32, #tpu.memory_space<vmem>>)
    %scan3A_258 = arith.constant 0 : i32
    %scan3A_259 = arith.constant 0 : i32
    %scan3A_260 = arith.constant 64 : i32
    %scan3A_261 = arith.addi %scan3A_259, %scan3A_260 : i32
    %scan3A_262 = arith.constant 1 : i32
    scf.for %scan3A_486 = %scan3A_259 to %scan3A_261 step %scan3A_262  : i32 {
      %shift_right_arithmetic3A = arith.constant 4 : i32
      %shift_right_arithmetic3A_487 = arith.shrsi %scan3A_486, %shift_right_arithmetic3A : i32
      %and3A = arith.constant 15 : i32
      %and3A_488 = arith.andi %scan3A_486, %and3A : i32
      %mul3A_489 = arith.constant 4 : i32
      %mul3A_490 = arith.muli %and3A_488, %mul3A_489 : i32
      %add3A_491 = arith.constant 0 : i32
      %add3A_492 = arith.addi %mul3A_490, %add3A_491 : i32
      %mul3A_493 = arith.constant 16 : i32
      %mul3A_494 = arith.muli %add3A_492, %mul3A_493 : i32
      %get3A = arith.index_cast %shift_right_arithmetic3A_487 : i32 to index
      %get3A_495 = arith.index_cast %mul3A_494 : i32 to index
      %get3A_496 = tpu.vector_load %arg9[%get3A, %get3A_495] {strides = array<i32>} : memref<4x1024xf32, #tpu.memory_space<vmem>>, vector<1x16xf32>,
      %get3A_497 = vector.shape_cast %get3A_496 : vector<1x16xf32> to vector<16xf32>
      %swap3A = arith.constant 0 : i32
      %swap3A_498 = arith.index_cast %shift_right_arithmetic3A_487 : i32 to index
      %swap3A_499 = arith.index_cast %swap3A : i32 to index
      %swap3A_500 = arith.index_cast %mul3A_494 : i32 to index
      %swap3A_501 = tpu.vector_load %arg15[%swap3A_498, %swap3A_499, %swap3A_500] {strides = array<i32>} : memref<4x4x1024xf32, #tpu.memory_space<vmem>>, vector<1x1x16xf32>,
      %swap3A_502 = vector.shape_cast %swap3A_501 : vector<1x1x16xf32> to vector<16xf32>
      %swap3A_503 = vector.shape_cast %get3A_497 : vector<16xf32> to vector<1x1x16xf32>
      tpu.vector_store %arg15[%swap3A_498, %swap3A_499, %swap3A_500], %swap3A_503 {add = true, strides = array<i32>} : memref<4x4x1024xf32, #tpu.memory_space<vmem>>, vector<1x1x16xf32>,
      %swap3A_504 = arith.constant 1 : i32
      %swap3A_505 = arith.index_cast %shift_right_arithmetic3A_487 : i32 to index
      %swap3A_506 = arith.index_cast %swap3A_504 : i32 to index
      %swap3A_507 = arith.index_cast %mul3A_494 : i32 to index
      %swap3A_508 = tpu.vector_load %arg15[%swap3A_505, %swap3A_506, %swap3A_507] {strides = array<i32>} : memref<4x4x1024xf32, #tpu.memory_space<vmem>>, vector<1x1x16xf32>,
      %swap3A_509 = vector.shape_cast %swap3A_508 : vector<1x1x16xf32> to vector<16xf32>
      %swap3A_510 = vector.shape_cast %get3A_497 : vector<16xf32> to vector<1x1x16xf32>
      tpu.vector_store %arg15[%swap3A_505, %swap3A_506, %swap3A_507], %swap3A_510 {add = true, strides = array<i32>} : memref<4x4x1024xf32, #tpu.memory_space<vmem>>, vector<1x1x16xf32>,
      %swap3A_511 = arith.constant 2 : i32
      %swap3A_512 = arith.index_cast %shift_right_arithmetic3A_487 : i32 to index
      %swap3A_513 = arith.index_cast %swap3A_511 : i32 to index
      %swap3A_514 = arith.index_cast %mul3A_494 : i32 to index
      %swap3A_515 = tpu.vector_load %arg15[%swap3A_512, %swap3A_513, %swap3A_514] {strides = array<i32>} : memref<4x4x1024xf32, #tpu.memory_space<vmem>>, vector<1x1x16xf32>,
      %swap3A_516 = vector.shape_cast %swap3A_515 : vector<1x1x16xf32> to vector<16xf32>
      %swap3A_517 = vector.shape_cast %get3A_497 : vector<16xf32> to vector<1x1x16xf32>
      tpu.vector_store %arg15[%swap3A_512, %swap3A_513, %swap3A_514], %swap3A_517 {add = true, strides = array<i32>} : memref<4x4x1024xf32, #tpu.memory_space<vmem>>, vector<1x1x16xf32>,
      %swap3A_518 = arith.constant 3 : i32
      %swap3A_519 = arith.index_cast %shift_right_arithmetic3A_487 : i32 to index
      %swap3A_520 = arith.index_cast %swap3A_518 : i32 to index
      %swap3A_521 = arith.index_cast %mul3A_494 : i32 to index
      %swap3A_522 = tpu.vector_load %arg15[%swap3A_519, %swap3A_520, %swap3A_521] {strides = array<i32>} : memref<4x4x1024xf32, #tpu.memory_space<vmem>>, vector<1x1x16xf32>,
      %swap3A_523 = vector.shape_cast %swap3A_522 : vector<1x1x16xf32> to vector<16xf32>
      %swap3A_524 = vector.shape_cast %get3A_497 : vector<16xf32> to vector<1x1x16xf32>
      tpu.vector_store %arg15[%swap3A_519, %swap3A_520, %swap3A_521], %swap3A_524 {add = true, strides = array<i32>} : memref<4x4x1024xf32, #tpu.memory_space<vmem>>, vector<1x1x16xf32>,
      %mul3A_525 = arith.constant 4 : i32
      %mul3A_526 = arith.muli %and3A_488, %mul3A_525 : i32
      %add3A_527 = arith.constant 1 : i32
      %add3A_528 = arith.addi %mul3A_526, %add3A_527 : i32
      %mul3A_529 = arith.constant 16 : i32
      %mul3A_530 = arith.muli %add3A_528, %mul3A_529 : i32
      %get3A_531 = arith.index_cast %shift_right_arithmetic3A_487 : i32 to index
      %get3A_532 = arith.index_cast %mul3A_530 : i32 to index
      %get3A_533 = tpu.vector_load %arg9[%get3A_531, %get3A_532] {strides = array<i32>} : memref<4x1024xf32, #tpu.memory_space<vmem>>, vector<1x16xf32>,
      %get3A_534 = vector.shape_cast %get3A_533 : vector<1x16xf32> to vector<16xf32>
      %swap3A_535 = arith.constant 0 : i32
      %swap3A_536 = arith.index_cast %shift_right_arithmetic3A_487 : i32 to index
      %swap3A_537 = arith.index_cast %swap3A_535 : i32 to index
      %swap3A_538 = arith.index_cast %mul3A_530 : i32 to index
      %swap3A_539 = tpu.vector_load %arg15[%swap3A_536, %swap3A_537, %swap3A_538] {strides = array<i32>} : memref<4x4x1024xf32, #tpu.memory_space<vmem>>, vector<1x1x16xf32>,
      %swap3A_540 = vector.shape_cast %swap3A_539 : vector<1x1x16xf32> to vector<16xf32>
      %swap3A_541 = vector.shape_cast %get3A_534 : vector<16xf32> to vector<1x1x16xf32>
      tpu.vector_store %arg15[%swap3A_536, %swap3A_537, %swap3A_538], %swap3A_541 {add = true, strides = array<i32>} : memref<4x4x1024xf32, #tpu.memory_space<vmem>>, vector<1x1x16xf32>,
      %swap3A_542 = arith.constant 1 : i32
      %swap3A_543 = arith.index_cast %shift_right_arithmetic3A_487 : i32 to index
      %swap3A_544 = arith.index_cast %swap3A_542 : i32 to index
      %swap3A_545 = arith.index_cast %mul3A_530 : i32 to index
      %swap3A_546 = tpu.vector_load %arg15[%swap3A_543, %swap3A_544, %swap3A_545] {strides = array<i32>} : memref<4x4x1024xf32, #tpu.memory_space<vmem>>, vector<1x1x16xf32>,
      %swap3A_547 = vector.shape_cast %swap3A_546 : vector<1x1x16xf32> to vector<16xf32>
      %swap3A_548 = vector.shape_cast %get3A_534 : vector<16xf32> to vector<1x1x16xf32>
      tpu.vector_store %arg15[%swap3A_543, %swap3A_544, %swap3A_545], %swap3A_548 {add = true, strides = array<i32>} : memref<4x4x1024xf32, #tpu.memory_space<vmem>>, vector<1x1x16xf32>,
      %swap3A_549 = arith.constant 2 : i32
      %swap3A_550 = arith.index_cast %shift_right_arithmetic3A_487 : i32 to index
      %swap3A_551 = arith.index_cast %swap3A_549 : i32 to index
      %swap3A_552 = arith.index_cast %mul3A_530 : i32 to index
      %swap3A_553 = tpu.vector_load %arg15[%swap3A_550, %swap3A_551, %swap3A_552] {strides = array<i32>} : memref<4x4x1024xf32, #tpu.memory_space<vmem>>, vector<1x1x16xf32>,
      %swap3A_554 = vector.shape_cast %swap3A_553 : vector<1x1x16xf32> to vector<16xf32>
      %swap3A_555 = vector.shape_cast %get3A_534 : vector<16xf32> to vector<1x1x16xf32>
      tpu.vector_store %arg15[%swap3A_550, %swap3A_551, %swap3A_552], %swap3A_555 {add = true, strides = array<i32>} : memref<4x4x1024xf32, #tpu.memory_space<vmem>>, vector<1x1x16xf32>,
      %swap3A_556 = arith.constant 3 : i32
      %swap3A_557 = arith.index_cast %shift_right_arithmetic3A_487 : i32 to index
      %swap3A_558 = arith.index_cast %swap3A_556 : i32 to index
      %swap3A_559 = arith.index_cast %mul3A_530 : i32 to index
      %swap3A_560 = tpu.vector_load %arg15[%swap3A_557, %swap3A_558, %swap3A_559] {strides = array<i32>} : memref<4x4x1024xf32, #tpu.memory_space<vmem>>, vector<1x1x16xf32>,
      %swap3A_561 = vector.shape_cast %swap3A_560 : vector<1x1x16xf32> to vector<16xf32>
      %swap3A_562 = vector.shape_cast %get3A_534 : vector<16xf32> to vector<1x1x16xf32>
      tpu.vector_store %arg15[%swap3A_557, %swap3A_558, %swap3A_559], %swap3A_562 {add = true, strides = array<i32>} : memref<4x4x1024xf32, #tpu.memory_space<vmem>>, vector<1x1x16xf32>,
      %mul3A_563 = arith.constant 4 : i32
      %mul3A_564 = arith.muli %and3A_488, %mul3A_563 : i32
      %add3A_565 = arith.constant 2 : i32
      %add3A_566 = arith.addi %mul3A_564, %add3A_565 : i32
      %mul3A_567 = arith.constant 16 : i32
      %mul3A_568 = arith.muli %add3A_566, %mul3A_567 : i32
      %get3A_569 = arith.index_cast %shift_right_arithmetic3A_487 : i32 to index
      %get3A_570 = arith.index_cast %mul3A_568 : i32 to index
      %get3A_571 = tpu.vector_load %arg9[%get3A_569, %get3A_570] {strides = array<i32>} : memref<4x1024xf32, #tpu.memory_space<vmem>>, vector<1x16xf32>,
      %get3A_572 = vector.shape_cast %get3A_571 : vector<1x16xf32> to vector<16xf32>
      %swap3A_573 = arith.constant 0 : i32
      %swap3A_574 = arith.index_cast %shift_right_arithmetic3A_487 : i32 to index
      %swap3A_575 = arith.index_cast %swap3A_573 : i32 to index
      %swap3A_576 = arith.index_cast %mul3A_568 : i32 to index
      %swap3A_577 = tpu.vector_load %arg15[%swap3A_574, %swap3A_575, %swap3A_576] {strides = array<i32>} : memref<4x4x1024xf32, #tpu.memory_space<vmem>>, vector<1x1x16xf32>,
      %swap3A_578 = vector.shape_cast %swap3A_577 : vector<1x1x16xf32> to vector<16xf32>
      %swap3A_579 = vector.shape_cast %get3A_572 : vector<16xf32> to vector<1x1x16xf32>
      tpu.vector_store %arg15[%swap3A_574, %swap3A_575, %swap3A_576], %swap3A_579 {add = true, strides = array<i32>} : memref<4x4x1024xf32, #tpu.memory_space<vmem>>, vector<1x1x16xf32>,
      %swap3A_580 = arith.constant 1 : i32
      %swap3A_581 = arith.index_cast %shift_right_arithmetic3A_487 : i32 to index
      %swap3A_582 = arith.index_cast %swap3A_580 : i32 to index
      %swap3A_583 = arith.index_cast %mul3A_568 : i32 to index
      %swap3A_584 = tpu.vector_load %arg15[%swap3A_581, %swap3A_582, %swap3A_583] {strides = array<i32>} : memref<4x4x1024xf32, #tpu.memory_space<vmem>>, vector<1x1x16xf32>,
      %swap3A_585 = vector.shape_cast %swap3A_584 : vector<1x1x16xf32> to vector<16xf32>
      %swap3A_586 = vector.shape_cast %get3A_572 : vector<16xf32> to vector<1x1x16xf32>
      tpu.vector_store %arg15[%swap3A_581, %swap3A_582, %swap3A_583], %swap3A_586 {add = true, strides = array<i32>} : memref<4x4x1024xf32, #tpu.memory_space<vmem>>, vector<1x1x16xf32>,
      %swap3A_587 = arith.constant 2 : i32
      %swap3A_588 = arith.index_cast %shift_right_arithmetic3A_487 : i32 to index
      %swap3A_589 = arith.index_cast %swap3A_587 : i32 to index
      %swap3A_590 = arith.index_cast %mul3A_568 : i32 to index
      %swap3A_591 = tpu.vector_load %arg15[%swap3A_588, %swap3A_589, %swap3A_590] {strides = array<i32>} : memref<4x4x1024xf32, #tpu.memory_space<vmem>>, vector<1x1x16xf32>,
      %swap3A_592 = vector.shape_cast %swap3A_591 : vector<1x1x16xf32> to vector<16xf32>
      %swap3A_593 = vector.shape_cast %get3A_572 : vector<16xf32> to vector<1x1x16xf32>
      tpu.vector_store %arg15[%swap3A_588, %swap3A_589, %swap3A_590], %swap3A_593 {add = true, strides = array<i32>} : memref<4x4x1024xf32, #tpu.memory_space<vmem>>, vector<1x1x16xf32>,
      %swap3A_594 = arith.constant 3 : i32
      %swap3A_595 = arith.index_cast %shift_right_arithmetic3A_487 : i32 to index
      %swap3A_596 = arith.index_cast %swap3A_594 : i32 to index
      %swap3A_597 = arith.index_cast %mul3A_568 : i32 to index
      %swap3A_598 = tpu.vector_load %arg15[%swap3A_595, %swap3A_596, %swap3A_597] {strides = array<i32>} : memref<4x4x1024xf32, #tpu.memory_space<vmem>>, vector<1x1x16xf32>,
      %swap3A_599 = vector.shape_cast %swap3A_598 : vector<1x1x16xf32> to vector<16xf32>
      %swap3A_600 = vector.shape_cast %get3A_572 : vector<16xf32> to vector<1x1x16xf32>
      tpu.vector_store %arg15[%swap3A_595, %swap3A_596, %swap3A_597], %swap3A_600 {add = true, strides = array<i32>} : memref<4x4x1024xf32, #tpu.memory_space<vmem>>, vector<1x1x16xf32>,
      %mul3A_601 = arith.constant 4 : i32
      %mul3A_602 = arith.muli %and3A_488, %mul3A_601 : i32
      %add3A_603 = arith.constant 3 : i32
      %add3A_604 = arith.addi %mul3A_602, %add3A_603 : i32
      %mul3A_605 = arith.constant 16 : i32
      %mul3A_606 = arith.muli %add3A_604, %mul3A_605 : i32
      %get3A_607 = arith.index_cast %shift_right_arithmetic3A_487 : i32 to index
      %get3A_608 = arith.index_cast %mul3A_606 : i32 to index
      %get3A_609 = tpu.vector_load %arg9[%get3A_607, %get3A_608] {strides = array<i32>} : memref<4x1024xf32, #tpu.memory_space<vmem>>, vector<1x16xf32>,
      %get3A_610 = vector.shape_cast %get3A_609 : vector<1x16xf32> to vector<16xf32>
      %swap3A_611 = arith.constant 0 : i32
      %swap3A_612 = arith.index_cast %shift_right_arithmetic3A_487 : i32 to index
      %swap3A_613 = arith.index_cast %swap3A_611 : i32 to index
      %swap3A_614 = arith.index_cast %mul3A_606 : i32 to index
      %swap3A_615 = tpu.vector_load %arg15[%swap3A_612, %swap3A_613, %swap3A_614] {strides = array<i32>} : memref<4x4x1024xf32, #tpu.memory_space<vmem>>, vector<1x1x16xf32>,
      %swap3A_616 = vector.shape_cast %swap3A_615 : vector<1x1x16xf32> to vector<16xf32>
      %swap3A_617 = vector.shape_cast %get3A_610 : vector<16xf32> to vector<1x1x16xf32>
      tpu.vector_store %arg15[%swap3A_612, %swap3A_613, %swap3A_614], %swap3A_617 {add = true, strides = array<i32>} : memref<4x4x1024xf32, #tpu.memory_space<vmem>>, vector<1x1x16xf32>,
      %swap3A_618 = arith.constant 1 : i32
      %swap3A_619 = arith.index_cast %shift_right_arithmetic3A_487 : i32 to index
      %swap3A_620 = arith.index_cast %swap3A_618 : i32 to index
      %swap3A_621 = arith.index_cast %mul3A_606 : i32 to index
      %swap3A_622 = tpu.vector_load %arg15[%swap3A_619, %swap3A_620, %swap3A_621] {strides = array<i32>} : memref<4x4x1024xf32, #tpu.memory_space<vmem>>, vector<1x1x16xf32>,
      %swap3A_623 = vector.shape_cast %swap3A_622 : vector<1x1x16xf32> to vector<16xf32>
      %swap3A_624 = vector.shape_cast %get3A_610 : vector<16xf32> to vector<1x1x16xf32>
      tpu.vector_store %arg15[%swap3A_619, %swap3A_620, %swap3A_621], %swap3A_624 {add = true, strides = array<i32>} : memref<4x4x1024xf32, #tpu.memory_space<vmem>>, vector<1x1x16xf32>,
      %swap3A_625 = arith.constant 2 : i32
      %swap3A_626 = arith.index_cast %shift_right_arithmetic3A_487 : i32 to index
      %swap3A_627 = arith.index_cast %swap3A_625 : i32 to index
      %swap3A_628 = arith.index_cast %mul3A_606 : i32 to index
      %swap3A_629 = tpu.vector_load %arg15[%swap3A_626, %swap3A_627, %swap3A_628] {strides = array<i32>} : memref<4x4x1024xf32, #tpu.memory_space<vmem>>, vector<1x1x16xf32>,
      %swap3A_630 = vector.shape_cast %swap3A_629 : vector<1x1x16xf32> to vector<16xf32>
      %swap3A_631 = vector.shape_cast %get3A_610 : vector<16xf32> to vector<1x1x16xf32>
      tpu.vector_store %arg15[%swap3A_626, %swap3A_627, %swap3A_628], %swap3A_631 {add = true, strides = array<i32>} : memref<4x4x1024xf32, #tpu.memory_space<vmem>>, vector<1x1x16xf32>,
      %swap3A_632 = arith.constant 3 : i32
      %swap3A_633 = arith.index_cast %shift_right_arithmetic3A_487 : i32 to index
      %swap3A_634 = arith.index_cast %swap3A_632 : i32 to index
      %swap3A_635 = arith.index_cast %mul3A_606 : i32 to index
      %swap3A_636 = tpu.vector_load %arg15[%swap3A_633, %swap3A_634, %swap3A_635] {strides = array<i32>} : memref<4x4x1024xf32, #tpu.memory_space<vmem>>, vector<1x1x16xf32>,
      %swap3A_637 = vector.shape_cast %swap3A_636 : vector<1x1x16xf32> to vector<16xf32>
      %swap3A_638 = vector.shape_cast %get3A_610 : vector<16xf32> to vector<1x1x16xf32>
      tpu.vector_store %arg15[%swap3A_633, %swap3A_634, %swap3A_635], %swap3A_638 {add = true, strides = array<i32>} : memref<4x4x1024xf32, #tpu.memory_space<vmem>>, vector<1x1x16xf32>,
    }
    %scan3A_263 = arith.constant 64 : i32
    %add3A_264 = arith.constant 16 : i32
    %add3A_265 = arith.addi %mul3A_2, %add3A_264 : i32
    %dma_start3A_266 = arith.constant 0 : i32
    %dma_start3A_267 = arith.constant 0 : i32
    %dma_start3A_268 = tpu.memref_slice %arg4[%add3A_265, %dma_start3A_266, %dma_start3A_267] : memref<8192x4x1024xf32, #tpu.memory_space<hbm>> -> memref<4x4x1024xf32, #tpu.memory_space<hbm>>
    %dma_start3A_269 = arith.constant 0 : i32
    %dma_start3A_270 = arith.constant 0 : i32
    %dma_start3A_271 = tpu.memref_slice %arg4[%add3A_265, %dma_start3A_269, %dma_start3A_270] : memref<8192x4x1024xf32, #tpu.memory_space<hbm>> -> memref<4x4x1024xf32, #tpu.memory_space<hbm>>
    tpu.enqueue_dma source(%arg15 : memref<4x4x1024xf32, #tpu.memory_space<vmem>>) target(%dma_start3A_271 : memref<4x4x1024xf32, #tpu.memory_space<hbm>>) target_semaphore(%arg27 : memref<!tpu.dma_semaphore, #tpu.memory_space<semaphore_mem>>)
    %dma_wait3A_272 = arith.constant 0 : i32
    %dma_wait3A_273 = arith.constant 0 : i32
    %dma_wait3A_274 = arith.constant 0 : i32
    %dma_wait3A_275 = tpu.memref_slice %arg4[%dma_wait3A_272, %dma_wait3A_273, %dma_wait3A_274] : memref<8192x4x1024xf32, #tpu.memory_space<hbm>> -> memref<4x4x1024xf32, #tpu.memory_space<hbm>>
    %dma_wait3A_276 = arith.constant 0 : i32
    %dma_wait3A_277 = arith.constant 0 : i32
    %dma_wait3A_278 = arith.constant 0 : i32
    %dma_wait3A_279 = tpu.memref_slice %arg4[%dma_wait3A_276, %dma_wait3A_277, %dma_wait3A_278] : memref<8192x4x1024xf32, #tpu.memory_space<hbm>> -> memref<4x4x1024xf32, #tpu.memory_space<hbm>>
    tpu.wait_dma2 semaphore(%arg26 : memref<!tpu.dma_semaphore, #tpu.memory_space<semaphore_mem>>) src(%arg14 : memref<4x4x1024xf32, #tpu.memory_space<vmem>>) dst(%dma_wait3A_279 : memref<4x4x1024xf32, #tpu.memory_space<hbm>>)
    %add3A_280 = arith.constant 36 : i32
    %add3A_281 = arith.addi %mul3A_2, %add3A_280 : i32
    %dma_start3A_282 = arith.constant 0 : i32
    %dma_start3A_283 = tpu.memref_slice %arg3[%add3A_281, %dma_start3A_282] : memref<8192x1024xf32, #tpu.memory_space<hbm>> -> memref<4x1024xf32, #tpu.memory_space<hbm>>
    %dma_start3A_284 = arith.constant 0 : i32
    %dma_start3A_285 = tpu.memref_slice %arg3[%add3A_281, %dma_start3A_284] : memref<8192x1024xf32, #tpu.memory_space<hbm>> -> memref<4x1024xf32, #tpu.memory_space<hbm>>
    tpu.enqueue_dma source(%dma_start3A_285 : memref<4x1024xf32, #tpu.memory_space<hbm>>) target(%arg8 : memref<4x1024xf32, #tpu.memory_space<vmem>>) target_semaphore(%arg20 : memref<!tpu.dma_semaphore, #tpu.memory_space<semaphore_mem>>)
    %dma_start3A_286 = arith.constant 0 : i32
    %dma_start3A_287 = arith.constant 0 : i32
    %dma_start3A_288 = tpu.memref_slice %arg2[%add3A_281, %dma_start3A_286, %dma_start3A_287] : memref<8192x4x1024xf32, #tpu.memory_space<hbm>> -> memref<4x4x1024xf32, #tpu.memory_space<hbm>>
    %dma_start3A_289 = arith.constant 0 : i32
    %dma_start3A_290 = arith.constant 0 : i32
    %dma_start3A_291 = tpu.memref_slice %arg2[%add3A_281, %dma_start3A_289, %dma_start3A_290] : memref<8192x4x1024xf32, #tpu.memory_space<hbm>> -> memref<4x4x1024xf32, #tpu.memory_space<hbm>>
    tpu.enqueue_dma source(%dma_start3A_291 : memref<4x4x1024xf32, #tpu.memory_space<hbm>>) target(%arg14 : memref<4x4x1024xf32, #tpu.memory_space<vmem>>) target_semaphore(%arg20 : memref<!tpu.dma_semaphore, #tpu.memory_space<semaphore_mem>>)
    %scan3A_292 = arith.constant 0 : i32
    %scan3A_293 = arith.constant 0 : i32
    %scan3A_294 = arith.constant 9 : i32
    %scan3A_295 = arith.addi %scan3A_293, %scan3A_294 : i32
    %scan3A_296 = arith.constant 1 : i32
    scf.for %scan3A_486 = %scan3A_293 to %scan3A_295 step %scan3A_296  : i32 {
      %mul3A_487 = arith.constant 6 : i32
      %mul3A_488 = arith.muli %scan3A_486, %mul3A_487 : i32
      %add3A_489 = arith.constant 5 : i32
      %add3A_490 = arith.addi %add3A_489, %mul3A_488 : i32
      %add3A_491 = arith.constant 0 : i32
      %add3A_492 = arith.addi %add3A_490, %add3A_491 : i32
      %dma_wait3A_493 = arith.constant 0 : i32
      %dma_wait3A_494 = arith.constant 0 : i32
      %dma_wait3A_495 = tpu.memref_slice %arg3[%dma_wait3A_493, %dma_wait3A_494] : memref<8192x1024xf32, #tpu.memory_space<hbm>> -> memref<4x1024xf32, #tpu.memory_space<hbm>>
      %dma_wait3A_496 = arith.constant 0 : i32
      %dma_wait3A_497 = arith.constant 0 : i32
      %dma_wait3A_498 = tpu.memref_slice %arg3[%dma_wait3A_496, %dma_wait3A_497] : memref<8192x1024xf32, #tpu.memory_space<hbm>> -> memref<4x1024xf32, #tpu.memory_space<hbm>>
      tpu.wait_dma2 semaphore(%arg22 : memref<!tpu.dma_semaphore, #tpu.memory_space<semaphore_mem>>) src(%dma_wait3A_498 : memref<4x1024xf32, #tpu.memory_space<hbm>>) dst(%arg10 : memref<4x1024xf32, #tpu.memory_space<vmem>>)
      %dma_wait3A_499 = arith.constant 0 : i32
      %dma_wait3A_500 = arith.constant 0 : i32
      %dma_wait3A_501 = arith.constant 0 : i32
      %dma_wait3A_502 = tpu.memref_slice %arg2[%dma_wait3A_499, %dma_wait3A_500, %dma_wait3A_501] : memref<8192x4x1024xf32, #tpu.memory_space<hbm>> -> memref<4x4x1024xf32, #tpu.memory_space<hbm>>
      %dma_wait3A_503 = arith.constant 0 : i32
      %dma_wait3A_504 = arith.constant 0 : i32
      %dma_wait3A_505 = arith.constant 0 : i32
      %dma_wait3A_506 = tpu.memref_slice %arg2[%dma_wait3A_503, %dma_wait3A_504, %dma_wait3A_505] : memref<8192x4x1024xf32, #tpu.memory_space<hbm>> -> memref<4x4x1024xf32, #tpu.memory_space<hbm>>
      tpu.wait_dma2 semaphore(%arg22 : memref<!tpu.dma_semaphore, #tpu.memory_space<semaphore_mem>>) src(%dma_wait3A_506 : memref<4x4x1024xf32, #tpu.memory_space<hbm>>) dst(%arg16 : memref<4x4x1024xf32, #tpu.memory_space<vmem>>)
      %scan3A_507 = arith.constant 0 : i32
      %scan3A_508 = arith.constant 0 : i32
      %scan3A_509 = arith.constant 64 : i32
      %scan3A_510 = arith.addi %scan3A_508, %scan3A_509 : i32
      %scan3A_511 = arith.constant 1 : i32
      scf.for %scan3A_835 = %scan3A_508 to %scan3A_510 step %scan3A_511  : i32 {
        %shift_right_arithmetic3A = arith.constant 4 : i32
        %shift_right_arithmetic3A_836 = arith.shrsi %scan3A_835, %shift_right_arithmetic3A : i32
        %and3A = arith.constant 15 : i32
        %and3A_837 = arith.andi %scan3A_835, %and3A : i32
        %mul3A_838 = arith.constant 4 : i32
        %mul3A_839 = arith.muli %and3A_837, %mul3A_838 : i32
        %add3A_840 = arith.constant 0 : i32
        %add3A_841 = arith.addi %mul3A_839, %add3A_840 : i32
        %mul3A_842 = arith.constant 16 : i32
        %mul3A_843 = arith.muli %add3A_841, %mul3A_842 : i32
        %get3A = arith.index_cast %shift_right_arithmetic3A_836 : i32 to index
        %get3A_844 = arith.index_cast %mul3A_843 : i32 to index
        %get3A_845 = tpu.vector_load %arg10[%get3A, %get3A_844] {strides = array<i32>} : memref<4x1024xf32, #tpu.memory_space<vmem>>, vector<1x16xf32>,
        %get3A_846 = vector.shape_cast %get3A_845 : vector<1x16xf32> to vector<16xf32>
        %swap3A = arith.constant 0 : i32
        %swap3A_847 = arith.index_cast %shift_right_arithmetic3A_836 : i32 to index
        %swap3A_848 = arith.index_cast %swap3A : i32 to index
        %swap3A_849 = arith.index_cast %mul3A_843 : i32 to index
        %swap3A_850 = tpu.vector_load %arg16[%swap3A_847, %swap3A_848, %swap3A_849] {strides = array<i32>} : memref<4x4x1024xf32, #tpu.memory_space<vmem>>, vector<1x1x16xf32>,
        %swap3A_851 = vector.shape_cast %swap3A_850 : vector<1x1x16xf32> to vector<16xf32>
        %swap3A_852 = vector.shape_cast %get3A_846 : vector<16xf32> to vector<1x1x16xf32>
        tpu.vector_store %arg16[%swap3A_847, %swap3A_848, %swap3A_849], %swap3A_852 {add = true, strides = array<i32>} : memref<4x4x1024xf32, #tpu.memory_space<vmem>>, vector<1x1x16xf32>,
        %swap3A_853 = arith.constant 1 : i32
        %swap3A_854 = arith.index_cast %shift_right_arithmetic3A_836 : i32 to index
        %swap3A_855 = arith.index_cast %swap3A_853 : i32 to index
        %swap3A_856 = arith.index_cast %mul3A_843 : i32 to index
        %swap3A_857 = tpu.vector_load %arg16[%swap3A_854, %swap3A_855, %swap3A_856] {strides = array<i32>} : memref<4x4x1024xf32, #tpu.memory_space<vmem>>, vector<1x1x16xf32>,
        %swap3A_858 = vector.shape_cast %swap3A_857 : vector<1x1x16xf32> to vector<16xf32>
        %swap3A_859 = vector.shape_cast %get3A_846 : vector<16xf32> to vector<1x1x16xf32>
        tpu.vector_store %arg16[%swap3A_854, %swap3A_855, %swap3A_856], %swap3A_859 {add = true, strides = array<i32>} : memref<4x4x1024xf32, #tpu.memory_space<vmem>>, vector<1x1x16xf32>,
        %swap3A_860 = arith.constant 2 : i32
        %swap3A_861 = arith.index_cast %shift_right_arithmetic3A_836 : i32 to index
        %swap3A_862 = arith.index_cast %swap3A_860 : i32 to index
        %swap3A_863 = arith.index_cast %mul3A_843 : i32 to index
        %swap3A_864 = tpu.vector_load %arg16[%swap3A_861, %swap3A_862, %swap3A_863] {strides = array<i32>} : memref<4x4x1024xf32, #tpu.memory_space<vmem>>, vector<1x1x16xf32>,
        %swap3A_865 = vector.shape_cast %swap3A_864 : vector<1x1x16xf32> to vector<16xf32>
        %swap3A_866 = vector.shape_cast %get3A_846 : vector<16xf32> to vector<1x1x16xf32>
        tpu.vector_store %arg16[%swap3A_861, %swap3A_862, %swap3A_863], %swap3A_866 {add = true, strides = array<i32>} : memref<4x4x1024xf32, #tpu.memory_space<vmem>>, vector<1x1x16xf32>,
        %swap3A_867 = arith.constant 3 : i32
        %swap3A_868 = arith.index_cast %shift_right_arithmetic3A_836 : i32 to index
        %swap3A_869 = arith.index_cast %swap3A_867 : i32 to index
        %swap3A_870 = arith.index_cast %mul3A_843 : i32 to index
        %swap3A_871 = tpu.vector_load %arg16[%swap3A_868, %swap3A_869, %swap3A_870] {strides = array<i32>} : memref<4x4x1024xf32, #tpu.memory_space<vmem>>, vector<1x1x16xf32>,
        %swap3A_872 = vector.shape_cast %swap3A_871 : vector<1x1x16xf32> to vector<16xf32>
        %swap3A_873 = vector.shape_cast %get3A_846 : vector<16xf32> to vector<1x1x16xf32>
        tpu.vector_store %arg16[%swap3A_868, %swap3A_869, %swap3A_870], %swap3A_873 {add = true, strides = array<i32>} : memref<4x4x1024xf32, #tpu.memory_space<vmem>>, vector<1x1x16xf32>,
        %mul3A_874 = arith.constant 4 : i32
        %mul3A_875 = arith.muli %and3A_837, %mul3A_874 : i32
        %add3A_876 = arith.constant 1 : i32
        %add3A_877 = arith.addi %mul3A_875, %add3A_876 : i32
        %mul3A_878 = arith.constant 16 : i32
        %mul3A_879 = arith.muli %add3A_877, %mul3A_878 : i32
        %get3A_880 = arith.index_cast %shift_right_arithmetic3A_836 : i32 to index
        %get3A_881 = arith.index_cast %mul3A_879 : i32 to index
        %get3A_882 = tpu.vector_load %arg10[%get3A_880, %get3A_881] {strides = array<i32>} : memref<4x1024xf32, #tpu.memory_space<vmem>>, vector<1x16xf32>,
        %get3A_883 = vector.shape_cast %get3A_882 : vector<1x16xf32> to vector<16xf32>
        %swap3A_884 = arith.constant 0 : i32
        %swap3A_885 = arith.index_cast %shift_right_arithmetic3A_836 : i32 to index
        %swap3A_886 = arith.index_cast %swap3A_884 : i32 to index
        %swap3A_887 = arith.index_cast %mul3A_879 : i32 to index
        %swap3A_888 = tpu.vector_load %arg16[%swap3A_885, %swap3A_886, %swap3A_887] {strides = array<i32>} : memref<4x4x1024xf32, #tpu.memory_space<vmem>>, vector<1x1x16xf32>,
        %swap3A_889 = vector.shape_cast %swap3A_888 : vector<1x1x16xf32> to vector<16xf32>
        %swap3A_890 = vector.shape_cast %get3A_883 : vector<16xf32> to vector<1x1x16xf32>
        tpu.vector_store %arg16[%swap3A_885, %swap3A_886, %swap3A_887], %swap3A_890 {add = true, strides = array<i32>} : memref<4x4x1024xf32, #tpu.memory_space<vmem>>, vector<1x1x16xf32>,
        %swap3A_891 = arith.constant 1 : i32
        %swap3A_892 = arith.index_cast %shift_right_arithmetic3A_836 : i32 to index
        %swap3A_893 = arith.index_cast %swap3A_891 : i32 to index
        %swap3A_894 = arith.index_cast %mul3A_879 : i32 to index
        %swap3A_895 = tpu.vector_load %arg16[%swap3A_892, %swap3A_893, %swap3A_894] {strides = array<i32>} : memref<4x4x1024xf32, #tpu.memory_space<vmem>>, vector<1x1x16xf32>,
        %swap3A_896 = vector.shape_cast %swap3A_895 : vector<1x1x16xf32> to vector<16xf32>
        %swap3A_897 = vector.shape_cast %get3A_883 : vector<16xf32> to vector<1x1x16xf32>
        tpu.vector_store %arg16[%swap3A_892, %swap3A_893, %swap3A_894], %swap3A_897 {add = true, strides = array<i32>} : memref<4x4x1024xf32, #tpu.memory_space<vmem>>, vector<1x1x16xf32>,
        %swap3A_898 = arith.constant 2 : i32
        %swap3A_899 = arith.index_cast %shift_right_arithmetic3A_836 : i32 to index
        %swap3A_900 = arith.index_cast %swap3A_898 : i32 to index
        %swap3A_901 = arith.index_cast %mul3A_879 : i32 to index
        %swap3A_902 = tpu.vector_load %arg16[%swap3A_899, %swap3A_900, %swap3A_901] {strides = array<i32>} : memref<4x4x1024xf32, #tpu.memory_space<vmem>>, vector<1x1x16xf32>,
        %swap3A_903 = vector.shape_cast %swap3A_902 : vector<1x1x16xf32> to vector<16xf32>
        %swap3A_904 = vector.shape_cast %get3A_883 : vector<16xf32> to vector<1x1x16xf32>
        tpu.vector_store %arg16[%swap3A_899, %swap3A_900, %swap3A_901], %swap3A_904 {add = true, strides = array<i32>} : memref<4x4x1024xf32, #tpu.memory_space<vmem>>, vector<1x1x16xf32>,
        %swap3A_905 = arith.constant 3 : i32
        %swap3A_906 = arith.index_cast %shift_right_arithmetic3A_836 : i32 to index
        %swap3A_907 = arith.index_cast %swap3A_905 : i32 to index
        %swap3A_908 = arith.index_cast %mul3A_879 : i32 to index
        %swap3A_909 = tpu.vector_load %arg16[%swap3A_906, %swap3A_907, %swap3A_908] {strides = array<i32>} : memref<4x4x1024xf32, #tpu.memory_space<vmem>>, vector<1x1x16xf32>,
        %swap3A_910 = vector.shape_cast %swap3A_909 : vector<1x1x16xf32> to vector<16xf32>
        %swap3A_911 = vector.shape_cast %get3A_883 : vector<16xf32> to vector<1x1x16xf32>
        tpu.vector_store %arg16[%swap3A_906, %swap3A_907, %swap3A_908], %swap3A_911 {add = true, strides = array<i32>} : memref<4x4x1024xf32, #tpu.memory_space<vmem>>, vector<1x1x16xf32>,
        %mul3A_912 = arith.constant 4 : i32
        %mul3A_913 = arith.muli %and3A_837, %mul3A_912 : i32
        %add3A_914 = arith.constant 2 : i32
        %add3A_915 = arith.addi %mul3A_913, %add3A_914 : i32
        %mul3A_916 = arith.constant 16 : i32
        %mul3A_917 = arith.muli %add3A_915, %mul3A_916 : i32
        %get3A_918 = arith.index_cast %shift_right_arithmetic3A_836 : i32 to index
        %get3A_919 = arith.index_cast %mul3A_917 : i32 to index
        %get3A_920 = tpu.vector_load %arg10[%get3A_918, %get3A_919] {strides = array<i32>} : memref<4x1024xf32, #tpu.memory_space<vmem>>, vector<1x16xf32>,
        %get3A_921 = vector.shape_cast %get3A_920 : vector<1x16xf32> to vector<16xf32>
        %swap3A_922 = arith.constant 0 : i32
        %swap3A_923 = arith.index_cast %shift_right_arithmetic3A_836 : i32 to index
        %swap3A_924 = arith.index_cast %swap3A_922 : i32 to index
        %swap3A_925 = arith.index_cast %mul3A_917 : i32 to index
        %swap3A_926 = tpu.vector_load %arg16[%swap3A_923, %swap3A_924, %swap3A_925] {strides = array<i32>} : memref<4x4x1024xf32, #tpu.memory_space<vmem>>, vector<1x1x16xf32>,
        %swap3A_927 = vector.shape_cast %swap3A_926 : vector<1x1x16xf32> to vector<16xf32>
        %swap3A_928 = vector.shape_cast %get3A_921 : vector<16xf32> to vector<1x1x16xf32>
        tpu.vector_store %arg16[%swap3A_923, %swap3A_924, %swap3A_925], %swap3A_928 {add = true, strides = array<i32>} : memref<4x4x1024xf32, #tpu.memory_space<vmem>>, vector<1x1x16xf32>,
        %swap3A_929 = arith.constant 1 : i32
        %swap3A_930 = arith.index_cast %shift_right_arithmetic3A_836 : i32 to index
        %swap3A_931 = arith.index_cast %swap3A_929 : i32 to index
        %swap3A_932 = arith.index_cast %mul3A_917 : i32 to index
        %swap3A_933 = tpu.vector_load %arg16[%swap3A_930, %swap3A_931, %swap3A_932] {strides = array<i32>} : memref<4x4x1024xf32, #tpu.memory_space<vmem>>, vector<1x1x16xf32>,
        %swap3A_934 = vector.shape_cast %swap3A_933 : vector<1x1x16xf32> to vector<16xf32>
        %swap3A_935 = vector.shape_cast %get3A_921 : vector<16xf32> to vector<1x1x16xf32>
        tpu.vector_store %arg16[%swap3A_930, %swap3A_931, %swap3A_932], %swap3A_935 {add = true, strides = array<i32>} : memref<4x4x1024xf32, #tpu.memory_space<vmem>>, vector<1x1x16xf32>,
        %swap3A_936 = arith.constant 2 : i32
        %swap3A_937 = arith.index_cast %shift_right_arithmetic3A_836 : i32 to index
        %swap3A_938 = arith.index_cast %swap3A_936 : i32 to index
        %swap3A_939 = arith.index_cast %mul3A_917 : i32 to index
        %swap3A_940 = tpu.vector_load %arg16[%swap3A_937, %swap3A_938, %swap3A_939] {strides = array<i32>} : memref<4x4x1024xf32, #tpu.memory_space<vmem>>, vector<1x1x16xf32>,
        %swap3A_941 = vector.shape_cast %swap3A_940 : vector<1x1x16xf32> to vector<16xf32>
        %swap3A_942 = vector.shape_cast %get3A_921 : vector<16xf32> to vector<1x1x16xf32>
        tpu.vector_store %arg16[%swap3A_937, %swap3A_938, %swap3A_939], %swap3A_942 {add = true, strides = array<i32>} : memref<4x4x1024xf32, #tpu.memory_space<vmem>>, vector<1x1x16xf32>,
        %swap3A_943 = arith.constant 3 : i32
        %swap3A_944 = arith.index_cast %shift_right_arithmetic3A_836 : i32 to index
        %swap3A_945 = arith.index_cast %swap3A_943 : i32 to index
        %swap3A_946 = arith.index_cast %mul3A_917 : i32 to index
        %swap3A_947 = tpu.vector_load %arg16[%swap3A_944, %swap3A_945, %swap3A_946] {strides = array<i32>} : memref<4x4x1024xf32, #tpu.memory_space<vmem>>, vector<1x1x16xf32>,
        %swap3A_948 = vector.shape_cast %swap3A_947 : vector<1x1x16xf32> to vector<16xf32>
        %swap3A_949 = vector.shape_cast %get3A_921 : vector<16xf32> to vector<1x1x16xf32>
        tpu.vector_store %arg16[%swap3A_944, %swap3A_945, %swap3A_946], %swap3A_949 {add = true, strides = array<i32>} : memref<4x4x1024xf32, #tpu.memory_space<vmem>>, vector<1x1x16xf32>,
        %mul3A_950 = arith.constant 4 : i32
        %mul3A_951 = arith.muli %and3A_837, %mul3A_950 : i32
        %add3A_952 = arith.constant 3 : i32
        %add3A_953 = arith.addi %mul3A_951, %add3A_952 : i32
        %mul3A_954 = arith.constant 16 : i32
        %mul3A_955 = arith.muli %add3A_953, %mul3A_954 : i32
        %get3A_956 = arith.index_cast %shift_right_arithmetic3A_836 : i32 to index
        %get3A_957 = arith.index_cast %mul3A_955 : i32 to index
        %get3A_958 = tpu.vector_load %arg10[%get3A_956, %get3A_957] {strides = array<i32>} : memref<4x1024xf32, #tpu.memory_space<vmem>>, vector<1x16xf32>,
        %get3A_959 = vector.shape_cast %get3A_958 : vector<1x16xf32> to vector<16xf32>
        %swap3A_960 = arith.constant 0 : i32
        %swap3A_961 = arith.index_cast %shift_right_arithmetic3A_836 : i32 to index
        %swap3A_962 = arith.index_cast %swap3A_960 : i32 to index
        %swap3A_963 = arith.index_cast %mul3A_955 : i32 to index
        %swap3A_964 = tpu.vector_load %arg16[%swap3A_961, %swap3A_962, %swap3A_963] {strides = array<i32>} : memref<4x4x1024xf32, #tpu.memory_space<vmem>>, vector<1x1x16xf32>,
        %swap3A_965 = vector.shape_cast %swap3A_964 : vector<1x1x16xf32> to vector<16xf32>
        %swap3A_966 = vector.shape_cast %get3A_959 : vector<16xf32> to vector<1x1x16xf32>
        tpu.vector_store %arg16[%swap3A_961, %swap3A_962, %swap3A_963], %swap3A_966 {add = true, strides = array<i32>} : memref<4x4x1024xf32, #tpu.memory_space<vmem>>, vector<1x1x16xf32>,
        %swap3A_967 = arith.constant 1 : i32
        %swap3A_968 = arith.index_cast %shift_right_arithmetic3A_836 : i32 to index
        %swap3A_969 = arith.index_cast %swap3A_967 : i32 to index
        %swap3A_970 = arith.index_cast %mul3A_955 : i32 to index
        %swap3A_971 = tpu.vector_load %arg16[%swap3A_968, %swap3A_969, %swap3A_970] {strides = array<i32>} : memref<4x4x1024xf32, #tpu.memory_space<vmem>>, vector<1x1x16xf32>,
        %swap3A_972 = vector.shape_cast %swap3A_971 : vector<1x1x16xf32> to vector<16xf32>
        %swap3A_973 = vector.shape_cast %get3A_959 : vector<16xf32> to vector<1x1x16xf32>
        tpu.vector_store %arg16[%swap3A_968, %swap3A_969, %swap3A_970], %swap3A_973 {add = true, strides = array<i32>} : memref<4x4x1024xf32, #tpu.memory_space<vmem>>, vector<1x1x16xf32>,
        %swap3A_974 = arith.constant 2 : i32
        %swap3A_975 = arith.index_cast %shift_right_arithmetic3A_836 : i32 to index
        %swap3A_976 = arith.index_cast %swap3A_974 : i32 to index
        %swap3A_977 = arith.index_cast %mul3A_955 : i32 to index
        %swap3A_978 = tpu.vector_load %arg16[%swap3A_975, %swap3A_976, %swap3A_977] {strides = array<i32>} : memref<4x4x1024xf32, #tpu.memory_space<vmem>>, vector<1x1x16xf32>,
        %swap3A_979 = vector.shape_cast %swap3A_978 : vector<1x1x16xf32> to vector<16xf32>
        %swap3A_980 = vector.shape_cast %get3A_959 : vector<16xf32> to vector<1x1x16xf32>
        tpu.vector_store %arg16[%swap3A_975, %swap3A_976, %swap3A_977], %swap3A_980 {add = true, strides = array<i32>} : memref<4x4x1024xf32, #tpu.memory_space<vmem>>, vector<1x1x16xf32>,
        %swap3A_981 = arith.constant 3 : i32
        %swap3A_982 = arith.index_cast %shift_right_arithmetic3A_836 : i32 to index
        %swap3A_983 = arith.index_cast %swap3A_981 : i32 to index
        %swap3A_984 = arith.index_cast %mul3A_955 : i32 to index
        %swap3A_985 = tpu.vector_load %arg16[%swap3A_982, %swap3A_983, %swap3A_984] {strides = array<i32>} : memref<4x4x1024xf32, #tpu.memory_space<vmem>>, vector<1x1x16xf32>,
        %swap3A_986 = vector.shape_cast %swap3A_985 : vector<1x1x16xf32> to vector<16xf32>
        %swap3A_987 = vector.shape_cast %get3A_959 : vector<16xf32> to vector<1x1x16xf32>
        tpu.vector_store %arg16[%swap3A_982, %swap3A_983, %swap3A_984], %swap3A_987 {add = true, strides = array<i32>} : memref<4x4x1024xf32, #tpu.memory_space<vmem>>, vector<1x1x16xf32>,
      }
      %scan3A_512 = arith.constant 64 : i32
      %mul3A_513 = arith.constant 4 : i32
      %mul3A_514 = arith.muli %add3A_492, %mul3A_513 : i32
      %add3A_515 = arith.addi %mul3A_2, %mul3A_514 : i32
      %dma_start3A_516 = arith.constant 0 : i32
      %dma_start3A_517 = arith.constant 0 : i32
      %dma_start3A_518 = tpu.memref_slice %arg4[%add3A_515, %dma_start3A_516, %dma_start3A_517] : memref<8192x4x1024xf32, #tpu.memory_space<hbm>> -> memref<4x4x1024xf32, #tpu.memory_space<hbm>>
      %dma_start3A_519 = arith.constant 0 : i32
      %dma_start3A_520 = arith.constant 0 : i32
      %dma_start3A_521 = tpu.memref_slice %arg4[%add3A_515, %dma_start3A_519, %dma_start3A_520] : memref<8192x4x1024xf32, #tpu.memory_space<hbm>> -> memref<4x4x1024xf32, #tpu.memory_space<hbm>>
      tpu.enqueue_dma source(%arg16 : memref<4x4x1024xf32, #tpu.memory_space<vmem>>) target(%dma_start3A_521 : memref<4x4x1024xf32, #tpu.memory_space<hbm>>) target_semaphore(%arg28 : memref<!tpu.dma_semaphore, #tpu.memory_space<semaphore_mem>>)
      %dma_wait3A_522 = arith.constant 0 : i32
      %dma_wait3A_523 = arith.constant 0 : i32
      %dma_wait3A_524 = arith.constant 0 : i32
      %dma_wait3A_525 = tpu.memref_slice %arg4[%dma_wait3A_522, %dma_wait3A_523, %dma_wait3A_524] : memref<8192x4x1024xf32, #tpu.memory_space<hbm>> -> memref<4x4x1024xf32, #tpu.memory_space<hbm>>
      %dma_wait3A_526 = arith.constant 0 : i32
      %dma_wait3A_527 = arith.constant 0 : i32
      %dma_wait3A_528 = arith.constant 0 : i32
      %dma_wait3A_529 = tpu.memref_slice %arg4[%dma_wait3A_526, %dma_wait3A_527, %dma_wait3A_528] : memref<8192x4x1024xf32, #tpu.memory_space<hbm>> -> memref<4x4x1024xf32, #tpu.memory_space<hbm>>
      tpu.wait_dma2 semaphore(%arg27 : memref<!tpu.dma_semaphore, #tpu.memory_space<semaphore_mem>>) src(%arg15 : memref<4x4x1024xf32, #tpu.memory_space<vmem>>) dst(%dma_wait3A_529 : memref<4x4x1024xf32, #tpu.memory_space<hbm>>)
      %add3A_530 = arith.constant 5 : i32
      %add3A_531 = arith.addi %add3A_492, %add3A_530 : i32
      %mul3A_532 = arith.constant 4 : i32
      %mul3A_533 = arith.muli %add3A_531, %mul3A_532 : i32
      %add3A_534 = arith.addi %mul3A_2, %mul3A_533 : i32
      %dma_start3A_535 = arith.constant 0 : i32
      %dma_start3A_536 = tpu.memref_slice %arg3[%add3A_534, %dma_start3A_535] : memref<8192x1024xf32, #tpu.memory_space<hbm>> -> memref<4x1024xf32, #tpu.memory_space<hbm>>
      %dma_start3A_537 = arith.constant 0 : i32
      %dma_start3A_538 = tpu.memref_slice %arg3[%add3A_534, %dma_start3A_537] : memref<8192x1024xf32, #tpu.memory_space<hbm>> -> memref<4x1024xf32, #tpu.memory_space<hbm>>
      tpu.enqueue_dma source(%dma_start3A_538 : memref<4x1024xf32, #tpu.memory_space<hbm>>) target(%arg9 : memref<4x1024xf32, #tpu.memory_space<vmem>>) target_semaphore(%arg21 : memref<!tpu.dma_semaphore, #tpu.memory_space<semaphore_mem>>)
      %dma_start3A_539 = arith.constant 0 : i32
      %dma_start3A_540 = arith.constant 0 : i32
      %dma_start3A_541 = tpu.memref_slice %arg2[%add3A_534, %dma_start3A_539, %dma_start3A_540] : memref<8192x4x1024xf32, #tpu.memory_space<hbm>> -> memref<4x4x1024xf32, #tpu.memory_space<hbm>>
      %dma_start3A_542 = arith.constant 0 : i32
      %dma_start3A_543 = arith.constant 0 : i32
      %dma_start3A_544 = tpu.memref_slice %arg2[%add3A_534, %dma_start3A_542, %dma_start3A_543] : memref<8192x4x1024xf32, #tpu.memory_space<hbm>> -> memref<4x4x1024xf32, #tpu.memory_space<hbm>>
      tpu.enqueue_dma source(%dma_start3A_544 : memref<4x4x1024xf32, #tpu.memory_space<hbm>>) target(%arg15 : memref<4x4x1024xf32, #tpu.memory_space<vmem>>) target_semaphore(%arg21 : memref<!tpu.dma_semaphore, #tpu.memory_space<semaphore_mem>>)
      %mul3A_545 = arith.constant 6 : i32
      %mul3A_546 = arith.muli %scan3A_486, %mul3A_545 : i32
      %add3A_547 = arith.constant 5 : i32
      %add3A_548 = arith.addi %add3A_547, %mul3A_546 : i32
      %add3A_549 = arith.constant 1 : i32
      %add3A_550 = arith.addi %add3A_548, %add3A_549 : i32
      %dma_wait3A_551 = arith.constant 0 : i32
      %dma_wait3A_552 = arith.constant 0 : i32
      %dma_wait3A_553 = tpu.memref_slice %arg3[%dma_wait3A_551, %dma_wait3A_552] : memref<8192x1024xf32, #tpu.memory_space<hbm>> -> memref<4x1024xf32, #tpu.memory_space<hbm>>
      %dma_wait3A_554 = arith.constant 0 : i32
      %dma_wait3A_555 = arith.constant 0 : i32
      %dma_wait3A_556 = tpu.memref_slice %arg3[%dma_wait3A_554, %dma_wait3A_555] : memref<8192x1024xf32, #tpu.memory_space<hbm>> -> memref<4x1024xf32, #tpu.memory_space<hbm>>
      tpu.wait_dma2 semaphore(%arg17 : memref<!tpu.dma_semaphore, #tpu.memory_space<semaphore_mem>>) src(%dma_wait3A_556 : memref<4x1024xf32, #tpu.memory_space<hbm>>) dst(%arg5 : memref<4x1024xf32, #tpu.memory_space<vmem>>)
      %dma_wait3A_557 = arith.constant 0 : i32
      %dma_wait3A_558 = arith.constant 0 : i32
      %dma_wait3A_559 = arith.constant 0 : i32
      %dma_wait3A_560 = tpu.memref_slice %arg2[%dma_wait3A_557, %dma_wait3A_558, %dma_wait3A_559] : memref<8192x4x1024xf32, #tpu.memory_space<hbm>> -> memref<4x4x1024xf32, #tpu.memory_space<hbm>>
      %dma_wait3A_561 = arith.constant 0 : i32
      %dma_wait3A_562 = arith.constant 0 : i32
      %dma_wait3A_563 = arith.constant 0 : i32
      %dma_wait3A_564 = tpu.memref_slice %arg2[%dma_wait3A_561, %dma_wait3A_562, %dma_wait3A_563] : memref<8192x4x1024xf32, #tpu.memory_space<hbm>> -> memref<4x4x1024xf32, #tpu.memory_space<hbm>>
      tpu.wait_dma2 semaphore(%arg17 : memref<!tpu.dma_semaphore, #tpu.memory_space<semaphore_mem>>) src(%dma_wait3A_564 : memref<4x4x1024xf32, #tpu.memory_space<hbm>>) dst(%arg11 : memref<4x4x1024xf32, #tpu.memory_space<vmem>>)
      %scan3A_565 = arith.constant 0 : i32
      %scan3A_566 = arith.constant 0 : i32
      %scan3A_567 = arith.constant 64 : i32
      %scan3A_568 = arith.addi %scan3A_566, %scan3A_567 : i32
      %scan3A_569 = arith.constant 1 : i32
      scf.for %scan3A_835 = %scan3A_566 to %scan3A_568 step %scan3A_569  : i32 {
        %shift_right_arithmetic3A = arith.constant 4 : i32
        %shift_right_arithmetic3A_836 = arith.shrsi %scan3A_835, %shift_right_arithmetic3A : i32
        %and3A = arith.constant 15 : i32
        %and3A_837 = arith.andi %scan3A_835, %and3A : i32
        %mul3A_838 = arith.constant 4 : i32
        %mul3A_839 = arith.muli %and3A_837, %mul3A_838 : i32
        %add3A_840 = arith.constant 0 : i32
        %add3A_841 = arith.addi %mul3A_839, %add3A_840 : i32
        %mul3A_842 = arith.constant 16 : i32
        %mul3A_843 = arith.muli %add3A_841, %mul3A_842 : i32
        %get3A = arith.index_cast %shift_right_arithmetic3A_836 : i32 to index
        %get3A_844 = arith.index_cast %mul3A_843 : i32 to index
        %get3A_845 = tpu.vector_load %arg5[%get3A, %get3A_844] {strides = array<i32>} : memref<4x1024xf32, #tpu.memory_space<vmem>>, vector<1x16xf32>,
        %get3A_846 = vector.shape_cast %get3A_845 : vector<1x16xf32> to vector<16xf32>
        %swap3A = arith.constant 0 : i32
        %swap3A_847 = arith.index_cast %shift_right_arithmetic3A_836 : i32 to index
        %swap3A_848 = arith.index_cast %swap3A : i32 to index
        %swap3A_849 = arith.index_cast %mul3A_843 : i32 to index
        %swap3A_850 = tpu.vector_load %arg11[%swap3A_847, %swap3A_848, %swap3A_849] {strides = array<i32>} : memref<4x4x1024xf32, #tpu.memory_space<vmem>>, vector<1x1x16xf32>,
        %swap3A_851 = vector.shape_cast %swap3A_850 : vector<1x1x16xf32> to vector<16xf32>
        %swap3A_852 = vector.shape_cast %get3A_846 : vector<16xf32> to vector<1x1x16xf32>
        tpu.vector_store %arg11[%swap3A_847, %swap3A_848, %swap3A_849], %swap3A_852 {add = true, strides = array<i32>} : memref<4x4x1024xf32, #tpu.memory_space<vmem>>, vector<1x1x16xf32>,
        %swap3A_853 = arith.constant 1 : i32
        %swap3A_854 = arith.index_cast %shift_right_arithmetic3A_836 : i32 to index
        %swap3A_855 = arith.index_cast %swap3A_853 : i32 to index
        %swap3A_856 = arith.index_cast %mul3A_843 : i32 to index
        %swap3A_857 = tpu.vector_load %arg11[%swap3A_854, %swap3A_855, %swap3A_856] {strides = array<i32>} : memref<4x4x1024xf32, #tpu.memory_space<vmem>>, vector<1x1x16xf32>,
        %swap3A_858 = vector.shape_cast %swap3A_857 : vector<1x1x16xf32> to vector<16xf32>
        %swap3A_859 = vector.shape_cast %get3A_846 : vector<16xf32> to vector<1x1x16xf32>
        tpu.vector_store %arg11[%swap3A_854, %swap3A_855, %swap3A_856], %swap3A_859 {add = true, strides = array<i32>} : memref<4x4x1024xf32, #tpu.memory_space<vmem>>, vector<1x1x16xf32>,
        %swap3A_860 = arith.constant 2 : i32
        %swap3A_861 = arith.index_cast %shift_right_arithmetic3A_836 : i32 to index
        %swap3A_862 = arith.index_cast %swap3A_860 : i32 to index
        %swap3A_863 = arith.index_cast %mul3A_843 : i32 to index
        %swap3A_864 = tpu.vector_load %arg11[%swap3A_861, %swap3A_862, %swap3A_863] {strides = array<i32>} : memref<4x4x1024xf32, #tpu.memory_space<vmem>>, vector<1x1x16xf32>,
        %swap3A_865 = vector.shape_cast %swap3A_864 : vector<1x1x16xf32> to vector<16xf32>
        %swap3A_866 = vector.shape_cast %get3A_846 : vector<16xf32> to vector<1x1x16xf32>
        tpu.vector_store %arg11[%swap3A_861, %swap3A_862, %swap3A_863], %swap3A_866 {add = true, strides = array<i32>} : memref<4x4x1024xf32, #tpu.memory_space<vmem>>, vector<1x1x16xf32>,
        %swap3A_867 = arith.constant 3 : i32
        %swap3A_868 = arith.index_cast %shift_right_arithmetic3A_836 : i32 to index
        %swap3A_869 = arith.index_cast %swap3A_867 : i32 to index
        %swap3A_870 = arith.index_cast %mul3A_843 : i32 to index
        %swap3A_871 = tpu.vector_load %arg11[%swap3A_868, %swap3A_869, %swap3A_870] {strides = array<i32>} : memref<4x4x1024xf32, #tpu.memory_space<vmem>>, vector<1x1x16xf32>,
        %swap3A_872 = vector.shape_cast %swap3A_871 : vector<1x1x16xf32> to vector<16xf32>
        %swap3A_873 = vector.shape_cast %get3A_846 : vector<16xf32> to vector<1x1x16xf32>
        tpu.vector_store %arg11[%swap3A_868, %swap3A_869, %swap3A_870], %swap3A_873 {add = true, strides = array<i32>} : memref<4x4x1024xf32, #tpu.memory_space<vmem>>, vector<1x1x16xf32>,
        %mul3A_874 = arith.constant 4 : i32
        %mul3A_875 = arith.muli %and3A_837, %mul3A_874 : i32
        %add3A_876 = arith.constant 1 : i32
        %add3A_877 = arith.addi %mul3A_875, %add3A_876 : i32
        %mul3A_878 = arith.constant 16 : i32
        %mul3A_879 = arith.muli %add3A_877, %mul3A_878 : i32
        %get3A_880 = arith.index_cast %shift_right_arithmetic3A_836 : i32 to index
        %get3A_881 = arith.index_cast %mul3A_879 : i32 to index
        %get3A_882 = tpu.vector_load %arg5[%get3A_880, %get3A_881] {strides = array<i32>} : memref<4x1024xf32, #tpu.memory_space<vmem>>, vector<1x16xf32>,
        %get3A_883 = vector.shape_cast %get3A_882 : vector<1x16xf32> to vector<16xf32>
        %swap3A_884 = arith.constant 0 : i32
        %swap3A_885 = arith.index_cast %shift_right_arithmetic3A_836 : i32 to index
        %swap3A_886 = arith.index_cast %swap3A_884 : i32 to index
        %swap3A_887 = arith.index_cast %mul3A_879 : i32 to index
        %swap3A_888 = tpu.vector_load %arg11[%swap3A_885, %swap3A_886, %swap3A_887] {strides = array<i32>} : memref<4x4x1024xf32, #tpu.memory_space<vmem>>, vector<1x1x16xf32>,
        %swap3A_889 = vector.shape_cast %swap3A_888 : vector<1x1x16xf32> to vector<16xf32>
        %swap3A_890 = vector.shape_cast %get3A_883 : vector<16xf32> to vector<1x1x16xf32>
        tpu.vector_store %arg11[%swap3A_885, %swap3A_886, %swap3A_887], %swap3A_890 {add = true, strides = array<i32>} : memref<4x4x1024xf32, #tpu.memory_space<vmem>>, vector<1x1x16xf32>,
        %swap3A_891 = arith.constant 1 : i32
        %swap3A_892 = arith.index_cast %shift_right_arithmetic3A_836 : i32 to index
        %swap3A_893 = arith.index_cast %swap3A_891 : i32 to index
        %swap3A_894 = arith.index_cast %mul3A_879 : i32 to index
        %swap3A_895 = tpu.vector_load %arg11[%swap3A_892, %swap3A_893, %swap3A_894] {strides = array<i32>} : memref<4x4x1024xf32, #tpu.memory_space<vmem>>, vector<1x1x16xf32>,
        %swap3A_896 = vector.shape_cast %swap3A_895 : vector<1x1x16xf32> to vector<16xf32>
        %swap3A_897 = vector.shape_cast %get3A_883 : vector<16xf32> to vector<1x1x16xf32>
        tpu.vector_store %arg11[%swap3A_892, %swap3A_893, %swap3A_894], %swap3A_897 {add = true, strides = array<i32>} : memref<4x4x1024xf32, #tpu.memory_space<vmem>>, vector<1x1x16xf32>,
        %swap3A_898 = arith.constant 2 : i32
        %swap3A_899 = arith.index_cast %shift_right_arithmetic3A_836 : i32 to index
        %swap3A_900 = arith.index_cast %swap3A_898 : i32 to index
        %swap3A_901 = arith.index_cast %mul3A_879 : i32 to index
        %swap3A_902 = tpu.vector_load %arg11[%swap3A_899, %swap3A_900, %swap3A_901] {strides = array<i32>} : memref<4x4x1024xf32, #tpu.memory_space<vmem>>, vector<1x1x16xf32>,
        %swap3A_903 = vector.shape_cast %swap3A_902 : vector<1x1x16xf32> to vector<16xf32>
        %swap3A_904 = vector.shape_cast %get3A_883 : vector<16xf32> to vector<1x1x16xf32>
        tpu.vector_store %arg11[%swap3A_899, %swap3A_900, %swap3A_901], %swap3A_904 {add = true, strides = array<i32>} : memref<4x4x1024xf32, #tpu.memory_space<vmem>>, vector<1x1x16xf32>,
        %swap3A_905 = arith.constant 3 : i32
        %swap3A_906 = arith.index_cast %shift_right_arithmetic3A_836 : i32 to index
        %swap3A_907 = arith.index_cast %swap3A_905 : i32 to index
        %swap3A_908 = arith.index_cast %mul3A_879 : i32 to index
        %swap3A_909 = tpu.vector_load %arg11[%swap3A_906, %swap3A_907, %swap3A_908] {strides = array<i32>} : memref<4x4x1024xf32, #tpu.memory_space<vmem>>, vector<1x1x16xf32>,
        %swap3A_910 = vector.shape_cast %swap3A_909 : vector<1x1x16xf32> to vector<16xf32>
        %swap3A_911 = vector.shape_cast %get3A_883 : vector<16xf32> to vector<1x1x16xf32>
        tpu.vector_store %arg11[%swap3A_906, %swap3A_907, %swap3A_908], %swap3A_911 {add = true, strides = array<i32>} : memref<4x4x1024xf32, #tpu.memory_space<vmem>>, vector<1x1x16xf32>,
        %mul3A_912 = arith.constant 4 : i32
        %mul3A_913 = arith.muli %and3A_837, %mul3A_912 : i32
        %add3A_914 = arith.constant 2 : i32
        %add3A_915 = arith.addi %mul3A_913, %add3A_914 : i32
        %mul3A_916 = arith.constant 16 : i32
        %mul3A_917 = arith.muli %add3A_915, %mul3A_916 : i32
        %get3A_918 = arith.index_cast %shift_right_arithmetic3A_836 : i32 to index
        %get3A_919 = arith.index_cast %mul3A_917 : i32 to index
        %get3A_920 = tpu.vector_load %arg5[%get3A_918, %get3A_919] {strides = array<i32>} : memref<4x1024xf32, #tpu.memory_space<vmem>>, vector<1x16xf32>,
        %get3A_921 = vector.shape_cast %get3A_920 : vector<1x16xf32> to vector<16xf32>
        %swap3A_922 = arith.constant 0 : i32
        %swap3A_923 = arith.index_cast %shift_right_arithmetic3A_836 : i32 to index
        %swap3A_924 = arith.index_cast %swap3A_922 : i32 to index
        %swap3A_925 = arith.index_cast %mul3A_917 : i32 to index
        %swap3A_926 = tpu.vector_load %arg11[%swap3A_923, %swap3A_924, %swap3A_925] {strides = array<i32>} : memref<4x4x1024xf32, #tpu.memory_space<vmem>>, vector<1x1x16xf32>,
        %swap3A_927 = vector.shape_cast %swap3A_926 : vector<1x1x16xf32> to vector<16xf32>
        %swap3A_928 = vector.shape_cast %get3A_921 : vector<16xf32> to vector<1x1x16xf32>
        tpu.vector_store %arg11[%swap3A_923, %swap3A_924, %swap3A_925], %swap3A_928 {add = true, strides = array<i32>} : memref<4x4x1024xf32, #tpu.memory_space<vmem>>, vector<1x1x16xf32>,
        %swap3A_929 = arith.constant 1 : i32
        %swap3A_930 = arith.index_cast %shift_right_arithmetic3A_836 : i32 to index
        %swap3A_931 = arith.index_cast %swap3A_929 : i32 to index
        %swap3A_932 = arith.index_cast %mul3A_917 : i32 to index
        %swap3A_933 = tpu.vector_load %arg11[%swap3A_930, %swap3A_931, %swap3A_932] {strides = array<i32>} : memref<4x4x1024xf32, #tpu.memory_space<vmem>>, vector<1x1x16xf32>,
        %swap3A_934 = vector.shape_cast %swap3A_933 : vector<1x1x16xf32> to vector<16xf32>
        %swap3A_935 = vector.shape_cast %get3A_921 : vector<16xf32> to vector<1x1x16xf32>
        tpu.vector_store %arg11[%swap3A_930, %swap3A_931, %swap3A_932], %swap3A_935 {add = true, strides = array<i32>} : memref<4x4x1024xf32, #tpu.memory_space<vmem>>, vector<1x1x16xf32>,
        %swap3A_936 = arith.constant 2 : i32
        %swap3A_937 = arith.index_cast %shift_right_arithmetic3A_836 : i32 to index
        %swap3A_938 = arith.index_cast %swap3A_936 : i32 to index
        %swap3A_939 = arith.index_cast %mul3A_917 : i32 to index
        %swap3A_940 = tpu.vector_load %arg11[%swap3A_937, %swap3A_938, %swap3A_939] {strides = array<i32>} : memref<4x4x1024xf32, #tpu.memory_space<vmem>>, vector<1x1x16xf32>,
        %swap3A_941 = vector.shape_cast %swap3A_940 : vector<1x1x16xf32> to vector<16xf32>
        %swap3A_942 = vector.shape_cast %get3A_921 : vector<16xf32> to vector<1x1x16xf32>
        tpu.vector_store %arg11[%swap3A_937, %swap3A_938, %swap3A_939], %swap3A_942 {add = true, strides = array<i32>} : memref<4x4x1024xf32, #tpu.memory_space<vmem>>, vector<1x1x16xf32>,
        %swap3A_943 = arith.constant 3 : i32
        %swap3A_944 = arith.index_cast %shift_right_arithmetic3A_836 : i32 to index
        %swap3A_945 = arith.index_cast %swap3A_943 : i32 to index
        %swap3A_946 = arith.index_cast %mul3A_917 : i32 to index
        %swap3A_947 = tpu.vector_load %arg11[%swap3A_944, %swap3A_945, %swap3A_946] {strides = array<i32>} : memref<4x4x1024xf32, #tpu.memory_space<vmem>>, vector<1x1x16xf32>,
        %swap3A_948 = vector.shape_cast %swap3A_947 : vector<1x1x16xf32> to vector<16xf32>
        %swap3A_949 = vector.shape_cast %get3A_921 : vector<16xf32> to vector<1x1x16xf32>
        tpu.vector_store %arg11[%swap3A_944, %swap3A_945, %swap3A_946], %swap3A_949 {add = true, strides = array<i32>} : memref<4x4x1024xf32, #tpu.memory_space<vmem>>, vector<1x1x16xf32>,
        %mul3A_950 = arith.constant 4 : i32
        %mul3A_951 = arith.muli %and3A_837, %mul3A_950 : i32
        %add3A_952 = arith.constant 3 : i32
        %add3A_953 = arith.addi %mul3A_951, %add3A_952 : i32
        %mul3A_954 = arith.constant 16 : i32
        %mul3A_955 = arith.muli %add3A_953, %mul3A_954 : i32
        %get3A_956 = arith.index_cast %shift_right_arithmetic3A_836 : i32 to index
        %get3A_957 = arith.index_cast %mul3A_955 : i32 to index
        %get3A_958 = tpu.vector_load %arg5[%get3A_956, %get3A_957] {strides = array<i32>} : memref<4x1024xf32, #tpu.memory_space<vmem>>, vector<1x16xf32>,
        %get3A_959 = vector.shape_cast %get3A_958 : vector<1x16xf32> to vector<16xf32>
        %swap3A_960 = arith.constant 0 : i32
        %swap3A_961 = arith.index_cast %shift_right_arithmetic3A_836 : i32 to index
        %swap3A_962 = arith.index_cast %swap3A_960 : i32 to index
        %swap3A_963 = arith.index_cast %mul3A_955 : i32 to index
        %swap3A_964 = tpu.vector_load %arg11[%swap3A_961, %swap3A_962, %swap3A_963] {strides = array<i32>} : memref<4x4x1024xf32, #tpu.memory_space<vmem>>, vector<1x1x16xf32>,
        %swap3A_965 = vector.shape_cast %swap3A_964 : vector<1x1x16xf32> to vector<16xf32>
        %swap3A_966 = vector.shape_cast %get3A_959 : vector<16xf32> to vector<1x1x16xf32>
        tpu.vector_store %arg11[%swap3A_961, %swap3A_962, %swap3A_963], %swap3A_966 {add = true, strides = array<i32>} : memref<4x4x1024xf32, #tpu.memory_space<vmem>>, vector<1x1x16xf32>,
        %swap3A_967 = arith.constant 1 : i32
        %swap3A_968 = arith.index_cast %shift_right_arithmetic3A_836 : i32 to index
        %swap3A_969 = arith.index_cast %swap3A_967 : i32 to index
        %swap3A_970 = arith.index_cast %mul3A_955 : i32 to index
        %swap3A_971 = tpu.vector_load %arg11[%swap3A_968, %swap3A_969, %swap3A_970] {strides = array<i32>} : memref<4x4x1024xf32, #tpu.memory_space<vmem>>, vector<1x1x16xf32>,
        %swap3A_972 = vector.shape_cast %swap3A_971 : vector<1x1x16xf32> to vector<16xf32>
        %swap3A_973 = vector.shape_cast %get3A_959 : vector<16xf32> to vector<1x1x16xf32>
        tpu.vector_store %arg11[%swap3A_968, %swap3A_969, %swap3A_970], %swap3A_973 {add = true, strides = array<i32>} : memref<4x4x1024xf32, #tpu.memory_space<vmem>>, vector<1x1x16xf32>,
        %swap3A_974 = arith.constant 2 : i32
        %swap3A_975 = arith.index_cast %shift_right_arithmetic3A_836 : i32 to index
        %swap3A_976 = arith.index_cast %swap3A_974 : i32 to index
        %swap3A_977 = arith.index_cast %mul3A_955 : i32 to index
        %swap3A_978 = tpu.vector_load %arg11[%swap3A_975, %swap3A_976, %swap3A_977] {strides = array<i32>} : memref<4x4x1024xf32, #tpu.memory_space<vmem>>, vector<1x1x16xf32>,
        %swap3A_979 = vector.shape_cast %swap3A_978 : vector<1x1x16xf32> to vector<16xf32>
        %swap3A_980 = vector.shape_cast %get3A_959 : vector<16xf32> to vector<1x1x16xf32>
        tpu.vector_store %arg11[%swap3A_975, %swap3A_976, %swap3A_977], %swap3A_980 {add = true, strides = array<i32>} : memref<4x4x1024xf32, #tpu.memory_space<vmem>>, vector<1x1x16xf32>,
        %swap3A_981 = arith.constant 3 : i32
        %swap3A_982 = arith.index_cast %shift_right_arithmetic3A_836 : i32 to index
        %swap3A_983 = arith.index_cast %swap3A_981 : i32 to index
        %swap3A_984 = arith.index_cast %mul3A_955 : i32 to index
        %swap3A_985 = tpu.vector_load %arg11[%swap3A_982, %swap3A_983, %swap3A_984] {strides = array<i32>} : memref<4x4x1024xf32, #tpu.memory_space<vmem>>, vector<1x1x16xf32>,
        %swap3A_986 = vector.shape_cast %swap3A_985 : vector<1x1x16xf32> to vector<16xf32>
        %swap3A_987 = vector.shape_cast %get3A_959 : vector<16xf32> to vector<1x1x16xf32>
        tpu.vector_store %arg11[%swap3A_982, %swap3A_983, %swap3A_984], %swap3A_987 {add = true, strides = array<i32>} : memref<4x4x1024xf32, #tpu.memory_space<vmem>>, vector<1x1x16xf32>,
      }
      %scan3A_570 = arith.constant 64 : i32
      %mul3A_571 = arith.constant 4 : i32
      %mul3A_572 = arith.muli %add3A_550, %mul3A_571 : i32
      %add3A_573 = arith.addi %mul3A_2, %mul3A_572 : i32
      %dma_start3A_574 = arith.constant 0 : i32
      %dma_start3A_575 = arith.constant 0 : i32
      %dma_start3A_576 = tpu.memref_slice %arg4[%add3A_573, %dma_start3A_574, %dma_start3A_575] : memref<8192x4x1024xf32, #tpu.memory_space<hbm>> -> memref<4x4x1024xf32, #tpu.memory_space<hbm>>
      %dma_start3A_577 = arith.constant 0 : i32
      %dma_start3A_578 = arith.constant 0 : i32
      %dma_start3A_579 = tpu.memref_slice %arg4[%add3A_573, %dma_start3A_577, %dma_start3A_578] : memref<8192x4x1024xf32, #tpu.memory_space<hbm>> -> memref<4x4x1024xf32, #tpu.memory_space<hbm>>
      tpu.enqueue_dma source(%arg11 : memref<4x4x1024xf32, #tpu.memory_space<vmem>>) target(%dma_start3A_579 : memref<4x4x1024xf32, #tpu.memory_space<hbm>>) target_semaphore(%arg23 : memref<!tpu.dma_semaphore, #tpu.memory_space<semaphore_mem>>)
      %dma_wait3A_580 = arith.constant 0 : i32
      %dma_wait3A_581 = arith.constant 0 : i32
      %dma_wait3A_582 = arith.constant 0 : i32
      %dma_wait3A_583 = tpu.memref_slice %arg4[%dma_wait3A_580, %dma_wait3A_581, %dma_wait3A_582] : memref<8192x4x1024xf32, #tpu.memory_space<hbm>> -> memref<4x4x1024xf32, #tpu.memory_space<hbm>>
      %dma_wait3A_584 = arith.constant 0 : i32
      %dma_wait3A_585 = arith.constant 0 : i32
      %dma_wait3A_586 = arith.constant 0 : i32
      %dma_wait3A_587 = tpu.memref_slice %arg4[%dma_wait3A_584, %dma_wait3A_585, %dma_wait3A_586] : memref<8192x4x1024xf32, #tpu.memory_space<hbm>> -> memref<4x4x1024xf32, #tpu.memory_space<hbm>>
      tpu.wait_dma2 semaphore(%arg28 : memref<!tpu.dma_semaphore, #tpu.memory_space<semaphore_mem>>) src(%arg16 : memref<4x4x1024xf32, #tpu.memory_space<vmem>>) dst(%dma_wait3A_587 : memref<4x4x1024xf32, #tpu.memory_space<hbm>>)
      %add3A_588 = arith.constant 5 : i32
      %add3A_589 = arith.addi %add3A_550, %add3A_588 : i32
      %mul3A_590 = arith.constant 4 : i32
      %mul3A_591 = arith.muli %add3A_589, %mul3A_590 : i32
      %add3A_592 = arith.addi %mul3A_2, %mul3A_591 : i32
      %dma_start3A_593 = arith.constant 0 : i32
      %dma_start3A_594 = tpu.memref_slice %arg3[%add3A_592, %dma_start3A_593] : memref<8192x1024xf32, #tpu.memory_space<hbm>> -> memref<4x1024xf32, #tpu.memory_space<hbm>>
      %dma_start3A_595 = arith.constant 0 : i32
      %dma_start3A_596 = tpu.memref_slice %arg3[%add3A_592, %dma_start3A_595] : memref<8192x1024xf32, #tpu.memory_space<hbm>> -> memref<4x1024xf32, #tpu.memory_space<hbm>>
      tpu.enqueue_dma source(%dma_start3A_596 : memref<4x1024xf32, #tpu.memory_space<hbm>>) target(%arg10 : memref<4x1024xf32, #tpu.memory_space<vmem>>) target_semaphore(%arg22 : memref<!tpu.dma_semaphore, #tpu.memory_space<semaphore_mem>>)
      %dma_start3A_597 = arith.constant 0 : i32
      %dma_start3A_598 = arith.constant 0 : i32
      %dma_start3A_599 = tpu.memref_slice %arg2[%add3A_592, %dma_start3A_597, %dma_start3A_598] : memref<8192x4x1024xf32, #tpu.memory_space<hbm>> -> memref<4x4x1024xf32, #tpu.memory_space<hbm>>
      %dma_start3A_600 = arith.constant 0 : i32
      %dma_start3A_601 = arith.constant 0 : i32
      %dma_start3A_602 = tpu.memref_slice %arg2[%add3A_592, %dma_start3A_600, %dma_start3A_601] : memref<8192x4x1024xf32, #tpu.memory_space<hbm>> -> memref<4x4x1024xf32, #tpu.memory_space<hbm>>
      tpu.enqueue_dma source(%dma_start3A_602 : memref<4x4x1024xf32, #tpu.memory_space<hbm>>) target(%arg16 : memref<4x4x1024xf32, #tpu.memory_space<vmem>>) target_semaphore(%arg22 : memref<!tpu.dma_semaphore, #tpu.memory_space<semaphore_mem>>)
      %mul3A_603 = arith.constant 6 : i32
      %mul3A_604 = arith.muli %scan3A_486, %mul3A_603 : i32
      %add3A_605 = arith.constant 5 : i32
      %add3A_606 = arith.addi %add3A_605, %mul3A_604 : i32
      %add3A_607 = arith.constant 2 : i32
      %add3A_608 = arith.addi %add3A_606, %add3A_607 : i32
      %dma_wait3A_609 = arith.constant 0 : i32
      %dma_wait3A_610 = arith.constant 0 : i32
      %dma_wait3A_611 = tpu.memref_slice %arg3[%dma_wait3A_609, %dma_wait3A_610] : memref<8192x1024xf32, #tpu.memory_space<hbm>> -> memref<4x1024xf32, #tpu.memory_space<hbm>>
      %dma_wait3A_612 = arith.constant 0 : i32
      %dma_wait3A_613 = arith.constant 0 : i32
      %dma_wait3A_614 = tpu.memref_slice %arg3[%dma_wait3A_612, %dma_wait3A_613] : memref<8192x1024xf32, #tpu.memory_space<hbm>> -> memref<4x1024xf32, #tpu.memory_space<hbm>>
      tpu.wait_dma2 semaphore(%arg18 : memref<!tpu.dma_semaphore, #tpu.memory_space<semaphore_mem>>) src(%dma_wait3A_614 : memref<4x1024xf32, #tpu.memory_space<hbm>>) dst(%arg6 : memref<4x1024xf32, #tpu.memory_space<vmem>>)
      %dma_wait3A_615 = arith.constant 0 : i32
      %dma_wait3A_616 = arith.constant 0 : i32
      %dma_wait3A_617 = arith.constant 0 : i32
      %dma_wait3A_618 = tpu.memref_slice %arg2[%dma_wait3A_615, %dma_wait3A_616, %dma_wait3A_617] : memref<8192x4x1024xf32, #tpu.memory_space<hbm>> -> memref<4x4x1024xf32, #tpu.memory_space<hbm>>
      %dma_wait3A_619 = arith.constant 0 : i32
      %dma_wait3A_620 = arith.constant 0 : i32
      %dma_wait3A_621 = arith.constant 0 : i32
      %dma_wait3A_622 = tpu.memref_slice %arg2[%dma_wait3A_619, %dma_wait3A_620, %dma_wait3A_621] : memref<8192x4x1024xf32, #tpu.memory_space<hbm>> -> memref<4x4x1024xf32, #tpu.memory_space<hbm>>
      tpu.wait_dma2 semaphore(%arg18 : memref<!tpu.dma_semaphore, #tpu.memory_space<semaphore_mem>>) src(%dma_wait3A_622 : memref<4x4x1024xf32, #tpu.memory_space<hbm>>) dst(%arg12 : memref<4x4x1024xf32, #tpu.memory_space<vmem>>)
      %scan3A_623 = arith.constant 0 : i32
      %scan3A_624 = arith.constant 0 : i32
      %scan3A_625 = arith.constant 64 : i32
      %scan3A_626 = arith.addi %scan3A_624, %scan3A_625 : i32
      %scan3A_627 = arith.constant 1 : i32
      scf.for %scan3A_835 = %scan3A_624 to %scan3A_626 step %scan3A_627  : i32 {
        %shift_right_arithmetic3A = arith.constant 4 : i32
        %shift_right_arithmetic3A_836 = arith.shrsi %scan3A_835, %shift_right_arithmetic3A : i32
        %and3A = arith.constant 15 : i32
        %and3A_837 = arith.andi %scan3A_835, %and3A : i32
        %mul3A_838 = arith.constant 4 : i32
        %mul3A_839 = arith.muli %and3A_837, %mul3A_838 : i32
        %add3A_840 = arith.constant 0 : i32
        %add3A_841 = arith.addi %mul3A_839, %add3A_840 : i32
        %mul3A_842 = arith.constant 16 : i32
        %mul3A_843 = arith.muli %add3A_841, %mul3A_842 : i32
        %get3A = arith.index_cast %shift_right_arithmetic3A_836 : i32 to index
        %get3A_844 = arith.index_cast %mul3A_843 : i32 to index
        %get3A_845 = tpu.vector_load %arg6[%get3A, %get3A_844] {strides = array<i32>} : memref<4x1024xf32, #tpu.memory_space<vmem>>, vector<1x16xf32>,
        %get3A_846 = vector.shape_cast %get3A_845 : vector<1x16xf32> to vector<16xf32>
        %swap3A = arith.constant 0 : i32
        %swap3A_847 = arith.index_cast %shift_right_arithmetic3A_836 : i32 to index
        %swap3A_848 = arith.index_cast %swap3A : i32 to index
        %swap3A_849 = arith.index_cast %mul3A_843 : i32 to index
        %swap3A_850 = tpu.vector_load %arg12[%swap3A_847, %swap3A_848, %swap3A_849] {strides = array<i32>} : memref<4x4x1024xf32, #tpu.memory_space<vmem>>, vector<1x1x16xf32>,
        %swap3A_851 = vector.shape_cast %swap3A_850 : vector<1x1x16xf32> to vector<16xf32>
        %swap3A_852 = vector.shape_cast %get3A_846 : vector<16xf32> to vector<1x1x16xf32>
        tpu.vector_store %arg12[%swap3A_847, %swap3A_848, %swap3A_849], %swap3A_852 {add = true, strides = array<i32>} : memref<4x4x1024xf32, #tpu.memory_space<vmem>>, vector<1x1x16xf32>,
        %swap3A_853 = arith.constant 1 : i32
        %swap3A_854 = arith.index_cast %shift_right_arithmetic3A_836 : i32 to index
        %swap3A_855 = arith.index_cast %swap3A_853 : i32 to index
        %swap3A_856 = arith.index_cast %mul3A_843 : i32 to index
        %swap3A_857 = tpu.vector_load %arg12[%swap3A_854, %swap3A_855, %swap3A_856] {strides = array<i32>} : memref<4x4x1024xf32, #tpu.memory_space<vmem>>, vector<1x1x16xf32>,
        %swap3A_858 = vector.shape_cast %swap3A_857 : vector<1x1x16xf32> to vector<16xf32>
        %swap3A_859 = vector.shape_cast %get3A_846 : vector<16xf32> to vector<1x1x16xf32>
        tpu.vector_store %arg12[%swap3A_854, %swap3A_855, %swap3A_856], %swap3A_859 {add = true, strides = array<i32>} : memref<4x4x1024xf32, #tpu.memory_space<vmem>>, vector<1x1x16xf32>,
        %swap3A_860 = arith.constant 2 : i32
        %swap3A_861 = arith.index_cast %shift_right_arithmetic3A_836 : i32 to index
        %swap3A_862 = arith.index_cast %swap3A_860 : i32 to index
        %swap3A_863 = arith.index_cast %mul3A_843 : i32 to index
        %swap3A_864 = tpu.vector_load %arg12[%swap3A_861, %swap3A_862, %swap3A_863] {strides = array<i32>} : memref<4x4x1024xf32, #tpu.memory_space<vmem>>, vector<1x1x16xf32>,
        %swap3A_865 = vector.shape_cast %swap3A_864 : vector<1x1x16xf32> to vector<16xf32>
        %swap3A_866 = vector.shape_cast %get3A_846 : vector<16xf32> to vector<1x1x16xf32>
        tpu.vector_store %arg12[%swap3A_861, %swap3A_862, %swap3A_863], %swap3A_866 {add = true, strides = array<i32>} : memref<4x4x1024xf32, #tpu.memory_space<vmem>>, vector<1x1x16xf32>,
        %swap3A_867 = arith.constant 3 : i32
        %swap3A_868 = arith.index_cast %shift_right_arithmetic3A_836 : i32 to index
        %swap3A_869 = arith.index_cast %swap3A_867 : i32 to index
        %swap3A_870 = arith.index_cast %mul3A_843 : i32 to index
        %swap3A_871 = tpu.vector_load %arg12[%swap3A_868, %swap3A_869, %swap3A_870] {strides = array<i32>} : memref<4x4x1024xf32, #tpu.memory_space<vmem>>, vector<1x1x16xf32>,
        %swap3A_872 = vector.shape_cast %swap3A_871 : vector<1x1x16xf32> to vector<16xf32>
        %swap3A_873 = vector.shape_cast %get3A_846 : vector<16xf32> to vector<1x1x16xf32>
        tpu.vector_store %arg12[%swap3A_868, %swap3A_869, %swap3A_870], %swap3A_873 {add = true, strides = array<i32>} : memref<4x4x1024xf32, #tpu.memory_space<vmem>>, vector<1x1x16xf32>,
        %mul3A_874 = arith.constant 4 : i32
        %mul3A_875 = arith.muli %and3A_837, %mul3A_874 : i32
        %add3A_876 = arith.constant 1 : i32
        %add3A_877 = arith.addi %mul3A_875, %add3A_876 : i32
        %mul3A_878 = arith.constant 16 : i32
        %mul3A_879 = arith.muli %add3A_877, %mul3A_878 : i32
        %get3A_880 = arith.index_cast %shift_right_arithmetic3A_836 : i32 to index
        %get3A_881 = arith.index_cast %mul3A_879 : i32 to index
        %get3A_882 = tpu.vector_load %arg6[%get3A_880, %get3A_881] {strides = array<i32>} : memref<4x1024xf32, #tpu.memory_space<vmem>>, vector<1x16xf32>,
        %get3A_883 = vector.shape_cast %get3A_882 : vector<1x16xf32> to vector<16xf32>
        %swap3A_884 = arith.constant 0 : i32
        %swap3A_885 = arith.index_cast %shift_right_arithmetic3A_836 : i32 to index
        %swap3A_886 = arith.index_cast %swap3A_884 : i32 to index
        %swap3A_887 = arith.index_cast %mul3A_879 : i32 to index
        %swap3A_888 = tpu.vector_load %arg12[%swap3A_885, %swap3A_886, %swap3A_887] {strides = array<i32>} : memref<4x4x1024xf32, #tpu.memory_space<vmem>>, vector<1x1x16xf32>,
        %swap3A_889 = vector.shape_cast %swap3A_888 : vector<1x1x16xf32> to vector<16xf32>
        %swap3A_890 = vector.shape_cast %get3A_883 : vector<16xf32> to vector<1x1x16xf32>
        tpu.vector_store %arg12[%swap3A_885, %swap3A_886, %swap3A_887], %swap3A_890 {add = true, strides = array<i32>} : memref<4x4x1024xf32, #tpu.memory_space<vmem>>, vector<1x1x16xf32>,
        %swap3A_891 = arith.constant 1 : i32
        %swap3A_892 = arith.index_cast %shift_right_arithmetic3A_836 : i32 to index
        %swap3A_893 = arith.index_cast %swap3A_891 : i32 to index
        %swap3A_894 = arith.index_cast %mul3A_879 : i32 to index
        %swap3A_895 = tpu.vector_load %arg12[%swap3A_892, %swap3A_893, %swap3A_894] {strides = array<i32>} : memref<4x4x1024xf32, #tpu.memory_space<vmem>>, vector<1x1x16xf32>,
        %swap3A_896 = vector.shape_cast %swap3A_895 : vector<1x1x16xf32> to vector<16xf32>
        %swap3A_897 = vector.shape_cast %get3A_883 : vector<16xf32> to vector<1x1x16xf32>
        tpu.vector_store %arg12[%swap3A_892, %swap3A_893, %swap3A_894], %swap3A_897 {add = true, strides = array<i32>} : memref<4x4x1024xf32, #tpu.memory_space<vmem>>, vector<1x1x16xf32>,
        %swap3A_898 = arith.constant 2 : i32
        %swap3A_899 = arith.index_cast %shift_right_arithmetic3A_836 : i32 to index
        %swap3A_900 = arith.index_cast %swap3A_898 : i32 to index
        %swap3A_901 = arith.index_cast %mul3A_879 : i32 to index
        %swap3A_902 = tpu.vector_load %arg12[%swap3A_899, %swap3A_900, %swap3A_901] {strides = array<i32>} : memref<4x4x1024xf32, #tpu.memory_space<vmem>>, vector<1x1x16xf32>,
        %swap3A_903 = vector.shape_cast %swap3A_902 : vector<1x1x16xf32> to vector<16xf32>
        %swap3A_904 = vector.shape_cast %get3A_883 : vector<16xf32> to vector<1x1x16xf32>
        tpu.vector_store %arg12[%swap3A_899, %swap3A_900, %swap3A_901], %swap3A_904 {add = true, strides = array<i32>} : memref<4x4x1024xf32, #tpu.memory_space<vmem>>, vector<1x1x16xf32>,
        %swap3A_905 = arith.constant 3 : i32
        %swap3A_906 = arith.index_cast %shift_right_arithmetic3A_836 : i32 to index
        %swap3A_907 = arith.index_cast %swap3A_905 : i32 to index
        %swap3A_908 = arith.index_cast %mul3A_879 : i32 to index
        %swap3A_909 = tpu.vector_load %arg12[%swap3A_906, %swap3A_907, %swap3A_908] {strides = array<i32>} : memref<4x4x1024xf32, #tpu.memory_space<vmem>>, vector<1x1x16xf32>,
        %swap3A_910 = vector.shape_cast %swap3A_909 : vector<1x1x16xf32> to vector<16xf32>
        %swap3A_911 = vector.shape_cast %get3A_883 : vector<16xf32> to vector<1x1x16xf32>
        tpu.vector_store %arg12[%swap3A_906, %swap3A_907, %swap3A_908], %swap3A_911 {add = true, strides = array<i32>} : memref<4x4x1024xf32, #tpu.memory_space<vmem>>, vector<1x1x16xf32>,
        %mul3A_912 = arith.constant 4 : i32
        %mul3A_913 = arith.muli %and3A_837, %mul3A_912 : i32
        %add3A_914 = arith.constant 2 : i32
        %add3A_915 = arith.addi %mul3A_913, %add3A_914 : i32
        %mul3A_916 = arith.constant 16 : i32
        %mul3A_917 = arith.muli %add3A_915, %mul3A_916 : i32
        %get3A_918 = arith.index_cast %shift_right_arithmetic3A_836 : i32 to index
        %get3A_919 = arith.index_cast %mul3A_917 : i32 to index
        %get3A_920 = tpu.vector_load %arg6[%get3A_918, %get3A_919] {strides = array<i32>} : memref<4x1024xf32, #tpu.memory_space<vmem>>, vector<1x16xf32>,
        %get3A_921 = vector.shape_cast %get3A_920 : vector<1x16xf32> to vector<16xf32>
        %swap3A_922 = arith.constant 0 : i32
        %swap3A_923 = arith.index_cast %shift_right_arithmetic3A_836 : i32 to index
        %swap3A_924 = arith.index_cast %swap3A_922 : i32 to index
        %swap3A_925 = arith.index_cast %mul3A_917 : i32 to index
        %swap3A_926 = tpu.vector_load %arg12[%swap3A_923, %swap3A_924, %swap3A_925] {strides = array<i32>} : memref<4x4x1024xf32, #tpu.memory_space<vmem>>, vector<1x1x16xf32>,
        %swap3A_927 = vector.shape_cast %swap3A_926 : vector<1x1x16xf32> to vector<16xf32>
        %swap3A_928 = vector.shape_cast %get3A_921 : vector<16xf32> to vector<1x1x16xf32>
        tpu.vector_store %arg12[%swap3A_923, %swap3A_924, %swap3A_925], %swap3A_928 {add = true, strides = array<i32>} : memref<4x4x1024xf32, #tpu.memory_space<vmem>>, vector<1x1x16xf32>,
        %swap3A_929 = arith.constant 1 : i32
        %swap3A_930 = arith.index_cast %shift_right_arithmetic3A_836 : i32 to index
        %swap3A_931 = arith.index_cast %swap3A_929 : i32 to index
        %swap3A_932 = arith.index_cast %mul3A_917 : i32 to index
        %swap3A_933 = tpu.vector_load %arg12[%swap3A_930, %swap3A_931, %swap3A_932] {strides = array<i32>} : memref<4x4x1024xf32, #tpu.memory_space<vmem>>, vector<1x1x16xf32>,
        %swap3A_934 = vector.shape_cast %swap3A_933 : vector<1x1x16xf32> to vector<16xf32>
        %swap3A_935 = vector.shape_cast %get3A_921 : vector<16xf32> to vector<1x1x16xf32>
        tpu.vector_store %arg12[%swap3A_930, %swap3A_931, %swap3A_932], %swap3A_935 {add = true, strides = array<i32>} : memref<4x4x1024xf32, #tpu.memory_space<vmem>>, vector<1x1x16xf32>,
        %swap3A_936 = arith.constant 2 : i32
        %swap3A_937 = arith.index_cast %shift_right_arithmetic3A_836 : i32 to index
        %swap3A_938 = arith.index_cast %swap3A_936 : i32 to index
        %swap3A_939 = arith.index_cast %mul3A_917 : i32 to index
        %swap3A_940 = tpu.vector_load %arg12[%swap3A_937, %swap3A_938, %swap3A_939] {strides = array<i32>} : memref<4x4x1024xf32, #tpu.memory_space<vmem>>, vector<1x1x16xf32>,
        %swap3A_941 = vector.shape_cast %swap3A_940 : vector<1x1x16xf32> to vector<16xf32>
        %swap3A_942 = vector.shape_cast %get3A_921 : vector<16xf32> to vector<1x1x16xf32>
        tpu.vector_store %arg12[%swap3A_937, %swap3A_938, %swap3A_939], %swap3A_942 {add = true, strides = array<i32>} : memref<4x4x1024xf32, #tpu.memory_space<vmem>>, vector<1x1x16xf32>,
        %swap3A_943 = arith.constant 3 : i32
        %swap3A_944 = arith.index_cast %shift_right_arithmetic3A_836 : i32 to index
        %swap3A_945 = arith.index_cast %swap3A_943 : i32 to index
        %swap3A_946 = arith.index_cast %mul3A_917 : i32 to index
        %swap3A_947 = tpu.vector_load %arg12[%swap3A_944, %swap3A_945, %swap3A_946] {strides = array<i32>} : memref<4x4x1024xf32, #tpu.memory_space<vmem>>, vector<1x1x16xf32>,
        %swap3A_948 = vector.shape_cast %swap3A_947 : vector<1x1x16xf32> to vector<16xf32>
        %swap3A_949 = vector.shape_cast %get3A_921 : vector<16xf32> to vector<1x1x16xf32>
        tpu.vector_store %arg12[%swap3A_944, %swap3A_945, %swap3A_946], %swap3A_949 {add = true, strides = array<i32>} : memref<4x4x1024xf32, #tpu.memory_space<vmem>>, vector<1x1x16xf32>,
        %mul3A_950 = arith.constant 4 : i32
        %mul3A_951 = arith.muli %and3A_837, %mul3A_950 : i32
        %add3A_952 = arith.constant 3 : i32
        %add3A_953 = arith.addi %mul3A_951, %add3A_952 : i32
        %mul3A_954 = arith.constant 16 : i32
        %mul3A_955 = arith.muli %add3A_953, %mul3A_954 : i32
        %get3A_956 = arith.index_cast %shift_right_arithmetic3A_836 : i32 to index
        %get3A_957 = arith.index_cast %mul3A_955 : i32 to index
        %get3A_958 = tpu.vector_load %arg6[%get3A_956, %get3A_957] {strides = array<i32>} : memref<4x1024xf32, #tpu.memory_space<vmem>>, vector<1x16xf32>,
        %get3A_959 = vector.shape_cast %get3A_958 : vector<1x16xf32> to vector<16xf32>
        %swap3A_960 = arith.constant 0 : i32
        %swap3A_961 = arith.index_cast %shift_right_arithmetic3A_836 : i32 to index
        %swap3A_962 = arith.index_cast %swap3A_960 : i32 to index
        %swap3A_963 = arith.index_cast %mul3A_955 : i32 to index
        %swap3A_964 = tpu.vector_load %arg12[%swap3A_961, %swap3A_962, %swap3A_963] {strides = array<i32>} : memref<4x4x1024xf32, #tpu.memory_space<vmem>>, vector<1x1x16xf32>,
        %swap3A_965 = vector.shape_cast %swap3A_964 : vector<1x1x16xf32> to vector<16xf32>
        %swap3A_966 = vector.shape_cast %get3A_959 : vector<16xf32> to vector<1x1x16xf32>
        tpu.vector_store %arg12[%swap3A_961, %swap3A_962, %swap3A_963], %swap3A_966 {add = true, strides = array<i32>} : memref<4x4x1024xf32, #tpu.memory_space<vmem>>, vector<1x1x16xf32>,
        %swap3A_967 = arith.constant 1 : i32
        %swap3A_968 = arith.index_cast %shift_right_arithmetic3A_836 : i32 to index
        %swap3A_969 = arith.index_cast %swap3A_967 : i32 to index
        %swap3A_970 = arith.index_cast %mul3A_955 : i32 to index
        %swap3A_971 = tpu.vector_load %arg12[%swap3A_968, %swap3A_969, %swap3A_970] {strides = array<i32>} : memref<4x4x1024xf32, #tpu.memory_space<vmem>>, vector<1x1x16xf32>,
        %swap3A_972 = vector.shape_cast %swap3A_971 : vector<1x1x16xf32> to vector<16xf32>
        %swap3A_973 = vector.shape_cast %get3A_959 : vector<16xf32> to vector<1x1x16xf32>
        tpu.vector_store %arg12[%swap3A_968, %swap3A_969, %swap3A_970], %swap3A_973 {add = true, strides = array<i32>} : memref<4x4x1024xf32, #tpu.memory_space<vmem>>, vector<1x1x16xf32>,
        %swap3A_974 = arith.constant 2 : i32
        %swap3A_975 = arith.index_cast %shift_right_arithmetic3A_836 : i32 to index
        %swap3A_976 = arith.index_cast %swap3A_974 : i32 to index
        %swap3A_977 = arith.index_cast %mul3A_955 : i32 to index
        %swap3A_978 = tpu.vector_load %arg12[%swap3A_975, %swap3A_976, %swap3A_977] {strides = array<i32>} : memref<4x4x1024xf32, #tpu.memory_space<vmem>>, vector<1x1x16xf32>,
        %swap3A_979 = vector.shape_cast %swap3A_978 : vector<1x1x16xf32> to vector<16xf32>
        %swap3A_980 = vector.shape_cast %get3A_959 : vector<16xf32> to vector<1x1x16xf32>
        tpu.vector_store %arg12[%swap3A_975, %swap3A_976, %swap3A_977], %swap3A_980 {add = true, strides = array<i32>} : memref<4x4x1024xf32, #tpu.memory_space<vmem>>, vector<1x1x16xf32>,
        %swap3A_981 = arith.constant 3 : i32
        %swap3A_982 = arith.index_cast %shift_right_arithmetic3A_836 : i32 to index
        %swap3A_983 = arith.index_cast %swap3A_981 : i32 to index
        %swap3A_984 = arith.index_cast %mul3A_955 : i32 to index
        %swap3A_985 = tpu.vector_load %arg12[%swap3A_982, %swap3A_983, %swap3A_984] {strides = array<i32>} : memref<4x4x1024xf32, #tpu.memory_space<vmem>>, vector<1x1x16xf32>,
        %swap3A_986 = vector.shape_cast %swap3A_985 : vector<1x1x16xf32> to vector<16xf32>
        %swap3A_987 = vector.shape_cast %get3A_959 : vector<16xf32> to vector<1x1x16xf32>
        tpu.vector_store %arg12[%swap3A_982, %swap3A_983, %swap3A_984], %swap3A_987 {add = true, strides = array<i32>} : memref<4x4x1024xf32, #tpu.memory_space<vmem>>, vector<1x1x16xf32>,
      }
      %scan3A_628 = arith.constant 64 : i32
      %mul3A_629 = arith.constant 4 : i32
      %mul3A_630 = arith.muli %add3A_608, %mul3A_629 : i32
      %add3A_631 = arith.addi %mul3A_2, %mul3A_630 : i32
      %dma_start3A_632 = arith.constant 0 : i32
      %dma_start3A_633 = arith.constant 0 : i32
      %dma_start3A_634 = tpu.memref_slice %arg4[%add3A_631, %dma_start3A_632, %dma_start3A_633] : memref<8192x4x1024xf32, #tpu.memory_space<hbm>> -> memref<4x4x1024xf32, #tpu.memory_space<hbm>>
      %dma_start3A_635 = arith.constant 0 : i32
      %dma_start3A_636 = arith.constant 0 : i32
      %dma_start3A_637 = tpu.memref_slice %arg4[%add3A_631, %dma_start3A_635, %dma_start3A_636] : memref<8192x4x1024xf32, #tpu.memory_space<hbm>> -> memref<4x4x1024xf32, #tpu.memory_space<hbm>>
      tpu.enqueue_dma source(%arg12 : memref<4x4x1024xf32, #tpu.memory_space<vmem>>) target(%dma_start3A_637 : memref<4x4x1024xf32, #tpu.memory_space<hbm>>) target_semaphore(%arg24 : memref<!tpu.dma_semaphore, #tpu.memory_space<semaphore_mem>>)
      %dma_wait3A_638 = arith.constant 0 : i32
      %dma_wait3A_639 = arith.constant 0 : i32
      %dma_wait3A_640 = arith.constant 0 : i32
      %dma_wait3A_641 = tpu.memref_slice %arg4[%dma_wait3A_638, %dma_wait3A_639, %dma_wait3A_640] : memref<8192x4x1024xf32, #tpu.memory_space<hbm>> -> memref<4x4x1024xf32, #tpu.memory_space<hbm>>
      %dma_wait3A_642 = arith.constant 0 : i32
      %dma_wait3A_643 = arith.constant 0 : i32
      %dma_wait3A_644 = arith.constant 0 : i32
      %dma_wait3A_645 = tpu.memref_slice %arg4[%dma_wait3A_642, %dma_wait3A_643, %dma_wait3A_644] : memref<8192x4x1024xf32, #tpu.memory_space<hbm>> -> memref<4x4x1024xf32, #tpu.memory_space<hbm>>
      tpu.wait_dma2 semaphore(%arg23 : memref<!tpu.dma_semaphore, #tpu.memory_space<semaphore_mem>>) src(%arg11 : memref<4x4x1024xf32, #tpu.memory_space<vmem>>) dst(%dma_wait3A_645 : memref<4x4x1024xf32, #tpu.memory_space<hbm>>)
      %add3A_646 = arith.constant 5 : i32
      %add3A_647 = arith.addi %add3A_608, %add3A_646 : i32
      %mul3A_648 = arith.constant 4 : i32
      %mul3A_649 = arith.muli %add3A_647, %mul3A_648 : i32
      %add3A_650 = arith.addi %mul3A_2, %mul3A_649 : i32
      %dma_start3A_651 = arith.constant 0 : i32
      %dma_start3A_652 = tpu.memref_slice %arg3[%add3A_650, %dma_start3A_651] : memref<8192x1024xf32, #tpu.memory_space<hbm>> -> memref<4x1024xf32, #tpu.memory_space<hbm>>
      %dma_start3A_653 = arith.constant 0 : i32
      %dma_start3A_654 = tpu.memref_slice %arg3[%add3A_650, %dma_start3A_653] : memref<8192x1024xf32, #tpu.memory_space<hbm>> -> memref<4x1024xf32, #tpu.memory_space<hbm>>
      tpu.enqueue_dma source(%dma_start3A_654 : memref<4x1024xf32, #tpu.memory_space<hbm>>) target(%arg5 : memref<4x1024xf32, #tpu.memory_space<vmem>>) target_semaphore(%arg17 : memref<!tpu.dma_semaphore, #tpu.memory_space<semaphore_mem>>)
      %dma_start3A_655 = arith.constant 0 : i32
      %dma_start3A_656 = arith.constant 0 : i32
      %dma_start3A_657 = tpu.memref_slice %arg2[%add3A_650, %dma_start3A_655, %dma_start3A_656] : memref<8192x4x1024xf32, #tpu.memory_space<hbm>> -> memref<4x4x1024xf32, #tpu.memory_space<hbm>>
      %dma_start3A_658 = arith.constant 0 : i32
      %dma_start3A_659 = arith.constant 0 : i32
      %dma_start3A_660 = tpu.memref_slice %arg2[%add3A_650, %dma_start3A_658, %dma_start3A_659] : memref<8192x4x1024xf32, #tpu.memory_space<hbm>> -> memref<4x4x1024xf32, #tpu.memory_space<hbm>>
      tpu.enqueue_dma source(%dma_start3A_660 : memref<4x4x1024xf32, #tpu.memory_space<hbm>>) target(%arg11 : memref<4x4x1024xf32, #tpu.memory_space<vmem>>) target_semaphore(%arg17 : memref<!tpu.dma_semaphore, #tpu.memory_space<semaphore_mem>>)
      %mul3A_661 = arith.constant 6 : i32
      %mul3A_662 = arith.muli %scan3A_486, %mul3A_661 : i32
      %add3A_663 = arith.constant 5 : i32
      %add3A_664 = arith.addi %add3A_663, %mul3A_662 : i32
      %add3A_665 = arith.constant 3 : i32
      %add3A_666 = arith.addi %add3A_664, %add3A_665 : i32
      %dma_wait3A_667 = arith.constant 0 : i32
      %dma_wait3A_668 = arith.constant 0 : i32
      %dma_wait3A_669 = tpu.memref_slice %arg3[%dma_wait3A_667, %dma_wait3A_668] : memref<8192x1024xf32, #tpu.memory_space<hbm>> -> memref<4x1024xf32, #tpu.memory_space<hbm>>
      %dma_wait3A_670 = arith.constant 0 : i32
      %dma_wait3A_671 = arith.constant 0 : i32
      %dma_wait3A_672 = tpu.memref_slice %arg3[%dma_wait3A_670, %dma_wait3A_671] : memref<8192x1024xf32, #tpu.memory_space<hbm>> -> memref<4x1024xf32, #tpu.memory_space<hbm>>
      tpu.wait_dma2 semaphore(%arg19 : memref<!tpu.dma_semaphore, #tpu.memory_space<semaphore_mem>>) src(%dma_wait3A_672 : memref<4x1024xf32, #tpu.memory_space<hbm>>) dst(%arg7 : memref<4x1024xf32, #tpu.memory_space<vmem>>)
      %dma_wait3A_673 = arith.constant 0 : i32
      %dma_wait3A_674 = arith.constant 0 : i32
      %dma_wait3A_675 = arith.constant 0 : i32
      %dma_wait3A_676 = tpu.memref_slice %arg2[%dma_wait3A_673, %dma_wait3A_674, %dma_wait3A_675] : memref<8192x4x1024xf32, #tpu.memory_space<hbm>> -> memref<4x4x1024xf32, #tpu.memory_space<hbm>>
      %dma_wait3A_677 = arith.constant 0 : i32
      %dma_wait3A_678 = arith.constant 0 : i32
      %dma_wait3A_679 = arith.constant 0 : i32
      %dma_wait3A_680 = tpu.memref_slice %arg2[%dma_wait3A_677, %dma_wait3A_678, %dma_wait3A_679] : memref<8192x4x1024xf32, #tpu.memory_space<hbm>> -> memref<4x4x1024xf32, #tpu.memory_space<hbm>>
      tpu.wait_dma2 semaphore(%arg19 : memref<!tpu.dma_semaphore, #tpu.memory_space<semaphore_mem>>) src(%dma_wait3A_680 : memref<4x4x1024xf32, #tpu.memory_space<hbm>>) dst(%arg13 : memref<4x4x1024xf32, #tpu.memory_space<vmem>>)
      %scan3A_681 = arith.constant 0 : i32
      %scan3A_682 = arith.constant 0 : i32
      %scan3A_683 = arith.constant 64 : i32
      %scan3A_684 = arith.addi %scan3A_682, %scan3A_683 : i32
      %scan3A_685 = arith.constant 1 : i32
      scf.for %scan3A_835 = %scan3A_682 to %scan3A_684 step %scan3A_685  : i32 {
        %shift_right_arithmetic3A = arith.constant 4 : i32
        %shift_right_arithmetic3A_836 = arith.shrsi %scan3A_835, %shift_right_arithmetic3A : i32
        %and3A = arith.constant 15 : i32
        %and3A_837 = arith.andi %scan3A_835, %and3A : i32
        %mul3A_838 = arith.constant 4 : i32
        %mul3A_839 = arith.muli %and3A_837, %mul3A_838 : i32
        %add3A_840 = arith.constant 0 : i32
        %add3A_841 = arith.addi %mul3A_839, %add3A_840 : i32
        %mul3A_842 = arith.constant 16 : i32
        %mul3A_843 = arith.muli %add3A_841, %mul3A_842 : i32
        %get3A = arith.index_cast %shift_right_arithmetic3A_836 : i32 to index
        %get3A_844 = arith.index_cast %mul3A_843 : i32 to index
        %get3A_845 = tpu.vector_load %arg7[%get3A, %get3A_844] {strides = array<i32>} : memref<4x1024xf32, #tpu.memory_space<vmem>>, vector<1x16xf32>,
        %get3A_846 = vector.shape_cast %get3A_845 : vector<1x16xf32> to vector<16xf32>
        %swap3A = arith.constant 0 : i32
        %swap3A_847 = arith.index_cast %shift_right_arithmetic3A_836 : i32 to index
        %swap3A_848 = arith.index_cast %swap3A : i32 to index
        %swap3A_849 = arith.index_cast %mul3A_843 : i32 to index
        %swap3A_850 = tpu.vector_load %arg13[%swap3A_847, %swap3A_848, %swap3A_849] {strides = array<i32>} : memref<4x4x1024xf32, #tpu.memory_space<vmem>>, vector<1x1x16xf32>,
        %swap3A_851 = vector.shape_cast %swap3A_850 : vector<1x1x16xf32> to vector<16xf32>
        %swap3A_852 = vector.shape_cast %get3A_846 : vector<16xf32> to vector<1x1x16xf32>
        tpu.vector_store %arg13[%swap3A_847, %swap3A_848, %swap3A_849], %swap3A_852 {add = true, strides = array<i32>} : memref<4x4x1024xf32, #tpu.memory_space<vmem>>, vector<1x1x16xf32>,
        %swap3A_853 = arith.constant 1 : i32
        %swap3A_854 = arith.index_cast %shift_right_arithmetic3A_836 : i32 to index
        %swap3A_855 = arith.index_cast %swap3A_853 : i32 to index
        %swap3A_856 = arith.index_cast %mul3A_843 : i32 to index
        %swap3A_857 = tpu.vector_load %arg13[%swap3A_854, %swap3A_855, %swap3A_856] {strides = array<i32>} : memref<4x4x1024xf32, #tpu.memory_space<vmem>>, vector<1x1x16xf32>,
        %swap3A_858 = vector.shape_cast %swap3A_857 : vector<1x1x16xf32> to vector<16xf32>
        %swap3A_859 = vector.shape_cast %get3A_846 : vector<16xf32> to vector<1x1x16xf32>
        tpu.vector_store %arg13[%swap3A_854, %swap3A_855, %swap3A_856], %swap3A_859 {add = true, strides = array<i32>} : memref<4x4x1024xf32, #tpu.memory_space<vmem>>, vector<1x1x16xf32>,
        %swap3A_860 = arith.constant 2 : i32
        %swap3A_861 = arith.index_cast %shift_right_arithmetic3A_836 : i32 to index
        %swap3A_862 = arith.index_cast %swap3A_860 : i32 to index
        %swap3A_863 = arith.index_cast %mul3A_843 : i32 to index
        %swap3A_864 = tpu.vector_load %arg13[%swap3A_861, %swap3A_862, %swap3A_863] {strides = array<i32>} : memref<4x4x1024xf32, #tpu.memory_space<vmem>>, vector<1x1x16xf32>,
        %swap3A_865 = vector.shape_cast %swap3A_864 : vector<1x1x16xf32> to vector<16xf32>
        %swap3A_866 = vector.shape_cast %get3A_846 : vector<16xf32> to vector<1x1x16xf32>
        tpu.vector_store %arg13[%swap3A_861, %swap3A_862, %swap3A_863], %swap3A_866 {add = true, strides = array<i32>} : memref<4x4x1024xf32, #tpu.memory_space<vmem>>, vector<1x1x16xf32>,
        %swap3A_867 = arith.constant 3 : i32
        %swap3A_868 = arith.index_cast %shift_right_arithmetic3A_836 : i32 to index
        %swap3A_869 = arith.index_cast %swap3A_867 : i32 to index
        %swap3A_870 = arith.index_cast %mul3A_843 : i32 to index
        %swap3A_871 = tpu.vector_load %arg13[%swap3A_868, %swap3A_869, %swap3A_870] {strides = array<i32>} : memref<4x4x1024xf32, #tpu.memory_space<vmem>>, vector<1x1x16xf32>,
        %swap3A_872 = vector.shape_cast %swap3A_871 : vector<1x1x16xf32> to vector<16xf32>
        %swap3A_873 = vector.shape_cast %get3A_846 : vector<16xf32> to vector<1x1x16xf32>
        tpu.vector_store %arg13[%swap3A_868, %swap3A_869, %swap3A_870], %swap3A_873 {add = true, strides = array<i32>} : memref<4x4x1024xf32, #tpu.memory_space<vmem>>, vector<1x1x16xf32>,
        %mul3A_874 = arith.constant 4 : i32
        %mul3A_875 = arith.muli %and3A_837, %mul3A_874 : i32
        %add3A_876 = arith.constant 1 : i32
        %add3A_877 = arith.addi %mul3A_875, %add3A_876 : i32
        %mul3A_878 = arith.constant 16 : i32
        %mul3A_879 = arith.muli %add3A_877, %mul3A_878 : i32
        %get3A_880 = arith.index_cast %shift_right_arithmetic3A_836 : i32 to index
        %get3A_881 = arith.index_cast %mul3A_879 : i32 to index
        %get3A_882 = tpu.vector_load %arg7[%get3A_880, %get3A_881] {strides = array<i32>} : memref<4x1024xf32, #tpu.memory_space<vmem>>, vector<1x16xf32>,
        %get3A_883 = vector.shape_cast %get3A_882 : vector<1x16xf32> to vector<16xf32>
        %swap3A_884 = arith.constant 0 : i32
        %swap3A_885 = arith.index_cast %shift_right_arithmetic3A_836 : i32 to index
        %swap3A_886 = arith.index_cast %swap3A_884 : i32 to index
        %swap3A_887 = arith.index_cast %mul3A_879 : i32 to index
        %swap3A_888 = tpu.vector_load %arg13[%swap3A_885, %swap3A_886, %swap3A_887] {strides = array<i32>} : memref<4x4x1024xf32, #tpu.memory_space<vmem>>, vector<1x1x16xf32>,
        %swap3A_889 = vector.shape_cast %swap3A_888 : vector<1x1x16xf32> to vector<16xf32>
        %swap3A_890 = vector.shape_cast %get3A_883 : vector<16xf32> to vector<1x1x16xf32>
        tpu.vector_store %arg13[%swap3A_885, %swap3A_886, %swap3A_887], %swap3A_890 {add = true, strides = array<i32>} : memref<4x4x1024xf32, #tpu.memory_space<vmem>>, vector<1x1x16xf32>,
        %swap3A_891 = arith.constant 1 : i32
        %swap3A_892 = arith.index_cast %shift_right_arithmetic3A_836 : i32 to index
        %swap3A_893 = arith.index_cast %swap3A_891 : i32 to index
        %swap3A_894 = arith.index_cast %mul3A_879 : i32 to index
        %swap3A_895 = tpu.vector_load %arg13[%swap3A_892, %swap3A_893, %swap3A_894] {strides = array<i32>} : memref<4x4x1024xf32, #tpu.memory_space<vmem>>, vector<1x1x16xf32>,
        %swap3A_896 = vector.shape_cast %swap3A_895 : vector<1x1x16xf32> to vector<16xf32>
        %swap3A_897 = vector.shape_cast %get3A_883 : vector<16xf32> to vector<1x1x16xf32>
        tpu.vector_store %arg13[%swap3A_892, %swap3A_893, %swap3A_894], %swap3A_897 {add = true, strides = array<i32>} : memref<4x4x1024xf32, #tpu.memory_space<vmem>>, vector<1x1x16xf32>,
        %swap3A_898 = arith.constant 2 : i32
        %swap3A_899 = arith.index_cast %shift_right_arithmetic3A_836 : i32 to index
        %swap3A_900 = arith.index_cast %swap3A_898 : i32 to index
        %swap3A_901 = arith.index_cast %mul3A_879 : i32 to index
        %swap3A_902 = tpu.vector_load %arg13[%swap3A_899, %swap3A_900, %swap3A_901] {strides = array<i32>} : memref<4x4x1024xf32, #tpu.memory_space<vmem>>, vector<1x1x16xf32>,
        %swap3A_903 = vector.shape_cast %swap3A_902 : vector<1x1x16xf32> to vector<16xf32>
        %swap3A_904 = vector.shape_cast %get3A_883 : vector<16xf32> to vector<1x1x16xf32>
        tpu.vector_store %arg13[%swap3A_899, %swap3A_900, %swap3A_901], %swap3A_904 {add = true, strides = array<i32>} : memref<4x4x1024xf32, #tpu.memory_space<vmem>>, vector<1x1x16xf32>,
        %swap3A_905 = arith.constant 3 : i32
        %swap3A_906 = arith.index_cast %shift_right_arithmetic3A_836 : i32 to index
        %swap3A_907 = arith.index_cast %swap3A_905 : i32 to index
        %swap3A_908 = arith.index_cast %mul3A_879 : i32 to index
        %swap3A_909 = tpu.vector_load %arg13[%swap3A_906, %swap3A_907, %swap3A_908] {strides = array<i32>} : memref<4x4x1024xf32, #tpu.memory_space<vmem>>, vector<1x1x16xf32>,
        %swap3A_910 = vector.shape_cast %swap3A_909 : vector<1x1x16xf32> to vector<16xf32>
        %swap3A_911 = vector.shape_cast %get3A_883 : vector<16xf32> to vector<1x1x16xf32>
        tpu.vector_store %arg13[%swap3A_906, %swap3A_907, %swap3A_908], %swap3A_911 {add = true, strides = array<i32>} : memref<4x4x1024xf32, #tpu.memory_space<vmem>>, vector<1x1x16xf32>,
        %mul3A_912 = arith.constant 4 : i32
        %mul3A_913 = arith.muli %and3A_837, %mul3A_912 : i32
        %add3A_914 = arith.constant 2 : i32
        %add3A_915 = arith.addi %mul3A_913, %add3A_914 : i32
        %mul3A_916 = arith.constant 16 : i32
        %mul3A_917 = arith.muli %add3A_915, %mul3A_916 : i32
        %get3A_918 = arith.index_cast %shift_right_arithmetic3A_836 : i32 to index
        %get3A_919 = arith.index_cast %mul3A_917 : i32 to index
        %get3A_920 = tpu.vector_load %arg7[%get3A_918, %get3A_919] {strides = array<i32>} : memref<4x1024xf32, #tpu.memory_space<vmem>>, vector<1x16xf32>,
        %get3A_921 = vector.shape_cast %get3A_920 : vector<1x16xf32> to vector<16xf32>
        %swap3A_922 = arith.constant 0 : i32
        %swap3A_923 = arith.index_cast %shift_right_arithmetic3A_836 : i32 to index
        %swap3A_924 = arith.index_cast %swap3A_922 : i32 to index
        %swap3A_925 = arith.index_cast %mul3A_917 : i32 to index
        %swap3A_926 = tpu.vector_load %arg13[%swap3A_923, %swap3A_924, %swap3A_925] {strides = array<i32>} : memref<4x4x1024xf32, #tpu.memory_space<vmem>>, vector<1x1x16xf32>,
        %swap3A_927 = vector.shape_cast %swap3A_926 : vector<1x1x16xf32> to vector<16xf32>
        %swap3A_928 = vector.shape_cast %get3A_921 : vector<16xf32> to vector<1x1x16xf32>
        tpu.vector_store %arg13[%swap3A_923, %swap3A_924, %swap3A_925], %swap3A_928 {add = true, strides = array<i32>} : memref<4x4x1024xf32, #tpu.memory_space<vmem>>, vector<1x1x16xf32>,
        %swap3A_929 = arith.constant 1 : i32
        %swap3A_930 = arith.index_cast %shift_right_arithmetic3A_836 : i32 to index
        %swap3A_931 = arith.index_cast %swap3A_929 : i32 to index
        %swap3A_932 = arith.index_cast %mul3A_917 : i32 to index
        %swap3A_933 = tpu.vector_load %arg13[%swap3A_930, %swap3A_931, %swap3A_932] {strides = array<i32>} : memref<4x4x1024xf32, #tpu.memory_space<vmem>>, vector<1x1x16xf32>,
        %swap3A_934 = vector.shape_cast %swap3A_933 : vector<1x1x16xf32> to vector<16xf32>
        %swap3A_935 = vector.shape_cast %get3A_921 : vector<16xf32> to vector<1x1x16xf32>
        tpu.vector_store %arg13[%swap3A_930, %swap3A_931, %swap3A_932], %swap3A_935 {add = true, strides = array<i32>} : memref<4x4x1024xf32, #tpu.memory_space<vmem>>, vector<1x1x16xf32>,
        %swap3A_936 = arith.constant 2 : i32
        %swap3A_937 = arith.index_cast %shift_right_arithmetic3A_836 : i32 to index
        %swap3A_938 = arith.index_cast %swap3A_936 : i32 to index
        %swap3A_939 = arith.index_cast %mul3A_917 : i32 to index
        %swap3A_940 = tpu.vector_load %arg13[%swap3A_937, %swap3A_938, %swap3A_939] {strides = array<i32>} : memref<4x4x1024xf32, #tpu.memory_space<vmem>>, vector<1x1x16xf32>,
        %swap3A_941 = vector.shape_cast %swap3A_940 : vector<1x1x16xf32> to vector<16xf32>
        %swap3A_942 = vector.shape_cast %get3A_921 : vector<16xf32> to vector<1x1x16xf32>
        tpu.vector_store %arg13[%swap3A_937, %swap3A_938, %swap3A_939], %swap3A_942 {add = true, strides = array<i32>} : memref<4x4x1024xf32, #tpu.memory_space<vmem>>, vector<1x1x16xf32>,
        %swap3A_943 = arith.constant 3 : i32
        %swap3A_944 = arith.index_cast %shift_right_arithmetic3A_836 : i32 to index
        %swap3A_945 = arith.index_cast %swap3A_943 : i32 to index
        %swap3A_946 = arith.index_cast %mul3A_917 : i32 to index
        %swap3A_947 = tpu.vector_load %arg13[%swap3A_944, %swap3A_945, %swap3A_946] {strides = array<i32>} : memref<4x4x1024xf32, #tpu.memory_space<vmem>>, vector<1x1x16xf32>,
        %swap3A_948 = vector.shape_cast %swap3A_947 : vector<1x1x16xf32> to vector<16xf32>
        %swap3A_949 = vector.shape_cast %get3A_921 : vector<16xf32> to vector<1x1x16xf32>
        tpu.vector_store %arg13[%swap3A_944, %swap3A_945, %swap3A_946], %swap3A_949 {add = true, strides = array<i32>} : memref<4x4x1024xf32, #tpu.memory_space<vmem>>, vector<1x1x16xf32>,
        %mul3A_950 = arith.constant 4 : i32
        %mul3A_951 = arith.muli %and3A_837, %mul3A_950 : i32
        %add3A_952 = arith.constant 3 : i32
        %add3A_953 = arith.addi %mul3A_951, %add3A_952 : i32
        %mul3A_954 = arith.constant 16 : i32
        %mul3A_955 = arith.muli %add3A_953, %mul3A_954 : i32
        %get3A_956 = arith.index_cast %shift_right_arithmetic3A_836 : i32 to index
        %get3A_957 = arith.index_cast %mul3A_955 : i32 to index
        %get3A_958 = tpu.vector_load %arg7[%get3A_956, %get3A_957] {strides = array<i32>} : memref<4x1024xf32, #tpu.memory_space<vmem>>, vector<1x16xf32>,
        %get3A_959 = vector.shape_cast %get3A_958 : vector<1x16xf32> to vector<16xf32>
        %swap3A_960 = arith.constant 0 : i32
        %swap3A_961 = arith.index_cast %shift_right_arithmetic3A_836 : i32 to index
        %swap3A_962 = arith.index_cast %swap3A_960 : i32 to index
        %swap3A_963 = arith.index_cast %mul3A_955 : i32 to index
        %swap3A_964 = tpu.vector_load %arg13[%swap3A_961, %swap3A_962, %swap3A_963] {strides = array<i32>} : memref<4x4x1024xf32, #tpu.memory_space<vmem>>, vector<1x1x16xf32>,
        %swap3A_965 = vector.shape_cast %swap3A_964 : vector<1x1x16xf32> to vector<16xf32>
        %swap3A_966 = vector.shape_cast %get3A_959 : vector<16xf32> to vector<1x1x16xf32>
        tpu.vector_store %arg13[%swap3A_961, %swap3A_962, %swap3A_963], %swap3A_966 {add = true, strides = array<i32>} : memref<4x4x1024xf32, #tpu.memory_space<vmem>>, vector<1x1x16xf32>,
        %swap3A_967 = arith.constant 1 : i32
        %swap3A_968 = arith.index_cast %shift_right_arithmetic3A_836 : i32 to index
        %swap3A_969 = arith.index_cast %swap3A_967 : i32 to index
        %swap3A_970 = arith.index_cast %mul3A_955 : i32 to index
        %swap3A_971 = tpu.vector_load %arg13[%swap3A_968, %swap3A_969, %swap3A_970] {strides = array<i32>} : memref<4x4x1024xf32, #tpu.memory_space<vmem>>, vector<1x1x16xf32>,
        %swap3A_972 = vector.shape_cast %swap3A_971 : vector<1x1x16xf32> to vector<16xf32>
        %swap3A_973 = vector.shape_cast %get3A_959 : vector<16xf32> to vector<1x1x16xf32>
        tpu.vector_store %arg13[%swap3A_968, %swap3A_969, %swap3A_970], %swap3A_973 {add = true, strides = array<i32>} : memref<4x4x1024xf32, #tpu.memory_space<vmem>>, vector<1x1x16xf32>,
        %swap3A_974 = arith.constant 2 : i32
        %swap3A_975 = arith.index_cast %shift_right_arithmetic3A_836 : i32 to index
        %swap3A_976 = arith.index_cast %swap3A_974 : i32 to index
        %swap3A_977 = arith.index_cast %mul3A_955 : i32 to index
        %swap3A_978 = tpu.vector_load %arg13[%swap3A_975, %swap3A_976, %swap3A_977] {strides = array<i32>} : memref<4x4x1024xf32, #tpu.memory_space<vmem>>, vector<1x1x16xf32>,
        %swap3A_979 = vector.shape_cast %swap3A_978 : vector<1x1x16xf32> to vector<16xf32>
        %swap3A_980 = vector.shape_cast %get3A_959 : vector<16xf32> to vector<1x1x16xf32>
        tpu.vector_store %arg13[%swap3A_975, %swap3A_976, %swap3A_977], %swap3A_980 {add = true, strides = array<i32>} : memref<4x4x1024xf32, #tpu.memory_space<vmem>>, vector<1x1x16xf32>,
        %swap3A_981 = arith.constant 3 : i32
        %swap3A_982 = arith.index_cast %shift_right_arithmetic3A_836 : i32 to index
        %swap3A_983 = arith.index_cast %swap3A_981 : i32 to index
        %swap3A_984 = arith.index_cast %mul3A_955 : i32 to index
        %swap3A_985 = tpu.vector_load %arg13[%swap3A_982, %swap3A_983, %swap3A_984] {strides = array<i32>} : memref<4x4x1024xf32, #tpu.memory_space<vmem>>, vector<1x1x16xf32>,
        %swap3A_986 = vector.shape_cast %swap3A_985 : vector<1x1x16xf32> to vector<16xf32>
        %swap3A_987 = vector.shape_cast %get3A_959 : vector<16xf32> to vector<1x1x16xf32>
        tpu.vector_store %arg13[%swap3A_982, %swap3A_983, %swap3A_984], %swap3A_987 {add = true, strides = array<i32>} : memref<4x4x1024xf32, #tpu.memory_space<vmem>>, vector<1x1x16xf32>,
      }
      %scan3A_686 = arith.constant 64 : i32
      %mul3A_687 = arith.constant 4 : i32
      %mul3A_688 = arith.muli %add3A_666, %mul3A_687 : i32
      %add3A_689 = arith.addi %mul3A_2, %mul3A_688 : i32
      %dma_start3A_690 = arith.constant 0 : i32
      %dma_start3A_691 = arith.constant 0 : i32
      %dma_start3A_692 = tpu.memref_slice %arg4[%add3A_689, %dma_start3A_690, %dma_start3A_691] : memref<8192x4x1024xf32, #tpu.memory_space<hbm>> -> memref<4x4x1024xf32, #tpu.memory_space<hbm>>
      %dma_start3A_693 = arith.constant 0 : i32
      %dma_start3A_694 = arith.constant 0 : i32
      %dma_start3A_695 = tpu.memref_slice %arg4[%add3A_689, %dma_start3A_693, %dma_start3A_694] : memref<8192x4x1024xf32, #tpu.memory_space<hbm>> -> memref<4x4x1024xf32, #tpu.memory_space<hbm>>
      tpu.enqueue_dma source(%arg13 : memref<4x4x1024xf32, #tpu.memory_space<vmem>>) target(%dma_start3A_695 : memref<4x4x1024xf32, #tpu.memory_space<hbm>>) target_semaphore(%arg25 : memref<!tpu.dma_semaphore, #tpu.memory_space<semaphore_mem>>)
      %dma_wait3A_696 = arith.constant 0 : i32
      %dma_wait3A_697 = arith.constant 0 : i32
      %dma_wait3A_698 = arith.constant 0 : i32
      %dma_wait3A_699 = tpu.memref_slice %arg4[%dma_wait3A_696, %dma_wait3A_697, %dma_wait3A_698] : memref<8192x4x1024xf32, #tpu.memory_space<hbm>> -> memref<4x4x1024xf32, #tpu.memory_space<hbm>>
      %dma_wait3A_700 = arith.constant 0 : i32
      %dma_wait3A_701 = arith.constant 0 : i32
      %dma_wait3A_702 = arith.constant 0 : i32
      %dma_wait3A_703 = tpu.memref_slice %arg4[%dma_wait3A_700, %dma_wait3A_701, %dma_wait3A_702] : memref<8192x4x1024xf32, #tpu.memory_space<hbm>> -> memref<4x4x1024xf32, #tpu.memory_space<hbm>>
      tpu.wait_dma2 semaphore(%arg24 : memref<!tpu.dma_semaphore, #tpu.memory_space<semaphore_mem>>) src(%arg12 : memref<4x4x1024xf32, #tpu.memory_space<vmem>>) dst(%dma_wait3A_703 : memref<4x4x1024xf32, #tpu.memory_space<hbm>>)
      %add3A_704 = arith.constant 5 : i32
      %add3A_705 = arith.addi %add3A_666, %add3A_704 : i32
      %mul3A_706 = arith.constant 4 : i32
      %mul3A_707 = arith.muli %add3A_705, %mul3A_706 : i32
      %add3A_708 = arith.addi %mul3A_2, %mul3A_707 : i32
      %dma_start3A_709 = arith.constant 0 : i32
      %dma_start3A_710 = tpu.memref_slice %arg3[%add3A_708, %dma_start3A_709] : memref<8192x1024xf32, #tpu.memory_space<hbm>> -> memref<4x1024xf32, #tpu.memory_space<hbm>>
      %dma_start3A_711 = arith.constant 0 : i32
      %dma_start3A_712 = tpu.memref_slice %arg3[%add3A_708, %dma_start3A_711] : memref<8192x1024xf32, #tpu.memory_space<hbm>> -> memref<4x1024xf32, #tpu.memory_space<hbm>>
      tpu.enqueue_dma source(%dma_start3A_712 : memref<4x1024xf32, #tpu.memory_space<hbm>>) target(%arg6 : memref<4x1024xf32, #tpu.memory_space<vmem>>) target_semaphore(%arg18 : memref<!tpu.dma_semaphore, #tpu.memory_space<semaphore_mem>>)
      %dma_start3A_713 = arith.constant 0 : i32
      %dma_start3A_714 = arith.constant 0 : i32
      %dma_start3A_715 = tpu.memref_slice %arg2[%add3A_708, %dma_start3A_713, %dma_start3A_714] : memref<8192x4x1024xf32, #tpu.memory_space<hbm>> -> memref<4x4x1024xf32, #tpu.memory_space<hbm>>
      %dma_start3A_716 = arith.constant 0 : i32
      %dma_start3A_717 = arith.constant 0 : i32
      %dma_start3A_718 = tpu.memref_slice %arg2[%add3A_708, %dma_start3A_716, %dma_start3A_717] : memref<8192x4x1024xf32, #tpu.memory_space<hbm>> -> memref<4x4x1024xf32, #tpu.memory_space<hbm>>
      tpu.enqueue_dma source(%dma_start3A_718 : memref<4x4x1024xf32, #tpu.memory_space<hbm>>) target(%arg12 : memref<4x4x1024xf32, #tpu.memory_space<vmem>>) target_semaphore(%arg18 : memref<!tpu.dma_semaphore, #tpu.memory_space<semaphore_mem>>)
      %mul3A_719 = arith.constant 6 : i32
      %mul3A_720 = arith.muli %scan3A_486, %mul3A_719 : i32
      %add3A_721 = arith.constant 5 : i32
      %add3A_722 = arith.addi %add3A_721, %mul3A_720 : i32
      %add3A_723 = arith.constant 4 : i32
      %add3A_724 = arith.addi %add3A_722, %add3A_723 : i32
      %dma_wait3A_725 = arith.constant 0 : i32
      %dma_wait3A_726 = arith.constant 0 : i32
      %dma_wait3A_727 = tpu.memref_slice %arg3[%dma_wait3A_725, %dma_wait3A_726] : memref<8192x1024xf32, #tpu.memory_space<hbm>> -> memref<4x1024xf32, #tpu.memory_space<hbm>>
      %dma_wait3A_728 = arith.constant 0 : i32
      %dma_wait3A_729 = arith.constant 0 : i32
      %dma_wait3A_730 = tpu.memref_slice %arg3[%dma_wait3A_728, %dma_wait3A_729] : memref<8192x1024xf32, #tpu.memory_space<hbm>> -> memref<4x1024xf32, #tpu.memory_space<hbm>>
      tpu.wait_dma2 semaphore(%arg20 : memref<!tpu.dma_semaphore, #tpu.memory_space<semaphore_mem>>) src(%dma_wait3A_730 : memref<4x1024xf32, #tpu.memory_space<hbm>>) dst(%arg8 : memref<4x1024xf32, #tpu.memory_space<vmem>>)
      %dma_wait3A_731 = arith.constant 0 : i32
      %dma_wait3A_732 = arith.constant 0 : i32
      %dma_wait3A_733 = arith.constant 0 : i32
      %dma_wait3A_734 = tpu.memref_slice %arg2[%dma_wait3A_731, %dma_wait3A_732, %dma_wait3A_733] : memref<8192x4x1024xf32, #tpu.memory_space<hbm>> -> memref<4x4x1024xf32, #tpu.memory_space<hbm>>
      %dma_wait3A_735 = arith.constant 0 : i32
      %dma_wait3A_736 = arith.constant 0 : i32
      %dma_wait3A_737 = arith.constant 0 : i32
      %dma_wait3A_738 = tpu.memref_slice %arg2[%dma_wait3A_735, %dma_wait3A_736, %dma_wait3A_737] : memref<8192x4x1024xf32, #tpu.memory_space<hbm>> -> memref<4x4x1024xf32, #tpu.memory_space<hbm>>
      tpu.wait_dma2 semaphore(%arg20 : memref<!tpu.dma_semaphore, #tpu.memory_space<semaphore_mem>>) src(%dma_wait3A_738 : memref<4x4x1024xf32, #tpu.memory_space<hbm>>) dst(%arg14 : memref<4x4x1024xf32, #tpu.memory_space<vmem>>)
      %scan3A_739 = arith.constant 0 : i32
      %scan3A_740 = arith.constant 0 : i32
      %scan3A_741 = arith.constant 64 : i32
      %scan3A_742 = arith.addi %scan3A_740, %scan3A_741 : i32
      %scan3A_743 = arith.constant 1 : i32
      scf.for %scan3A_835 = %scan3A_740 to %scan3A_742 step %scan3A_743  : i32 {
        %shift_right_arithmetic3A = arith.constant 4 : i32
        %shift_right_arithmetic3A_836 = arith.shrsi %scan3A_835, %shift_right_arithmetic3A : i32
        %and3A = arith.constant 15 : i32
        %and3A_837 = arith.andi %scan3A_835, %and3A : i32
        %mul3A_838 = arith.constant 4 : i32
        %mul3A_839 = arith.muli %and3A_837, %mul3A_838 : i32
        %add3A_840 = arith.constant 0 : i32
        %add3A_841 = arith.addi %mul3A_839, %add3A_840 : i32
        %mul3A_842 = arith.constant 16 : i32
        %mul3A_843 = arith.muli %add3A_841, %mul3A_842 : i32
        %get3A = arith.index_cast %shift_right_arithmetic3A_836 : i32 to index
        %get3A_844 = arith.index_cast %mul3A_843 : i32 to index
        %get3A_845 = tpu.vector_load %arg8[%get3A, %get3A_844] {strides = array<i32>} : memref<4x1024xf32, #tpu.memory_space<vmem>>, vector<1x16xf32>,
        %get3A_846 = vector.shape_cast %get3A_845 : vector<1x16xf32> to vector<16xf32>
        %swap3A = arith.constant 0 : i32
        %swap3A_847 = arith.index_cast %shift_right_arithmetic3A_836 : i32 to index
        %swap3A_848 = arith.index_cast %swap3A : i32 to index
        %swap3A_849 = arith.index_cast %mul3A_843 : i32 to index
        %swap3A_850 = tpu.vector_load %arg14[%swap3A_847, %swap3A_848, %swap3A_849] {strides = array<i32>} : memref<4x4x1024xf32, #tpu.memory_space<vmem>>, vector<1x1x16xf32>,
        %swap3A_851 = vector.shape_cast %swap3A_850 : vector<1x1x16xf32> to vector<16xf32>
        %swap3A_852 = vector.shape_cast %get3A_846 : vector<16xf32> to vector<1x1x16xf32>
        tpu.vector_store %arg14[%swap3A_847, %swap3A_848, %swap3A_849], %swap3A_852 {add = true, strides = array<i32>} : memref<4x4x1024xf32, #tpu.memory_space<vmem>>, vector<1x1x16xf32>,
        %swap3A_853 = arith.constant 1 : i32
        %swap3A_854 = arith.index_cast %shift_right_arithmetic3A_836 : i32 to index
        %swap3A_855 = arith.index_cast %swap3A_853 : i32 to index
        %swap3A_856 = arith.index_cast %mul3A_843 : i32 to index
        %swap3A_857 = tpu.vector_load %arg14[%swap3A_854, %swap3A_855, %swap3A_856] {strides = array<i32>} : memref<4x4x1024xf32, #tpu.memory_space<vmem>>, vector<1x1x16xf32>,
        %swap3A_858 = vector.shape_cast %swap3A_857 : vector<1x1x16xf32> to vector<16xf32>
        %swap3A_859 = vector.shape_cast %get3A_846 : vector<16xf32> to vector<1x1x16xf32>
        tpu.vector_store %arg14[%swap3A_854, %swap3A_855, %swap3A_856], %swap3A_859 {add = true, strides = array<i32>} : memref<4x4x1024xf32, #tpu.memory_space<vmem>>, vector<1x1x16xf32>,
        %swap3A_860 = arith.constant 2 : i32
        %swap3A_861 = arith.index_cast %shift_right_arithmetic3A_836 : i32 to index
        %swap3A_862 = arith.index_cast %swap3A_860 : i32 to index
        %swap3A_863 = arith.index_cast %mul3A_843 : i32 to index
        %swap3A_864 = tpu.vector_load %arg14[%swap3A_861, %swap3A_862, %swap3A_863] {strides = array<i32>} : memref<4x4x1024xf32, #tpu.memory_space<vmem>>, vector<1x1x16xf32>,
        %swap3A_865 = vector.shape_cast %swap3A_864 : vector<1x1x16xf32> to vector<16xf32>
        %swap3A_866 = vector.shape_cast %get3A_846 : vector<16xf32> to vector<1x1x16xf32>
        tpu.vector_store %arg14[%swap3A_861, %swap3A_862, %swap3A_863], %swap3A_866 {add = true, strides = array<i32>} : memref<4x4x1024xf32, #tpu.memory_space<vmem>>, vector<1x1x16xf32>,
        %swap3A_867 = arith.constant 3 : i32
        %swap3A_868 = arith.index_cast %shift_right_arithmetic3A_836 : i32 to index
        %swap3A_869 = arith.index_cast %swap3A_867 : i32 to index
        %swap3A_870 = arith.index_cast %mul3A_843 : i32 to index
        %swap3A_871 = tpu.vector_load %arg14[%swap3A_868, %swap3A_869, %swap3A_870] {strides = array<i32>} : memref<4x4x1024xf32, #tpu.memory_space<vmem>>, vector<1x1x16xf32>,
        %swap3A_872 = vector.shape_cast %swap3A_871 : vector<1x1x16xf32> to vector<16xf32>
        %swap3A_873 = vector.shape_cast %get3A_846 : vector<16xf32> to vector<1x1x16xf32>
        tpu.vector_store %arg14[%swap3A_868, %swap3A_869, %swap3A_870], %swap3A_873 {add = true, strides = array<i32>} : memref<4x4x1024xf32, #tpu.memory_space<vmem>>, vector<1x1x16xf32>,
        %mul3A_874 = arith.constant 4 : i32
        %mul3A_875 = arith.muli %and3A_837, %mul3A_874 : i32
        %add3A_876 = arith.constant 1 : i32
        %add3A_877 = arith.addi %mul3A_875, %add3A_876 : i32
        %mul3A_878 = arith.constant 16 : i32
        %mul3A_879 = arith.muli %add3A_877, %mul3A_878 : i32
        %get3A_880 = arith.index_cast %shift_right_arithmetic3A_836 : i32 to index
        %get3A_881 = arith.index_cast %mul3A_879 : i32 to index
        %get3A_882 = tpu.vector_load %arg8[%get3A_880, %get3A_881] {strides = array<i32>} : memref<4x1024xf32, #tpu.memory_space<vmem>>, vector<1x16xf32>,
        %get3A_883 = vector.shape_cast %get3A_882 : vector<1x16xf32> to vector<16xf32>
        %swap3A_884 = arith.constant 0 : i32
        %swap3A_885 = arith.index_cast %shift_right_arithmetic3A_836 : i32 to index
        %swap3A_886 = arith.index_cast %swap3A_884 : i32 to index
        %swap3A_887 = arith.index_cast %mul3A_879 : i32 to index
        %swap3A_888 = tpu.vector_load %arg14[%swap3A_885, %swap3A_886, %swap3A_887] {strides = array<i32>} : memref<4x4x1024xf32, #tpu.memory_space<vmem>>, vector<1x1x16xf32>,
        %swap3A_889 = vector.shape_cast %swap3A_888 : vector<1x1x16xf32> to vector<16xf32>
        %swap3A_890 = vector.shape_cast %get3A_883 : vector<16xf32> to vector<1x1x16xf32>
        tpu.vector_store %arg14[%swap3A_885, %swap3A_886, %swap3A_887], %swap3A_890 {add = true, strides = array<i32>} : memref<4x4x1024xf32, #tpu.memory_space<vmem>>, vector<1x1x16xf32>,
        %swap3A_891 = arith.constant 1 : i32
        %swap3A_892 = arith.index_cast %shift_right_arithmetic3A_836 : i32 to index
        %swap3A_893 = arith.index_cast %swap3A_891 : i32 to index
        %swap3A_894 = arith.index_cast %mul3A_879 : i32 to index
        %swap3A_895 = tpu.vector_load %arg14[%swap3A_892, %swap3A_893, %swap3A_894] {strides = array<i32>} : memref<4x4x1024xf32, #tpu.memory_space<vmem>>, vector<1x1x16xf32>,
        %swap3A_896 = vector.shape_cast %swap3A_895 : vector<1x1x16xf32> to vector<16xf32>
        %swap3A_897 = vector.shape_cast %get3A_883 : vector<16xf32> to vector<1x1x16xf32>
        tpu.vector_store %arg14[%swap3A_892, %swap3A_893, %swap3A_894], %swap3A_897 {add = true, strides = array<i32>} : memref<4x4x1024xf32, #tpu.memory_space<vmem>>, vector<1x1x16xf32>,
        %swap3A_898 = arith.constant 2 : i32
        %swap3A_899 = arith.index_cast %shift_right_arithmetic3A_836 : i32 to index
        %swap3A_900 = arith.index_cast %swap3A_898 : i32 to index
        %swap3A_901 = arith.index_cast %mul3A_879 : i32 to index
        %swap3A_902 = tpu.vector_load %arg14[%swap3A_899, %swap3A_900, %swap3A_901] {strides = array<i32>} : memref<4x4x1024xf32, #tpu.memory_space<vmem>>, vector<1x1x16xf32>,
        %swap3A_903 = vector.shape_cast %swap3A_902 : vector<1x1x16xf32> to vector<16xf32>
        %swap3A_904 = vector.shape_cast %get3A_883 : vector<16xf32> to vector<1x1x16xf32>
        tpu.vector_store %arg14[%swap3A_899, %swap3A_900, %swap3A_901], %swap3A_904 {add = true, strides = array<i32>} : memref<4x4x1024xf32, #tpu.memory_space<vmem>>, vector<1x1x16xf32>,
        %swap3A_905 = arith.constant 3 : i32
        %swap3A_906 = arith.index_cast %shift_right_arithmetic3A_836 : i32 to index
        %swap3A_907 = arith.index_cast %swap3A_905 : i32 to index
        %swap3A_908 = arith.index_cast %mul3A_879 : i32 to index
        %swap3A_909 = tpu.vector_load %arg14[%swap3A_906, %swap3A_907, %swap3A_908] {strides = array<i32>} : memref<4x4x1024xf32, #tpu.memory_space<vmem>>, vector<1x1x16xf32>,
        %swap3A_910 = vector.shape_cast %swap3A_909 : vector<1x1x16xf32> to vector<16xf32>
        %swap3A_911 = vector.shape_cast %get3A_883 : vector<16xf32> to vector<1x1x16xf32>
        tpu.vector_store %arg14[%swap3A_906, %swap3A_907, %swap3A_908], %swap3A_911 {add = true, strides = array<i32>} : memref<4x4x1024xf32, #tpu.memory_space<vmem>>, vector<1x1x16xf32>,
        %mul3A_912 = arith.constant 4 : i32
        %mul3A_913 = arith.muli %and3A_837, %mul3A_912 : i32
        %add3A_914 = arith.constant 2 : i32
        %add3A_915 = arith.addi %mul3A_913, %add3A_914 : i32
        %mul3A_916 = arith.constant 16 : i32
        %mul3A_917 = arith.muli %add3A_915, %mul3A_916 : i32
        %get3A_918 = arith.index_cast %shift_right_arithmetic3A_836 : i32 to index
        %get3A_919 = arith.index_cast %mul3A_917 : i32 to index
        %get3A_920 = tpu.vector_load %arg8[%get3A_918, %get3A_919] {strides = array<i32>} : memref<4x1024xf32, #tpu.memory_space<vmem>>, vector<1x16xf32>,
        %get3A_921 = vector.shape_cast %get3A_920 : vector<1x16xf32> to vector<16xf32>
        %swap3A_922 = arith.constant 0 : i32
        %swap3A_923 = arith.index_cast %shift_right_arithmetic3A_836 : i32 to index
        %swap3A_924 = arith.index_cast %swap3A_922 : i32 to index
        %swap3A_925 = arith.index_cast %mul3A_917 : i32 to index
        %swap3A_926 = tpu.vector_load %arg14[%swap3A_923, %swap3A_924, %swap3A_925] {strides = array<i32>} : memref<4x4x1024xf32, #tpu.memory_space<vmem>>, vector<1x1x16xf32>,
        %swap3A_927 = vector.shape_cast %swap3A_926 : vector<1x1x16xf32> to vector<16xf32>
        %swap3A_928 = vector.shape_cast %get3A_921 : vector<16xf32> to vector<1x1x16xf32>
        tpu.vector_store %arg14[%swap3A_923, %swap3A_924, %swap3A_925], %swap3A_928 {add = true, strides = array<i32>} : memref<4x4x1024xf32, #tpu.memory_space<vmem>>, vector<1x1x16xf32>,
        %swap3A_929 = arith.constant 1 : i32
        %swap3A_930 = arith.index_cast %shift_right_arithmetic3A_836 : i32 to index
        %swap3A_931 = arith.index_cast %swap3A_929 : i32 to index
        %swap3A_932 = arith.index_cast %mul3A_917 : i32 to index
        %swap3A_933 = tpu.vector_load %arg14[%swap3A_930, %swap3A_931, %swap3A_932] {strides = array<i32>} : memref<4x4x1024xf32, #tpu.memory_space<vmem>>, vector<1x1x16xf32>,
        %swap3A_934 = vector.shape_cast %swap3A_933 : vector<1x1x16xf32> to vector<16xf32>
        %swap3A_935 = vector.shape_cast %get3A_921 : vector<16xf32> to vector<1x1x16xf32>
        tpu.vector_store %arg14[%swap3A_930, %swap3A_931, %swap3A_932], %swap3A_935 {add = true, strides = array<i32>} : memref<4x4x1024xf32, #tpu.memory_space<vmem>>, vector<1x1x16xf32>,
        %swap3A_936 = arith.constant 2 : i32
        %swap3A_937 = arith.index_cast %shift_right_arithmetic3A_836 : i32 to index
        %swap3A_938 = arith.index_cast %swap3A_936 : i32 to index
        %swap3A_939 = arith.index_cast %mul3A_917 : i32 to index
        %swap3A_940 = tpu.vector_load %arg14[%swap3A_937, %swap3A_938, %swap3A_939] {strides = array<i32>} : memref<4x4x1024xf32, #tpu.memory_space<vmem>>, vector<1x1x16xf32>,
        %swap3A_941 = vector.shape_cast %swap3A_940 : vector<1x1x16xf32> to vector<16xf32>
        %swap3A_942 = vector.shape_cast %get3A_921 : vector<16xf32> to vector<1x1x16xf32>
        tpu.vector_store %arg14[%swap3A_937, %swap3A_938, %swap3A_939], %swap3A_942 {add = true, strides = array<i32>} : memref<4x4x1024xf32, #tpu.memory_space<vmem>>, vector<1x1x16xf32>,
        %swap3A_943 = arith.constant 3 : i32
        %swap3A_944 = arith.index_cast %shift_right_arithmetic3A_836 : i32 to index
        %swap3A_945 = arith.index_cast %swap3A_943 : i32 to index
        %swap3A_946 = arith.index_cast %mul3A_917 : i32 to index
        %swap3A_947 = tpu.vector_load %arg14[%swap3A_944, %swap3A_945, %swap3A_946] {strides = array<i32>} : memref<4x4x1024xf32, #tpu.memory_space<vmem>>, vector<1x1x16xf32>,
        %swap3A_948 = vector.shape_cast %swap3A_947 : vector<1x1x16xf32> to vector<16xf32>
        %swap3A_949 = vector.shape_cast %get3A_921 : vector<16xf32> to vector<1x1x16xf32>
        tpu.vector_store %arg14[%swap3A_944, %swap3A_945, %swap3A_946], %swap3A_949 {add = true, strides = array<i32>} : memref<4x4x1024xf32, #tpu.memory_space<vmem>>, vector<1x1x16xf32>,
        %mul3A_950 = arith.constant 4 : i32
        %mul3A_951 = arith.muli %and3A_837, %mul3A_950 : i32
        %add3A_952 = arith.constant 3 : i32
        %add3A_953 = arith.addi %mul3A_951, %add3A_952 : i32
        %mul3A_954 = arith.constant 16 : i32
        %mul3A_955 = arith.muli %add3A_953, %mul3A_954 : i32
        %get3A_956 = arith.index_cast %shift_right_arithmetic3A_836 : i32 to index
        %get3A_957 = arith.index_cast %mul3A_955 : i32 to index
        %get3A_958 = tpu.vector_load %arg8[%get3A_956, %get3A_957] {strides = array<i32>} : memref<4x1024xf32, #tpu.memory_space<vmem>>, vector<1x16xf32>,
        %get3A_959 = vector.shape_cast %get3A_958 : vector<1x16xf32> to vector<16xf32>
        %swap3A_960 = arith.constant 0 : i32
        %swap3A_961 = arith.index_cast %shift_right_arithmetic3A_836 : i32 to index
        %swap3A_962 = arith.index_cast %swap3A_960 : i32 to index
        %swap3A_963 = arith.index_cast %mul3A_955 : i32 to index
        %swap3A_964 = tpu.vector_load %arg14[%swap3A_961, %swap3A_962, %swap3A_963] {strides = array<i32>} : memref<4x4x1024xf32, #tpu.memory_space<vmem>>, vector<1x1x16xf32>,
        %swap3A_965 = vector.shape_cast %swap3A_964 : vector<1x1x16xf32> to vector<16xf32>
        %swap3A_966 = vector.shape_cast %get3A_959 : vector<16xf32> to vector<1x1x16xf32>
        tpu.vector_store %arg14[%swap3A_961, %swap3A_962, %swap3A_963], %swap3A_966 {add = true, strides = array<i32>} : memref<4x4x1024xf32, #tpu.memory_space<vmem>>, vector<1x1x16xf32>,
        %swap3A_967 = arith.constant 1 : i32
        %swap3A_968 = arith.index_cast %shift_right_arithmetic3A_836 : i32 to index
        %swap3A_969 = arith.index_cast %swap3A_967 : i32 to index
        %swap3A_970 = arith.index_cast %mul3A_955 : i32 to index
        %swap3A_971 = tpu.vector_load %arg14[%swap3A_968, %swap3A_969, %swap3A_970] {strides = array<i32>} : memref<4x4x1024xf32, #tpu.memory_space<vmem>>, vector<1x1x16xf32>,
        %swap3A_972 = vector.shape_cast %swap3A_971 : vector<1x1x16xf32> to vector<16xf32>
        %swap3A_973 = vector.shape_cast %get3A_959 : vector<16xf32> to vector<1x1x16xf32>
        tpu.vector_store %arg14[%swap3A_968, %swap3A_969, %swap3A_970], %swap3A_973 {add = true, strides = array<i32>} : memref<4x4x1024xf32, #tpu.memory_space<vmem>>, vector<1x1x16xf32>,
        %swap3A_974 = arith.constant 2 : i32
        %swap3A_975 = arith.index_cast %shift_right_arithmetic3A_836 : i32 to index
        %swap3A_976 = arith.index_cast %swap3A_974 : i32 to index
        %swap3A_977 = arith.index_cast %mul3A_955 : i32 to index
        %swap3A_978 = tpu.vector_load %arg14[%swap3A_975, %swap3A_976, %swap3A_977] {strides = array<i32>} : memref<4x4x1024xf32, #tpu.memory_space<vmem>>, vector<1x1x16xf32>,
        %swap3A_979 = vector.shape_cast %swap3A_978 : vector<1x1x16xf32> to vector<16xf32>
        %swap3A_980 = vector.shape_cast %get3A_959 : vector<16xf32> to vector<1x1x16xf32>
        tpu.vector_store %arg14[%swap3A_975, %swap3A_976, %swap3A_977], %swap3A_980 {add = true, strides = array<i32>} : memref<4x4x1024xf32, #tpu.memory_space<vmem>>, vector<1x1x16xf32>,
        %swap3A_981 = arith.constant 3 : i32
        %swap3A_982 = arith.index_cast %shift_right_arithmetic3A_836 : i32 to index
        %swap3A_983 = arith.index_cast %swap3A_981 : i32 to index
        %swap3A_984 = arith.index_cast %mul3A_955 : i32 to index
        %swap3A_985 = tpu.vector_load %arg14[%swap3A_982, %swap3A_983, %swap3A_984] {strides = array<i32>} : memref<4x4x1024xf32, #tpu.memory_space<vmem>>, vector<1x1x16xf32>,
        %swap3A_986 = vector.shape_cast %swap3A_985 : vector<1x1x16xf32> to vector<16xf32>
        %swap3A_987 = vector.shape_cast %get3A_959 : vector<16xf32> to vector<1x1x16xf32>
        tpu.vector_store %arg14[%swap3A_982, %swap3A_983, %swap3A_984], %swap3A_987 {add = true, strides = array<i32>} : memref<4x4x1024xf32, #tpu.memory_space<vmem>>, vector<1x1x16xf32>,
      }
      %scan3A_744 = arith.constant 64 : i32
      %mul3A_745 = arith.constant 4 : i32
      %mul3A_746 = arith.muli %add3A_724, %mul3A_745 : i32
      %add3A_747 = arith.addi %mul3A_2, %mul3A_746 : i32
      %dma_start3A_748 = arith.constant 0 : i32
      %dma_start3A_749 = arith.constant 0 : i32
      %dma_start3A_750 = tpu.memref_slice %arg4[%add3A_747, %dma_start3A_748, %dma_start3A_749] : memref<8192x4x1024xf32, #tpu.memory_space<hbm>> -> memref<4x4x1024xf32, #tpu.memory_space<hbm>>
      %dma_start3A_751 = arith.constant 0 : i32
      %dma_start3A_752 = arith.constant 0 : i32
      %dma_start3A_753 = tpu.memref_slice %arg4[%add3A_747, %dma_start3A_751, %dma_start3A_752] : memref<8192x4x1024xf32, #tpu.memory_space<hbm>> -> memref<4x4x1024xf32, #tpu.memory_space<hbm>>
      tpu.enqueue_dma source(%arg14 : memref<4x4x1024xf32, #tpu.memory_space<vmem>>) target(%dma_start3A_753 : memref<4x4x1024xf32, #tpu.memory_space<hbm>>) target_semaphore(%arg26 : memref<!tpu.dma_semaphore, #tpu.memory_space<semaphore_mem>>)
      %dma_wait3A_754 = arith.constant 0 : i32
      %dma_wait3A_755 = arith.constant 0 : i32
      %dma_wait3A_756 = arith.constant 0 : i32
      %dma_wait3A_757 = tpu.memref_slice %arg4[%dma_wait3A_754, %dma_wait3A_755, %dma_wait3A_756] : memref<8192x4x1024xf32, #tpu.memory_space<hbm>> -> memref<4x4x1024xf32, #tpu.memory_space<hbm>>
      %dma_wait3A_758 = arith.constant 0 : i32
      %dma_wait3A_759 = arith.constant 0 : i32
      %dma_wait3A_760 = arith.constant 0 : i32
      %dma_wait3A_761 = tpu.memref_slice %arg4[%dma_wait3A_758, %dma_wait3A_759, %dma_wait3A_760] : memref<8192x4x1024xf32, #tpu.memory_space<hbm>> -> memref<4x4x1024xf32, #tpu.memory_space<hbm>>
      tpu.wait_dma2 semaphore(%arg25 : memref<!tpu.dma_semaphore, #tpu.memory_space<semaphore_mem>>) src(%arg13 : memref<4x4x1024xf32, #tpu.memory_space<vmem>>) dst(%dma_wait3A_761 : memref<4x4x1024xf32, #tpu.memory_space<hbm>>)
      %add3A_762 = arith.constant 5 : i32
      %add3A_763 = arith.addi %add3A_724, %add3A_762 : i32
      %mul3A_764 = arith.constant 4 : i32
      %mul3A_765 = arith.muli %add3A_763, %mul3A_764 : i32
      %add3A_766 = arith.addi %mul3A_2, %mul3A_765 : i32
      %dma_start3A_767 = arith.constant 0 : i32
      %dma_start3A_768 = tpu.memref_slice %arg3[%add3A_766, %dma_start3A_767] : memref<8192x1024xf32, #tpu.memory_space<hbm>> -> memref<4x1024xf32, #tpu.memory_space<hbm>>
      %dma_start3A_769 = arith.constant 0 : i32
      %dma_start3A_770 = tpu.memref_slice %arg3[%add3A_766, %dma_start3A_769] : memref<8192x1024xf32, #tpu.memory_space<hbm>> -> memref<4x1024xf32, #tpu.memory_space<hbm>>
      tpu.enqueue_dma source(%dma_start3A_770 : memref<4x1024xf32, #tpu.memory_space<hbm>>) target(%arg7 : memref<4x1024xf32, #tpu.memory_space<vmem>>) target_semaphore(%arg19 : memref<!tpu.dma_semaphore, #tpu.memory_space<semaphore_mem>>)
      %dma_start3A_771 = arith.constant 0 : i32
      %dma_start3A_772 = arith.constant 0 : i32
      %dma_start3A_773 = tpu.memref_slice %arg2[%add3A_766, %dma_start3A_771, %dma_start3A_772] : memref<8192x4x1024xf32, #tpu.memory_space<hbm>> -> memref<4x4x1024xf32, #tpu.memory_space<hbm>>
      %dma_start3A_774 = arith.constant 0 : i32
      %dma_start3A_775 = arith.constant 0 : i32
      %dma_start3A_776 = tpu.memref_slice %arg2[%add3A_766, %dma_start3A_774, %dma_start3A_775] : memref<8192x4x1024xf32, #tpu.memory_space<hbm>> -> memref<4x4x1024xf32, #tpu.memory_space<hbm>>
      tpu.enqueue_dma source(%dma_start3A_776 : memref<4x4x1024xf32, #tpu.memory_space<hbm>>) target(%arg13 : memref<4x4x1024xf32, #tpu.memory_space<vmem>>) target_semaphore(%arg19 : memref<!tpu.dma_semaphore, #tpu.memory_space<semaphore_mem>>)
      %mul3A_777 = arith.constant 6 : i32
      %mul3A_778 = arith.muli %scan3A_486, %mul3A_777 : i32
      %add3A_779 = arith.constant 5 : i32
      %add3A_780 = arith.addi %add3A_779, %mul3A_778 : i32
      %add3A_781 = arith.constant 5 : i32
      %add3A_782 = arith.addi %add3A_780, %add3A_781 : i32
      %dma_wait3A_783 = arith.constant 0 : i32
      %dma_wait3A_784 = arith.constant 0 : i32
      %dma_wait3A_785 = tpu.memref_slice %arg3[%dma_wait3A_783, %dma_wait3A_784] : memref<8192x1024xf32, #tpu.memory_space<hbm>> -> memref<4x1024xf32, #tpu.memory_space<hbm>>
      %dma_wait3A_786 = arith.constant 0 : i32
      %dma_wait3A_787 = arith.constant 0 : i32
      %dma_wait3A_788 = tpu.memref_slice %arg3[%dma_wait3A_786, %dma_wait3A_787] : memref<8192x1024xf32, #tpu.memory_space<hbm>> -> memref<4x1024xf32, #tpu.memory_space<hbm>>
      tpu.wait_dma2 semaphore(%arg21 : memref<!tpu.dma_semaphore, #tpu.memory_space<semaphore_mem>>) src(%dma_wait3A_788 : memref<4x1024xf32, #tpu.memory_space<hbm>>) dst(%arg9 : memref<4x1024xf32, #tpu.memory_space<vmem>>)
      %dma_wait3A_789 = arith.constant 0 : i32
      %dma_wait3A_790 = arith.constant 0 : i32
      %dma_wait3A_791 = arith.constant 0 : i32
      %dma_wait3A_792 = tpu.memref_slice %arg2[%dma_wait3A_789, %dma_wait3A_790, %dma_wait3A_791] : memref<8192x4x1024xf32, #tpu.memory_space<hbm>> -> memref<4x4x1024xf32, #tpu.memory_space<hbm>>
      %dma_wait3A_793 = arith.constant 0 : i32
      %dma_wait3A_794 = arith.constant 0 : i32
      %dma_wait3A_795 = arith.constant 0 : i32
      %dma_wait3A_796 = tpu.memref_slice %arg2[%dma_wait3A_793, %dma_wait3A_794, %dma_wait3A_795] : memref<8192x4x1024xf32, #tpu.memory_space<hbm>> -> memref<4x4x1024xf32, #tpu.memory_space<hbm>>
      tpu.wait_dma2 semaphore(%arg21 : memref<!tpu.dma_semaphore, #tpu.memory_space<semaphore_mem>>) src(%dma_wait3A_796 : memref<4x4x1024xf32, #tpu.memory_space<hbm>>) dst(%arg15 : memref<4x4x1024xf32, #tpu.memory_space<vmem>>)
      %scan3A_797 = arith.constant 0 : i32
      %scan3A_798 = arith.constant 0 : i32
      %scan3A_799 = arith.constant 64 : i32
      %scan3A_800 = arith.addi %scan3A_798, %scan3A_799 : i32
      %scan3A_801 = arith.constant 1 : i32
      scf.for %scan3A_835 = %scan3A_798 to %scan3A_800 step %scan3A_801  : i32 {
        %shift_right_arithmetic3A = arith.constant 4 : i32
        %shift_right_arithmetic3A_836 = arith.shrsi %scan3A_835, %shift_right_arithmetic3A : i32
        %and3A = arith.constant 15 : i32
        %and3A_837 = arith.andi %scan3A_835, %and3A : i32
        %mul3A_838 = arith.constant 4 : i32
        %mul3A_839 = arith.muli %and3A_837, %mul3A_838 : i32
        %add3A_840 = arith.constant 0 : i32
        %add3A_841 = arith.addi %mul3A_839, %add3A_840 : i32
        %mul3A_842 = arith.constant 16 : i32
        %mul3A_843 = arith.muli %add3A_841, %mul3A_842 : i32
        %get3A = arith.index_cast %shift_right_arithmetic3A_836 : i32 to index
        %get3A_844 = arith.index_cast %mul3A_843 : i32 to index
        %get3A_845 = tpu.vector_load %arg9[%get3A, %get3A_844] {strides = array<i32>} : memref<4x1024xf32, #tpu.memory_space<vmem>>, vector<1x16xf32>,
        %get3A_846 = vector.shape_cast %get3A_845 : vector<1x16xf32> to vector<16xf32>
        %swap3A = arith.constant 0 : i32
        %swap3A_847 = arith.index_cast %shift_right_arithmetic3A_836 : i32 to index
        %swap3A_848 = arith.index_cast %swap3A : i32 to index
        %swap3A_849 = arith.index_cast %mul3A_843 : i32 to index
        %swap3A_850 = tpu.vector_load %arg15[%swap3A_847, %swap3A_848, %swap3A_849] {strides = array<i32>} : memref<4x4x1024xf32, #tpu.memory_space<vmem>>, vector<1x1x16xf32>,
        %swap3A_851 = vector.shape_cast %swap3A_850 : vector<1x1x16xf32> to vector<16xf32>
        %swap3A_852 = vector.shape_cast %get3A_846 : vector<16xf32> to vector<1x1x16xf32>
        tpu.vector_store %arg15[%swap3A_847, %swap3A_848, %swap3A_849], %swap3A_852 {add = true, strides = array<i32>} : memref<4x4x1024xf32, #tpu.memory_space<vmem>>, vector<1x1x16xf32>,
        %swap3A_853 = arith.constant 1 : i32
        %swap3A_854 = arith.index_cast %shift_right_arithmetic3A_836 : i32 to index
        %swap3A_855 = arith.index_cast %swap3A_853 : i32 to index
        %swap3A_856 = arith.index_cast %mul3A_843 : i32 to index
        %swap3A_857 = tpu.vector_load %arg15[%swap3A_854, %swap3A_855, %swap3A_856] {strides = array<i32>} : memref<4x4x1024xf32, #tpu.memory_space<vmem>>, vector<1x1x16xf32>,
        %swap3A_858 = vector.shape_cast %swap3A_857 : vector<1x1x16xf32> to vector<16xf32>
        %swap3A_859 = vector.shape_cast %get3A_846 : vector<16xf32> to vector<1x1x16xf32>
        tpu.vector_store %arg15[%swap3A_854, %swap3A_855, %swap3A_856], %swap3A_859 {add = true, strides = array<i32>} : memref<4x4x1024xf32, #tpu.memory_space<vmem>>, vector<1x1x16xf32>,
        %swap3A_860 = arith.constant 2 : i32
        %swap3A_861 = arith.index_cast %shift_right_arithmetic3A_836 : i32 to index
        %swap3A_862 = arith.index_cast %swap3A_860 : i32 to index
        %swap3A_863 = arith.index_cast %mul3A_843 : i32 to index
        %swap3A_864 = tpu.vector_load %arg15[%swap3A_861, %swap3A_862, %swap3A_863] {strides = array<i32>} : memref<4x4x1024xf32, #tpu.memory_space<vmem>>, vector<1x1x16xf32>,
        %swap3A_865 = vector.shape_cast %swap3A_864 : vector<1x1x16xf32> to vector<16xf32>
        %swap3A_866 = vector.shape_cast %get3A_846 : vector<16xf32> to vector<1x1x16xf32>
        tpu.vector_store %arg15[%swap3A_861, %swap3A_862, %swap3A_863], %swap3A_866 {add = true, strides = array<i32>} : memref<4x4x1024xf32, #tpu.memory_space<vmem>>, vector<1x1x16xf32>,
        %swap3A_867 = arith.constant 3 : i32
        %swap3A_868 = arith.index_cast %shift_right_arithmetic3A_836 : i32 to index
        %swap3A_869 = arith.index_cast %swap3A_867 : i32 to index
        %swap3A_870 = arith.index_cast %mul3A_843 : i32 to index
        %swap3A_871 = tpu.vector_load %arg15[%swap3A_868, %swap3A_869, %swap3A_870] {strides = array<i32>} : memref<4x4x1024xf32, #tpu.memory_space<vmem>>, vector<1x1x16xf32>,
        %swap3A_872 = vector.shape_cast %swap3A_871 : vector<1x1x16xf32> to vector<16xf32>
        %swap3A_873 = vector.shape_cast %get3A_846 : vector<16xf32> to vector<1x1x16xf32>
        tpu.vector_store %arg15[%swap3A_868, %swap3A_869, %swap3A_870], %swap3A_873 {add = true, strides = array<i32>} : memref<4x4x1024xf32, #tpu.memory_space<vmem>>, vector<1x1x16xf32>,
        %mul3A_874 = arith.constant 4 : i32
        %mul3A_875 = arith.muli %and3A_837, %mul3A_874 : i32
        %add3A_876 = arith.constant 1 : i32
        %add3A_877 = arith.addi %mul3A_875, %add3A_876 : i32
        %mul3A_878 = arith.constant 16 : i32
        %mul3A_879 = arith.muli %add3A_877, %mul3A_878 : i32
        %get3A_880 = arith.index_cast %shift_right_arithmetic3A_836 : i32 to index
        %get3A_881 = arith.index_cast %mul3A_879 : i32 to index
        %get3A_882 = tpu.vector_load %arg9[%get3A_880, %get3A_881] {strides = array<i32>} : memref<4x1024xf32, #tpu.memory_space<vmem>>, vector<1x16xf32>,
        %get3A_883 = vector.shape_cast %get3A_882 : vector<1x16xf32> to vector<16xf32>
        %swap3A_884 = arith.constant 0 : i32
        %swap3A_885 = arith.index_cast %shift_right_arithmetic3A_836 : i32 to index
        %swap3A_886 = arith.index_cast %swap3A_884 : i32 to index
        %swap3A_887 = arith.index_cast %mul3A_879 : i32 to index
        %swap3A_888 = tpu.vector_load %arg15[%swap3A_885, %swap3A_886, %swap3A_887] {strides = array<i32>} : memref<4x4x1024xf32, #tpu.memory_space<vmem>>, vector<1x1x16xf32>,
        %swap3A_889 = vector.shape_cast %swap3A_888 : vector<1x1x16xf32> to vector<16xf32>
        %swap3A_890 = vector.shape_cast %get3A_883 : vector<16xf32> to vector<1x1x16xf32>
        tpu.vector_store %arg15[%swap3A_885, %swap3A_886, %swap3A_887], %swap3A_890 {add = true, strides = array<i32>} : memref<4x4x1024xf32, #tpu.memory_space<vmem>>, vector<1x1x16xf32>,
        %swap3A_891 = arith.constant 1 : i32
        %swap3A_892 = arith.index_cast %shift_right_arithmetic3A_836 : i32 to index
        %swap3A_893 = arith.index_cast %swap3A_891 : i32 to index
        %swap3A_894 = arith.index_cast %mul3A_879 : i32 to index
        %swap3A_895 = tpu.vector_load %arg15[%swap3A_892, %swap3A_893, %swap3A_894] {strides = array<i32>} : memref<4x4x1024xf32, #tpu.memory_space<vmem>>, vector<1x1x16xf32>,
        %swap3A_896 = vector.shape_cast %swap3A_895 : vector<1x1x16xf32> to vector<16xf32>
        %swap3A_897 = vector.shape_cast %get3A_883 : vector<16xf32> to vector<1x1x16xf32>
        tpu.vector_store %arg15[%swap3A_892, %swap3A_893, %swap3A_894], %swap3A_897 {add = true, strides = array<i32>} : memref<4x4x1024xf32, #tpu.memory_space<vmem>>, vector<1x1x16xf32>,
        %swap3A_898 = arith.constant 2 : i32
        %swap3A_899 = arith.index_cast %shift_right_arithmetic3A_836 : i32 to index
        %swap3A_900 = arith.index_cast %swap3A_898 : i32 to index
        %swap3A_901 = arith.index_cast %mul3A_879 : i32 to index
        %swap3A_902 = tpu.vector_load %arg15[%swap3A_899, %swap3A_900, %swap3A_901] {strides = array<i32>} : memref<4x4x1024xf32, #tpu.memory_space<vmem>>, vector<1x1x16xf32>,
        %swap3A_903 = vector.shape_cast %swap3A_902 : vector<1x1x16xf32> to vector<16xf32>
        %swap3A_904 = vector.shape_cast %get3A_883 : vector<16xf32> to vector<1x1x16xf32>
        tpu.vector_store %arg15[%swap3A_899, %swap3A_900, %swap3A_901], %swap3A_904 {add = true, strides = array<i32>} : memref<4x4x1024xf32, #tpu.memory_space<vmem>>, vector<1x1x16xf32>,
        %swap3A_905 = arith.constant 3 : i32
        %swap3A_906 = arith.index_cast %shift_right_arithmetic3A_836 : i32 to index
        %swap3A_907 = arith.index_cast %swap3A_905 : i32 to index
        %swap3A_908 = arith.index_cast %mul3A_879 : i32 to index
        %swap3A_909 = tpu.vector_load %arg15[%swap3A_906, %swap3A_907, %swap3A_908] {strides = array<i32>} : memref<4x4x1024xf32, #tpu.memory_space<vmem>>, vector<1x1x16xf32>,
        %swap3A_910 = vector.shape_cast %swap3A_909 : vector<1x1x16xf32> to vector<16xf32>
        %swap3A_911 = vector.shape_cast %get3A_883 : vector<16xf32> to vector<1x1x16xf32>
        tpu.vector_store %arg15[%swap3A_906, %swap3A_907, %swap3A_908], %swap3A_911 {add = true, strides = array<i32>} : memref<4x4x1024xf32, #tpu.memory_space<vmem>>, vector<1x1x16xf32>,
        %mul3A_912 = arith.constant 4 : i32
        %mul3A_913 = arith.muli %and3A_837, %mul3A_912 : i32
        %add3A_914 = arith.constant 2 : i32
        %add3A_915 = arith.addi %mul3A_913, %add3A_914 : i32
        %mul3A_916 = arith.constant 16 : i32
        %mul3A_917 = arith.muli %add3A_915, %mul3A_916 : i32
        %get3A_918 = arith.index_cast %shift_right_arithmetic3A_836 : i32 to index
        %get3A_919 = arith.index_cast %mul3A_917 : i32 to index
        %get3A_920 = tpu.vector_load %arg9[%get3A_918, %get3A_919] {strides = array<i32>} : memref<4x1024xf32, #tpu.memory_space<vmem>>, vector<1x16xf32>,
        %get3A_921 = vector.shape_cast %get3A_920 : vector<1x16xf32> to vector<16xf32>
        %swap3A_922 = arith.constant 0 : i32
        %swap3A_923 = arith.index_cast %shift_right_arithmetic3A_836 : i32 to index
        %swap3A_924 = arith.index_cast %swap3A_922 : i32 to index
        %swap3A_925 = arith.index_cast %mul3A_917 : i32 to index
        %swap3A_926 = tpu.vector_load %arg15[%swap3A_923, %swap3A_924, %swap3A_925] {strides = array<i32>} : memref<4x4x1024xf32, #tpu.memory_space<vmem>>, vector<1x1x16xf32>,
        %swap3A_927 = vector.shape_cast %swap3A_926 : vector<1x1x16xf32> to vector<16xf32>
        %swap3A_928 = vector.shape_cast %get3A_921 : vector<16xf32> to vector<1x1x16xf32>
        tpu.vector_store %arg15[%swap3A_923, %swap3A_924, %swap3A_925], %swap3A_928 {add = true, strides = array<i32>} : memref<4x4x1024xf32, #tpu.memory_space<vmem>>, vector<1x1x16xf32>,
        %swap3A_929 = arith.constant 1 : i32
        %swap3A_930 = arith.index_cast %shift_right_arithmetic3A_836 : i32 to index
        %swap3A_931 = arith.index_cast %swap3A_929 : i32 to index
        %swap3A_932 = arith.index_cast %mul3A_917 : i32 to index
        %swap3A_933 = tpu.vector_load %arg15[%swap3A_930, %swap3A_931, %swap3A_932] {strides = array<i32>} : memref<4x4x1024xf32, #tpu.memory_space<vmem>>, vector<1x1x16xf32>,
        %swap3A_934 = vector.shape_cast %swap3A_933 : vector<1x1x16xf32> to vector<16xf32>
        %swap3A_935 = vector.shape_cast %get3A_921 : vector<16xf32> to vector<1x1x16xf32>
        tpu.vector_store %arg15[%swap3A_930, %swap3A_931, %swap3A_932], %swap3A_935 {add = true, strides = array<i32>} : memref<4x4x1024xf32, #tpu.memory_space<vmem>>, vector<1x1x16xf32>,
        %swap3A_936 = arith.constant 2 : i32
        %swap3A_937 = arith.index_cast %shift_right_arithmetic3A_836 : i32 to index
        %swap3A_938 = arith.index_cast %swap3A_936 : i32 to index
        %swap3A_939 = arith.index_cast %mul3A_917 : i32 to index
        %swap3A_940 = tpu.vector_load %arg15[%swap3A_937, %swap3A_938, %swap3A_939] {strides = array<i32>} : memref<4x4x1024xf32, #tpu.memory_space<vmem>>, vector<1x1x16xf32>,
        %swap3A_941 = vector.shape_cast %swap3A_940 : vector<1x1x16xf32> to vector<16xf32>
        %swap3A_942 = vector.shape_cast %get3A_921 : vector<16xf32> to vector<1x1x16xf32>
        tpu.vector_store %arg15[%swap3A_937, %swap3A_938, %swap3A_939], %swap3A_942 {add = true, strides = array<i32>} : memref<4x4x1024xf32, #tpu.memory_space<vmem>>, vector<1x1x16xf32>,
        %swap3A_943 = arith.constant 3 : i32
        %swap3A_944 = arith.index_cast %shift_right_arithmetic3A_836 : i32 to index
        %swap3A_945 = arith.index_cast %swap3A_943 : i32 to index
        %swap3A_946 = arith.index_cast %mul3A_917 : i32 to index
        %swap3A_947 = tpu.vector_load %arg15[%swap3A_944, %swap3A_945, %swap3A_946] {strides = array<i32>} : memref<4x4x1024xf32, #tpu.memory_space<vmem>>, vector<1x1x16xf32>,
        %swap3A_948 = vector.shape_cast %swap3A_947 : vector<1x1x16xf32> to vector<16xf32>
        %swap3A_949 = vector.shape_cast %get3A_921 : vector<16xf32> to vector<1x1x16xf32>
        tpu.vector_store %arg15[%swap3A_944, %swap3A_945, %swap3A_946], %swap3A_949 {add = true, strides = array<i32>} : memref<4x4x1024xf32, #tpu.memory_space<vmem>>, vector<1x1x16xf32>,
        %mul3A_950 = arith.constant 4 : i32
        %mul3A_951 = arith.muli %and3A_837, %mul3A_950 : i32
        %add3A_952 = arith.constant 3 : i32
        %add3A_953 = arith.addi %mul3A_951, %add3A_952 : i32
        %mul3A_954 = arith.constant 16 : i32
        %mul3A_955 = arith.muli %add3A_953, %mul3A_954 : i32
        %get3A_956 = arith.index_cast %shift_right_arithmetic3A_836 : i32 to index
        %get3A_957 = arith.index_cast %mul3A_955 : i32 to index
        %get3A_958 = tpu.vector_load %arg9[%get3A_956, %get3A_957] {strides = array<i32>} : memref<4x1024xf32, #tpu.memory_space<vmem>>, vector<1x16xf32>,
        %get3A_959 = vector.shape_cast %get3A_958 : vector<1x16xf32> to vector<16xf32>
        %swap3A_960 = arith.constant 0 : i32
        %swap3A_961 = arith.index_cast %shift_right_arithmetic3A_836 : i32 to index
        %swap3A_962 = arith.index_cast %swap3A_960 : i32 to index
        %swap3A_963 = arith.index_cast %mul3A_955 : i32 to index
        %swap3A_964 = tpu.vector_load %arg15[%swap3A_961, %swap3A_962, %swap3A_963] {strides = array<i32>} : memref<4x4x1024xf32, #tpu.memory_space<vmem>>, vector<1x1x16xf32>,
        %swap3A_965 = vector.shape_cast %swap3A_964 : vector<1x1x16xf32> to vector<16xf32>
        %swap3A_966 = vector.shape_cast %get3A_959 : vector<16xf32> to vector<1x1x16xf32>
        tpu.vector_store %arg15[%swap3A_961, %swap3A_962, %swap3A_963], %swap3A_966 {add = true, strides = array<i32>} : memref<4x4x1024xf32, #tpu.memory_space<vmem>>, vector<1x1x16xf32>,
        %swap3A_967 = arith.constant 1 : i32
        %swap3A_968 = arith.index_cast %shift_right_arithmetic3A_836 : i32 to index
        %swap3A_969 = arith.index_cast %swap3A_967 : i32 to index
        %swap3A_970 = arith.index_cast %mul3A_955 : i32 to index
        %swap3A_971 = tpu.vector_load %arg15[%swap3A_968, %swap3A_969, %swap3A_970] {strides = array<i32>} : memref<4x4x1024xf32, #tpu.memory_space<vmem>>, vector<1x1x16xf32>,
        %swap3A_972 = vector.shape_cast %swap3A_971 : vector<1x1x16xf32> to vector<16xf32>
        %swap3A_973 = vector.shape_cast %get3A_959 : vector<16xf32> to vector<1x1x16xf32>
        tpu.vector_store %arg15[%swap3A_968, %swap3A_969, %swap3A_970], %swap3A_973 {add = true, strides = array<i32>} : memref<4x4x1024xf32, #tpu.memory_space<vmem>>, vector<1x1x16xf32>,
        %swap3A_974 = arith.constant 2 : i32
        %swap3A_975 = arith.index_cast %shift_right_arithmetic3A_836 : i32 to index
        %swap3A_976 = arith.index_cast %swap3A_974 : i32 to index
        %swap3A_977 = arith.index_cast %mul3A_955 : i32 to index
        %swap3A_978 = tpu.vector_load %arg15[%swap3A_975, %swap3A_976, %swap3A_977] {strides = array<i32>} : memref<4x4x1024xf32, #tpu.memory_space<vmem>>, vector<1x1x16xf32>,
        %swap3A_979 = vector.shape_cast %swap3A_978 : vector<1x1x16xf32> to vector<16xf32>
        %swap3A_980 = vector.shape_cast %get3A_959 : vector<16xf32> to vector<1x1x16xf32>
        tpu.vector_store %arg15[%swap3A_975, %swap3A_976, %swap3A_977], %swap3A_980 {add = true, strides = array<i32>} : memref<4x4x1024xf32, #tpu.memory_space<vmem>>, vector<1x1x16xf32>,
        %swap3A_981 = arith.constant 3 : i32
        %swap3A_982 = arith.index_cast %shift_right_arithmetic3A_836 : i32 to index
        %swap3A_983 = arith.index_cast %swap3A_981 : i32 to index
        %swap3A_984 = arith.index_cast %mul3A_955 : i32 to index
        %swap3A_985 = tpu.vector_load %arg15[%swap3A_982, %swap3A_983, %swap3A_984] {strides = array<i32>} : memref<4x4x1024xf32, #tpu.memory_space<vmem>>, vector<1x1x16xf32>,
        %swap3A_986 = vector.shape_cast %swap3A_985 : vector<1x1x16xf32> to vector<16xf32>
        %swap3A_987 = vector.shape_cast %get3A_959 : vector<16xf32> to vector<1x1x16xf32>
        tpu.vector_store %arg15[%swap3A_982, %swap3A_983, %swap3A_984], %swap3A_987 {add = true, strides = array<i32>} : memref<4x4x1024xf32, #tpu.memory_space<vmem>>, vector<1x1x16xf32>,
      }
      %scan3A_802 = arith.constant 64 : i32
      %mul3A_803 = arith.constant 4 : i32
      %mul3A_804 = arith.muli %add3A_782, %mul3A_803 : i32
      %add3A_805 = arith.addi %mul3A_2, %mul3A_804 : i32
      %dma_start3A_806 = arith.constant 0 : i32
      %dma_start3A_807 = arith.constant 0 : i32
      %dma_start3A_808 = tpu.memref_slice %arg4[%add3A_805, %dma_start3A_806, %dma_start3A_807] : memref<8192x4x1024xf32, #tpu.memory_space<hbm>> -> memref<4x4x1024xf32, #tpu.memory_space<hbm>>
      %dma_start3A_809 = arith.constant 0 : i32
      %dma_start3A_810 = arith.constant 0 : i32
      %dma_start3A_811 = tpu.memref_slice %arg4[%add3A_805, %dma_start3A_809, %dma_start3A_810] : memref<8192x4x1024xf32, #tpu.memory_space<hbm>> -> memref<4x4x1024xf32, #tpu.memory_space<hbm>>
      tpu.enqueue_dma source(%arg15 : memref<4x4x1024xf32, #tpu.memory_space<vmem>>) target(%dma_start3A_811 : memref<4x4x1024xf32, #tpu.memory_space<hbm>>) target_semaphore(%arg27 : memref<!tpu.dma_semaphore, #tpu.memory_space<semaphore_mem>>)
      %dma_wait3A_812 = arith.constant 0 : i32
      %dma_wait3A_813 = arith.constant 0 : i32
      %dma_wait3A_814 = arith.constant 0 : i32
      %dma_wait3A_815 = tpu.memref_slice %arg4[%dma_wait3A_812, %dma_wait3A_813, %dma_wait3A_814] : memref<8192x4x1024xf32, #tpu.memory_space<hbm>> -> memref<4x4x1024xf32, #tpu.memory_space<hbm>>
      %dma_wait3A_816 = arith.constant 0 : i32
      %dma_wait3A_817 = arith.constant 0 : i32
      %dma_wait3A_818 = arith.constant 0 : i32
      %dma_wait3A_819 = tpu.memref_slice %arg4[%dma_wait3A_816, %dma_wait3A_817, %dma_wait3A_818] : memref<8192x4x1024xf32, #tpu.memory_space<hbm>> -> memref<4x4x1024xf32, #tpu.memory_space<hbm>>
      tpu.wait_dma2 semaphore(%arg26 : memref<!tpu.dma_semaphore, #tpu.memory_space<semaphore_mem>>) src(%arg14 : memref<4x4x1024xf32, #tpu.memory_space<vmem>>) dst(%dma_wait3A_819 : memref<4x4x1024xf32, #tpu.memory_space<hbm>>)
      %add3A_820 = arith.constant 5 : i32
      %add3A_821 = arith.addi %add3A_782, %add3A_820 : i32
      %mul3A_822 = arith.constant 4 : i32
      %mul3A_823 = arith.muli %add3A_821, %mul3A_822 : i32
      %add3A_824 = arith.addi %mul3A_2, %mul3A_823 : i32
      %dma_start3A_825 = arith.constant 0 : i32
      %dma_start3A_826 = tpu.memref_slice %arg3[%add3A_824, %dma_start3A_825] : memref<8192x1024xf32, #tpu.memory_space<hbm>> -> memref<4x1024xf32, #tpu.memory_space<hbm>>
      %dma_start3A_827 = arith.constant 0 : i32
      %dma_start3A_828 = tpu.memref_slice %arg3[%add3A_824, %dma_start3A_827] : memref<8192x1024xf32, #tpu.memory_space<hbm>> -> memref<4x1024xf32, #tpu.memory_space<hbm>>
      tpu.enqueue_dma source(%dma_start3A_828 : memref<4x1024xf32, #tpu.memory_space<hbm>>) target(%arg8 : memref<4x1024xf32, #tpu.memory_space<vmem>>) target_semaphore(%arg20 : memref<!tpu.dma_semaphore, #tpu.memory_space<semaphore_mem>>)
      %dma_start3A_829 = arith.constant 0 : i32
      %dma_start3A_830 = arith.constant 0 : i32
      %dma_start3A_831 = tpu.memref_slice %arg2[%add3A_824, %dma_start3A_829, %dma_start3A_830] : memref<8192x4x1024xf32, #tpu.memory_space<hbm>> -> memref<4x4x1024xf32, #tpu.memory_space<hbm>>
      %dma_start3A_832 = arith.constant 0 : i32
      %dma_start3A_833 = arith.constant 0 : i32
      %dma_start3A_834 = tpu.memref_slice %arg2[%add3A_824, %dma_start3A_832, %dma_start3A_833] : memref<8192x4x1024xf32, #tpu.memory_space<hbm>> -> memref<4x4x1024xf32, #tpu.memory_space<hbm>>
      tpu.enqueue_dma source(%dma_start3A_834 : memref<4x4x1024xf32, #tpu.memory_space<hbm>>) target(%arg14 : memref<4x4x1024xf32, #tpu.memory_space<vmem>>) target_semaphore(%arg20 : memref<!tpu.dma_semaphore, #tpu.memory_space<semaphore_mem>>)
    }
    %scan3A_297 = arith.constant 9 : i32
    %dma_wait3A_298 = arith.constant 0 : i32
    %dma_wait3A_299 = arith.constant 0 : i32
    %dma_wait3A_300 = tpu.memref_slice %arg3[%dma_wait3A_298, %dma_wait3A_299] : memref<8192x1024xf32, #tpu.memory_space<hbm>> -> memref<4x1024xf32, #tpu.memory_space<hbm>>
    %dma_wait3A_301 = arith.constant 0 : i32
    %dma_wait3A_302 = arith.constant 0 : i32
    %dma_wait3A_303 = tpu.memref_slice %arg3[%dma_wait3A_301, %dma_wait3A_302] : memref<8192x1024xf32, #tpu.memory_space<hbm>> -> memref<4x1024xf32, #tpu.memory_space<hbm>>
    tpu.wait_dma2 semaphore(%arg22 : memref<!tpu.dma_semaphore, #tpu.memory_space<semaphore_mem>>) src(%dma_wait3A_303 : memref<4x1024xf32, #tpu.memory_space<hbm>>) dst(%arg10 : memref<4x1024xf32, #tpu.memory_space<vmem>>)
    %dma_wait3A_304 = arith.constant 0 : i32
    %dma_wait3A_305 = arith.constant 0 : i32
    %dma_wait3A_306 = arith.constant 0 : i32
    %dma_wait3A_307 = tpu.memref_slice %arg2[%dma_wait3A_304, %dma_wait3A_305, %dma_wait3A_306] : memref<8192x4x1024xf32, #tpu.memory_space<hbm>> -> memref<4x4x1024xf32, #tpu.memory_space<hbm>>
    %dma_wait3A_308 = arith.constant 0 : i32
    %dma_wait3A_309 = arith.constant 0 : i32
    %dma_wait3A_310 = arith.constant 0 : i32
    %dma_wait3A_311 = tpu.memref_slice %arg2[%dma_wait3A_308, %dma_wait3A_309, %dma_wait3A_310] : memref<8192x4x1024xf32, #tpu.memory_space<hbm>> -> memref<4x4x1024xf32, #tpu.memory_space<hbm>>
    tpu.wait_dma2 semaphore(%arg22 : memref<!tpu.dma_semaphore, #tpu.memory_space<semaphore_mem>>) src(%dma_wait3A_311 : memref<4x4x1024xf32, #tpu.memory_space<hbm>>) dst(%arg16 : memref<4x4x1024xf32, #tpu.memory_space<vmem>>)
    %scan3A_312 = arith.constant 0 : i32
    %scan3A_313 = arith.constant 0 : i32
    %scan3A_314 = arith.constant 64 : i32
    %scan3A_315 = arith.addi %scan3A_313, %scan3A_314 : i32
    %scan3A_316 = arith.constant 1 : i32
    scf.for %scan3A_486 = %scan3A_313 to %scan3A_315 step %scan3A_316  : i32 {
      %shift_right_arithmetic3A = arith.constant 4 : i32
      %shift_right_arithmetic3A_487 = arith.shrsi %scan3A_486, %shift_right_arithmetic3A : i32
      %and3A = arith.constant 15 : i32
      %and3A_488 = arith.andi %scan3A_486, %and3A : i32
      %mul3A_489 = arith.constant 4 : i32
      %mul3A_490 = arith.muli %and3A_488, %mul3A_489 : i32
      %add3A_491 = arith.constant 0 : i32
      %add3A_492 = arith.addi %mul3A_490, %add3A_491 : i32
      %mul3A_493 = arith.constant 16 : i32
      %mul3A_494 = arith.muli %add3A_492, %mul3A_493 : i32
      %get3A = arith.index_cast %shift_right_arithmetic3A_487 : i32 to index
      %get3A_495 = arith.index_cast %mul3A_494 : i32 to index
      %get3A_496 = tpu.vector_load %arg10[%get3A, %get3A_495] {strides = array<i32>} : memref<4x1024xf32, #tpu.memory_space<vmem>>, vector<1x16xf32>,
      %get3A_497 = vector.shape_cast %get3A_496 : vector<1x16xf32> to vector<16xf32>
      %swap3A = arith.constant 0 : i32
      %swap3A_498 = arith.index_cast %shift_right_arithmetic3A_487 : i32 to index
      %swap3A_499 = arith.index_cast %swap3A : i32 to index
      %swap3A_500 = arith.index_cast %mul3A_494 : i32 to index
      %swap3A_501 = tpu.vector_load %arg16[%swap3A_498, %swap3A_499, %swap3A_500] {strides = array<i32>} : memref<4x4x1024xf32, #tpu.memory_space<vmem>>, vector<1x1x16xf32>,
      %swap3A_502 = vector.shape_cast %swap3A_501 : vector<1x1x16xf32> to vector<16xf32>
      %swap3A_503 = vector.shape_cast %get3A_497 : vector<16xf32> to vector<1x1x16xf32>
      tpu.vector_store %arg16[%swap3A_498, %swap3A_499, %swap3A_500], %swap3A_503 {add = true, strides = array<i32>} : memref<4x4x1024xf32, #tpu.memory_space<vmem>>, vector<1x1x16xf32>,
      %swap3A_504 = arith.constant 1 : i32
      %swap3A_505 = arith.index_cast %shift_right_arithmetic3A_487 : i32 to index
      %swap3A_506 = arith.index_cast %swap3A_504 : i32 to index
      %swap3A_507 = arith.index_cast %mul3A_494 : i32 to index
      %swap3A_508 = tpu.vector_load %arg16[%swap3A_505, %swap3A_506, %swap3A_507] {strides = array<i32>} : memref<4x4x1024xf32, #tpu.memory_space<vmem>>, vector<1x1x16xf32>,
      %swap3A_509 = vector.shape_cast %swap3A_508 : vector<1x1x16xf32> to vector<16xf32>
      %swap3A_510 = vector.shape_cast %get3A_497 : vector<16xf32> to vector<1x1x16xf32>
      tpu.vector_store %arg16[%swap3A_505, %swap3A_506, %swap3A_507], %swap3A_510 {add = true, strides = array<i32>} : memref<4x4x1024xf32, #tpu.memory_space<vmem>>, vector<1x1x16xf32>,
      %swap3A_511 = arith.constant 2 : i32
      %swap3A_512 = arith.index_cast %shift_right_arithmetic3A_487 : i32 to index
      %swap3A_513 = arith.index_cast %swap3A_511 : i32 to index
      %swap3A_514 = arith.index_cast %mul3A_494 : i32 to index
      %swap3A_515 = tpu.vector_load %arg16[%swap3A_512, %swap3A_513, %swap3A_514] {strides = array<i32>} : memref<4x4x1024xf32, #tpu.memory_space<vmem>>, vector<1x1x16xf32>,
      %swap3A_516 = vector.shape_cast %swap3A_515 : vector<1x1x16xf32> to vector<16xf32>
      %swap3A_517 = vector.shape_cast %get3A_497 : vector<16xf32> to vector<1x1x16xf32>
      tpu.vector_store %arg16[%swap3A_512, %swap3A_513, %swap3A_514], %swap3A_517 {add = true, strides = array<i32>} : memref<4x4x1024xf32, #tpu.memory_space<vmem>>, vector<1x1x16xf32>,
      %swap3A_518 = arith.constant 3 : i32
      %swap3A_519 = arith.index_cast %shift_right_arithmetic3A_487 : i32 to index
      %swap3A_520 = arith.index_cast %swap3A_518 : i32 to index
      %swap3A_521 = arith.index_cast %mul3A_494 : i32 to index
      %swap3A_522 = tpu.vector_load %arg16[%swap3A_519, %swap3A_520, %swap3A_521] {strides = array<i32>} : memref<4x4x1024xf32, #tpu.memory_space<vmem>>, vector<1x1x16xf32>,
      %swap3A_523 = vector.shape_cast %swap3A_522 : vector<1x1x16xf32> to vector<16xf32>
      %swap3A_524 = vector.shape_cast %get3A_497 : vector<16xf32> to vector<1x1x16xf32>
      tpu.vector_store %arg16[%swap3A_519, %swap3A_520, %swap3A_521], %swap3A_524 {add = true, strides = array<i32>} : memref<4x4x1024xf32, #tpu.memory_space<vmem>>, vector<1x1x16xf32>,
      %mul3A_525 = arith.constant 4 : i32
      %mul3A_526 = arith.muli %and3A_488, %mul3A_525 : i32
      %add3A_527 = arith.constant 1 : i32
      %add3A_528 = arith.addi %mul3A_526, %add3A_527 : i32
      %mul3A_529 = arith.constant 16 : i32
      %mul3A_530 = arith.muli %add3A_528, %mul3A_529 : i32
      %get3A_531 = arith.index_cast %shift_right_arithmetic3A_487 : i32 to index
      %get3A_532 = arith.index_cast %mul3A_530 : i32 to index
      %get3A_533 = tpu.vector_load %arg10[%get3A_531, %get3A_532] {strides = array<i32>} : memref<4x1024xf32, #tpu.memory_space<vmem>>, vector<1x16xf32>,
      %get3A_534 = vector.shape_cast %get3A_533 : vector<1x16xf32> to vector<16xf32>
      %swap3A_535 = arith.constant 0 : i32
      %swap3A_536 = arith.index_cast %shift_right_arithmetic3A_487 : i32 to index
      %swap3A_537 = arith.index_cast %swap3A_535 : i32 to index
      %swap3A_538 = arith.index_cast %mul3A_530 : i32 to index
      %swap3A_539 = tpu.vector_load %arg16[%swap3A_536, %swap3A_537, %swap3A_538] {strides = array<i32>} : memref<4x4x1024xf32, #tpu.memory_space<vmem>>, vector<1x1x16xf32>,
      %swap3A_540 = vector.shape_cast %swap3A_539 : vector<1x1x16xf32> to vector<16xf32>
      %swap3A_541 = vector.shape_cast %get3A_534 : vector<16xf32> to vector<1x1x16xf32>
      tpu.vector_store %arg16[%swap3A_536, %swap3A_537, %swap3A_538], %swap3A_541 {add = true, strides = array<i32>} : memref<4x4x1024xf32, #tpu.memory_space<vmem>>, vector<1x1x16xf32>,
      %swap3A_542 = arith.constant 1 : i32
      %swap3A_543 = arith.index_cast %shift_right_arithmetic3A_487 : i32 to index
      %swap3A_544 = arith.index_cast %swap3A_542 : i32 to index
      %swap3A_545 = arith.index_cast %mul3A_530 : i32 to index
      %swap3A_546 = tpu.vector_load %arg16[%swap3A_543, %swap3A_544, %swap3A_545] {strides = array<i32>} : memref<4x4x1024xf32, #tpu.memory_space<vmem>>, vector<1x1x16xf32>,
      %swap3A_547 = vector.shape_cast %swap3A_546 : vector<1x1x16xf32> to vector<16xf32>
      %swap3A_548 = vector.shape_cast %get3A_534 : vector<16xf32> to vector<1x1x16xf32>
      tpu.vector_store %arg16[%swap3A_543, %swap3A_544, %swap3A_545], %swap3A_548 {add = true, strides = array<i32>} : memref<4x4x1024xf32, #tpu.memory_space<vmem>>, vector<1x1x16xf32>,
      %swap3A_549 = arith.constant 2 : i32
      %swap3A_550 = arith.index_cast %shift_right_arithmetic3A_487 : i32 to index
      %swap3A_551 = arith.index_cast %swap3A_549 : i32 to index
      %swap3A_552 = arith.index_cast %mul3A_530 : i32 to index
      %swap3A_553 = tpu.vector_load %arg16[%swap3A_550, %swap3A_551, %swap3A_552] {strides = array<i32>} : memref<4x4x1024xf32, #tpu.memory_space<vmem>>, vector<1x1x16xf32>,
      %swap3A_554 = vector.shape_cast %swap3A_553 : vector<1x1x16xf32> to vector<16xf32>
      %swap3A_555 = vector.shape_cast %get3A_534 : vector<16xf32> to vector<1x1x16xf32>
      tpu.vector_store %arg16[%swap3A_550, %swap3A_551, %swap3A_552], %swap3A_555 {add = true, strides = array<i32>} : memref<4x4x1024xf32, #tpu.memory_space<vmem>>, vector<1x1x16xf32>,
      %swap3A_556 = arith.constant 3 : i32
      %swap3A_557 = arith.index_cast %shift_right_arithmetic3A_487 : i32 to index
      %swap3A_558 = arith.index_cast %swap3A_556 : i32 to index
      %swap3A_559 = arith.index_cast %mul3A_530 : i32 to index
      %swap3A_560 = tpu.vector_load %arg16[%swap3A_557, %swap3A_558, %swap3A_559] {strides = array<i32>} : memref<4x4x1024xf32, #tpu.memory_space<vmem>>, vector<1x1x16xf32>,
      %swap3A_561 = vector.shape_cast %swap3A_560 : vector<1x1x16xf32> to vector<16xf32>
      %swap3A_562 = vector.shape_cast %get3A_534 : vector<16xf32> to vector<1x1x16xf32>
      tpu.vector_store %arg16[%swap3A_557, %swap3A_558, %swap3A_559], %swap3A_562 {add = true, strides = array<i32>} : memref<4x4x1024xf32, #tpu.memory_space<vmem>>, vector<1x1x16xf32>,
      %mul3A_563 = arith.constant 4 : i32
      %mul3A_564 = arith.muli %and3A_488, %mul3A_563 : i32
      %add3A_565 = arith.constant 2 : i32
      %add3A_566 = arith.addi %mul3A_564, %add3A_565 : i32
      %mul3A_567 = arith.constant 16 : i32
      %mul3A_568 = arith.muli %add3A_566, %mul3A_567 : i32
      %get3A_569 = arith.index_cast %shift_right_arithmetic3A_487 : i32 to index
      %get3A_570 = arith.index_cast %mul3A_568 : i32 to index
      %get3A_571 = tpu.vector_load %arg10[%get3A_569, %get3A_570] {strides = array<i32>} : memref<4x1024xf32, #tpu.memory_space<vmem>>, vector<1x16xf32>,
      %get3A_572 = vector.shape_cast %get3A_571 : vector<1x16xf32> to vector<16xf32>
      %swap3A_573 = arith.constant 0 : i32
      %swap3A_574 = arith.index_cast %shift_right_arithmetic3A_487 : i32 to index
      %swap3A_575 = arith.index_cast %swap3A_573 : i32 to index
      %swap3A_576 = arith.index_cast %mul3A_568 : i32 to index
      %swap3A_577 = tpu.vector_load %arg16[%swap3A_574, %swap3A_575, %swap3A_576] {strides = array<i32>} : memref<4x4x1024xf32, #tpu.memory_space<vmem>>, vector<1x1x16xf32>,
      %swap3A_578 = vector.shape_cast %swap3A_577 : vector<1x1x16xf32> to vector<16xf32>
      %swap3A_579 = vector.shape_cast %get3A_572 : vector<16xf32> to vector<1x1x16xf32>
      tpu.vector_store %arg16[%swap3A_574, %swap3A_575, %swap3A_576], %swap3A_579 {add = true, strides = array<i32>} : memref<4x4x1024xf32, #tpu.memory_space<vmem>>, vector<1x1x16xf32>,
      %swap3A_580 = arith.constant 1 : i32
      %swap3A_581 = arith.index_cast %shift_right_arithmetic3A_487 : i32 to index
      %swap3A_582 = arith.index_cast %swap3A_580 : i32 to index
      %swap3A_583 = arith.index_cast %mul3A_568 : i32 to index
      %swap3A_584 = tpu.vector_load %arg16[%swap3A_581, %swap3A_582, %swap3A_583] {strides = array<i32>} : memref<4x4x1024xf32, #tpu.memory_space<vmem>>, vector<1x1x16xf32>,
      %swap3A_585 = vector.shape_cast %swap3A_584 : vector<1x1x16xf32> to vector<16xf32>
      %swap3A_586 = vector.shape_cast %get3A_572 : vector<16xf32> to vector<1x1x16xf32>
      tpu.vector_store %arg16[%swap3A_581, %swap3A_582, %swap3A_583], %swap3A_586 {add = true, strides = array<i32>} : memref<4x4x1024xf32, #tpu.memory_space<vmem>>, vector<1x1x16xf32>,
      %swap3A_587 = arith.constant 2 : i32
      %swap3A_588 = arith.index_cast %shift_right_arithmetic3A_487 : i32 to index
      %swap3A_589 = arith.index_cast %swap3A_587 : i32 to index
      %swap3A_590 = arith.index_cast %mul3A_568 : i32 to index
      %swap3A_591 = tpu.vector_load %arg16[%swap3A_588, %swap3A_589, %swap3A_590] {strides = array<i32>} : memref<4x4x1024xf32, #tpu.memory_space<vmem>>, vector<1x1x16xf32>,
      %swap3A_592 = vector.shape_cast %swap3A_591 : vector<1x1x16xf32> to vector<16xf32>
      %swap3A_593 = vector.shape_cast %get3A_572 : vector<16xf32> to vector<1x1x16xf32>
      tpu.vector_store %arg16[%swap3A_588, %swap3A_589, %swap3A_590], %swap3A_593 {add = true, strides = array<i32>} : memref<4x4x1024xf32, #tpu.memory_space<vmem>>, vector<1x1x16xf32>,
      %swap3A_594 = arith.constant 3 : i32
      %swap3A_595 = arith.index_cast %shift_right_arithmetic3A_487 : i32 to index
      %swap3A_596 = arith.index_cast %swap3A_594 : i32 to index
      %swap3A_597 = arith.index_cast %mul3A_568 : i32 to index
      %swap3A_598 = tpu.vector_load %arg16[%swap3A_595, %swap3A_596, %swap3A_597] {strides = array<i32>} : memref<4x4x1024xf32, #tpu.memory_space<vmem>>, vector<1x1x16xf32>,
      %swap3A_599 = vector.shape_cast %swap3A_598 : vector<1x1x16xf32> to vector<16xf32>
      %swap3A_600 = vector.shape_cast %get3A_572 : vector<16xf32> to vector<1x1x16xf32>
      tpu.vector_store %arg16[%swap3A_595, %swap3A_596, %swap3A_597], %swap3A_600 {add = true, strides = array<i32>} : memref<4x4x1024xf32, #tpu.memory_space<vmem>>, vector<1x1x16xf32>,
      %mul3A_601 = arith.constant 4 : i32
      %mul3A_602 = arith.muli %and3A_488, %mul3A_601 : i32
      %add3A_603 = arith.constant 3 : i32
      %add3A_604 = arith.addi %mul3A_602, %add3A_603 : i32
      %mul3A_605 = arith.constant 16 : i32
      %mul3A_606 = arith.muli %add3A_604, %mul3A_605 : i32
      %get3A_607 = arith.index_cast %shift_right_arithmetic3A_487 : i32 to index
      %get3A_608 = arith.index_cast %mul3A_606 : i32 to index
      %get3A_609 = tpu.vector_load %arg10[%get3A_607, %get3A_608] {strides = array<i32>} : memref<4x1024xf32, #tpu.memory_space<vmem>>, vector<1x16xf32>,
      %get3A_610 = vector.shape_cast %get3A_609 : vector<1x16xf32> to vector<16xf32>
      %swap3A_611 = arith.constant 0 : i32
      %swap3A_612 = arith.index_cast %shift_right_arithmetic3A_487 : i32 to index
      %swap3A_613 = arith.index_cast %swap3A_611 : i32 to index
      %swap3A_614 = arith.index_cast %mul3A_606 : i32 to index
      %swap3A_615 = tpu.vector_load %arg16[%swap3A_612, %swap3A_613, %swap3A_614] {strides = array<i32>} : memref<4x4x1024xf32, #tpu.memory_space<vmem>>, vector<1x1x16xf32>,
      %swap3A_616 = vector.shape_cast %swap3A_615 : vector<1x1x16xf32> to vector<16xf32>
      %swap3A_617 = vector.shape_cast %get3A_610 : vector<16xf32> to vector<1x1x16xf32>
      tpu.vector_store %arg16[%swap3A_612, %swap3A_613, %swap3A_614], %swap3A_617 {add = true, strides = array<i32>} : memref<4x4x1024xf32, #tpu.memory_space<vmem>>, vector<1x1x16xf32>,
      %swap3A_618 = arith.constant 1 : i32
      %swap3A_619 = arith.index_cast %shift_right_arithmetic3A_487 : i32 to index
      %swap3A_620 = arith.index_cast %swap3A_618 : i32 to index
      %swap3A_621 = arith.index_cast %mul3A_606 : i32 to index
      %swap3A_622 = tpu.vector_load %arg16[%swap3A_619, %swap3A_620, %swap3A_621] {strides = array<i32>} : memref<4x4x1024xf32, #tpu.memory_space<vmem>>, vector<1x1x16xf32>,
      %swap3A_623 = vector.shape_cast %swap3A_622 : vector<1x1x16xf32> to vector<16xf32>
      %swap3A_624 = vector.shape_cast %get3A_610 : vector<16xf32> to vector<1x1x16xf32>
      tpu.vector_store %arg16[%swap3A_619, %swap3A_620, %swap3A_621], %swap3A_624 {add = true, strides = array<i32>} : memref<4x4x1024xf32, #tpu.memory_space<vmem>>, vector<1x1x16xf32>,
      %swap3A_625 = arith.constant 2 : i32
      %swap3A_626 = arith.index_cast %shift_right_arithmetic3A_487 : i32 to index
      %swap3A_627 = arith.index_cast %swap3A_625 : i32 to index
      %swap3A_628 = arith.index_cast %mul3A_606 : i32 to index
      %swap3A_629 = tpu.vector_load %arg16[%swap3A_626, %swap3A_627, %swap3A_628] {strides = array<i32>} : memref<4x4x1024xf32, #tpu.memory_space<vmem>>, vector<1x1x16xf32>,
      %swap3A_630 = vector.shape_cast %swap3A_629 : vector<1x1x16xf32> to vector<16xf32>
      %swap3A_631 = vector.shape_cast %get3A_610 : vector<16xf32> to vector<1x1x16xf32>
      tpu.vector_store %arg16[%swap3A_626, %swap3A_627, %swap3A_628], %swap3A_631 {add = true, strides = array<i32>} : memref<4x4x1024xf32, #tpu.memory_space<vmem>>, vector<1x1x16xf32>,
      %swap3A_632 = arith.constant 3 : i32
      %swap3A_633 = arith.index_cast %shift_right_arithmetic3A_487 : i32 to index
      %swap3A_634 = arith.index_cast %swap3A_632 : i32 to index
      %swap3A_635 = arith.index_cast %mul3A_606 : i32 to index
      %swap3A_636 = tpu.vector_load %arg16[%swap3A_633, %swap3A_634, %swap3A_635] {strides = array<i32>} : memref<4x4x1024xf32, #tpu.memory_space<vmem>>, vector<1x1x16xf32>,
      %swap3A_637 = vector.shape_cast %swap3A_636 : vector<1x1x16xf32> to vector<16xf32>
      %swap3A_638 = vector.shape_cast %get3A_610 : vector<16xf32> to vector<1x1x16xf32>
      tpu.vector_store %arg16[%swap3A_633, %swap3A_634, %swap3A_635], %swap3A_638 {add = true, strides = array<i32>} : memref<4x4x1024xf32, #tpu.memory_space<vmem>>, vector<1x1x16xf32>,
    }
    %scan3A_317 = arith.constant 64 : i32
    %add3A_318 = arith.constant 236 : i32
    %add3A_319 = arith.addi %mul3A_2, %add3A_318 : i32
    %dma_start3A_320 = arith.constant 0 : i32
    %dma_start3A_321 = arith.constant 0 : i32
    %dma_start3A_322 = tpu.memref_slice %arg4[%add3A_319, %dma_start3A_320, %dma_start3A_321] : memref<8192x4x1024xf32, #tpu.memory_space<hbm>> -> memref<4x4x1024xf32, #tpu.memory_space<hbm>>
    %dma_start3A_323 = arith.constant 0 : i32
    %dma_start3A_324 = arith.constant 0 : i32
    %dma_start3A_325 = tpu.memref_slice %arg4[%add3A_319, %dma_start3A_323, %dma_start3A_324] : memref<8192x4x1024xf32, #tpu.memory_space<hbm>> -> memref<4x4x1024xf32, #tpu.memory_space<hbm>>
    tpu.enqueue_dma source(%arg16 : memref<4x4x1024xf32, #tpu.memory_space<vmem>>) target(%dma_start3A_325 : memref<4x4x1024xf32, #tpu.memory_space<hbm>>) target_semaphore(%arg28 : memref<!tpu.dma_semaphore, #tpu.memory_space<semaphore_mem>>)
    %dma_wait3A_326 = arith.constant 0 : i32
    %dma_wait3A_327 = arith.constant 0 : i32
    %dma_wait3A_328 = tpu.memref_slice %arg3[%dma_wait3A_326, %dma_wait3A_327] : memref<8192x1024xf32, #tpu.memory_space<hbm>> -> memref<4x1024xf32, #tpu.memory_space<hbm>>
    %dma_wait3A_329 = arith.constant 0 : i32
    %dma_wait3A_330 = arith.constant 0 : i32
    %dma_wait3A_331 = tpu.memref_slice %arg3[%dma_wait3A_329, %dma_wait3A_330] : memref<8192x1024xf32, #tpu.memory_space<hbm>> -> memref<4x1024xf32, #tpu.memory_space<hbm>>
    tpu.wait_dma2 semaphore(%arg17 : memref<!tpu.dma_semaphore, #tpu.memory_space<semaphore_mem>>) src(%dma_wait3A_331 : memref<4x1024xf32, #tpu.memory_space<hbm>>) dst(%arg5 : memref<4x1024xf32, #tpu.memory_space<vmem>>)
    %dma_wait3A_332 = arith.constant 0 : i32
    %dma_wait3A_333 = arith.constant 0 : i32
    %dma_wait3A_334 = arith.constant 0 : i32
    %dma_wait3A_335 = tpu.memref_slice %arg2[%dma_wait3A_332, %dma_wait3A_333, %dma_wait3A_334] : memref<8192x4x1024xf32, #tpu.memory_space<hbm>> -> memref<4x4x1024xf32, #tpu.memory_space<hbm>>
    %dma_wait3A_336 = arith.constant 0 : i32
    %dma_wait3A_337 = arith.constant 0 : i32
    %dma_wait3A_338 = arith.constant 0 : i32
    %dma_wait3A_339 = tpu.memref_slice %arg2[%dma_wait3A_336, %dma_wait3A_337, %dma_wait3A_338] : memref<8192x4x1024xf32, #tpu.memory_space<hbm>> -> memref<4x4x1024xf32, #tpu.memory_space<hbm>>
    tpu.wait_dma2 semaphore(%arg17 : memref<!tpu.dma_semaphore, #tpu.memory_space<semaphore_mem>>) src(%dma_wait3A_339 : memref<4x4x1024xf32, #tpu.memory_space<hbm>>) dst(%arg11 : memref<4x4x1024xf32, #tpu.memory_space<vmem>>)
    %scan3A_340 = arith.constant 0 : i32
    %scan3A_341 = arith.constant 0 : i32
    %scan3A_342 = arith.constant 64 : i32
    %scan3A_343 = arith.addi %scan3A_341, %scan3A_342 : i32
    %scan3A_344 = arith.constant 1 : i32
    scf.for %scan3A_486 = %scan3A_341 to %scan3A_343 step %scan3A_344  : i32 {
      %shift_right_arithmetic3A = arith.constant 4 : i32
      %shift_right_arithmetic3A_487 = arith.shrsi %scan3A_486, %shift_right_arithmetic3A : i32
      %and3A = arith.constant 15 : i32
      %and3A_488 = arith.andi %scan3A_486, %and3A : i32
      %mul3A_489 = arith.constant 4 : i32
      %mul3A_490 = arith.muli %and3A_488, %mul3A_489 : i32
      %add3A_491 = arith.constant 0 : i32
      %add3A_492 = arith.addi %mul3A_490, %add3A_491 : i32
      %mul3A_493 = arith.constant 16 : i32
      %mul3A_494 = arith.muli %add3A_492, %mul3A_493 : i32
      %get3A = arith.index_cast %shift_right_arithmetic3A_487 : i32 to index
      %get3A_495 = arith.index_cast %mul3A_494 : i32 to index
      %get3A_496 = tpu.vector_load %arg5[%get3A, %get3A_495] {strides = array<i32>} : memref<4x1024xf32, #tpu.memory_space<vmem>>, vector<1x16xf32>,
      %get3A_497 = vector.shape_cast %get3A_496 : vector<1x16xf32> to vector<16xf32>
      %swap3A = arith.constant 0 : i32
      %swap3A_498 = arith.index_cast %shift_right_arithmetic3A_487 : i32 to index
      %swap3A_499 = arith.index_cast %swap3A : i32 to index
      %swap3A_500 = arith.index_cast %mul3A_494 : i32 to index
      %swap3A_501 = tpu.vector_load %arg11[%swap3A_498, %swap3A_499, %swap3A_500] {strides = array<i32>} : memref<4x4x1024xf32, #tpu.memory_space<vmem>>, vector<1x1x16xf32>,
      %swap3A_502 = vector.shape_cast %swap3A_501 : vector<1x1x16xf32> to vector<16xf32>
      %swap3A_503 = vector.shape_cast %get3A_497 : vector<16xf32> to vector<1x1x16xf32>
      tpu.vector_store %arg11[%swap3A_498, %swap3A_499, %swap3A_500], %swap3A_503 {add = true, strides = array<i32>} : memref<4x4x1024xf32, #tpu.memory_space<vmem>>, vector<1x1x16xf32>,
      %swap3A_504 = arith.constant 1 : i32
      %swap3A_505 = arith.index_cast %shift_right_arithmetic3A_487 : i32 to index
      %swap3A_506 = arith.index_cast %swap3A_504 : i32 to index
      %swap3A_507 = arith.index_cast %mul3A_494 : i32 to index
      %swap3A_508 = tpu.vector_load %arg11[%swap3A_505, %swap3A_506, %swap3A_507] {strides = array<i32>} : memref<4x4x1024xf32, #tpu.memory_space<vmem>>, vector<1x1x16xf32>,
      %swap3A_509 = vector.shape_cast %swap3A_508 : vector<1x1x16xf32> to vector<16xf32>
      %swap3A_510 = vector.shape_cast %get3A_497 : vector<16xf32> to vector<1x1x16xf32>
      tpu.vector_store %arg11[%swap3A_505, %swap3A_506, %swap3A_507], %swap3A_510 {add = true, strides = array<i32>} : memref<4x4x1024xf32, #tpu.memory_space<vmem>>, vector<1x1x16xf32>,
      %swap3A_511 = arith.constant 2 : i32
      %swap3A_512 = arith.index_cast %shift_right_arithmetic3A_487 : i32 to index
      %swap3A_513 = arith.index_cast %swap3A_511 : i32 to index
      %swap3A_514 = arith.index_cast %mul3A_494 : i32 to index
      %swap3A_515 = tpu.vector_load %arg11[%swap3A_512, %swap3A_513, %swap3A_514] {strides = array<i32>} : memref<4x4x1024xf32, #tpu.memory_space<vmem>>, vector<1x1x16xf32>,
      %swap3A_516 = vector.shape_cast %swap3A_515 : vector<1x1x16xf32> to vector<16xf32>
      %swap3A_517 = vector.shape_cast %get3A_497 : vector<16xf32> to vector<1x1x16xf32>
      tpu.vector_store %arg11[%swap3A_512, %swap3A_513, %swap3A_514], %swap3A_517 {add = true, strides = array<i32>} : memref<4x4x1024xf32, #tpu.memory_space<vmem>>, vector<1x1x16xf32>,
      %swap3A_518 = arith.constant 3 : i32
      %swap3A_519 = arith.index_cast %shift_right_arithmetic3A_487 : i32 to index
      %swap3A_520 = arith.index_cast %swap3A_518 : i32 to index
      %swap3A_521 = arith.index_cast %mul3A_494 : i32 to index
      %swap3A_522 = tpu.vector_load %arg11[%swap3A_519, %swap3A_520, %swap3A_521] {strides = array<i32>} : memref<4x4x1024xf32, #tpu.memory_space<vmem>>, vector<1x1x16xf32>,
      %swap3A_523 = vector.shape_cast %swap3A_522 : vector<1x1x16xf32> to vector<16xf32>
      %swap3A_524 = vector.shape_cast %get3A_497 : vector<16xf32> to vector<1x1x16xf32>
      tpu.vector_store %arg11[%swap3A_519, %swap3A_520, %swap3A_521], %swap3A_524 {add = true, strides = array<i32>} : memref<4x4x1024xf32, #tpu.memory_space<vmem>>, vector<1x1x16xf32>,
      %mul3A_525 = arith.constant 4 : i32
      %mul3A_526 = arith.muli %and3A_488, %mul3A_525 : i32
      %add3A_527 = arith.constant 1 : i32
      %add3A_528 = arith.addi %mul3A_526, %add3A_527 : i32
      %mul3A_529 = arith.constant 16 : i32
      %mul3A_530 = arith.muli %add3A_528, %mul3A_529 : i32
      %get3A_531 = arith.index_cast %shift_right_arithmetic3A_487 : i32 to index
      %get3A_532 = arith.index_cast %mul3A_530 : i32 to index
      %get3A_533 = tpu.vector_load %arg5[%get3A_531, %get3A_532] {strides = array<i32>} : memref<4x1024xf32, #tpu.memory_space<vmem>>, vector<1x16xf32>,
      %get3A_534 = vector.shape_cast %get3A_533 : vector<1x16xf32> to vector<16xf32>
      %swap3A_535 = arith.constant 0 : i32
      %swap3A_536 = arith.index_cast %shift_right_arithmetic3A_487 : i32 to index
      %swap3A_537 = arith.index_cast %swap3A_535 : i32 to index
      %swap3A_538 = arith.index_cast %mul3A_530 : i32 to index
      %swap3A_539 = tpu.vector_load %arg11[%swap3A_536, %swap3A_537, %swap3A_538] {strides = array<i32>} : memref<4x4x1024xf32, #tpu.memory_space<vmem>>, vector<1x1x16xf32>,
      %swap3A_540 = vector.shape_cast %swap3A_539 : vector<1x1x16xf32> to vector<16xf32>
      %swap3A_541 = vector.shape_cast %get3A_534 : vector<16xf32> to vector<1x1x16xf32>
      tpu.vector_store %arg11[%swap3A_536, %swap3A_537, %swap3A_538], %swap3A_541 {add = true, strides = array<i32>} : memref<4x4x1024xf32, #tpu.memory_space<vmem>>, vector<1x1x16xf32>,
      %swap3A_542 = arith.constant 1 : i32
      %swap3A_543 = arith.index_cast %shift_right_arithmetic3A_487 : i32 to index
      %swap3A_544 = arith.index_cast %swap3A_542 : i32 to index
      %swap3A_545 = arith.index_cast %mul3A_530 : i32 to index
      %swap3A_546 = tpu.vector_load %arg11[%swap3A_543, %swap3A_544, %swap3A_545] {strides = array<i32>} : memref<4x4x1024xf32, #tpu.memory_space<vmem>>, vector<1x1x16xf32>,
      %swap3A_547 = vector.shape_cast %swap3A_546 : vector<1x1x16xf32> to vector<16xf32>
      %swap3A_548 = vector.shape_cast %get3A_534 : vector<16xf32> to vector<1x1x16xf32>
      tpu.vector_store %arg11[%swap3A_543, %swap3A_544, %swap3A_545], %swap3A_548 {add = true, strides = array<i32>} : memref<4x4x1024xf32, #tpu.memory_space<vmem>>, vector<1x1x16xf32>,
      %swap3A_549 = arith.constant 2 : i32
      %swap3A_550 = arith.index_cast %shift_right_arithmetic3A_487 : i32 to index
      %swap3A_551 = arith.index_cast %swap3A_549 : i32 to index
      %swap3A_552 = arith.index_cast %mul3A_530 : i32 to index
      %swap3A_553 = tpu.vector_load %arg11[%swap3A_550, %swap3A_551, %swap3A_552] {strides = array<i32>} : memref<4x4x1024xf32, #tpu.memory_space<vmem>>, vector<1x1x16xf32>,
      %swap3A_554 = vector.shape_cast %swap3A_553 : vector<1x1x16xf32> to vector<16xf32>
      %swap3A_555 = vector.shape_cast %get3A_534 : vector<16xf32> to vector<1x1x16xf32>
      tpu.vector_store %arg11[%swap3A_550, %swap3A_551, %swap3A_552], %swap3A_555 {add = true, strides = array<i32>} : memref<4x4x1024xf32, #tpu.memory_space<vmem>>, vector<1x1x16xf32>,
      %swap3A_556 = arith.constant 3 : i32
      %swap3A_557 = arith.index_cast %shift_right_arithmetic3A_487 : i32 to index
      %swap3A_558 = arith.index_cast %swap3A_556 : i32 to index
      %swap3A_559 = arith.index_cast %mul3A_530 : i32 to index
      %swap3A_560 = tpu.vector_load %arg11[%swap3A_557, %swap3A_558, %swap3A_559] {strides = array<i32>} : memref<4x4x1024xf32, #tpu.memory_space<vmem>>, vector<1x1x16xf32>,
      %swap3A_561 = vector.shape_cast %swap3A_560 : vector<1x1x16xf32> to vector<16xf32>
      %swap3A_562 = vector.shape_cast %get3A_534 : vector<16xf32> to vector<1x1x16xf32>
      tpu.vector_store %arg11[%swap3A_557, %swap3A_558, %swap3A_559], %swap3A_562 {add = true, strides = array<i32>} : memref<4x4x1024xf32, #tpu.memory_space<vmem>>, vector<1x1x16xf32>,
      %mul3A_563 = arith.constant 4 : i32
      %mul3A_564 = arith.muli %and3A_488, %mul3A_563 : i32
      %add3A_565 = arith.constant 2 : i32
      %add3A_566 = arith.addi %mul3A_564, %add3A_565 : i32
      %mul3A_567 = arith.constant 16 : i32
      %mul3A_568 = arith.muli %add3A_566, %mul3A_567 : i32
      %get3A_569 = arith.index_cast %shift_right_arithmetic3A_487 : i32 to index
      %get3A_570 = arith.index_cast %mul3A_568 : i32 to index
      %get3A_571 = tpu.vector_load %arg5[%get3A_569, %get3A_570] {strides = array<i32>} : memref<4x1024xf32, #tpu.memory_space<vmem>>, vector<1x16xf32>,
      %get3A_572 = vector.shape_cast %get3A_571 : vector<1x16xf32> to vector<16xf32>
      %swap3A_573 = arith.constant 0 : i32
      %swap3A_574 = arith.index_cast %shift_right_arithmetic3A_487 : i32 to index
      %swap3A_575 = arith.index_cast %swap3A_573 : i32 to index
      %swap3A_576 = arith.index_cast %mul3A_568 : i32 to index
      %swap3A_577 = tpu.vector_load %arg11[%swap3A_574, %swap3A_575, %swap3A_576] {strides = array<i32>} : memref<4x4x1024xf32, #tpu.memory_space<vmem>>, vector<1x1x16xf32>,
      %swap3A_578 = vector.shape_cast %swap3A_577 : vector<1x1x16xf32> to vector<16xf32>
      %swap3A_579 = vector.shape_cast %get3A_572 : vector<16xf32> to vector<1x1x16xf32>
      tpu.vector_store %arg11[%swap3A_574, %swap3A_575, %swap3A_576], %swap3A_579 {add = true, strides = array<i32>} : memref<4x4x1024xf32, #tpu.memory_space<vmem>>, vector<1x1x16xf32>,
      %swap3A_580 = arith.constant 1 : i32
      %swap3A_581 = arith.index_cast %shift_right_arithmetic3A_487 : i32 to index
      %swap3A_582 = arith.index_cast %swap3A_580 : i32 to index
      %swap3A_583 = arith.index_cast %mul3A_568 : i32 to index
      %swap3A_584 = tpu.vector_load %arg11[%swap3A_581, %swap3A_582, %swap3A_583] {strides = array<i32>} : memref<4x4x1024xf32, #tpu.memory_space<vmem>>, vector<1x1x16xf32>,
      %swap3A_585 = vector.shape_cast %swap3A_584 : vector<1x1x16xf32> to vector<16xf32>
      %swap3A_586 = vector.shape_cast %get3A_572 : vector<16xf32> to vector<1x1x16xf32>
      tpu.vector_store %arg11[%swap3A_581, %swap3A_582, %swap3A_583], %swap3A_586 {add = true, strides = array<i32>} : memref<4x4x1024xf32, #tpu.memory_space<vmem>>, vector<1x1x16xf32>,
      %swap3A_587 = arith.constant 2 : i32
      %swap3A_588 = arith.index_cast %shift_right_arithmetic3A_487 : i32 to index
      %swap3A_589 = arith.index_cast %swap3A_587 : i32 to index
      %swap3A_590 = arith.index_cast %mul3A_568 : i32 to index
      %swap3A_591 = tpu.vector_load %arg11[%swap3A_588, %swap3A_589, %swap3A_590] {strides = array<i32>} : memref<4x4x1024xf32, #tpu.memory_space<vmem>>, vector<1x1x16xf32>,
      %swap3A_592 = vector.shape_cast %swap3A_591 : vector<1x1x16xf32> to vector<16xf32>
      %swap3A_593 = vector.shape_cast %get3A_572 : vector<16xf32> to vector<1x1x16xf32>
      tpu.vector_store %arg11[%swap3A_588, %swap3A_589, %swap3A_590], %swap3A_593 {add = true, strides = array<i32>} : memref<4x4x1024xf32, #tpu.memory_space<vmem>>, vector<1x1x16xf32>,
      %swap3A_594 = arith.constant 3 : i32
      %swap3A_595 = arith.index_cast %shift_right_arithmetic3A_487 : i32 to index
      %swap3A_596 = arith.index_cast %swap3A_594 : i32 to index
      %swap3A_597 = arith.index_cast %mul3A_568 : i32 to index
      %swap3A_598 = tpu.vector_load %arg11[%swap3A_595, %swap3A_596, %swap3A_597] {strides = array<i32>} : memref<4x4x1024xf32, #tpu.memory_space<vmem>>, vector<1x1x16xf32>,
      %swap3A_599 = vector.shape_cast %swap3A_598 : vector<1x1x16xf32> to vector<16xf32>
      %swap3A_600 = vector.shape_cast %get3A_572 : vector<16xf32> to vector<1x1x16xf32>
      tpu.vector_store %arg11[%swap3A_595, %swap3A_596, %swap3A_597], %swap3A_600 {add = true, strides = array<i32>} : memref<4x4x1024xf32, #tpu.memory_space<vmem>>, vector<1x1x16xf32>,
      %mul3A_601 = arith.constant 4 : i32
      %mul3A_602 = arith.muli %and3A_488, %mul3A_601 : i32
      %add3A_603 = arith.constant 3 : i32
      %add3A_604 = arith.addi %mul3A_602, %add3A_603 : i32
      %mul3A_605 = arith.constant 16 : i32
      %mul3A_606 = arith.muli %add3A_604, %mul3A_605 : i32
      %get3A_607 = arith.index_cast %shift_right_arithmetic3A_487 : i32 to index
      %get3A_608 = arith.index_cast %mul3A_606 : i32 to index
      %get3A_609 = tpu.vector_load %arg5[%get3A_607, %get3A_608] {strides = array<i32>} : memref<4x1024xf32, #tpu.memory_space<vmem>>, vector<1x16xf32>,
      %get3A_610 = vector.shape_cast %get3A_609 : vector<1x16xf32> to vector<16xf32>
      %swap3A_611 = arith.constant 0 : i32
      %swap3A_612 = arith.index_cast %shift_right_arithmetic3A_487 : i32 to index
      %swap3A_613 = arith.index_cast %swap3A_611 : i32 to index
      %swap3A_614 = arith.index_cast %mul3A_606 : i32 to index
      %swap3A_615 = tpu.vector_load %arg11[%swap3A_612, %swap3A_613, %swap3A_614] {strides = array<i32>} : memref<4x4x1024xf32, #tpu.memory_space<vmem>>, vector<1x1x16xf32>,
      %swap3A_616 = vector.shape_cast %swap3A_615 : vector<1x1x16xf32> to vector<16xf32>
      %swap3A_617 = vector.shape_cast %get3A_610 : vector<16xf32> to vector<1x1x16xf32>
      tpu.vector_store %arg11[%swap3A_612, %swap3A_613, %swap3A_614], %swap3A_617 {add = true, strides = array<i32>} : memref<4x4x1024xf32, #tpu.memory_space<vmem>>, vector<1x1x16xf32>,
      %swap3A_618 = arith.constant 1 : i32
      %swap3A_619 = arith.index_cast %shift_right_arithmetic3A_487 : i32 to index
      %swap3A_620 = arith.index_cast %swap3A_618 : i32 to index
      %swap3A_621 = arith.index_cast %mul3A_606 : i32 to index
      %swap3A_622 = tpu.vector_load %arg11[%swap3A_619, %swap3A_620, %swap3A_621] {strides = array<i32>} : memref<4x4x1024xf32, #tpu.memory_space<vmem>>, vector<1x1x16xf32>,
      %swap3A_623 = vector.shape_cast %swap3A_622 : vector<1x1x16xf32> to vector<16xf32>
      %swap3A_624 = vector.shape_cast %get3A_610 : vector<16xf32> to vector<1x1x16xf32>
      tpu.vector_store %arg11[%swap3A_619, %swap3A_620, %swap3A_621], %swap3A_624 {add = true, strides = array<i32>} : memref<4x4x1024xf32, #tpu.memory_space<vmem>>, vector<1x1x16xf32>,
      %swap3A_625 = arith.constant 2 : i32
      %swap3A_626 = arith.index_cast %shift_right_arithmetic3A_487 : i32 to index
      %swap3A_627 = arith.index_cast %swap3A_625 : i32 to index
      %swap3A_628 = arith.index_cast %mul3A_606 : i32 to index
      %swap3A_629 = tpu.vector_load %arg11[%swap3A_626, %swap3A_627, %swap3A_628] {strides = array<i32>} : memref<4x4x1024xf32, #tpu.memory_space<vmem>>, vector<1x1x16xf32>,
      %swap3A_630 = vector.shape_cast %swap3A_629 : vector<1x1x16xf32> to vector<16xf32>
      %swap3A_631 = vector.shape_cast %get3A_610 : vector<16xf32> to vector<1x1x16xf32>
      tpu.vector_store %arg11[%swap3A_626, %swap3A_627, %swap3A_628], %swap3A_631 {add = true, strides = array<i32>} : memref<4x4x1024xf32, #tpu.memory_space<vmem>>, vector<1x1x16xf32>,
      %swap3A_632 = arith.constant 3 : i32
      %swap3A_633 = arith.index_cast %shift_right_arithmetic3A_487 : i32 to index
      %swap3A_634 = arith.index_cast %swap3A_632 : i32 to index
      %swap3A_635 = arith.index_cast %mul3A_606 : i32 to index
      %swap3A_636 = tpu.vector_load %arg11[%swap3A_633, %swap3A_634, %swap3A_635] {strides = array<i32>} : memref<4x4x1024xf32, #tpu.memory_space<vmem>>, vector<1x1x16xf32>,
      %swap3A_637 = vector.shape_cast %swap3A_636 : vector<1x1x16xf32> to vector<16xf32>
      %swap3A_638 = vector.shape_cast %get3A_610 : vector<16xf32> to vector<1x1x16xf32>
      tpu.vector_store %arg11[%swap3A_633, %swap3A_634, %swap3A_635], %swap3A_638 {add = true, strides = array<i32>} : memref<4x4x1024xf32, #tpu.memory_space<vmem>>, vector<1x1x16xf32>,
    }
    %scan3A_345 = arith.constant 64 : i32
    %add3A_346 = arith.constant 240 : i32
    %add3A_347 = arith.addi %mul3A_2, %add3A_346 : i32
    %dma_start3A_348 = arith.constant 0 : i32
    %dma_start3A_349 = arith.constant 0 : i32
    %dma_start3A_350 = tpu.memref_slice %arg4[%add3A_347, %dma_start3A_348, %dma_start3A_349] : memref<8192x4x1024xf32, #tpu.memory_space<hbm>> -> memref<4x4x1024xf32, #tpu.memory_space<hbm>>
    %dma_start3A_351 = arith.constant 0 : i32
    %dma_start3A_352 = arith.constant 0 : i32
    %dma_start3A_353 = tpu.memref_slice %arg4[%add3A_347, %dma_start3A_351, %dma_start3A_352] : memref<8192x4x1024xf32, #tpu.memory_space<hbm>> -> memref<4x4x1024xf32, #tpu.memory_space<hbm>>
    tpu.enqueue_dma source(%arg11 : memref<4x4x1024xf32, #tpu.memory_space<vmem>>) target(%dma_start3A_353 : memref<4x4x1024xf32, #tpu.memory_space<hbm>>) target_semaphore(%arg23 : memref<!tpu.dma_semaphore, #tpu.memory_space<semaphore_mem>>)
    %dma_wait3A_354 = arith.constant 0 : i32
    %dma_wait3A_355 = arith.constant 0 : i32
    %dma_wait3A_356 = tpu.memref_slice %arg3[%dma_wait3A_354, %dma_wait3A_355] : memref<8192x1024xf32, #tpu.memory_space<hbm>> -> memref<4x1024xf32, #tpu.memory_space<hbm>>
    %dma_wait3A_357 = arith.constant 0 : i32
    %dma_wait3A_358 = arith.constant 0 : i32
    %dma_wait3A_359 = tpu.memref_slice %arg3[%dma_wait3A_357, %dma_wait3A_358] : memref<8192x1024xf32, #tpu.memory_space<hbm>> -> memref<4x1024xf32, #tpu.memory_space<hbm>>
    tpu.wait_dma2 semaphore(%arg18 : memref<!tpu.dma_semaphore, #tpu.memory_space<semaphore_mem>>) src(%dma_wait3A_359 : memref<4x1024xf32, #tpu.memory_space<hbm>>) dst(%arg6 : memref<4x1024xf32, #tpu.memory_space<vmem>>)
    %dma_wait3A_360 = arith.constant 0 : i32
    %dma_wait3A_361 = arith.constant 0 : i32
    %dma_wait3A_362 = arith.constant 0 : i32
    %dma_wait3A_363 = tpu.memref_slice %arg2[%dma_wait3A_360, %dma_wait3A_361, %dma_wait3A_362] : memref<8192x4x1024xf32, #tpu.memory_space<hbm>> -> memref<4x4x1024xf32, #tpu.memory_space<hbm>>
    %dma_wait3A_364 = arith.constant 0 : i32
    %dma_wait3A_365 = arith.constant 0 : i32
    %dma_wait3A_366 = arith.constant 0 : i32
    %dma_wait3A_367 = tpu.memref_slice %arg2[%dma_wait3A_364, %dma_wait3A_365, %dma_wait3A_366] : memref<8192x4x1024xf32, #tpu.memory_space<hbm>> -> memref<4x4x1024xf32, #tpu.memory_space<hbm>>
    tpu.wait_dma2 semaphore(%arg18 : memref<!tpu.dma_semaphore, #tpu.memory_space<semaphore_mem>>) src(%dma_wait3A_367 : memref<4x4x1024xf32, #tpu.memory_space<hbm>>) dst(%arg12 : memref<4x4x1024xf32, #tpu.memory_space<vmem>>)
    %scan3A_368 = arith.constant 0 : i32
    %scan3A_369 = arith.constant 0 : i32
    %scan3A_370 = arith.constant 64 : i32
    %scan3A_371 = arith.addi %scan3A_369, %scan3A_370 : i32
    %scan3A_372 = arith.constant 1 : i32
    scf.for %scan3A_486 = %scan3A_369 to %scan3A_371 step %scan3A_372  : i32 {
      %shift_right_arithmetic3A = arith.constant 4 : i32
      %shift_right_arithmetic3A_487 = arith.shrsi %scan3A_486, %shift_right_arithmetic3A : i32
      %and3A = arith.constant 15 : i32
      %and3A_488 = arith.andi %scan3A_486, %and3A : i32
      %mul3A_489 = arith.constant 4 : i32
      %mul3A_490 = arith.muli %and3A_488, %mul3A_489 : i32
      %add3A_491 = arith.constant 0 : i32
      %add3A_492 = arith.addi %mul3A_490, %add3A_491 : i32
      %mul3A_493 = arith.constant 16 : i32
      %mul3A_494 = arith.muli %add3A_492, %mul3A_493 : i32
      %get3A = arith.index_cast %shift_right_arithmetic3A_487 : i32 to index
      %get3A_495 = arith.index_cast %mul3A_494 : i32 to index
      %get3A_496 = tpu.vector_load %arg6[%get3A, %get3A_495] {strides = array<i32>} : memref<4x1024xf32, #tpu.memory_space<vmem>>, vector<1x16xf32>,
      %get3A_497 = vector.shape_cast %get3A_496 : vector<1x16xf32> to vector<16xf32>
      %swap3A = arith.constant 0 : i32
      %swap3A_498 = arith.index_cast %shift_right_arithmetic3A_487 : i32 to index
      %swap3A_499 = arith.index_cast %swap3A : i32 to index
      %swap3A_500 = arith.index_cast %mul3A_494 : i32 to index
      %swap3A_501 = tpu.vector_load %arg12[%swap3A_498, %swap3A_499, %swap3A_500] {strides = array<i32>} : memref<4x4x1024xf32, #tpu.memory_space<vmem>>, vector<1x1x16xf32>,
      %swap3A_502 = vector.shape_cast %swap3A_501 : vector<1x1x16xf32> to vector<16xf32>
      %swap3A_503 = vector.shape_cast %get3A_497 : vector<16xf32> to vector<1x1x16xf32>
      tpu.vector_store %arg12[%swap3A_498, %swap3A_499, %swap3A_500], %swap3A_503 {add = true, strides = array<i32>} : memref<4x4x1024xf32, #tpu.memory_space<vmem>>, vector<1x1x16xf32>,
      %swap3A_504 = arith.constant 1 : i32
      %swap3A_505 = arith.index_cast %shift_right_arithmetic3A_487 : i32 to index
      %swap3A_506 = arith.index_cast %swap3A_504 : i32 to index
      %swap3A_507 = arith.index_cast %mul3A_494 : i32 to index
      %swap3A_508 = tpu.vector_load %arg12[%swap3A_505, %swap3A_506, %swap3A_507] {strides = array<i32>} : memref<4x4x1024xf32, #tpu.memory_space<vmem>>, vector<1x1x16xf32>,
      %swap3A_509 = vector.shape_cast %swap3A_508 : vector<1x1x16xf32> to vector<16xf32>
      %swap3A_510 = vector.shape_cast %get3A_497 : vector<16xf32> to vector<1x1x16xf32>
      tpu.vector_store %arg12[%swap3A_505, %swap3A_506, %swap3A_507], %swap3A_510 {add = true, strides = array<i32>} : memref<4x4x1024xf32, #tpu.memory_space<vmem>>, vector<1x1x16xf32>,
      %swap3A_511 = arith.constant 2 : i32
      %swap3A_512 = arith.index_cast %shift_right_arithmetic3A_487 : i32 to index
      %swap3A_513 = arith.index_cast %swap3A_511 : i32 to index
      %swap3A_514 = arith.index_cast %mul3A_494 : i32 to index
      %swap3A_515 = tpu.vector_load %arg12[%swap3A_512, %swap3A_513, %swap3A_514] {strides = array<i32>} : memref<4x4x1024xf32, #tpu.memory_space<vmem>>, vector<1x1x16xf32>,
      %swap3A_516 = vector.shape_cast %swap3A_515 : vector<1x1x16xf32> to vector<16xf32>
      %swap3A_517 = vector.shape_cast %get3A_497 : vector<16xf32> to vector<1x1x16xf32>
      tpu.vector_store %arg12[%swap3A_512, %swap3A_513, %swap3A_514], %swap3A_517 {add = true, strides = array<i32>} : memref<4x4x1024xf32, #tpu.memory_space<vmem>>, vector<1x1x16xf32>,
      %swap3A_518 = arith.constant 3 : i32
      %swap3A_519 = arith.index_cast %shift_right_arithmetic3A_487 : i32 to index
      %swap3A_520 = arith.index_cast %swap3A_518 : i32 to index
      %swap3A_521 = arith.index_cast %mul3A_494 : i32 to index
      %swap3A_522 = tpu.vector_load %arg12[%swap3A_519, %swap3A_520, %swap3A_521] {strides = array<i32>} : memref<4x4x1024xf32, #tpu.memory_space<vmem>>, vector<1x1x16xf32>,
      %swap3A_523 = vector.shape_cast %swap3A_522 : vector<1x1x16xf32> to vector<16xf32>
      %swap3A_524 = vector.shape_cast %get3A_497 : vector<16xf32> to vector<1x1x16xf32>
      tpu.vector_store %arg12[%swap3A_519, %swap3A_520, %swap3A_521], %swap3A_524 {add = true, strides = array<i32>} : memref<4x4x1024xf32, #tpu.memory_space<vmem>>, vector<1x1x16xf32>,
      %mul3A_525 = arith.constant 4 : i32
      %mul3A_526 = arith.muli %and3A_488, %mul3A_525 : i32
      %add3A_527 = arith.constant 1 : i32
      %add3A_528 = arith.addi %mul3A_526, %add3A_527 : i32
      %mul3A_529 = arith.constant 16 : i32
      %mul3A_530 = arith.muli %add3A_528, %mul3A_529 : i32
      %get3A_531 = arith.index_cast %shift_right_arithmetic3A_487 : i32 to index
      %get3A_532 = arith.index_cast %mul3A_530 : i32 to index
      %get3A_533 = tpu.vector_load %arg6[%get3A_531, %get3A_532] {strides = array<i32>} : memref<4x1024xf32, #tpu.memory_space<vmem>>, vector<1x16xf32>,
      %get3A_534 = vector.shape_cast %get3A_533 : vector<1x16xf32> to vector<16xf32>
      %swap3A_535 = arith.constant 0 : i32
      %swap3A_536 = arith.index_cast %shift_right_arithmetic3A_487 : i32 to index
      %swap3A_537 = arith.index_cast %swap3A_535 : i32 to index
      %swap3A_538 = arith.index_cast %mul3A_530 : i32 to index
      %swap3A_539 = tpu.vector_load %arg12[%swap3A_536, %swap3A_537, %swap3A_538] {strides = array<i32>} : memref<4x4x1024xf32, #tpu.memory_space<vmem>>, vector<1x1x16xf32>,
      %swap3A_540 = vector.shape_cast %swap3A_539 : vector<1x1x16xf32> to vector<16xf32>
      %swap3A_541 = vector.shape_cast %get3A_534 : vector<16xf32> to vector<1x1x16xf32>
      tpu.vector_store %arg12[%swap3A_536, %swap3A_537, %swap3A_538], %swap3A_541 {add = true, strides = array<i32>} : memref<4x4x1024xf32, #tpu.memory_space<vmem>>, vector<1x1x16xf32>,
      %swap3A_542 = arith.constant 1 : i32
      %swap3A_543 = arith.index_cast %shift_right_arithmetic3A_487 : i32 to index
      %swap3A_544 = arith.index_cast %swap3A_542 : i32 to index
      %swap3A_545 = arith.index_cast %mul3A_530 : i32 to index
      %swap3A_546 = tpu.vector_load %arg12[%swap3A_543, %swap3A_544, %swap3A_545] {strides = array<i32>} : memref<4x4x1024xf32, #tpu.memory_space<vmem>>, vector<1x1x16xf32>,
      %swap3A_547 = vector.shape_cast %swap3A_546 : vector<1x1x16xf32> to vector<16xf32>
      %swap3A_548 = vector.shape_cast %get3A_534 : vector<16xf32> to vector<1x1x16xf32>
      tpu.vector_store %arg12[%swap3A_543, %swap3A_544, %swap3A_545], %swap3A_548 {add = true, strides = array<i32>} : memref<4x4x1024xf32, #tpu.memory_space<vmem>>, vector<1x1x16xf32>,
      %swap3A_549 = arith.constant 2 : i32
      %swap3A_550 = arith.index_cast %shift_right_arithmetic3A_487 : i32 to index
      %swap3A_551 = arith.index_cast %swap3A_549 : i32 to index
      %swap3A_552 = arith.index_cast %mul3A_530 : i32 to index
      %swap3A_553 = tpu.vector_load %arg12[%swap3A_550, %swap3A_551, %swap3A_552] {strides = array<i32>} : memref<4x4x1024xf32, #tpu.memory_space<vmem>>, vector<1x1x16xf32>,
      %swap3A_554 = vector.shape_cast %swap3A_553 : vector<1x1x16xf32> to vector<16xf32>
      %swap3A_555 = vector.shape_cast %get3A_534 : vector<16xf32> to vector<1x1x16xf32>
      tpu.vector_store %arg12[%swap3A_550, %swap3A_551, %swap3A_552], %swap3A_555 {add = true, strides = array<i32>} : memref<4x4x1024xf32, #tpu.memory_space<vmem>>, vector<1x1x16xf32>,
      %swap3A_556 = arith.constant 3 : i32
      %swap3A_557 = arith.index_cast %shift_right_arithmetic3A_487 : i32 to index
      %swap3A_558 = arith.index_cast %swap3A_556 : i32 to index
      %swap3A_559 = arith.index_cast %mul3A_530 : i32 to index
      %swap3A_560 = tpu.vector_load %arg12[%swap3A_557, %swap3A_558, %swap3A_559] {strides = array<i32>} : memref<4x4x1024xf32, #tpu.memory_space<vmem>>, vector<1x1x16xf32>,
      %swap3A_561 = vector.shape_cast %swap3A_560 : vector<1x1x16xf32> to vector<16xf32>
      %swap3A_562 = vector.shape_cast %get3A_534 : vector<16xf32> to vector<1x1x16xf32>
      tpu.vector_store %arg12[%swap3A_557, %swap3A_558, %swap3A_559], %swap3A_562 {add = true, strides = array<i32>} : memref<4x4x1024xf32, #tpu.memory_space<vmem>>, vector<1x1x16xf32>,
      %mul3A_563 = arith.constant 4 : i32
      %mul3A_564 = arith.muli %and3A_488, %mul3A_563 : i32
      %add3A_565 = arith.constant 2 : i32
      %add3A_566 = arith.addi %mul3A_564, %add3A_565 : i32
      %mul3A_567 = arith.constant 16 : i32
      %mul3A_568 = arith.muli %add3A_566, %mul3A_567 : i32
      %get3A_569 = arith.index_cast %shift_right_arithmetic3A_487 : i32 to index
      %get3A_570 = arith.index_cast %mul3A_568 : i32 to index
      %get3A_571 = tpu.vector_load %arg6[%get3A_569, %get3A_570] {strides = array<i32>} : memref<4x1024xf32, #tpu.memory_space<vmem>>, vector<1x16xf32>,
      %get3A_572 = vector.shape_cast %get3A_571 : vector<1x16xf32> to vector<16xf32>
      %swap3A_573 = arith.constant 0 : i32
      %swap3A_574 = arith.index_cast %shift_right_arithmetic3A_487 : i32 to index
      %swap3A_575 = arith.index_cast %swap3A_573 : i32 to index
      %swap3A_576 = arith.index_cast %mul3A_568 : i32 to index
      %swap3A_577 = tpu.vector_load %arg12[%swap3A_574, %swap3A_575, %swap3A_576] {strides = array<i32>} : memref<4x4x1024xf32, #tpu.memory_space<vmem>>, vector<1x1x16xf32>,
      %swap3A_578 = vector.shape_cast %swap3A_577 : vector<1x1x16xf32> to vector<16xf32>
      %swap3A_579 = vector.shape_cast %get3A_572 : vector<16xf32> to vector<1x1x16xf32>
      tpu.vector_store %arg12[%swap3A_574, %swap3A_575, %swap3A_576], %swap3A_579 {add = true, strides = array<i32>} : memref<4x4x1024xf32, #tpu.memory_space<vmem>>, vector<1x1x16xf32>,
      %swap3A_580 = arith.constant 1 : i32
      %swap3A_581 = arith.index_cast %shift_right_arithmetic3A_487 : i32 to index
      %swap3A_582 = arith.index_cast %swap3A_580 : i32 to index
      %swap3A_583 = arith.index_cast %mul3A_568 : i32 to index
      %swap3A_584 = tpu.vector_load %arg12[%swap3A_581, %swap3A_582, %swap3A_583] {strides = array<i32>} : memref<4x4x1024xf32, #tpu.memory_space<vmem>>, vector<1x1x16xf32>,
      %swap3A_585 = vector.shape_cast %swap3A_584 : vector<1x1x16xf32> to vector<16xf32>
      %swap3A_586 = vector.shape_cast %get3A_572 : vector<16xf32> to vector<1x1x16xf32>
      tpu.vector_store %arg12[%swap3A_581, %swap3A_582, %swap3A_583], %swap3A_586 {add = true, strides = array<i32>} : memref<4x4x1024xf32, #tpu.memory_space<vmem>>, vector<1x1x16xf32>,
      %swap3A_587 = arith.constant 2 : i32
      %swap3A_588 = arith.index_cast %shift_right_arithmetic3A_487 : i32 to index
      %swap3A_589 = arith.index_cast %swap3A_587 : i32 to index
      %swap3A_590 = arith.index_cast %mul3A_568 : i32 to index
      %swap3A_591 = tpu.vector_load %arg12[%swap3A_588, %swap3A_589, %swap3A_590] {strides = array<i32>} : memref<4x4x1024xf32, #tpu.memory_space<vmem>>, vector<1x1x16xf32>,
      %swap3A_592 = vector.shape_cast %swap3A_591 : vector<1x1x16xf32> to vector<16xf32>
      %swap3A_593 = vector.shape_cast %get3A_572 : vector<16xf32> to vector<1x1x16xf32>
      tpu.vector_store %arg12[%swap3A_588, %swap3A_589, %swap3A_590], %swap3A_593 {add = true, strides = array<i32>} : memref<4x4x1024xf32, #tpu.memory_space<vmem>>, vector<1x1x16xf32>,
      %swap3A_594 = arith.constant 3 : i32
      %swap3A_595 = arith.index_cast %shift_right_arithmetic3A_487 : i32 to index
      %swap3A_596 = arith.index_cast %swap3A_594 : i32 to index
      %swap3A_597 = arith.index_cast %mul3A_568 : i32 to index
      %swap3A_598 = tpu.vector_load %arg12[%swap3A_595, %swap3A_596, %swap3A_597] {strides = array<i32>} : memref<4x4x1024xf32, #tpu.memory_space<vmem>>, vector<1x1x16xf32>,
      %swap3A_599 = vector.shape_cast %swap3A_598 : vector<1x1x16xf32> to vector<16xf32>
      %swap3A_600 = vector.shape_cast %get3A_572 : vector<16xf32> to vector<1x1x16xf32>
      tpu.vector_store %arg12[%swap3A_595, %swap3A_596, %swap3A_597], %swap3A_600 {add = true, strides = array<i32>} : memref<4x4x1024xf32, #tpu.memory_space<vmem>>, vector<1x1x16xf32>,
      %mul3A_601 = arith.constant 4 : i32
      %mul3A_602 = arith.muli %and3A_488, %mul3A_601 : i32
      %add3A_603 = arith.constant 3 : i32
      %add3A_604 = arith.addi %mul3A_602, %add3A_603 : i32
      %mul3A_605 = arith.constant 16 : i32
      %mul3A_606 = arith.muli %add3A_604, %mul3A_605 : i32
      %get3A_607 = arith.index_cast %shift_right_arithmetic3A_487 : i32 to index
      %get3A_608 = arith.index_cast %mul3A_606 : i32 to index
      %get3A_609 = tpu.vector_load %arg6[%get3A_607, %get3A_608] {strides = array<i32>} : memref<4x1024xf32, #tpu.memory_space<vmem>>, vector<1x16xf32>,
      %get3A_610 = vector.shape_cast %get3A_609 : vector<1x16xf32> to vector<16xf32>
      %swap3A_611 = arith.constant 0 : i32
      %swap3A_612 = arith.index_cast %shift_right_arithmetic3A_487 : i32 to index
      %swap3A_613 = arith.index_cast %swap3A_611 : i32 to index
      %swap3A_614 = arith.index_cast %mul3A_606 : i32 to index
      %swap3A_615 = tpu.vector_load %arg12[%swap3A_612, %swap3A_613, %swap3A_614] {strides = array<i32>} : memref<4x4x1024xf32, #tpu.memory_space<vmem>>, vector<1x1x16xf32>,
      %swap3A_616 = vector.shape_cast %swap3A_615 : vector<1x1x16xf32> to vector<16xf32>
      %swap3A_617 = vector.shape_cast %get3A_610 : vector<16xf32> to vector<1x1x16xf32>
      tpu.vector_store %arg12[%swap3A_612, %swap3A_613, %swap3A_614], %swap3A_617 {add = true, strides = array<i32>} : memref<4x4x1024xf32, #tpu.memory_space<vmem>>, vector<1x1x16xf32>,
      %swap3A_618 = arith.constant 1 : i32
      %swap3A_619 = arith.index_cast %shift_right_arithmetic3A_487 : i32 to index
      %swap3A_620 = arith.index_cast %swap3A_618 : i32 to index
      %swap3A_621 = arith.index_cast %mul3A_606 : i32 to index
      %swap3A_622 = tpu.vector_load %arg12[%swap3A_619, %swap3A_620, %swap3A_621] {strides = array<i32>} : memref<4x4x1024xf32, #tpu.memory_space<vmem>>, vector<1x1x16xf32>,
      %swap3A_623 = vector.shape_cast %swap3A_622 : vector<1x1x16xf32> to vector<16xf32>
      %swap3A_624 = vector.shape_cast %get3A_610 : vector<16xf32> to vector<1x1x16xf32>
      tpu.vector_store %arg12[%swap3A_619, %swap3A_620, %swap3A_621], %swap3A_624 {add = true, strides = array<i32>} : memref<4x4x1024xf32, #tpu.memory_space<vmem>>, vector<1x1x16xf32>,
      %swap3A_625 = arith.constant 2 : i32
      %swap3A_626 = arith.index_cast %shift_right_arithmetic3A_487 : i32 to index
      %swap3A_627 = arith.index_cast %swap3A_625 : i32 to index
      %swap3A_628 = arith.index_cast %mul3A_606 : i32 to index
      %swap3A_629 = tpu.vector_load %arg12[%swap3A_626, %swap3A_627, %swap3A_628] {strides = array<i32>} : memref<4x4x1024xf32, #tpu.memory_space<vmem>>, vector<1x1x16xf32>,
      %swap3A_630 = vector.shape_cast %swap3A_629 : vector<1x1x16xf32> to vector<16xf32>
      %swap3A_631 = vector.shape_cast %get3A_610 : vector<16xf32> to vector<1x1x16xf32>
      tpu.vector_store %arg12[%swap3A_626, %swap3A_627, %swap3A_628], %swap3A_631 {add = true, strides = array<i32>} : memref<4x4x1024xf32, #tpu.memory_space<vmem>>, vector<1x1x16xf32>,
      %swap3A_632 = arith.constant 3 : i32
      %swap3A_633 = arith.index_cast %shift_right_arithmetic3A_487 : i32 to index
      %swap3A_634 = arith.index_cast %swap3A_632 : i32 to index
      %swap3A_635 = arith.index_cast %mul3A_606 : i32 to index
      %swap3A_636 = tpu.vector_load %arg12[%swap3A_633, %swap3A_634, %swap3A_635] {strides = array<i32>} : memref<4x4x1024xf32, #tpu.memory_space<vmem>>, vector<1x1x16xf32>,
      %swap3A_637 = vector.shape_cast %swap3A_636 : vector<1x1x16xf32> to vector<16xf32>
      %swap3A_638 = vector.shape_cast %get3A_610 : vector<16xf32> to vector<1x1x16xf32>
      tpu.vector_store %arg12[%swap3A_633, %swap3A_634, %swap3A_635], %swap3A_638 {add = true, strides = array<i32>} : memref<4x4x1024xf32, #tpu.memory_space<vmem>>, vector<1x1x16xf32>,
    }
    %scan3A_373 = arith.constant 64 : i32
    %add3A_374 = arith.constant 244 : i32
    %add3A_375 = arith.addi %mul3A_2, %add3A_374 : i32
    %dma_start3A_376 = arith.constant 0 : i32
    %dma_start3A_377 = arith.constant 0 : i32
    %dma_start3A_378 = tpu.memref_slice %arg4[%add3A_375, %dma_start3A_376, %dma_start3A_377] : memref<8192x4x1024xf32, #tpu.memory_space<hbm>> -> memref<4x4x1024xf32, #tpu.memory_space<hbm>>
    %dma_start3A_379 = arith.constant 0 : i32
    %dma_start3A_380 = arith.constant 0 : i32
    %dma_start3A_381 = tpu.memref_slice %arg4[%add3A_375, %dma_start3A_379, %dma_start3A_380] : memref<8192x4x1024xf32, #tpu.memory_space<hbm>> -> memref<4x4x1024xf32, #tpu.memory_space<hbm>>
    tpu.enqueue_dma source(%arg12 : memref<4x4x1024xf32, #tpu.memory_space<vmem>>) target(%dma_start3A_381 : memref<4x4x1024xf32, #tpu.memory_space<hbm>>) target_semaphore(%arg24 : memref<!tpu.dma_semaphore, #tpu.memory_space<semaphore_mem>>)
    %dma_wait3A_382 = arith.constant 0 : i32
    %dma_wait3A_383 = arith.constant 0 : i32
    %dma_wait3A_384 = tpu.memref_slice %arg3[%dma_wait3A_382, %dma_wait3A_383] : memref<8192x1024xf32, #tpu.memory_space<hbm>> -> memref<4x1024xf32, #tpu.memory_space<hbm>>
    %dma_wait3A_385 = arith.constant 0 : i32
    %dma_wait3A_386 = arith.constant 0 : i32
    %dma_wait3A_387 = tpu.memref_slice %arg3[%dma_wait3A_385, %dma_wait3A_386] : memref<8192x1024xf32, #tpu.memory_space<hbm>> -> memref<4x1024xf32, #tpu.memory_space<hbm>>
    tpu.wait_dma2 semaphore(%arg19 : memref<!tpu.dma_semaphore, #tpu.memory_space<semaphore_mem>>) src(%dma_wait3A_387 : memref<4x1024xf32, #tpu.memory_space<hbm>>) dst(%arg7 : memref<4x1024xf32, #tpu.memory_space<vmem>>)
    %dma_wait3A_388 = arith.constant 0 : i32
    %dma_wait3A_389 = arith.constant 0 : i32
    %dma_wait3A_390 = arith.constant 0 : i32
    %dma_wait3A_391 = tpu.memref_slice %arg2[%dma_wait3A_388, %dma_wait3A_389, %dma_wait3A_390] : memref<8192x4x1024xf32, #tpu.memory_space<hbm>> -> memref<4x4x1024xf32, #tpu.memory_space<hbm>>
    %dma_wait3A_392 = arith.constant 0 : i32
    %dma_wait3A_393 = arith.constant 0 : i32
    %dma_wait3A_394 = arith.constant 0 : i32
    %dma_wait3A_395 = tpu.memref_slice %arg2[%dma_wait3A_392, %dma_wait3A_393, %dma_wait3A_394] : memref<8192x4x1024xf32, #tpu.memory_space<hbm>> -> memref<4x4x1024xf32, #tpu.memory_space<hbm>>
    tpu.wait_dma2 semaphore(%arg19 : memref<!tpu.dma_semaphore, #tpu.memory_space<semaphore_mem>>) src(%dma_wait3A_395 : memref<4x4x1024xf32, #tpu.memory_space<hbm>>) dst(%arg13 : memref<4x4x1024xf32, #tpu.memory_space<vmem>>)
    %scan3A_396 = arith.constant 0 : i32
    %scan3A_397 = arith.constant 0 : i32
    %scan3A_398 = arith.constant 64 : i32
    %scan3A_399 = arith.addi %scan3A_397, %scan3A_398 : i32
    %scan3A_400 = arith.constant 1 : i32
    scf.for %scan3A_486 = %scan3A_397 to %scan3A_399 step %scan3A_400  : i32 {
      %shift_right_arithmetic3A = arith.constant 4 : i32
      %shift_right_arithmetic3A_487 = arith.shrsi %scan3A_486, %shift_right_arithmetic3A : i32
      %and3A = arith.constant 15 : i32
      %and3A_488 = arith.andi %scan3A_486, %and3A : i32
      %mul3A_489 = arith.constant 4 : i32
      %mul3A_490 = arith.muli %and3A_488, %mul3A_489 : i32
      %add3A_491 = arith.constant 0 : i32
      %add3A_492 = arith.addi %mul3A_490, %add3A_491 : i32
      %mul3A_493 = arith.constant 16 : i32
      %mul3A_494 = arith.muli %add3A_492, %mul3A_493 : i32
      %get3A = arith.index_cast %shift_right_arithmetic3A_487 : i32 to index
      %get3A_495 = arith.index_cast %mul3A_494 : i32 to index
      %get3A_496 = tpu.vector_load %arg7[%get3A, %get3A_495] {strides = array<i32>} : memref<4x1024xf32, #tpu.memory_space<vmem>>, vector<1x16xf32>,
      %get3A_497 = vector.shape_cast %get3A_496 : vector<1x16xf32> to vector<16xf32>
      %swap3A = arith.constant 0 : i32
      %swap3A_498 = arith.index_cast %shift_right_arithmetic3A_487 : i32 to index
      %swap3A_499 = arith.index_cast %swap3A : i32 to index
      %swap3A_500 = arith.index_cast %mul3A_494 : i32 to index
      %swap3A_501 = tpu.vector_load %arg13[%swap3A_498, %swap3A_499, %swap3A_500] {strides = array<i32>} : memref<4x4x1024xf32, #tpu.memory_space<vmem>>, vector<1x1x16xf32>,
      %swap3A_502 = vector.shape_cast %swap3A_501 : vector<1x1x16xf32> to vector<16xf32>
      %swap3A_503 = vector.shape_cast %get3A_497 : vector<16xf32> to vector<1x1x16xf32>
      tpu.vector_store %arg13[%swap3A_498, %swap3A_499, %swap3A_500], %swap3A_503 {add = true, strides = array<i32>} : memref<4x4x1024xf32, #tpu.memory_space<vmem>>, vector<1x1x16xf32>,
      %swap3A_504 = arith.constant 1 : i32
      %swap3A_505 = arith.index_cast %shift_right_arithmetic3A_487 : i32 to index
      %swap3A_506 = arith.index_cast %swap3A_504 : i32 to index
      %swap3A_507 = arith.index_cast %mul3A_494 : i32 to index
      %swap3A_508 = tpu.vector_load %arg13[%swap3A_505, %swap3A_506, %swap3A_507] {strides = array<i32>} : memref<4x4x1024xf32, #tpu.memory_space<vmem>>, vector<1x1x16xf32>,
      %swap3A_509 = vector.shape_cast %swap3A_508 : vector<1x1x16xf32> to vector<16xf32>
      %swap3A_510 = vector.shape_cast %get3A_497 : vector<16xf32> to vector<1x1x16xf32>
      tpu.vector_store %arg13[%swap3A_505, %swap3A_506, %swap3A_507], %swap3A_510 {add = true, strides = array<i32>} : memref<4x4x1024xf32, #tpu.memory_space<vmem>>, vector<1x1x16xf32>,
      %swap3A_511 = arith.constant 2 : i32
      %swap3A_512 = arith.index_cast %shift_right_arithmetic3A_487 : i32 to index
      %swap3A_513 = arith.index_cast %swap3A_511 : i32 to index
      %swap3A_514 = arith.index_cast %mul3A_494 : i32 to index
      %swap3A_515 = tpu.vector_load %arg13[%swap3A_512, %swap3A_513, %swap3A_514] {strides = array<i32>} : memref<4x4x1024xf32, #tpu.memory_space<vmem>>, vector<1x1x16xf32>,
      %swap3A_516 = vector.shape_cast %swap3A_515 : vector<1x1x16xf32> to vector<16xf32>
      %swap3A_517 = vector.shape_cast %get3A_497 : vector<16xf32> to vector<1x1x16xf32>
      tpu.vector_store %arg13[%swap3A_512, %swap3A_513, %swap3A_514], %swap3A_517 {add = true, strides = array<i32>} : memref<4x4x1024xf32, #tpu.memory_space<vmem>>, vector<1x1x16xf32>,
      %swap3A_518 = arith.constant 3 : i32
      %swap3A_519 = arith.index_cast %shift_right_arithmetic3A_487 : i32 to index
      %swap3A_520 = arith.index_cast %swap3A_518 : i32 to index
      %swap3A_521 = arith.index_cast %mul3A_494 : i32 to index
      %swap3A_522 = tpu.vector_load %arg13[%swap3A_519, %swap3A_520, %swap3A_521] {strides = array<i32>} : memref<4x4x1024xf32, #tpu.memory_space<vmem>>, vector<1x1x16xf32>,
      %swap3A_523 = vector.shape_cast %swap3A_522 : vector<1x1x16xf32> to vector<16xf32>
      %swap3A_524 = vector.shape_cast %get3A_497 : vector<16xf32> to vector<1x1x16xf32>
      tpu.vector_store %arg13[%swap3A_519, %swap3A_520, %swap3A_521], %swap3A_524 {add = true, strides = array<i32>} : memref<4x4x1024xf32, #tpu.memory_space<vmem>>, vector<1x1x16xf32>,
      %mul3A_525 = arith.constant 4 : i32
      %mul3A_526 = arith.muli %and3A_488, %mul3A_525 : i32
      %add3A_527 = arith.constant 1 : i32
      %add3A_528 = arith.addi %mul3A_526, %add3A_527 : i32
      %mul3A_529 = arith.constant 16 : i32
      %mul3A_530 = arith.muli %add3A_528, %mul3A_529 : i32
      %get3A_531 = arith.index_cast %shift_right_arithmetic3A_487 : i32 to index
      %get3A_532 = arith.index_cast %mul3A_530 : i32 to index
      %get3A_533 = tpu.vector_load %arg7[%get3A_531, %get3A_532] {strides = array<i32>} : memref<4x1024xf32, #tpu.memory_space<vmem>>, vector<1x16xf32>,
      %get3A_534 = vector.shape_cast %get3A_533 : vector<1x16xf32> to vector<16xf32>
      %swap3A_535 = arith.constant 0 : i32
      %swap3A_536 = arith.index_cast %shift_right_arithmetic3A_487 : i32 to index
      %swap3A_537 = arith.index_cast %swap3A_535 : i32 to index
      %swap3A_538 = arith.index_cast %mul3A_530 : i32 to index
      %swap3A_539 = tpu.vector_load %arg13[%swap3A_536, %swap3A_537, %swap3A_538] {strides = array<i32>} : memref<4x4x1024xf32, #tpu.memory_space<vmem>>, vector<1x1x16xf32>,
      %swap3A_540 = vector.shape_cast %swap3A_539 : vector<1x1x16xf32> to vector<16xf32>
      %swap3A_541 = vector.shape_cast %get3A_534 : vector<16xf32> to vector<1x1x16xf32>
      tpu.vector_store %arg13[%swap3A_536, %swap3A_537, %swap3A_538], %swap3A_541 {add = true, strides = array<i32>} : memref<4x4x1024xf32, #tpu.memory_space<vmem>>, vector<1x1x16xf32>,
      %swap3A_542 = arith.constant 1 : i32
      %swap3A_543 = arith.index_cast %shift_right_arithmetic3A_487 : i32 to index
      %swap3A_544 = arith.index_cast %swap3A_542 : i32 to index
      %swap3A_545 = arith.index_cast %mul3A_530 : i32 to index
      %swap3A_546 = tpu.vector_load %arg13[%swap3A_543, %swap3A_544, %swap3A_545] {strides = array<i32>} : memref<4x4x1024xf32, #tpu.memory_space<vmem>>, vector<1x1x16xf32>,
      %swap3A_547 = vector.shape_cast %swap3A_546 : vector<1x1x16xf32> to vector<16xf32>
      %swap3A_548 = vector.shape_cast %get3A_534 : vector<16xf32> to vector<1x1x16xf32>
      tpu.vector_store %arg13[%swap3A_543, %swap3A_544, %swap3A_545], %swap3A_548 {add = true, strides = array<i32>} : memref<4x4x1024xf32, #tpu.memory_space<vmem>>, vector<1x1x16xf32>,
      %swap3A_549 = arith.constant 2 : i32
      %swap3A_550 = arith.index_cast %shift_right_arithmetic3A_487 : i32 to index
      %swap3A_551 = arith.index_cast %swap3A_549 : i32 to index
      %swap3A_552 = arith.index_cast %mul3A_530 : i32 to index
      %swap3A_553 = tpu.vector_load %arg13[%swap3A_550, %swap3A_551, %swap3A_552] {strides = array<i32>} : memref<4x4x1024xf32, #tpu.memory_space<vmem>>, vector<1x1x16xf32>,
      %swap3A_554 = vector.shape_cast %swap3A_553 : vector<1x1x16xf32> to vector<16xf32>
      %swap3A_555 = vector.shape_cast %get3A_534 : vector<16xf32> to vector<1x1x16xf32>
      tpu.vector_store %arg13[%swap3A_550, %swap3A_551, %swap3A_552], %swap3A_555 {add = true, strides = array<i32>} : memref<4x4x1024xf32, #tpu.memory_space<vmem>>, vector<1x1x16xf32>,
      %swap3A_556 = arith.constant 3 : i32
      %swap3A_557 = arith.index_cast %shift_right_arithmetic3A_487 : i32 to index
      %swap3A_558 = arith.index_cast %swap3A_556 : i32 to index
      %swap3A_559 = arith.index_cast %mul3A_530 : i32 to index
      %swap3A_560 = tpu.vector_load %arg13[%swap3A_557, %swap3A_558, %swap3A_559] {strides = array<i32>} : memref<4x4x1024xf32, #tpu.memory_space<vmem>>, vector<1x1x16xf32>,
      %swap3A_561 = vector.shape_cast %swap3A_560 : vector<1x1x16xf32> to vector<16xf32>
      %swap3A_562 = vector.shape_cast %get3A_534 : vector<16xf32> to vector<1x1x16xf32>
      tpu.vector_store %arg13[%swap3A_557, %swap3A_558, %swap3A_559], %swap3A_562 {add = true, strides = array<i32>} : memref<4x4x1024xf32, #tpu.memory_space<vmem>>, vector<1x1x16xf32>,
      %mul3A_563 = arith.constant 4 : i32
      %mul3A_564 = arith.muli %and3A_488, %mul3A_563 : i32
      %add3A_565 = arith.constant 2 : i32
      %add3A_566 = arith.addi %mul3A_564, %add3A_565 : i32
      %mul3A_567 = arith.constant 16 : i32
      %mul3A_568 = arith.muli %add3A_566, %mul3A_567 : i32
      %get3A_569 = arith.index_cast %shift_right_arithmetic3A_487 : i32 to index
      %get3A_570 = arith.index_cast %mul3A_568 : i32 to index
      %get3A_571 = tpu.vector_load %arg7[%get3A_569, %get3A_570] {strides = array<i32>} : memref<4x1024xf32, #tpu.memory_space<vmem>>, vector<1x16xf32>,
      %get3A_572 = vector.shape_cast %get3A_571 : vector<1x16xf32> to vector<16xf32>
      %swap3A_573 = arith.constant 0 : i32
      %swap3A_574 = arith.index_cast %shift_right_arithmetic3A_487 : i32 to index
      %swap3A_575 = arith.index_cast %swap3A_573 : i32 to index
      %swap3A_576 = arith.index_cast %mul3A_568 : i32 to index
      %swap3A_577 = tpu.vector_load %arg13[%swap3A_574, %swap3A_575, %swap3A_576] {strides = array<i32>} : memref<4x4x1024xf32, #tpu.memory_space<vmem>>, vector<1x1x16xf32>,
      %swap3A_578 = vector.shape_cast %swap3A_577 : vector<1x1x16xf32> to vector<16xf32>
      %swap3A_579 = vector.shape_cast %get3A_572 : vector<16xf32> to vector<1x1x16xf32>
      tpu.vector_store %arg13[%swap3A_574, %swap3A_575, %swap3A_576], %swap3A_579 {add = true, strides = array<i32>} : memref<4x4x1024xf32, #tpu.memory_space<vmem>>, vector<1x1x16xf32>,
      %swap3A_580 = arith.constant 1 : i32
      %swap3A_581 = arith.index_cast %shift_right_arithmetic3A_487 : i32 to index
      %swap3A_582 = arith.index_cast %swap3A_580 : i32 to index
      %swap3A_583 = arith.index_cast %mul3A_568 : i32 to index
      %swap3A_584 = tpu.vector_load %arg13[%swap3A_581, %swap3A_582, %swap3A_583] {strides = array<i32>} : memref<4x4x1024xf32, #tpu.memory_space<vmem>>, vector<1x1x16xf32>,
      %swap3A_585 = vector.shape_cast %swap3A_584 : vector<1x1x16xf32> to vector<16xf32>
      %swap3A_586 = vector.shape_cast %get3A_572 : vector<16xf32> to vector<1x1x16xf32>
      tpu.vector_store %arg13[%swap3A_581, %swap3A_582, %swap3A_583], %swap3A_586 {add = true, strides = array<i32>} : memref<4x4x1024xf32, #tpu.memory_space<vmem>>, vector<1x1x16xf32>,
      %swap3A_587 = arith.constant 2 : i32
      %swap3A_588 = arith.index_cast %shift_right_arithmetic3A_487 : i32 to index
      %swap3A_589 = arith.index_cast %swap3A_587 : i32 to index
      %swap3A_590 = arith.index_cast %mul3A_568 : i32 to index
      %swap3A_591 = tpu.vector_load %arg13[%swap3A_588, %swap3A_589, %swap3A_590] {strides = array<i32>} : memref<4x4x1024xf32, #tpu.memory_space<vmem>>, vector<1x1x16xf32>,
      %swap3A_592 = vector.shape_cast %swap3A_591 : vector<1x1x16xf32> to vector<16xf32>
      %swap3A_593 = vector.shape_cast %get3A_572 : vector<16xf32> to vector<1x1x16xf32>
      tpu.vector_store %arg13[%swap3A_588, %swap3A_589, %swap3A_590], %swap3A_593 {add = true, strides = array<i32>} : memref<4x4x1024xf32, #tpu.memory_space<vmem>>, vector<1x1x16xf32>,
      %swap3A_594 = arith.constant 3 : i32
      %swap3A_595 = arith.index_cast %shift_right_arithmetic3A_487 : i32 to index
      %swap3A_596 = arith.index_cast %swap3A_594 : i32 to index
      %swap3A_597 = arith.index_cast %mul3A_568 : i32 to index
      %swap3A_598 = tpu.vector_load %arg13[%swap3A_595, %swap3A_596, %swap3A_597] {strides = array<i32>} : memref<4x4x1024xf32, #tpu.memory_space<vmem>>, vector<1x1x16xf32>,
      %swap3A_599 = vector.shape_cast %swap3A_598 : vector<1x1x16xf32> to vector<16xf32>
      %swap3A_600 = vector.shape_cast %get3A_572 : vector<16xf32> to vector<1x1x16xf32>
      tpu.vector_store %arg13[%swap3A_595, %swap3A_596, %swap3A_597], %swap3A_600 {add = true, strides = array<i32>} : memref<4x4x1024xf32, #tpu.memory_space<vmem>>, vector<1x1x16xf32>,
      %mul3A_601 = arith.constant 4 : i32
      %mul3A_602 = arith.muli %and3A_488, %mul3A_601 : i32
      %add3A_603 = arith.constant 3 : i32
      %add3A_604 = arith.addi %mul3A_602, %add3A_603 : i32
      %mul3A_605 = arith.constant 16 : i32
      %mul3A_606 = arith.muli %add3A_604, %mul3A_605 : i32
      %get3A_607 = arith.index_cast %shift_right_arithmetic3A_487 : i32 to index
      %get3A_608 = arith.index_cast %mul3A_606 : i32 to index
      %get3A_609 = tpu.vector_load %arg7[%get3A_607, %get3A_608] {strides = array<i32>} : memref<4x1024xf32, #tpu.memory_space<vmem>>, vector<1x16xf32>,
      %get3A_610 = vector.shape_cast %get3A_609 : vector<1x16xf32> to vector<16xf32>
      %swap3A_611 = arith.constant 0 : i32
      %swap3A_612 = arith.index_cast %shift_right_arithmetic3A_487 : i32 to index
      %swap3A_613 = arith.index_cast %swap3A_611 : i32 to index
      %swap3A_614 = arith.index_cast %mul3A_606 : i32 to index
      %swap3A_615 = tpu.vector_load %arg13[%swap3A_612, %swap3A_613, %swap3A_614] {strides = array<i32>} : memref<4x4x1024xf32, #tpu.memory_space<vmem>>, vector<1x1x16xf32>,
      %swap3A_616 = vector.shape_cast %swap3A_615 : vector<1x1x16xf32> to vector<16xf32>
      %swap3A_617 = vector.shape_cast %get3A_610 : vector<16xf32> to vector<1x1x16xf32>
      tpu.vector_store %arg13[%swap3A_612, %swap3A_613, %swap3A_614], %swap3A_617 {add = true, strides = array<i32>} : memref<4x4x1024xf32, #tpu.memory_space<vmem>>, vector<1x1x16xf32>,
      %swap3A_618 = arith.constant 1 : i32
      %swap3A_619 = arith.index_cast %shift_right_arithmetic3A_487 : i32 to index
      %swap3A_620 = arith.index_cast %swap3A_618 : i32 to index
      %swap3A_621 = arith.index_cast %mul3A_606 : i32 to index
      %swap3A_622 = tpu.vector_load %arg13[%swap3A_619, %swap3A_620, %swap3A_621] {strides = array<i32>} : memref<4x4x1024xf32, #tpu.memory_space<vmem>>, vector<1x1x16xf32>,
      %swap3A_623 = vector.shape_cast %swap3A_622 : vector<1x1x16xf32> to vector<16xf32>
      %swap3A_624 = vector.shape_cast %get3A_610 : vector<16xf32> to vector<1x1x16xf32>
      tpu.vector_store %arg13[%swap3A_619, %swap3A_620, %swap3A_621], %swap3A_624 {add = true, strides = array<i32>} : memref<4x4x1024xf32, #tpu.memory_space<vmem>>, vector<1x1x16xf32>,
      %swap3A_625 = arith.constant 2 : i32
      %swap3A_626 = arith.index_cast %shift_right_arithmetic3A_487 : i32 to index
      %swap3A_627 = arith.index_cast %swap3A_625 : i32 to index
      %swap3A_628 = arith.index_cast %mul3A_606 : i32 to index
      %swap3A_629 = tpu.vector_load %arg13[%swap3A_626, %swap3A_627, %swap3A_628] {strides = array<i32>} : memref<4x4x1024xf32, #tpu.memory_space<vmem>>, vector<1x1x16xf32>,
      %swap3A_630 = vector.shape_cast %swap3A_629 : vector<1x1x16xf32> to vector<16xf32>
      %swap3A_631 = vector.shape_cast %get3A_610 : vector<16xf32> to vector<1x1x16xf32>
      tpu.vector_store %arg13[%swap3A_626, %swap3A_627, %swap3A_628], %swap3A_631 {add = true, strides = array<i32>} : memref<4x4x1024xf32, #tpu.memory_space<vmem>>, vector<1x1x16xf32>,
      %swap3A_632 = arith.constant 3 : i32
      %swap3A_633 = arith.index_cast %shift_right_arithmetic3A_487 : i32 to index
      %swap3A_634 = arith.index_cast %swap3A_632 : i32 to index
      %swap3A_635 = arith.index_cast %mul3A_606 : i32 to index
      %swap3A_636 = tpu.vector_load %arg13[%swap3A_633, %swap3A_634, %swap3A_635] {strides = array<i32>} : memref<4x4x1024xf32, #tpu.memory_space<vmem>>, vector<1x1x16xf32>,
      %swap3A_637 = vector.shape_cast %swap3A_636 : vector<1x1x16xf32> to vector<16xf32>
      %swap3A_638 = vector.shape_cast %get3A_610 : vector<16xf32> to vector<1x1x16xf32>
      tpu.vector_store %arg13[%swap3A_633, %swap3A_634, %swap3A_635], %swap3A_638 {add = true, strides = array<i32>} : memref<4x4x1024xf32, #tpu.memory_space<vmem>>, vector<1x1x16xf32>,
    }
    %scan3A_401 = arith.constant 64 : i32
    %add3A_402 = arith.constant 248 : i32
    %add3A_403 = arith.addi %mul3A_2, %add3A_402 : i32
    %dma_start3A_404 = arith.constant 0 : i32
    %dma_start3A_405 = arith.constant 0 : i32
    %dma_start3A_406 = tpu.memref_slice %arg4[%add3A_403, %dma_start3A_404, %dma_start3A_405] : memref<8192x4x1024xf32, #tpu.memory_space<hbm>> -> memref<4x4x1024xf32, #tpu.memory_space<hbm>>
    %dma_start3A_407 = arith.constant 0 : i32
    %dma_start3A_408 = arith.constant 0 : i32
    %dma_start3A_409 = tpu.memref_slice %arg4[%add3A_403, %dma_start3A_407, %dma_start3A_408] : memref<8192x4x1024xf32, #tpu.memory_space<hbm>> -> memref<4x4x1024xf32, #tpu.memory_space<hbm>>
    tpu.enqueue_dma source(%arg13 : memref<4x4x1024xf32, #tpu.memory_space<vmem>>) target(%dma_start3A_409 : memref<4x4x1024xf32, #tpu.memory_space<hbm>>) target_semaphore(%arg25 : memref<!tpu.dma_semaphore, #tpu.memory_space<semaphore_mem>>)
    %dma_wait3A_410 = arith.constant 0 : i32
    %dma_wait3A_411 = arith.constant 0 : i32
    %dma_wait3A_412 = tpu.memref_slice %arg3[%dma_wait3A_410, %dma_wait3A_411] : memref<8192x1024xf32, #tpu.memory_space<hbm>> -> memref<4x1024xf32, #tpu.memory_space<hbm>>
    %dma_wait3A_413 = arith.constant 0 : i32
    %dma_wait3A_414 = arith.constant 0 : i32
    %dma_wait3A_415 = tpu.memref_slice %arg3[%dma_wait3A_413, %dma_wait3A_414] : memref<8192x1024xf32, #tpu.memory_space<hbm>> -> memref<4x1024xf32, #tpu.memory_space<hbm>>
    tpu.wait_dma2 semaphore(%arg20 : memref<!tpu.dma_semaphore, #tpu.memory_space<semaphore_mem>>) src(%dma_wait3A_415 : memref<4x1024xf32, #tpu.memory_space<hbm>>) dst(%arg8 : memref<4x1024xf32, #tpu.memory_space<vmem>>)
    %dma_wait3A_416 = arith.constant 0 : i32
    %dma_wait3A_417 = arith.constant 0 : i32
    %dma_wait3A_418 = arith.constant 0 : i32
    %dma_wait3A_419 = tpu.memref_slice %arg2[%dma_wait3A_416, %dma_wait3A_417, %dma_wait3A_418] : memref<8192x4x1024xf32, #tpu.memory_space<hbm>> -> memref<4x4x1024xf32, #tpu.memory_space<hbm>>
    %dma_wait3A_420 = arith.constant 0 : i32
    %dma_wait3A_421 = arith.constant 0 : i32
    %dma_wait3A_422 = arith.constant 0 : i32
    %dma_wait3A_423 = tpu.memref_slice %arg2[%dma_wait3A_420, %dma_wait3A_421, %dma_wait3A_422] : memref<8192x4x1024xf32, #tpu.memory_space<hbm>> -> memref<4x4x1024xf32, #tpu.memory_space<hbm>>
    tpu.wait_dma2 semaphore(%arg20 : memref<!tpu.dma_semaphore, #tpu.memory_space<semaphore_mem>>) src(%dma_wait3A_423 : memref<4x4x1024xf32, #tpu.memory_space<hbm>>) dst(%arg14 : memref<4x4x1024xf32, #tpu.memory_space<vmem>>)
    %scan3A_424 = arith.constant 0 : i32
    %scan3A_425 = arith.constant 0 : i32
    %scan3A_426 = arith.constant 64 : i32
    %scan3A_427 = arith.addi %scan3A_425, %scan3A_426 : i32
    %scan3A_428 = arith.constant 1 : i32
    scf.for %scan3A_486 = %scan3A_425 to %scan3A_427 step %scan3A_428  : i32 {
      %shift_right_arithmetic3A = arith.constant 4 : i32
      %shift_right_arithmetic3A_487 = arith.shrsi %scan3A_486, %shift_right_arithmetic3A : i32
      %and3A = arith.constant 15 : i32
      %and3A_488 = arith.andi %scan3A_486, %and3A : i32
      %mul3A_489 = arith.constant 4 : i32
      %mul3A_490 = arith.muli %and3A_488, %mul3A_489 : i32
      %add3A_491 = arith.constant 0 : i32
      %add3A_492 = arith.addi %mul3A_490, %add3A_491 : i32
      %mul3A_493 = arith.constant 16 : i32
      %mul3A_494 = arith.muli %add3A_492, %mul3A_493 : i32
      %get3A = arith.index_cast %shift_right_arithmetic3A_487 : i32 to index
      %get3A_495 = arith.index_cast %mul3A_494 : i32 to index
      %get3A_496 = tpu.vector_load %arg8[%get3A, %get3A_495] {strides = array<i32>} : memref<4x1024xf32, #tpu.memory_space<vmem>>, vector<1x16xf32>,
      %get3A_497 = vector.shape_cast %get3A_496 : vector<1x16xf32> to vector<16xf32>
      %swap3A = arith.constant 0 : i32
      %swap3A_498 = arith.index_cast %shift_right_arithmetic3A_487 : i32 to index
      %swap3A_499 = arith.index_cast %swap3A : i32 to index
      %swap3A_500 = arith.index_cast %mul3A_494 : i32 to index
      %swap3A_501 = tpu.vector_load %arg14[%swap3A_498, %swap3A_499, %swap3A_500] {strides = array<i32>} : memref<4x4x1024xf32, #tpu.memory_space<vmem>>, vector<1x1x16xf32>,
      %swap3A_502 = vector.shape_cast %swap3A_501 : vector<1x1x16xf32> to vector<16xf32>
      %swap3A_503 = vector.shape_cast %get3A_497 : vector<16xf32> to vector<1x1x16xf32>
      tpu.vector_store %arg14[%swap3A_498, %swap3A_499, %swap3A_500], %swap3A_503 {add = true, strides = array<i32>} : memref<4x4x1024xf32, #tpu.memory_space<vmem>>, vector<1x1x16xf32>,
      %swap3A_504 = arith.constant 1 : i32
      %swap3A_505 = arith.index_cast %shift_right_arithmetic3A_487 : i32 to index
      %swap3A_506 = arith.index_cast %swap3A_504 : i32 to index
      %swap3A_507 = arith.index_cast %mul3A_494 : i32 to index
      %swap3A_508 = tpu.vector_load %arg14[%swap3A_505, %swap3A_506, %swap3A_507] {strides = array<i32>} : memref<4x4x1024xf32, #tpu.memory_space<vmem>>, vector<1x1x16xf32>,
      %swap3A_509 = vector.shape_cast %swap3A_508 : vector<1x1x16xf32> to vector<16xf32>
      %swap3A_510 = vector.shape_cast %get3A_497 : vector<16xf32> to vector<1x1x16xf32>
      tpu.vector_store %arg14[%swap3A_505, %swap3A_506, %swap3A_507], %swap3A_510 {add = true, strides = array<i32>} : memref<4x4x1024xf32, #tpu.memory_space<vmem>>, vector<1x1x16xf32>,
      %swap3A_511 = arith.constant 2 : i32
      %swap3A_512 = arith.index_cast %shift_right_arithmetic3A_487 : i32 to index
      %swap3A_513 = arith.index_cast %swap3A_511 : i32 to index
      %swap3A_514 = arith.index_cast %mul3A_494 : i32 to index
      %swap3A_515 = tpu.vector_load %arg14[%swap3A_512, %swap3A_513, %swap3A_514] {strides = array<i32>} : memref<4x4x1024xf32, #tpu.memory_space<vmem>>, vector<1x1x16xf32>,
      %swap3A_516 = vector.shape_cast %swap3A_515 : vector<1x1x16xf32> to vector<16xf32>
      %swap3A_517 = vector.shape_cast %get3A_497 : vector<16xf32> to vector<1x1x16xf32>
      tpu.vector_store %arg14[%swap3A_512, %swap3A_513, %swap3A_514], %swap3A_517 {add = true, strides = array<i32>} : memref<4x4x1024xf32, #tpu.memory_space<vmem>>, vector<1x1x16xf32>,
      %swap3A_518 = arith.constant 3 : i32
      %swap3A_519 = arith.index_cast %shift_right_arithmetic3A_487 : i32 to index
      %swap3A_520 = arith.index_cast %swap3A_518 : i32 to index
      %swap3A_521 = arith.index_cast %mul3A_494 : i32 to index
      %swap3A_522 = tpu.vector_load %arg14[%swap3A_519, %swap3A_520, %swap3A_521] {strides = array<i32>} : memref<4x4x1024xf32, #tpu.memory_space<vmem>>, vector<1x1x16xf32>,
      %swap3A_523 = vector.shape_cast %swap3A_522 : vector<1x1x16xf32> to vector<16xf32>
      %swap3A_524 = vector.shape_cast %get3A_497 : vector<16xf32> to vector<1x1x16xf32>
      tpu.vector_store %arg14[%swap3A_519, %swap3A_520, %swap3A_521], %swap3A_524 {add = true, strides = array<i32>} : memref<4x4x1024xf32, #tpu.memory_space<vmem>>, vector<1x1x16xf32>,
      %mul3A_525 = arith.constant 4 : i32
      %mul3A_526 = arith.muli %and3A_488, %mul3A_525 : i32
      %add3A_527 = arith.constant 1 : i32
      %add3A_528 = arith.addi %mul3A_526, %add3A_527 : i32
      %mul3A_529 = arith.constant 16 : i32
      %mul3A_530 = arith.muli %add3A_528, %mul3A_529 : i32
      %get3A_531 = arith.index_cast %shift_right_arithmetic3A_487 : i32 to index
      %get3A_532 = arith.index_cast %mul3A_530 : i32 to index
      %get3A_533 = tpu.vector_load %arg8[%get3A_531, %get3A_532] {strides = array<i32>} : memref<4x1024xf32, #tpu.memory_space<vmem>>, vector<1x16xf32>,
      %get3A_534 = vector.shape_cast %get3A_533 : vector<1x16xf32> to vector<16xf32>
      %swap3A_535 = arith.constant 0 : i32
      %swap3A_536 = arith.index_cast %shift_right_arithmetic3A_487 : i32 to index
      %swap3A_537 = arith.index_cast %swap3A_535 : i32 to index
      %swap3A_538 = arith.index_cast %mul3A_530 : i32 to index
      %swap3A_539 = tpu.vector_load %arg14[%swap3A_536, %swap3A_537, %swap3A_538] {strides = array<i32>} : memref<4x4x1024xf32, #tpu.memory_space<vmem>>, vector<1x1x16xf32>,
      %swap3A_540 = vector.shape_cast %swap3A_539 : vector<1x1x16xf32> to vector<16xf32>
      %swap3A_541 = vector.shape_cast %get3A_534 : vector<16xf32> to vector<1x1x16xf32>
      tpu.vector_store %arg14[%swap3A_536, %swap3A_537, %swap3A_538], %swap3A_541 {add = true, strides = array<i32>} : memref<4x4x1024xf32, #tpu.memory_space<vmem>>, vector<1x1x16xf32>,
      %swap3A_542 = arith.constant 1 : i32
      %swap3A_543 = arith.index_cast %shift_right_arithmetic3A_487 : i32 to index
      %swap3A_544 = arith.index_cast %swap3A_542 : i32 to index
      %swap3A_545 = arith.index_cast %mul3A_530 : i32 to index
      %swap3A_546 = tpu.vector_load %arg14[%swap3A_543, %swap3A_544, %swap3A_545] {strides = array<i32>} : memref<4x4x1024xf32, #tpu.memory_space<vmem>>, vector<1x1x16xf32>,
      %swap3A_547 = vector.shape_cast %swap3A_546 : vector<1x1x16xf32> to vector<16xf32>
      %swap3A_548 = vector.shape_cast %get3A_534 : vector<16xf32> to vector<1x1x16xf32>
      tpu.vector_store %arg14[%swap3A_543, %swap3A_544, %swap3A_545], %swap3A_548 {add = true, strides = array<i32>} : memref<4x4x1024xf32, #tpu.memory_space<vmem>>, vector<1x1x16xf32>,
      %swap3A_549 = arith.constant 2 : i32
      %swap3A_550 = arith.index_cast %shift_right_arithmetic3A_487 : i32 to index
      %swap3A_551 = arith.index_cast %swap3A_549 : i32 to index
      %swap3A_552 = arith.index_cast %mul3A_530 : i32 to index
      %swap3A_553 = tpu.vector_load %arg14[%swap3A_550, %swap3A_551, %swap3A_552] {strides = array<i32>} : memref<4x4x1024xf32, #tpu.memory_space<vmem>>, vector<1x1x16xf32>,
      %swap3A_554 = vector.shape_cast %swap3A_553 : vector<1x1x16xf32> to vector<16xf32>
      %swap3A_555 = vector.shape_cast %get3A_534 : vector<16xf32> to vector<1x1x16xf32>
      tpu.vector_store %arg14[%swap3A_550, %swap3A_551, %swap3A_552], %swap3A_555 {add = true, strides = array<i32>} : memref<4x4x1024xf32, #tpu.memory_space<vmem>>, vector<1x1x16xf32>,
      %swap3A_556 = arith.constant 3 : i32
      %swap3A_557 = arith.index_cast %shift_right_arithmetic3A_487 : i32 to index
      %swap3A_558 = arith.index_cast %swap3A_556 : i32 to index
      %swap3A_559 = arith.index_cast %mul3A_530 : i32 to index
      %swap3A_560 = tpu.vector_load %arg14[%swap3A_557, %swap3A_558, %swap3A_559] {strides = array<i32>} : memref<4x4x1024xf32, #tpu.memory_space<vmem>>, vector<1x1x16xf32>,
      %swap3A_561 = vector.shape_cast %swap3A_560 : vector<1x1x16xf32> to vector<16xf32>
      %swap3A_562 = vector.shape_cast %get3A_534 : vector<16xf32> to vector<1x1x16xf32>
      tpu.vector_store %arg14[%swap3A_557, %swap3A_558, %swap3A_559], %swap3A_562 {add = true, strides = array<i32>} : memref<4x4x1024xf32, #tpu.memory_space<vmem>>, vector<1x1x16xf32>,
      %mul3A_563 = arith.constant 4 : i32
      %mul3A_564 = arith.muli %and3A_488, %mul3A_563 : i32
      %add3A_565 = arith.constant 2 : i32
      %add3A_566 = arith.addi %mul3A_564, %add3A_565 : i32
      %mul3A_567 = arith.constant 16 : i32
      %mul3A_568 = arith.muli %add3A_566, %mul3A_567 : i32
      %get3A_569 = arith.index_cast %shift_right_arithmetic3A_487 : i32 to index
      %get3A_570 = arith.index_cast %mul3A_568 : i32 to index
      %get3A_571 = tpu.vector_load %arg8[%get3A_569, %get3A_570] {strides = array<i32>} : memref<4x1024xf32, #tpu.memory_space<vmem>>, vector<1x16xf32>,
      %get3A_572 = vector.shape_cast %get3A_571 : vector<1x16xf32> to vector<16xf32>
      %swap3A_573 = arith.constant 0 : i32
      %swap3A_574 = arith.index_cast %shift_right_arithmetic3A_487 : i32 to index
      %swap3A_575 = arith.index_cast %swap3A_573 : i32 to index
      %swap3A_576 = arith.index_cast %mul3A_568 : i32 to index
      %swap3A_577 = tpu.vector_load %arg14[%swap3A_574, %swap3A_575, %swap3A_576] {strides = array<i32>} : memref<4x4x1024xf32, #tpu.memory_space<vmem>>, vector<1x1x16xf32>,
      %swap3A_578 = vector.shape_cast %swap3A_577 : vector<1x1x16xf32> to vector<16xf32>
      %swap3A_579 = vector.shape_cast %get3A_572 : vector<16xf32> to vector<1x1x16xf32>
      tpu.vector_store %arg14[%swap3A_574, %swap3A_575, %swap3A_576], %swap3A_579 {add = true, strides = array<i32>} : memref<4x4x1024xf32, #tpu.memory_space<vmem>>, vector<1x1x16xf32>,
      %swap3A_580 = arith.constant 1 : i32
      %swap3A_581 = arith.index_cast %shift_right_arithmetic3A_487 : i32 to index
      %swap3A_582 = arith.index_cast %swap3A_580 : i32 to index
      %swap3A_583 = arith.index_cast %mul3A_568 : i32 to index
      %swap3A_584 = tpu.vector_load %arg14[%swap3A_581, %swap3A_582, %swap3A_583] {strides = array<i32>} : memref<4x4x1024xf32, #tpu.memory_space<vmem>>, vector<1x1x16xf32>,
      %swap3A_585 = vector.shape_cast %swap3A_584 : vector<1x1x16xf32> to vector<16xf32>
      %swap3A_586 = vector.shape_cast %get3A_572 : vector<16xf32> to vector<1x1x16xf32>
      tpu.vector_store %arg14[%swap3A_581, %swap3A_582, %swap3A_583], %swap3A_586 {add = true, strides = array<i32>} : memref<4x4x1024xf32, #tpu.memory_space<vmem>>, vector<1x1x16xf32>,
      %swap3A_587 = arith.constant 2 : i32
      %swap3A_588 = arith.index_cast %shift_right_arithmetic3A_487 : i32 to index
      %swap3A_589 = arith.index_cast %swap3A_587 : i32 to index
      %swap3A_590 = arith.index_cast %mul3A_568 : i32 to index
      %swap3A_591 = tpu.vector_load %arg14[%swap3A_588, %swap3A_589, %swap3A_590] {strides = array<i32>} : memref<4x4x1024xf32, #tpu.memory_space<vmem>>, vector<1x1x16xf32>,
      %swap3A_592 = vector.shape_cast %swap3A_591 : vector<1x1x16xf32> to vector<16xf32>
      %swap3A_593 = vector.shape_cast %get3A_572 : vector<16xf32> to vector<1x1x16xf32>
      tpu.vector_store %arg14[%swap3A_588, %swap3A_589, %swap3A_590], %swap3A_593 {add = true, strides = array<i32>} : memref<4x4x1024xf32, #tpu.memory_space<vmem>>, vector<1x1x16xf32>,
      %swap3A_594 = arith.constant 3 : i32
      %swap3A_595 = arith.index_cast %shift_right_arithmetic3A_487 : i32 to index
      %swap3A_596 = arith.index_cast %swap3A_594 : i32 to index
      %swap3A_597 = arith.index_cast %mul3A_568 : i32 to index
      %swap3A_598 = tpu.vector_load %arg14[%swap3A_595, %swap3A_596, %swap3A_597] {strides = array<i32>} : memref<4x4x1024xf32, #tpu.memory_space<vmem>>, vector<1x1x16xf32>,
      %swap3A_599 = vector.shape_cast %swap3A_598 : vector<1x1x16xf32> to vector<16xf32>
      %swap3A_600 = vector.shape_cast %get3A_572 : vector<16xf32> to vector<1x1x16xf32>
      tpu.vector_store %arg14[%swap3A_595, %swap3A_596, %swap3A_597], %swap3A_600 {add = true, strides = array<i32>} : memref<4x4x1024xf32, #tpu.memory_space<vmem>>, vector<1x1x16xf32>,
      %mul3A_601 = arith.constant 4 : i32
      %mul3A_602 = arith.muli %and3A_488, %mul3A_601 : i32
      %add3A_603 = arith.constant 3 : i32
      %add3A_604 = arith.addi %mul3A_602, %add3A_603 : i32
      %mul3A_605 = arith.constant 16 : i32
      %mul3A_606 = arith.muli %add3A_604, %mul3A_605 : i32
      %get3A_607 = arith.index_cast %shift_right_arithmetic3A_487 : i32 to index
      %get3A_608 = arith.index_cast %mul3A_606 : i32 to index
      %get3A_609 = tpu.vector_load %arg8[%get3A_607, %get3A_608] {strides = array<i32>} : memref<4x1024xf32, #tpu.memory_space<vmem>>, vector<1x16xf32>,
      %get3A_610 = vector.shape_cast %get3A_609 : vector<1x16xf32> to vector<16xf32>
      %swap3A_611 = arith.constant 0 : i32
      %swap3A_612 = arith.index_cast %shift_right_arithmetic3A_487 : i32 to index
      %swap3A_613 = arith.index_cast %swap3A_611 : i32 to index
      %swap3A_614 = arith.index_cast %mul3A_606 : i32 to index
      %swap3A_615 = tpu.vector_load %arg14[%swap3A_612, %swap3A_613, %swap3A_614] {strides = array<i32>} : memref<4x4x1024xf32, #tpu.memory_space<vmem>>, vector<1x1x16xf32>,
      %swap3A_616 = vector.shape_cast %swap3A_615 : vector<1x1x16xf32> to vector<16xf32>
      %swap3A_617 = vector.shape_cast %get3A_610 : vector<16xf32> to vector<1x1x16xf32>
      tpu.vector_store %arg14[%swap3A_612, %swap3A_613, %swap3A_614], %swap3A_617 {add = true, strides = array<i32>} : memref<4x4x1024xf32, #tpu.memory_space<vmem>>, vector<1x1x16xf32>,
      %swap3A_618 = arith.constant 1 : i32
      %swap3A_619 = arith.index_cast %shift_right_arithmetic3A_487 : i32 to index
      %swap3A_620 = arith.index_cast %swap3A_618 : i32 to index
      %swap3A_621 = arith.index_cast %mul3A_606 : i32 to index
      %swap3A_622 = tpu.vector_load %arg14[%swap3A_619, %swap3A_620, %swap3A_621] {strides = array<i32>} : memref<4x4x1024xf32, #tpu.memory_space<vmem>>, vector<1x1x16xf32>,
      %swap3A_623 = vector.shape_cast %swap3A_622 : vector<1x1x16xf32> to vector<16xf32>
      %swap3A_624 = vector.shape_cast %get3A_610 : vector<16xf32> to vector<1x1x16xf32>
      tpu.vector_store %arg14[%swap3A_619, %swap3A_620, %swap3A_621], %swap3A_624 {add = true, strides = array<i32>} : memref<4x4x1024xf32, #tpu.memory_space<vmem>>, vector<1x1x16xf32>,
      %swap3A_625 = arith.constant 2 : i32
      %swap3A_626 = arith.index_cast %shift_right_arithmetic3A_487 : i32 to index
      %swap3A_627 = arith.index_cast %swap3A_625 : i32 to index
      %swap3A_628 = arith.index_cast %mul3A_606 : i32 to index
      %swap3A_629 = tpu.vector_load %arg14[%swap3A_626, %swap3A_627, %swap3A_628] {strides = array<i32>} : memref<4x4x1024xf32, #tpu.memory_space<vmem>>, vector<1x1x16xf32>,
      %swap3A_630 = vector.shape_cast %swap3A_629 : vector<1x1x16xf32> to vector<16xf32>
      %swap3A_631 = vector.shape_cast %get3A_610 : vector<16xf32> to vector<1x1x16xf32>
      tpu.vector_store %arg14[%swap3A_626, %swap3A_627, %swap3A_628], %swap3A_631 {add = true, strides = array<i32>} : memref<4x4x1024xf32, #tpu.memory_space<vmem>>, vector<1x1x16xf32>,
      %swap3A_632 = arith.constant 3 : i32
      %swap3A_633 = arith.index_cast %shift_right_arithmetic3A_487 : i32 to index
      %swap3A_634 = arith.index_cast %swap3A_632 : i32 to index
      %swap3A_635 = arith.index_cast %mul3A_606 : i32 to index
      %swap3A_636 = tpu.vector_load %arg14[%swap3A_633, %swap3A_634, %swap3A_635] {strides = array<i32>} : memref<4x4x1024xf32, #tpu.memory_space<vmem>>, vector<1x1x16xf32>,
      %swap3A_637 = vector.shape_cast %swap3A_636 : vector<1x1x16xf32> to vector<16xf32>
      %swap3A_638 = vector.shape_cast %get3A_610 : vector<16xf32> to vector<1x1x16xf32>
      tpu.vector_store %arg14[%swap3A_633, %swap3A_634, %swap3A_635], %swap3A_638 {add = true, strides = array<i32>} : memref<4x4x1024xf32, #tpu.memory_space<vmem>>, vector<1x1x16xf32>,
    }
    %scan3A_429 = arith.constant 64 : i32
    %add3A_430 = arith.constant 252 : i32
    %add3A_431 = arith.addi %mul3A_2, %add3A_430 : i32
    %dma_start3A_432 = arith.constant 0 : i32
    %dma_start3A_433 = arith.constant 0 : i32
    %dma_start3A_434 = tpu.memref_slice %arg4[%add3A_431, %dma_start3A_432, %dma_start3A_433] : memref<8192x4x1024xf32, #tpu.memory_space<hbm>> -> memref<4x4x1024xf32, #tpu.memory_space<hbm>>
    %dma_start3A_435 = arith.constant 0 : i32
    %dma_start3A_436 = arith.constant 0 : i32
    %dma_start3A_437 = tpu.memref_slice %arg4[%add3A_431, %dma_start3A_435, %dma_start3A_436] : memref<8192x4x1024xf32, #tpu.memory_space<hbm>> -> memref<4x4x1024xf32, #tpu.memory_space<hbm>>
    tpu.enqueue_dma source(%arg14 : memref<4x4x1024xf32, #tpu.memory_space<vmem>>) target(%dma_start3A_437 : memref<4x4x1024xf32, #tpu.memory_space<hbm>>) target_semaphore(%arg26 : memref<!tpu.dma_semaphore, #tpu.memory_space<semaphore_mem>>)
    %dma_wait3A_438 = arith.constant 0 : i32
    %dma_wait3A_439 = arith.constant 0 : i32
    %dma_wait3A_440 = arith.constant 0 : i32
    %dma_wait3A_441 = tpu.memref_slice %arg4[%dma_wait3A_438, %dma_wait3A_439, %dma_wait3A_440] : memref<8192x4x1024xf32, #tpu.memory_space<hbm>> -> memref<4x4x1024xf32, #tpu.memory_space<hbm>>
    %dma_wait3A_442 = arith.constant 0 : i32
    %dma_wait3A_443 = arith.constant 0 : i32
    %dma_wait3A_444 = arith.constant 0 : i32
    %dma_wait3A_445 = tpu.memref_slice %arg4[%dma_wait3A_442, %dma_wait3A_443, %dma_wait3A_444] : memref<8192x4x1024xf32, #tpu.memory_space<hbm>> -> memref<4x4x1024xf32, #tpu.memory_space<hbm>>
    tpu.wait_dma2 semaphore(%arg23 : memref<!tpu.dma_semaphore, #tpu.memory_space<semaphore_mem>>) src(%arg11 : memref<4x4x1024xf32, #tpu.memory_space<vmem>>) dst(%dma_wait3A_445 : memref<4x4x1024xf32, #tpu.memory_space<hbm>>)
    %dma_wait3A_446 = arith.constant 0 : i32
    %dma_wait3A_447 = arith.constant 0 : i32
    %dma_wait3A_448 = arith.constant 0 : i32
    %dma_wait3A_449 = tpu.memref_slice %arg4[%dma_wait3A_446, %dma_wait3A_447, %dma_wait3A_448] : memref<8192x4x1024xf32, #tpu.memory_space<hbm>> -> memref<4x4x1024xf32, #tpu.memory_space<hbm>>
    %dma_wait3A_450 = arith.constant 0 : i32
    %dma_wait3A_451 = arith.constant 0 : i32
    %dma_wait3A_452 = arith.constant 0 : i32
    %dma_wait3A_453 = tpu.memref_slice %arg4[%dma_wait3A_450, %dma_wait3A_451, %dma_wait3A_452] : memref<8192x4x1024xf32, #tpu.memory_space<hbm>> -> memref<4x4x1024xf32, #tpu.memory_space<hbm>>
    tpu.wait_dma2 semaphore(%arg24 : memref<!tpu.dma_semaphore, #tpu.memory_space<semaphore_mem>>) src(%arg12 : memref<4x4x1024xf32, #tpu.memory_space<vmem>>) dst(%dma_wait3A_453 : memref<4x4x1024xf32, #tpu.memory_space<hbm>>)
    %dma_wait3A_454 = arith.constant 0 : i32
    %dma_wait3A_455 = arith.constant 0 : i32
    %dma_wait3A_456 = arith.constant 0 : i32
    %dma_wait3A_457 = tpu.memref_slice %arg4[%dma_wait3A_454, %dma_wait3A_455, %dma_wait3A_456] : memref<8192x4x1024xf32, #tpu.memory_space<hbm>> -> memref<4x4x1024xf32, #tpu.memory_space<hbm>>
    %dma_wait3A_458 = arith.constant 0 : i32
    %dma_wait3A_459 = arith.constant 0 : i32
    %dma_wait3A_460 = arith.constant 0 : i32
    %dma_wait3A_461 = tpu.memref_slice %arg4[%dma_wait3A_458, %dma_wait3A_459, %dma_wait3A_460] : memref<8192x4x1024xf32, #tpu.memory_space<hbm>> -> memref<4x4x1024xf32, #tpu.memory_space<hbm>>
    tpu.wait_dma2 semaphore(%arg25 : memref<!tpu.dma_semaphore, #tpu.memory_space<semaphore_mem>>) src(%arg13 : memref<4x4x1024xf32, #tpu.memory_space<vmem>>) dst(%dma_wait3A_461 : memref<4x4x1024xf32, #tpu.memory_space<hbm>>)
    %dma_wait3A_462 = arith.constant 0 : i32
    %dma_wait3A_463 = arith.constant 0 : i32
    %dma_wait3A_464 = arith.constant 0 : i32
    %dma_wait3A_465 = tpu.memref_slice %arg4[%dma_wait3A_462, %dma_wait3A_463, %dma_wait3A_464] : memref<8192x4x1024xf32, #tpu.memory_space<hbm>> -> memref<4x4x1024xf32, #tpu.memory_space<hbm>>
    %dma_wait3A_466 = arith.constant 0 : i32
    %dma_wait3A_467 = arith.constant 0 : i32
    %dma_wait3A_468 = arith.constant 0 : i32
    %dma_wait3A_469 = tpu.memref_slice %arg4[%dma_wait3A_466, %dma_wait3A_467, %dma_wait3A_468] : memref<8192x4x1024xf32, #tpu.memory_space<hbm>> -> memref<4x4x1024xf32, #tpu.memory_space<hbm>>
    tpu.wait_dma2 semaphore(%arg26 : memref<!tpu.dma_semaphore, #tpu.memory_space<semaphore_mem>>) src(%arg14 : memref<4x4x1024xf32, #tpu.memory_space<vmem>>) dst(%dma_wait3A_469 : memref<4x4x1024xf32, #tpu.memory_space<hbm>>)
    %dma_wait3A_470 = arith.constant 0 : i32
    %dma_wait3A_471 = arith.constant 0 : i32
    %dma_wait3A_472 = arith.constant 0 : i32
    %dma_wait3A_473 = tpu.memref_slice %arg4[%dma_wait3A_470, %dma_wait3A_471, %dma_wait3A_472] : memref<8192x4x1024xf32, #tpu.memory_space<hbm>> -> memref<4x4x1024xf32, #tpu.memory_space<hbm>>
    %dma_wait3A_474 = arith.constant 0 : i32
    %dma_wait3A_475 = arith.constant 0 : i32
    %dma_wait3A_476 = arith.constant 0 : i32
    %dma_wait3A_477 = tpu.memref_slice %arg4[%dma_wait3A_474, %dma_wait3A_475, %dma_wait3A_476] : memref<8192x4x1024xf32, #tpu.memory_space<hbm>> -> memref<4x4x1024xf32, #tpu.memory_space<hbm>>
    tpu.wait_dma2 semaphore(%arg27 : memref<!tpu.dma_semaphore, #tpu.memory_space<semaphore_mem>>) src(%arg15 : memref<4x4x1024xf32, #tpu.memory_space<vmem>>) dst(%dma_wait3A_477 : memref<4x4x1024xf32, #tpu.memory_space<hbm>>)
    %dma_wait3A_478 = arith.constant 0 : i32
    %dma_wait3A_479 = arith.constant 0 : i32
    %dma_wait3A_480 = arith.constant 0 : i32
    %dma_wait3A_481 = tpu.memref_slice %arg4[%dma_wait3A_478, %dma_wait3A_479, %dma_wait3A_480] : memref<8192x4x1024xf32, #tpu.memory_space<hbm>> -> memref<4x4x1024xf32, #tpu.memory_space<hbm>>
    %dma_wait3A_482 = arith.constant 0 : i32
    %dma_wait3A_483 = arith.constant 0 : i32
    %dma_wait3A_484 = arith.constant 0 : i32
    %dma_wait3A_485 = tpu.memref_slice %arg4[%dma_wait3A_482, %dma_wait3A_483, %dma_wait3A_484] : memref<8192x4x1024xf32, #tpu.memory_space<hbm>> -> memref<4x4x1024xf32, #tpu.memory_space<hbm>>
    tpu.wait_dma2 semaphore(%arg28 : memref<!tpu.dma_semaphore, #tpu.memory_space<semaphore_mem>>) src(%arg16 : memref<4x4x1024xf32, #tpu.memory_space<vmem>>) dst(%dma_wait3A_485 : memref<4x4x1024xf32, #tpu.memory_space<hbm>>)
    return
  }
}

</mosaic_0001>

<sc_bundles>
// kernel: kernel.3.cloned.1.call-start
scs
__scs_entry_jumppad:
0x0: {  	(pc) =	sbr.rel $0x88, $3  }
0x1: {  	(tag) =	ssettag $0x0;
	lr =	simm.s32 $0x1  }
0x2: {  	[smem:$0x3F9F] =	sst lr;
	_ =	strace $0xD0000000  }
0x3: {  	_ = 	snop  }
0x4: {  	_ = 	snop  }
0x5: {  	_ = 	snop  }
0x6: {  	_ = 	snop  }
0x7: {  	_ = 	snop  }
__scs_overlays_trampoline_lowered:
0x8: {  	[smem:$0x3FAE] =	sst s0  }
0x9: {  	[smem:$0x3FAF] =	sst s1  }
0xa: {  	[smem:$0x3FB0] =	sst s2  }
0xb: {  	[smem:$0x3FB1] =	sst s3  }
0xc: {  	[smem:$0x3FB2] =	sst s4  }
0xd: {  	[smem:$0x3FB3] =	sst s5  }
0xe: {  	[smem:$0x3FB4] =	sst s6  }
0xf: {  	[smem:$0x3FB5] =	sst s7  }
0x10: {  	[smem:$0x3FB6] =	sst s8  }
0x11: {  	[smem:$0x3FB7] =	sst s9;
	s0 =	simm.s32 @!p0 $0x0  }
0x12: {  	s1 =	sld [smem:$0x3F9D];
	s0 =	simm.s32 @p0 $0x1  }
0x13: {  	[smem:$0x3FB8] =	sst s0;
	s0 =	simm.s32 @!p1 $0x0  }
0x14: {  	s2 =	sld [smem:$0x3F9C];
	s0 =	simm.s32 @p1 $0x1  }
0x15: {  	[smem:$0x3FB9] =	sst s0;
	s0 =	simm.s32 @!p2 $0x0  }
0x16: {  	s3 =	sld [smem:$0x3FDB];
	s0 =	simm.s32 @p2 $0x1  }
0x17: {  	s4 =	simm.s32 $0x1BF5;
	[smem:$0x3FBB] =	sst s0  }
0x18: {  	s0 =	sld [smem:$0x3F9E];
	_ =	swait.ge [sflag:s4], $0x0  }
0x19: {  	s7 =	sld [smem:$0x3F9F]  }
0x1a: {  	s8 =	sadd.s32 $0xFFFFE003, lr  }
0x1b: {  	s9 =	sadd.s32 $0xFFFFFEF7, lr;
	s5 =	simm.s32 $0xFFFFFFFF;
	p2 =	slt.u32 s8, $0xFFFFF086  }
0x1c: {  	p1 =	slt.u32 s9, $0xF7A;
	s5 =	simm.s32 @!p2 $0x0  }
0x1d: {  	s5 =	simm.s32 @p1 $0x1;
	p0 =	seq.s32 s7, s2  }
0x1e: {  	s7 =	smul.u32 @!p0 $0xF7A, s2;
	p2 =	seq.s32 @!p0 s5, $0x0  }
0x1f: {  	s9 =	smul.u32 $0xF7A, s1;
	s8 =	simm.s32 @!p0 $0x1BF5;
	p2 =	por !p2, p0  }
0x20: {  	[sflag:s8] =	ssyncset.s32 @!p0 $0xFFFFF086;
	s6 =	sadd.s32 @!p0 s3, s7;
	s7 =	simm.s32 @!p0 $0x108  }
0x21: {  	s3 =	sadd.s32 s3, s9;
	s6 =	sadd.s32 @!p0 $0x88, s6;
	s7 =	simm.s32 @p2 $0x1082  }
0x22: {  	[simem:s7], [sflag:s8] =	dma.local @!p0 [hbm:s6], $0xF7A  }
0x23: {  	s9 =	sor.u32 $0xD0000000, s2;
	s6 =	simm.s32 $0x108;
	_ =	swait.ge @!p0 [sflag:s8], $0x0  }
0x24: {  	s3 =	sadd.s32 $0x88, s3;
	s6 =	simm.s32 @!p1 $0x1082;
	[sflag:s4] =	ssyncset.s32 $0xFFFFF086  }
0x25: {  	[simem:s6], [sflag:s4] =	dma.local [hbm:s3], $0xF7A  }
0x26: {  	[smem:$0x3F9F] =	sst s1;
	(tag) =	ssettag s2;
	_ =	strace s9  }
0x27: {  	s1 =	sld [smem:$0x3FAF]  }
0x28: {  	s2 =	sld [smem:$0x3FB0]  }
0x29: {  	s4 =	sld [smem:$0x3FB2]  }
0x2a: {  	p0 =	seq.s32 s5, $0x0;
	s5 =	sld [smem:$0x3FB3]  }
0x2b: {  	s6 =	sld [smem:$0x3FB4]  }
0x2c: {  	s7 =	sld [smem:$0x3FB5]  }
0x2d: {  	s3 =	simm.s32 $0x108;
	s8 =	sld [smem:$0x3FB6]  }
0x2e: {  	s3 =	simm.s32 @!p0 $0x1082;
	s9 =	sld [smem:$0x3FB7]  }
0x2f: {  	lr =	sadd.s32 s0, s3;
	s0 =	sld [smem:$0x3FAE]  }
0x30: {  	s3 =	sld [smem:$0x3FB1]  }
0x31: {  	[smem:$0x3FBA] =	sst s10  }
0x32: {  	s10 =	sld [smem:$0x3FB8];
	_ =	sdelay $0x3  }
0x33: {  	p0 =	seq.s32 s10, $0x1;
	s10 =	sld [smem:$0x3FBA];
	_ =	sdelay $0x3  }
0x34: {  	[smem:$0x3FBA] =	sst s10  }
0x35: {  	s10 =	sld [smem:$0x3FB9];
	_ =	sdelay $0x3  }
0x36: {  	p1 =	seq.s32 s10, $0x1;
	s10 =	sld [smem:$0x3FBA];
	_ =	sdelay $0x3  }
0x37: {  	[smem:$0x3FBA] =	sst s10  }
0x38: {  	s10 =	sld [smem:$0x3FBB]  }
0x39: {  	_ = 	snop;
	(pc) =	sbr.ind lr, $3  }
0x3a: {  	_ = 	snop  }
0x3b: {  	_ = 	snop  }
0x3c: {  	p2 =	seq.s32 s10, $0x1;
	s10 =	sld [smem:$0x3FBA]  }
0x3d: {  	_ =	shalt  }
0x3e: {  	_ =	shalt  }
0x3f: {  	_ =	shalt  }
0x40: {  	_ =	shalt  }
0x41: {  	_ =	shalt  }
0x42: {  	_ =	shalt  }
0x43: {  	_ =	shalt  }
0x44: {  	_ =	shalt  }
0x45: {  	_ =	shalt  }
0x46: {  	_ =	shalt  }
0x47: {  	_ =	shalt  }
0x48: {  	_ =	shalt  }
0x49: {  	_ =	shalt  }
0x4a: {  	_ =	shalt  }
0x4b: {  	_ =	shalt  }
0x4c: {  	_ =	shalt  }
0x4d: {  	_ =	shalt  }
0x4e: {  	_ =	shalt  }
0x4f: {  	_ =	shalt  }
0x50: {  	_ =	shalt  }
0x51: {  	_ =	shalt  }
0x52: {  	_ =	shalt  }
0x53: {  	_ =	shalt  }
0x54: {  	_ =	shalt  }
0x55: {  	_ =	shalt  }
0x56: {  	_ =	shalt  }
0x57: {  	_ =	shalt  }
0x58: {  	_ =	shalt  }
0x59: {  	_ =	shalt  }
0x5a: {  	_ =	shalt  }
0x5b: {  	_ =	shalt  }
0x5c: {  	_ =	shalt  }
0x5d: {  	_ =	shalt  }
0x5e: {  	_ =	shalt  }
0x5f: {  	_ =	shalt  }
0x60: {  	_ =	shalt  }
0x61: {  	_ =	shalt  }
0x62: {  	_ =	shalt  }
0x63: {  	_ =	shalt  }
0x64: {  	_ =	shalt  }
0x65: {  	_ =	shalt  }
0x66: {  	_ =	shalt  }
0x67: {  	_ =	shalt  }
0x68: {  	_ =	shalt  }
0x69: {  	_ =	shalt  }
0x6a: {  	_ =	shalt  }
0x6b: {  	_ =	shalt  }
0x6c: {  	_ =	shalt  }
0x6d: {  	_ =	shalt  }
0x6e: {  	_ =	shalt  }
0x6f: {  	_ =	shalt  }
0x70: {  	_ =	shalt  }
0x71: {  	_ =	shalt  }
0x72: {  	_ =	shalt  }
0x73: {  	_ =	shalt  }
0x74: {  	_ =	shalt  }
0x75: {  	_ =	shalt  }
0x76: {  	_ =	shalt  }
0x77: {  	_ =	shalt  }
0x78: {  	_ =	shalt  }
0x79: {  	_ =	shalt  }
0x7a: {  	_ =	shalt  }
0x7b: {  	_ =	shalt  }
0x7c: {  	_ =	shalt  }
0x7d: {  	_ =	shalt  }
0x7e: {  	_ =	shalt  }
0x7f: {  	_ =	shalt  }
0x80: {  	_ =	shalt  }
0x81: {  	_ =	shalt  }
0x82: {  	_ =	shalt  }
0x83: {  	_ =	shalt  }
0x84: {  	_ =	shalt  }
0x85: {  	_ =	shalt  }
0x86: {  	_ =	shalt  }
0x87: {  	_ =	shalt  }
.Lfunc_end0:
.L_simem_size_0:
called_computation_lowered:
.L_overlay_start_0:
0x88: {  	s2 =	sld [smem:$0x3FD9]  }
0x89: {  	s3 =	sld [smem:$0x3FFE];
	_ =	sdelay $0x1  }
0x8a: {  	s1 =	srdreg.scid  }
0x8b: {  	s0 =	sand.u32 $0x1, s1  }
0x8c: {  	s18 =	sshll.u32 s0, $0xA;
	s2 =	sadd.s32 s3, s2  }
0x8d: {  	s2 =	sadd.s32 s2, s18  }
0x8e: {  	[smem:$0x3FC6] =	sst s2  }
0x8f: {  	_ = 	snop  }
0x90: {  	s2 =	sld [smem:$0x3FC9]  }
0x91: {  	s19 =	sld [smem:$0x3FC8]  }
0x92: {  	s4 =	sld [smem:$0x3FD0];
	(tm) =	ssettm $0x1  }
0x93: {  	s5 =	sld [smem:$0x3FFB];
	_ =	sdelay $0x3  }
0x94: {  	_ =	strace s5  }
0x95: {  	s5 =	sld [smem:$0x3FFC];
	_ =	sdelay $0x3  }
0x96: {  	_ =	strace s5  }
0x97: {  	s5 =	sld [smem:$0x3FFD];
	_ =	sdelay $0x3  }
0x98: {  	_ =	strace s5  }
0x99: {  	_ =	strace $0x8FFFFFFF  }
0x9a: {  	s20 =	sld [smem:$0x3FDB];
	_ =	sdelay $0x1  }
0x9b: {  	s6 =	simm.s32 $_scs_section_size  }
0x9c: {  	s7 =	simm.s32 $_size__tile_overlayer_lowered;
	s8 =	simm.s32 $_tile_overlayer_lowered  }
0x9d: {  	s23 =	simm.s32 $0x1BFF;
	s22 =	sshll.u32 s8, $0x1;
	s5 =	sadd.s32 s6, s20  }
0x9e: {  	s9 =	simm.s32 $0x0;
	s21 =	sshll.u32 s7, $0x1;
	s7 =	sadd.s32 s22, s5  }
0x9f: {  	[timem:s9], [sflag:s23] =	dma.local [hbm:s7], s21  }
0xa0: {  	_ =	swait.ge [sflag:s23], s21  }
0xa1: {  	s6 =	ssub.s32 $0x0, s21;
	[sflag:s23] =	ssyncset.done $0x0  }
0xa2: {  	[sflag:s23] =	ssyncadd.s32 s6;
	_ =	sdelay $0x1  }
0xa3: {  	s24 =	simm.s32 $0x1B8B  }
0xa4: {  	_ =	swait.ge [sflag:s24], $0x1  }
0xa5: {  	[sflag:s24] =	ssyncset.done $0x0  }
0xa6: {  	s25 =	simm.s32 $0x1B8E;
	[sflag:s24] =	ssyncadd.s32 $0xFFFFFFFF  }
0xa7: {  	s26 =	simm.s32 $execute0_lowered;
	[smem:$0x3FD2] =	sst s25  }
0xa8: {  	s6 =	sshll.u32 s26, $0x1;
	_ =	strace $0x80000046;
	[dreg:$0x1] =	wrdreg $0xFFFFFFFF  }
0xa9: {  	s28 =	simm.s32 $_size_execute0_lowered;
	s5 =	sadd.s32 s5, s6;
	[dreg:$0x0] =	wrdreg $0x0  }
0xaa: {  	s6 =	sshll.u32 s28, $0x1;
	[dreg:$0x2] =	wrdreg s5  }
0xab: {  	[dreg:$0x3] =	wrdreg s6  }
0xac: {  	[dreg:$0x4] =	wrdreg $0xC0  }
0xad: {  	_ =	task [dreg:s9], $0x5FFFF  }
0xae: {  	[dreg:$0x1] =	wrdreg $0xFFFFFFFF  }
0xaf: {  	[dreg:$0x0] =	wrdreg $0x60  }
0xb0: {  	[dreg:$0x2] =	wrdreg s2  }
0xb1: {  	[dreg:$0x3] =	wrdreg s19  }
0xb2: {  	[dreg:$0x4] =	wrdreg s4  }
0xb3: {  	[dreg:$0x5] =	wrdreg $0x9  }
0xb4: {  	_ =	task.clear_ibuf [dreg:s9], $0x6FFFF;
	_ =	strace $0x90000046  }
0xb5: {  	s29 =	simm.s32 $0x9;
	_ =	strace $0x80000048  }
0xb6: {  	_ =	swait.ge [sflag:s29], $0x1  }
0xb7: {  	[sflag:s29] =	ssyncadd.s32 $0xFFFFFFFF  }
0xb8: {  	_ =	strace $0x90000048  }
0xb9: {  	_ =	sfence  }
0xba: {  	s30 =	sld [smem:$0x0];
	_ =	sdelay $0x2  }
0xbb: {  	s31 =	sshll.u32 s1, $0xD;
	s1 =	sshrl.u32 s1, $0x2  }
0xbc: {  	s3 =	sand.u32 $0x4000, s31;
	s1 =	sadd.s32 s1, s30  }
0xbd: {  	s0 =	sor.u32 s3, s0;
	s1 =	sshll.u32 s1, $0x11  }
0xbe: {  	s0 =	sor.u32 s1, s0  }
0xbf: {  	s0 =	sadd.s32 $0x8F2B, s0  }
0xc0: {  	[sflag:s0] =	ssyncadd.remote.s32 $0x1  }
0xc1: {  	_ =	sfence.sel $0xFFFF  }
0xc2: {  	[dreg:$0x0] =	wrdreg $0xFFFFFFFF;
	(pc) =	sbr.abs _section_cstart, $3  }
0xc3: {  	[dreg:$0x1] =	wrdreg $0xFFFFFFFF  }
0xc4: {  	_ =	task.clear_ibuf [dreg:s9], $0x2FFFF;
	_ =	strace $0x9FFFFFFF  }
0xc5: {  	(tm) =	ssettm $0x7FFFFFFF  }
tec
execute0_lowered:
.L_overlay_start_1:
0x0: {  	(tag) =	ssettag $0x1  }
0x1: {  	s1 =	rddreg [dreg:$0x0]  }
0x2: {  	s29 =	rddreg [dreg:$0x1]  }
0x3: {  	s3 =	rddreg [dreg:$0x2];
	s22 =	simm.s32 $0x0;
	s0 =	srdreg.scid  }
0x4: {  	s4 =	stileid.u32;
	[smem:$0x7FF] =	sst s22;
	s0 =	sand.u32 $0x1, s0  }
0x5: {  	s4 =	sshll.u32 s4, $0x9;
	s2 =	ssub.s32 $0x2, s0;
	s0 =	sshll.u32 s0, $0x8  }
0x6: {  	s8 =	sadd.s32 $0x40, s29;
	s5 =	sshrl.u32 s2, $0x1;
	s4 =	sor.u32 s0, s4  }
0x7: {  	_ =	strace $0x80000047;
	s0 =	ssub.s32 s2, s5;
	s12 =	sshll.u32 s4, $0x7  }
0x8: {  	s13 =	sshll.u32 s4, $0x9;
	s15 =	sor.u32 $0x8, s4;
	s20 =	sor.u32 $0x14, s4  }
0x9: {  	s16 =	sor.u32 $0xC, s4;
	s26 =	sor.u32 $0x18, s4;
	[dreg:$0xa] =	wrdreg s20  }
0xa: {  	s18 =	sor.u32 $0x10, s4;
	s6 =	sadd.s32 s29, s12;
	[dreg:$0xf] =	wrdreg s26  }
0xb: {  	s14 =	sadd.s32 s1, s13;
	s2 =	sadd.s32 s12, s8;
	[dreg:$0x4] =	wrdreg s6  }
0xc: {  	s7 =	sor.u32 $0x800, s13;
	s9 =	sshll.u32 s15, $0x7;
	[dreg:$0x5] =	wrdreg s14  }
0xd: {  	s10 =	sshll.u32 s16, $0x7;
	s0 =	smax.u32 s0, $0x1;
	[dreg:$0x6] =	wrdreg s2  }
0xe: {  	s19 =	sshll.u32 s18, $0x7;
	s12 =	sadd.s32 s3, s13;
	[smem:$0x7F8] =	sst s0  }
0xf: {  	s21 =	sshll.u32 s20, $0x7;
	s11 =	sadd.s32 s1, s7;
	[dreg:$0xc] =	wrdreg s12  }
0x10: {  	s24 =	sshll.u32 s20, $0x9;
	s9 =	sadd.s32 s29, s9;
	[dreg:$0x7] =	wrdreg s11  }
0x11: {  	s17 =	sand.u32 $0xF8400, s10;
	s10 =	sadd.s32 s29, s19;
	[dreg:$0x8] =	wrdreg s9  }
0x12: {  	s13 =	sshll.u32 s26, $0x7;
	s25 =	sadd.s32 s1, s24;
	[dreg:$0xb] =	wrdreg s10  }
0x13: {  	s2 =	sshll.u32 s15, $0x9;
	s14 =	sor.u32 $0x1C, s4;
	[dreg:$0xe] =	wrdreg s25  }
0x14: {  	s15 =	sshll.u32 s26, $0x9;
	s26 =	sor.u32 $0x24, s4;
	[dreg:$0x11] =	wrdreg s14  }
0x15: {  	s23 =	sand.u32 $0xF8800, s21;
	s9 =	sadd.s32 s17, s8;
	[dreg:$0x1b] =	wrdreg s26  }
0x16: {  	s5 =	sadd.s32 s23, s8;
	[dreg:$0x9] =	wrdreg s9  }
0x17: {  	s6 =	sshll.u32 s16, $0x9;
	s11 =	sadd.s32 s3, s7;
	[dreg:$0xd] =	wrdreg s5  }
0x18: {  	s16 =	sshll.u32 s14, $0x7;
	s21 =	sadd.s32 s1, s6;
	[dreg:$0x10] =	wrdreg s11  }
0x19: {  	s20 =	sshll.u32 s14, $0x9;
	s24 =	sadd.s32 s3, s6;
	[dreg:$0x18] =	wrdreg s21  }
0x1a: {  	s23 =	sor.u32 $0x20, s4;
	s7 =	sshll.u32 s26, $0x7;
	[dreg:$0x1a] =	wrdreg s24  }
0x1b: {  	s14 =	sshll.u32 s26, $0x9;
	s26 =	sadd.s32 $0x1F800, s12;
	[dreg:$0x19] =	wrdreg s23  }
0x1c: {  	s5 =	sadd.s32 s29, s13;
	[smem:$0x7FD] =	sst s26  }
0x1d: {  	s9 =	sshll.u32 s18, $0x9;
	s18 =	sadd.s32 s1, s2;
	[dreg:$0x12] =	wrdreg s5  }
0x1e: {  	s2 =	sadd.s32 s3, s2;
	[dreg:$0x14] =	wrdreg s18  }
0x1f: {  	s17 =	sand.u32 $0xF8C00, s16;
	s16 =	sor.u32 $0x2C, s4;
	[dreg:$0x15] =	wrdreg s2  }
0x20: {  	s21 =	sadd.s32 $0x1D800, s12;
	[smem:$0x7F3] =	sst s16  }
0x21: {  	s24 =	sadd.s32 $0x1E800, s12;
	[smem:$0x7F9] =	sst s21  }
0x22: {  	s5 =	sadd.s32 s1, s15;
	[smem:$0x7FB] =	sst s24  }
0x23: {  	s28 =	simm.s32 $0x200;
	s19 =	sadd.s32 s17, s8;
	[dreg:$0x13] =	wrdreg s5  }
0x24: {  	s30 =	simm.s32 $0x400;
	s2 =	sadd.s32 s1, s20;
	[dreg:$0x16] =	wrdreg s19  }
0x25: {  	s31 =	simm.s32 $0xE000;
	s11 =	sadd.s32 s1, s9;
	[dreg:$0x17] =	wrdreg s2  }
0x26: {  	s25 =	sshll.u32 s23, $0x7;
	s13 =	sadd.s32 s3, s9;
	[dreg:$0x1e] =	wrdreg s11  }
0x27: {  	s10 =	sand.u32 $0xF9000, s7;
	s15 =	sor.u32 $0x28, s4;
	[dreg:$0x1f] =	wrdreg s13  }
0x28: {  	s26 =	simm.s32 $0x12000;
	s17 =	sor.u32 $0x30, s4;
	[smem:$0x7F2] =	sst s15  }
0x29: {  	s7 =	simm.s32 $0x4;
	s18 =	sor.u32 $0x34, s4;
	[smem:$0x7F4] =	sst s17  }
0x2a: {  	s20 =	sor.u32 $0x3C, s4;
	s24 =	simm.s32 $0x1;
	[smem:$0x7F5] =	sst s18  }
0x2b: {  	s2 =	sadd.s32 s29, s25;
	s5 =	sshll.u32 s23, $0x9;
	[smem:$0x7F7] =	sst s20  }
0x2c: {  	s19 =	sor.u32 $0x38, s4;
	s23 =	sadd.s32 $0x1E000, s12;
	[dreg:$0x1c] =	wrdreg s2  }
0x2d: {  	s25 =	sadd.s32 $0x1F000, s12;
	s15 =	simm.s32 $0x2;
	[smem:$0x7F6] =	sst s19  }
0x2e: {  	s13 =	simm.s32 $0x5;
	s18 =	simm.s32 $0xA;
	[smem:$0x7FA] =	sst s23  }
0x2f: {  	s20 =	simm.s32 $0x6;
	s2 =	sadd.s32 s1, s5;
	[smem:$0x7FC] =	sst s25  }
0x30: {  	s4 =	simm.s32 $0x0;
	[dreg:$0x1d] =	wrdreg s2;
	s2 =	sadd.s32 s10, s8  }
0x31: {  	s23 =	simm.s32 $0x6000;
	[smem:$0x7F0] =	sst s2;
	s2 =	sadd.s32 s1, s14  }
0x32: {  	s25 =	simm.s32 $0x3;
	s10 =	simm.s32 $0x9;
	[smem:$0x7F1] =	sst s2  }
.LBB2_1:
0x33: {  	[smem:$0x7EF] =	sst s4  }
0x34: {  	s0 =	rddreg [dreg:$0x4]  }
0x35: {  	[tilespmem:s22], [sflag:$0x1] =	stream.strided.gather [hbm4b:s0+s28], $0x1000, s30, s28, $0x38;
	[tilespmem:$0x1E000] =	vst v63  }
0x36: {  	s6 =	rddreg [dreg:$0x5]  }
0x37: {  	[tilespmem:s23], [sflag:$0x1] =	stream.linear.gather [hbm4b:s6+s22], $0x4000, $0x38;
	[tilespmem:$0x1E000] =	vst v63  }
0x38: {  	s9 =	rddreg [dreg:$0x6];
	s2 =	simm.s32 $0x1000  }
0x39: {  	[tilespmem:s2], [sflag:$0x2] =	stream.strided.gather [hbm4b:s9+s28], $0x1000, s30, s28, $0x38;
	[tilespmem:$0x1E000] =	vst v63  }
0x3a: {  	s11 =	rddreg [dreg:$0x7];
	s12 =	simm.s32 $0xA000  }
0x3b: {  	[tilespmem:s12], [sflag:$0x2] =	stream.linear.gather [hbm4b:s11+s22], $0x4000, $0x38;
	[tilespmem:$0x1E000] =	vst v63  }
0x3c: {  	s14 =	rddreg [dreg:$0x8];
	s16 =	simm.s32 $0x2000  }
0x3d: {  	[tilespmem:s16], [sflag:$0x3] =	stream.strided.gather [hbm4b:s14+s28], $0x1000, s30, s28, $0x38;
	[tilespmem:$0x1E000] =	vst v63  }
0x3e: {  	s17 =	rddreg [dreg:$0x14]  }
0x3f: {  	[tilespmem:s31], [sflag:$0x3] =	stream.linear.gather [hbm4b:s17+s22], $0x4000, $0x38;
	[tilespmem:$0x1E000] =	vst v63  }
0x40: {  	s19 =	rddreg [dreg:$0x9];
	s21 =	simm.s32 $0x3000  }
0x41: {  	[tilespmem:s21], [sflag:$0x4] =	stream.strided.gather [hbm4b:s19+s28], $0x1000, s30, s28, $0x38;
	[tilespmem:$0x1E000] =	vst v63  }
0x42: {  	s2 =	rddreg [dreg:$0x18]  }
0x43: {  	[tilespmem:s26], [sflag:$0x4] =	stream.linear.gather [hbm4b:s2+s22], $0x4000, $0x38;
	[tilespmem:$0x1E000] =	vst v63  }
0x44: {  	s4 =	rddreg [dreg:$0xb];
	s5 =	simm.s32 $0x4000  }
0x45: {  	[tilespmem:s5], [sflag:$0x5] =	stream.strided.gather [hbm4b:s4+s28], $0x1000, s30, s28, $0x38;
	[tilespmem:$0x1E000] =	vst v63  }
0x46: {  	s6 =	rddreg [dreg:$0x1e];
	s9 =	simm.s32 $0x16000  }
0x47: {  	[tilespmem:s9], [sflag:$0x5] =	stream.linear.gather [hbm4b:s6+s22], $0x4000, $0x38;
	[tilespmem:$0x1E000] =	vst v63  }
0x48: {  	_ =	swait.ge [sflag:s24], $0x1000  }
0x49: {  	[sflag:s24] =	ssyncset.done $0x0  }
0x4a: {  	s11 =	simm.s32 $0x0;
	[sflag:s24] =	ssyncadd.s32 $0xFFFFF000  }
0x4b: {  	s12 =	sand.u32 $0xE00, s22;
	s0 =	sand.u32 $0x3FFFFF80, s11;
	_ =	swait.ge [sflag:s24], $0x4000  }
0x4c: {  	s0 =	sadd.s32 s0, s12;
	s5 =	sand.u32 $0x40, s22;
	[sflag:s24] =	ssyncset.done $0x0  }
0x4d: {  	s6 =	sor.u32 s5, s0;
	[sflag:s24] =	ssyncadd.s32 $0xFFFFC000  }
0x4e: {  	s9 =	simm.s32 $0x0;
	v0 =	vld [tilespmem:s6+$0x0]  }
0x4f: {  	s14 =	sand.u32 $0x3FFFF000, s9  }
0x50: {  	s2 =	sor.u32 s12, s14  }
0x51: {  	s2 =	sadd.s32 $0x6000, s2  }
0x52: {  	s16 =	sor.u32 s5, s2  }
0x53: {  	s17 =	sor.u32 $0x80, s16;
	[tilespmem:s16+$0x0] =	vst.add.f32.msk $0xffff, v0  }
0x54: {  	s19 =	sor.u32 $0x100, s16;
	[tilespmem:s17+$0x0] =	vst.add.f32.msk $0xffff, v0  }
0x55: {  	s11 =	sor.u32 $0x10, s5;
	s6 =	sor.u32 $0x180, s16;
	[tilespmem:s19+$0x0] =	vst.add.f32.msk $0xffff, v0  }
0x56: {  	s21 =	sor.u32 s11, s0;
	[tilespmem:s6+$0x0] =	vst.add.f32.msk $0xffff, v0  }
0x57: {  	v0 =	vld [tilespmem:s21+$0x0];
	_ =	sdelay $0x3  }
0x58: {  	s22 =	sor.u32 s11, s2  }
0x59: {  	s4 =	sor.u32 $0x80, s22;
	[tilespmem:s22+$0x0] =	vst.add.f32.msk $0xffff, v0  }
0x5a: {  	s11 =	sor.u32 $0x100, s22;
	[tilespmem:s4+$0x0] =	vst.add.f32.msk $0xffff, v0  }
0x5b: {  	s12 =	sor.u32 $0x20, s5;
	s6 =	sor.u32 $0x180, s22;
	[tilespmem:s11+$0x0] =	vst.add.f32.msk $0xffff, v0  }
0x5c: {  	s14 =	sor.u32 s12, s0;
	[tilespmem:s6+$0x0] =	vst.add.f32.msk $0xffff, v0  }
0x5d: {  	v0 =	vld [tilespmem:s14+$0x0];
	_ =	sdelay $0x3  }
0x5e: {  	s16 =	sor.u32 s12, s2  }
0x5f: {  	s17 =	sor.u32 $0x80, s16;
	[tilespmem:s16+$0x0] =	vst.add.f32.msk $0xffff, v0  }
0x60: {  	s19 =	sor.u32 $0x100, s16;
	[tilespmem:s17+$0x0] =	vst.add.f32.msk $0xffff, v0  }
0x61: {  	s5 =	sor.u32 $0x30, s5;
	s6 =	sor.u32 $0x180, s16;
	[tilespmem:s19+$0x0] =	vst.add.f32.msk $0xffff, v0  }
0x62: {  	s0 =	sor.u32 s5, s0;
	[tilespmem:s6+$0x0] =	vst.add.f32.msk $0xffff, v0  }
0x63: {  	v0 =	vld [tilespmem:s0+$0x0];
	_ =	sdelay $0x1  }
0x64: {  	s21 =	simm.s32 $0x8  }
0x65: {  	s2 =	sor.u32 s5, s2;
	s5 =	sand.u32 $0x3FFFFF80, s21;
	s14 =	simm.s32 $0x40  }
0x66: {  	s22 =	sor.u32 $0x80, s2;
	s12 =	sand.u32 $0x40, s14;
	s0 =	simm.s32 $0x100  }
0x67: {  	s17 =	simm.s32 $0x100;
	s19 =	simm.s32 $0x2;
	s9 =	sand.u32 $0xE00, s0;
	[tilespmem:s2+$0x0] =	vst.add.f32.msk $0xffff, v0  }
0x68: {  	s6 =	sor.u32 $0x180, s2;
	s11 =	sadd.s32 s5, s9;
	s5 =	sor.u32 $0x100, s2;
	[tilespmem:s22+$0x0] =	vst.add.f32.msk $0xffff, v0  }
.LBB2_2:
0x69: {  	s2 =	sor.u32 s12, s11  }
0x6a: {  	s21 =	sand.u32 $0x3FFFF000, s17;
	[tilespmem:s5+$0x0] =	vst.add.f32.msk $0xffff, v0;
	s17 =	smov.u32 s19;
	s16 =	sadd.s32 $0x1, s19  }
0x6b: {  	p0 =	sne.s32 s19, $0x3F;
	s5 =	sor.u32 s9, s21;
	[tilespmem:s6+$0x0] =	vst.add.f32.msk $0xffff, v0  }
0x6c: {  	v0 =	vld [tilespmem:s2+$0x0];
	s2 =	sadd.s32 $0x6000, s5  }
0x6d: {  	s5 =	sor.u32 s12, s2;
	_ =	sdelay $0x3  }
0x6e: {  	s6 =	sor.u32 $0x80, s5;
	[tilespmem:s5+$0x0] =	vst.add.f32.msk $0xffff, v0  }
0x6f: {  	s9 =	sor.u32 $0x10, s12;
	[tilespmem:s6+$0x0] =	vst.add.f32.msk $0xffff, v0;
	s6 =	sor.u32 $0x100, s5  }
0x70: {  	s5 =	sor.u32 $0x180, s5;
	[tilespmem:s6+$0x0] =	vst.add.f32.msk $0xffff, v0;
	s6 =	sor.u32 s9, s11;
	s9 =	sor.u32 s9, s2  }
0x71: {  	[tilespmem:s5+$0x0] =	vst.add.f32.msk $0xffff, v0  }
0x72: {  	v0 =	vld [tilespmem:s6+$0x0];
	_ =	sdelay $0x4  }
0x73: {  	s5 =	sor.u32 $0x80, s9;
	[tilespmem:s9+$0x0] =	vst.add.f32.msk $0xffff, v0  }
0x74: {  	s6 =	sor.u32 $0x20, s12;
	[tilespmem:s5+$0x0] =	vst.add.f32.msk $0xffff, v0;
	s5 =	sor.u32 $0x100, s9  }
0x75: {  	[tilespmem:s5+$0x0] =	vst.add.f32.msk $0xffff, v0;
	s5 =	sor.u32 $0x180, s9;
	s9 =	sor.u32 s6, s11;
	s6 =	sor.u32 s6, s2  }
0x76: {  	[tilespmem:s5+$0x0] =	vst.add.f32.msk $0xffff, v0  }
0x77: {  	v0 =	vld [tilespmem:s9+$0x0];
	_ =	sdelay $0x4  }
0x78: {  	s5 =	sor.u32 $0x80, s6;
	[tilespmem:s6+$0x0] =	vst.add.f32.msk $0xffff, v0  }
0x79: {  	s9 =	sor.u32 $0x30, s12;
	[tilespmem:s5+$0x0] =	vst.add.f32.msk $0xffff, v0;
	s5 =	sor.u32 $0x100, s6  }
0x7a: {  	s11 =	sor.u32 s9, s11;
	s2 =	sor.u32 s9, s2;
	[tilespmem:s5+$0x0] =	vst.add.f32.msk $0xffff, v0;
	s5 =	sor.u32 $0x180, s6  }
0x7b: {  	s6 =	sor.u32 $0x180, s2;
	[tilespmem:s5+$0x0] =	vst.add.f32.msk $0xffff, v0  }
0x7c: {  	v0 =	vld [tilespmem:s11+$0x0];
	_ =	sdelay $0x1  }
.Ltmp0:
0x7d: {  	(pc) =	sbr.rel @p0 .LBB2_2-.Ltmp0, $4  }
0x7e: {  	s14 =	sadd.s32 $0x40, s14;
	s0 =	sadd.s32 $0x100, s0  }
0x7f: {  	s12 =	sand.u32 $0x40, s14;
	s5 =	sshll.u32 s17, $0x3;
	s17 =	sshll.u32 s17, $0x8  }
0x80: {  	s9 =	sand.u32 $0xE00, s0;
	s19 =	sor.u32 $0x80, s2;
	s5 =	sand.u32 $0x3FFFFF80, s5;
	[tilespmem:s2+$0x0] =	vst.add.f32.msk $0xffff, v0  }
0x81: {  	s11 =	sadd.s32 s5, s9;
	s5 =	sor.u32 $0x100, s2;
	[tilespmem:s19+$0x0] =	vst.add.f32.msk $0xffff, v0;
	s19 =	smov.u32 s16  }
0x82: {  	[tilespmem:s5+$0x0] =	vst.add.f32.msk $0xffff, v0  }
0x83: {  	s0 =	sor.u32 s12, s11;
	[tilespmem:s6+$0x0] =	vst.add.f32.msk $0xffff, v0  }
0x84: {  	v0 =	vld [tilespmem:s0+$0x0]  }
0x85: {  	s17 =	sand.u32 $0x3FFFF000, s17  }
0x86: {  	s0 =	sor.u32 s9, s17  }
0x87: {  	s0 =	sadd.s32 $0x6000, s0  }
0x88: {  	s2 =	sor.u32 s12, s0  }
0x89: {  	s19 =	sor.u32 $0x80, s2;
	[tilespmem:s2+$0x0] =	vst.add.f32.msk $0xffff, v0  }
0x8a: {  	s21 =	sor.u32 $0x100, s2;
	[tilespmem:s19+$0x0] =	vst.add.f32.msk $0xffff, v0  }
0x8b: {  	s22 =	sor.u32 $0x10, s12;
	s2 =	sor.u32 $0x180, s2;
	[tilespmem:s21+$0x0] =	vst.add.f32.msk $0xffff, v0  }
0x8c: {  	s4 =	sor.u32 s22, s11;
	[tilespmem:s2+$0x0] =	vst.add.f32.msk $0xffff, v0  }
0x8d: {  	v0 =	vld [tilespmem:s4+$0x0];
	_ =	sdelay $0x3  }
0x8e: {  	s6 =	sor.u32 s22, s0  }
0x8f: {  	s9 =	sor.u32 $0x80, s6;
	[tilespmem:s6+$0x0] =	vst.add.f32.msk $0xffff, v0  }
0x90: {  	s14 =	sor.u32 $0x100, s6;
	[tilespmem:s9+$0x0] =	vst.add.f32.msk $0xffff, v0  }
0x91: {  	s16 =	sor.u32 $0x20, s12;
	s2 =	sor.u32 $0x180, s6;
	[tilespmem:s14+$0x0] =	vst.add.f32.msk $0xffff, v0  }
0x92: {  	s17 =	sor.u32 s16, s11;
	[tilespmem:s2+$0x0] =	vst.add.f32.msk $0xffff, v0  }
0x93: {  	v0 =	vld [tilespmem:s17+$0x0];
	_ =	sdelay $0x3  }
0x94: {  	s19 =	sor.u32 s16, s0  }
0x95: {  	s21 =	sor.u32 $0x80, s19;
	[tilespmem:s19+$0x0] =	vst.add.f32.msk $0xffff, v0  }
0x96: {  	s22 =	sor.u32 $0x100, s19;
	[tilespmem:s21+$0x0] =	vst.add.f32.msk $0xffff, v0  }
0x97: {  	s4 =	sor.u32 $0x30, s12;
	s2 =	sor.u32 $0x180, s19;
	[tilespmem:s22+$0x0] =	vst.add.f32.msk $0xffff, v0  }
0x98: {  	s9 =	sor.u32 s4, s11;
	[tilespmem:s2+$0x0] =	vst.add.f32.msk $0xffff, v0  }
0x99: {  	v0 =	vld [tilespmem:s9+$0x0];
	_ =	sdelay $0x3  }
0x9a: {  	s0 =	sor.u32 s4, s0  }
0x9b: {  	s11 =	sor.u32 $0x80, s0;
	[tilespmem:s0+$0x0] =	vst.add.f32.msk $0xffff, v0  }
0x9c: {  	s12 =	sor.u32 $0x100, s0;
	[tilespmem:s11+$0x0] =	vst.add.f32.msk $0xffff, v0  }
0x9d: {  	s0 =	sor.u32 $0x180, s0;
	[tilespmem:s12+$0x0] =	vst.add.f32.msk $0xffff, v0  }
0x9e: {  	s16 =	rddreg [dreg:$0xc];
	s14 =	simm.s32 $0x0;
	[tilespmem:s0+$0x0] =	vst.add.f32.msk $0xffff, v0  }
0x9f: {  	[hbm4b:s16+s14] =	stream.linear.scatter [tilespmem:s23], [sflag:$0x7], $0x4000, $0x38;
	[tilespmem:$0x1E000] =	vst v63  }
0xa0: {  	s4 =	simm.s32 $0x5000;
	s17 =	rddreg [dreg:$0xd]  }
0xa1: {  	[tilespmem:s4], [sflag:$0x6] =	stream.strided.gather [hbm4b:s17+s28], $0x1000, s30, s28, $0x38;
	[tilespmem:$0x1E000] =	vst v63  }
0xa2: {  	s19 =	rddreg [dreg:$0xe];
	s21 =	simm.s32 $0x1A000  }
0xa3: {  	[tilespmem:s21], [sflag:$0x6] =	stream.linear.gather [hbm4b:s19+s14], $0x4000, $0x38;
	[tilespmem:$0x1E000] =	vst v63  }
0xa4: {  	_ =	swait.ge [sflag:s15], $0x1000  }
0xa5: {  	s22 =	simm.s32 $0x0;
	[sflag:s15] =	ssyncset.done $0x0  }
0xa6: {  	s2 =	sand.u32 $0x3FFFFF80, s22;
	s4 =	sand.u32 $0xE00, s14;
	[sflag:s15] =	ssyncadd.s32 $0xFFFFF000  }
0xa7: {  	s2 =	sadd.s32 s2, s4;
	_ =	swait.ge [sflag:s15], $0x4000  }
0xa8: {  	s0 =	sand.u32 $0x40, s14;
	s2 =	sadd.s32 $0x1000, s2;
	[sflag:s15] =	ssyncset.done $0x0  }
0xa9: {  	s9 =	sor.u32 s0, s2;
	[sflag:s15] =	ssyncadd.s32 $0xFFFFC000  }
0xaa: {  	s11 =	simm.s32 $0x0;
	v0 =	vld [tilespmem:s9+$0x0]  }
0xab: {  	s12 =	sand.u32 $0x3FFFF000, s11  }
0xac: {  	s5 =	sor.u32 s4, s12  }
0xad: {  	s5 =	sadd.s32 $0xA000, s5  }
0xae: {  	s14 =	sor.u32 s0, s5  }
0xaf: {  	s16 =	sor.u32 $0x80, s14;
	[tilespmem:s14+$0x0] =	vst.add.f32.msk $0xffff, v0  }
0xb0: {  	s17 =	sor.u32 $0x100, s14;
	[tilespmem:s16+$0x0] =	vst.add.f32.msk $0xffff, v0  }
0xb1: {  	s19 =	sor.u32 $0x10, s0;
	s6 =	sor.u32 $0x180, s14;
	[tilespmem:s17+$0x0] =	vst.add.f32.msk $0xffff, v0  }
0xb2: {  	s21 =	sor.u32 s19, s2;
	[tilespmem:s6+$0x0] =	vst.add.f32.msk $0xffff, v0  }
0xb3: {  	v0 =	vld [tilespmem:s21+$0x0];
	_ =	sdelay $0x3  }
0xb4: {  	s22 =	sor.u32 s19, s5  }
0xb5: {  	s9 =	sor.u32 $0x80, s22;
	[tilespmem:s22+$0x0] =	vst.add.f32.msk $0xffff, v0  }
0xb6: {  	s4 =	sor.u32 $0x100, s22;
	[tilespmem:s9+$0x0] =	vst.add.f32.msk $0xffff, v0  }
0xb7: {  	s11 =	sor.u32 $0x20, s0;
	s6 =	sor.u32 $0x180, s22;
	[tilespmem:s4+$0x0] =	vst.add.f32.msk $0xffff, v0  }
0xb8: {  	s12 =	sor.u32 s11, s2;
	[tilespmem:s6+$0x0] =	vst.add.f32.msk $0xffff, v0  }
0xb9: {  	v0 =	vld [tilespmem:s12+$0x0];
	_ =	sdelay $0x3  }
0xba: {  	s14 =	sor.u32 s11, s5  }
0xbb: {  	s9 =	sor.u32 $0x80, s14;
	[tilespmem:s14+$0x0] =	vst.add.f32.msk $0xffff, v0  }
0xbc: {  	s16 =	sor.u32 $0x100, s14;
	[tilespmem:s9+$0x0] =	vst.add.f32.msk $0xffff, v0  }
0xbd: {  	s0 =	sor.u32 $0x30, s0;
	s6 =	sor.u32 $0x180, s14;
	[tilespmem:s16+$0x0] =	vst.add.f32.msk $0xffff, v0  }
0xbe: {  	s2 =	sor.u32 s0, s2;
	[tilespmem:s6+$0x0] =	vst.add.f32.msk $0xffff, v0  }
0xbf: {  	v0 =	vld [tilespmem:s2+$0x0];
	_ =	sdelay $0x1  }
0xc0: {  	s19 =	simm.s32 $0x8  }
0xc1: {  	s11 =	simm.s32 $0x2;
	s17 =	sor.u32 s0, s5;
	s5 =	sand.u32 $0x3FFFFF80, s19  }
0xc2: {  	s0 =	sor.u32 $0x180, s17;
	s21 =	simm.s32 $0x100;
	s14 =	simm.s32 $0x100  }
0xc3: {  	s12 =	simm.s32 $0x40;
	s22 =	sand.u32 $0xE00, s14;
	s16 =	sor.u32 $0x80, s17;
	[tilespmem:s17+$0x0] =	vst.add.f32.msk $0xffff, v0  }
0xc4: {  	s5 =	sadd.s32 s5, s22;
	s6 =	sand.u32 $0x3FFFF000, s21;
	s2 =	sor.u32 $0x100, s17;
	[tilespmem:s16+$0x0] =	vst.add.f32.msk $0xffff, v0  }
0xc5: {  	s17 =	sand.u32 $0x40, s12;
	s16 =	sadd.s32 $0x1000, s5;
	s5 =	sor.u32 s22, s6;
	[tilespmem:s2+$0x0] =	vst.add.f32.msk $0xffff, v0  }
.LBB2_4:
0xc6: {  	p0 =	sne.s32 s11, $0x3F  }
0xc7: {  	s2 =	sor.u32 s17, s16;
	[tilespmem:s0+$0x0] =	vst.add.f32.msk $0xffff, v0;
	s0 =	smov.u32 s11;
	s11 =	sadd.s32 $0x1, s11  }
0xc8: {  	v0 =	vld [tilespmem:s2+$0x0];
	_ =	sdelay $0x2  }
0xc9: {  	s2 =	sadd.s32 $0xA000, s5  }
0xca: {  	s5 =	sor.u32 s17, s2  }
0xcb: {  	s6 =	sor.u32 $0x80, s5;
	[tilespmem:s5+$0x0] =	vst.add.f32.msk $0xffff, v0  }
0xcc: {  	[tilespmem:s6+$0x0] =	vst.add.f32.msk $0xffff, v0;
	s6 =	sor.u32 $0x100, s5  }
0xcd: {  	s5 =	sor.u32 $0x180, s5;
	[tilespmem:s6+$0x0] =	vst.add.f32.msk $0xffff, v0;
	s6 =	sor.u32 $0x10, s17  }
0xce: {  	[tilespmem:s5+$0x0] =	vst.add.f32.msk $0xffff, v0;
	s5 =	sor.u32 s6, s16;
	s6 =	sor.u32 s6, s2  }
0xcf: {  	v0 =	vld [tilespmem:s5+$0x0];
	_ =	sdelay $0x4  }
0xd0: {  	s5 =	sor.u32 $0x80, s6;
	[tilespmem:s6+$0x0] =	vst.add.f32.msk $0xffff, v0  }
0xd1: {  	[tilespmem:s5+$0x0] =	vst.add.f32.msk $0xffff, v0;
	s5 =	sor.u32 $0x100, s6  }
0xd2: {  	[tilespmem:s5+$0x0] =	vst.add.f32.msk $0xffff, v0;
	s5 =	sor.u32 $0x180, s6;
	s6 =	sor.u32 $0x20, s17  }
0xd3: {  	[tilespmem:s5+$0x0] =	vst.add.f32.msk $0xffff, v0;
	s5 =	sor.u32 s6, s16;
	s6 =	sor.u32 s6, s2  }
0xd4: {  	v0 =	vld [tilespmem:s5+$0x0];
	_ =	sdelay $0x4  }
0xd5: {  	s5 =	sor.u32 $0x80, s6;
	[tilespmem:s6+$0x0] =	vst.add.f32.msk $0xffff, v0  }
0xd6: {  	[tilespmem:s5+$0x0] =	vst.add.f32.msk $0xffff, v0;
	s5 =	sor.u32 $0x100, s6  }
0xd7: {  	[tilespmem:s5+$0x0] =	vst.add.f32.msk $0xffff, v0;
	s5 =	sor.u32 $0x180, s6;
	s6 =	sor.u32 $0x30, s17  }
0xd8: {  	[tilespmem:s5+$0x0] =	vst.add.f32.msk $0xffff, v0;
	s5 =	sor.u32 s6, s16;
	s2 =	sor.u32 s6, s2  }
0xd9: {  	v0 =	vld [tilespmem:s5+$0x0];
	_ =	sdelay $0x2  }
.Ltmp1:
0xda: {  	s12 =	sadd.s32 $0x40, s12;
	s14 =	sadd.s32 $0x100, s14;
	(pc) =	sbr.rel @p0 .LBB2_4-.Ltmp1, $4  }
0xdb: {  	s6 =	sshll.u32 s0, $0x8;
	s5 =	sshll.u32 s0, $0x3;
	s0 =	sor.u32 $0x180, s2  }
0xdc: {  	s9 =	sand.u32 $0xE00, s14;
	s16 =	sor.u32 $0x80, s2;
	s5 =	sand.u32 $0x3FFFFF80, s5;
	[tilespmem:s2+$0x0] =	vst.add.f32.msk $0xffff, v0  }
0xdd: {  	s6 =	sand.u32 $0x3FFFF000, s6;
	s5 =	sadd.s32 s5, s9;
	s2 =	sor.u32 $0x100, s2;
	[tilespmem:s16+$0x0] =	vst.add.f32.msk $0xffff, v0  }
0xde: {  	s17 =	sand.u32 $0x40, s12;
	s16 =	sadd.s32 $0x1000, s5;
	s5 =	sor.u32 s9, s6;
	[tilespmem:s2+$0x0] =	vst.add.f32.msk $0xffff, v0  }
0xdf: {  	s2 =	sor.u32 s17, s16;
	[tilespmem:s0+$0x0] =	vst.add.f32.msk $0xffff, v0  }
0xe0: {  	v0 =	vld [tilespmem:s2+$0x0];
	_ =	sdelay $0x2  }
0xe1: {  	s0 =	sadd.s32 $0xA000, s5  }
0xe2: {  	s11 =	sor.u32 s17, s0  }
0xe3: {  	s12 =	sor.u32 $0x80, s11;
	[tilespmem:s11+$0x0] =	vst.add.f32.msk $0xffff, v0  }
0xe4: {  	s14 =	sor.u32 $0x100, s11;
	[tilespmem:s12+$0x0] =	vst.add.f32.msk $0xffff, v0  }
0xe5: {  	s19 =	sor.u32 $0x10, s17;
	s2 =	sor.u32 $0x180, s11;
	[tilespmem:s14+$0x0] =	vst.add.f32.msk $0xffff, v0  }
0xe6: {  	s21 =	sor.u32 s19, s16;
	[tilespmem:s2+$0x0] =	vst.add.f32.msk $0xffff, v0  }
0xe7: {  	v0 =	vld [tilespmem:s21+$0x0];
	_ =	sdelay $0x3  }
0xe8: {  	s22 =	sor.u32 s19, s0  }
0xe9: {  	s5 =	sor.u32 $0x80, s22;
	[tilespmem:s22+$0x0] =	vst.add.f32.msk $0xffff, v0  }
0xea: {  	s4 =	sor.u32 $0x100, s22;
	[tilespmem:s5+$0x0] =	vst.add.f32.msk $0xffff, v0  }
0xeb: {  	s6 =	sor.u32 $0x20, s17;
	s2 =	sor.u32 $0x180, s22;
	[tilespmem:s4+$0x0] =	vst.add.f32.msk $0xffff, v0  }
0xec: {  	s9 =	sor.u32 s6, s16;
	[tilespmem:s2+$0x0] =	vst.add.f32.msk $0xffff, v0  }
0xed: {  	v0 =	vld [tilespmem:s9+$0x0];
	_ =	sdelay $0x3  }
0xee: {  	s11 =	sor.u32 s6, s0  }
0xef: {  	s5 =	sor.u32 $0x80, s11;
	[tilespmem:s11+$0x0] =	vst.add.f32.msk $0xffff, v0  }
0xf0: {  	s12 =	sor.u32 $0x100, s11;
	[tilespmem:s5+$0x0] =	vst.add.f32.msk $0xffff, v0  }
0xf1: {  	s14 =	sor.u32 $0x30, s17;
	s2 =	sor.u32 $0x180, s11;
	[tilespmem:s12+$0x0] =	vst.add.f32.msk $0xffff, v0  }
0xf2: {  	s16 =	sor.u32 s14, s16;
	[tilespmem:s2+$0x0] =	vst.add.f32.msk $0xffff, v0  }
0xf3: {  	v0 =	vld [tilespmem:s16+$0x0];
	_ =	sdelay $0x3  }
0xf4: {  	s0 =	sor.u32 s14, s0  }
0xf5: {  	s17 =	sor.u32 $0x80, s0;
	[tilespmem:s0+$0x0] =	vst.add.f32.msk $0xffff, v0  }
0xf6: {  	s19 =	sor.u32 $0x100, s0;
	[tilespmem:s17+$0x0] =	vst.add.f32.msk $0xffff, v0  }
0xf7: {  	s21 =	simm.s32 $0x0;
	s0 =	sor.u32 $0x180, s0;
	[tilespmem:s19+$0x0] =	vst.add.f32.msk $0xffff, v0  }
0xf8: {  	s22 =	rddreg [dreg:$0x10];
	s4 =	simm.s32 $0xA000;
	s5 =	simm.s32 $0x7;
	[tilespmem:s0+$0x0] =	vst.add.f32.msk $0xffff, v0  }
0xf9: {  	[hbm4b:s22+s21] =	stream.linear.scatter [tilespmem:s4], [sflag:$0x8], $0x4000, $0x38;
	[tilespmem:$0x1E000] =	vst v63  }
0xfa: {  	_ =	swait.ge [sflag:s5], $0x4000  }
0xfb: {  	[sflag:s5] =	ssyncset.done $0x0  }
0xfc: {  	s6 =	rddreg [dreg:$0x12];
	[sflag:s5] =	ssyncadd.s32 $0xFFFFC000  }
0xfd: {  	[tilespmem:s21], [sflag:$0x1] =	stream.strided.gather [hbm4b:s6+s28], $0x1000, s30, s28, $0x38;
	[tilespmem:$0x1E000] =	vst v63  }
0xfe: {  	s9 =	rddreg [dreg:$0x13]  }
0xff: {  	[tilespmem:s23], [sflag:$0x1] =	stream.linear.gather [hbm4b:s9+s21], $0x4000, $0x38;
	[tilespmem:$0x1E000] =	vst v63  }
0x100: {  	_ =	swait.ge [sflag:s25], $0x1000  }
0x101: {  	s11 =	simm.s32 $0x0;
	[sflag:s25] =	ssyncset.done $0x0  }
0x102: {  	s12 =	sand.u32 $0xE00, s21;
	s2 =	sand.u32 $0x3FFFFF80, s11;
	[sflag:s25] =	ssyncadd.s32 $0xFFFFF000  }
0x103: {  	s2 =	sadd.s32 s2, s12;
	_ =	swait.ge [sflag:s25], $0x4000  }
0x104: {  	s2 =	sadd.s32 $0x2000, s2;
	s0 =	sand.u32 $0x40, s21;
	[sflag:s25] =	ssyncset.done $0x0  }
0x105: {  	s6 =	sor.u32 s0, s2;
	[sflag:s25] =	ssyncadd.s32 $0xFFFFC000  }
0x106: {  	s9 =	simm.s32 $0x0;
	v0 =	vld [tilespmem:s6+$0x0]  }
0x107: {  	s14 =	sand.u32 $0x3FFFF000, s9  }
0x108: {  	s5 =	sor.u32 s12, s14  }
0x109: {  	s5 =	sadd.s32 $0xE000, s5  }
0x10a: {  	s16 =	sor.u32 s0, s5  }
0x10b: {  	s17 =	sor.u32 $0x80, s16;
	[tilespmem:s16+$0x0] =	vst.add.f32.msk $0xffff, v0  }
0x10c: {  	s19 =	sor.u32 $0x100, s16;
	[tilespmem:s17+$0x0] =	vst.add.f32.msk $0xffff, v0  }
0x10d: {  	s21 =	sor.u32 $0x10, s0;
	s6 =	sor.u32 $0x180, s16;
	[tilespmem:s19+$0x0] =	vst.add.f32.msk $0xffff, v0  }
0x10e: {  	s22 =	sor.u32 s21, s2;
	[tilespmem:s6+$0x0] =	vst.add.f32.msk $0xffff, v0  }
0x10f: {  	v0 =	vld [tilespmem:s22+$0x0];
	_ =	sdelay $0x3  }
0x110: {  	s23 =	sor.u32 s21, s5  }
0x111: {  	s9 =	sor.u32 $0x80, s23;
	[tilespmem:s23+$0x0] =	vst.add.f32.msk $0xffff, v0  }
0x112: {  	s4 =	sor.u32 $0x100, s23;
	[tilespmem:s9+$0x0] =	vst.add.f32.msk $0xffff, v0  }
0x113: {  	s11 =	sor.u32 $0x20, s0;
	s6 =	sor.u32 $0x180, s23;
	[tilespmem:s4+$0x0] =	vst.add.f32.msk $0xffff, v0  }
0x114: {  	s12 =	sor.u32 s11, s2;
	[tilespmem:s6+$0x0] =	vst.add.f32.msk $0xffff, v0  }
0x115: {  	v0 =	vld [tilespmem:s12+$0x0];
	_ =	sdelay $0x3  }
0x116: {  	s14 =	sor.u32 s11, s5  }
0x117: {  	s9 =	sor.u32 $0x80, s14;
	[tilespmem:s14+$0x0] =	vst.add.f32.msk $0xffff, v0  }
0x118: {  	s16 =	sor.u32 $0x100, s14;
	[tilespmem:s9+$0x0] =	vst.add.f32.msk $0xffff, v0  }
0x119: {  	s0 =	sor.u32 $0x30, s0;
	s6 =	sor.u32 $0x180, s14;
	[tilespmem:s16+$0x0] =	vst.add.f32.msk $0xffff, v0  }
0x11a: {  	s2 =	sor.u32 s0, s2;
	[tilespmem:s6+$0x0] =	vst.add.f32.msk $0xffff, v0  }
0x11b: {  	v0 =	vld [tilespmem:s2+$0x0];
	_ =	sdelay $0x1  }
0x11c: {  	s11 =	simm.s32 $0x2  }
0x11d: {  	s21 =	simm.s32 $0x100;
	s17 =	sor.u32 s0, s5;
	s19 =	simm.s32 $0x8  }
0x11e: {  	s0 =	sor.u32 $0x180, s17;
	s5 =	sand.u32 $0x3FFFFF80, s19;
	s14 =	simm.s32 $0x100  }
0x11f: {  	s23 =	sor.u32 $0x80, s17;
	s12 =	simm.s32 $0x40;
	s22 =	sand.u32 $0xE00, s14;
	[tilespmem:s17+$0x0] =	vst.add.f32.msk $0xffff, v0  }
0x120: {  	s5 =	sadd.s32 s5, s22;
	s6 =	sand.u32 $0x3FFFF000, s21;
	s2 =	sor.u32 $0x100, s17;
	[tilespmem:s23+$0x0] =	vst.add.f32.msk $0xffff, v0  }
0x121: {  	s16 =	sadd.s32 $0x2000, s5;
	s5 =	sor.u32 s22, s6;
	s17 =	sand.u32 $0x40, s12;
	[tilespmem:s2+$0x0] =	vst.add.f32.msk $0xffff, v0  }
.LBB2_6:
0x122: {  	p0 =	sne.s32 s11, $0x3F  }
0x123: {  	s2 =	sor.u32 s17, s16;
	[tilespmem:s0+$0x0] =	vst.add.f32.msk $0xffff, v0;
	s0 =	smov.u32 s11;
	s11 =	sadd.s32 $0x1, s11  }
0x124: {  	v0 =	vld [tilespmem:s2+$0x0];
	_ =	sdelay $0x2  }
0x125: {  	s2 =	sadd.s32 $0xE000, s5  }
0x126: {  	s5 =	sor.u32 s17, s2  }
0x127: {  	s6 =	sor.u32 $0x80, s5;
	[tilespmem:s5+$0x0] =	vst.add.f32.msk $0xffff, v0  }
0x128: {  	[tilespmem:s6+$0x0] =	vst.add.f32.msk $0xffff, v0;
	s6 =	sor.u32 $0x100, s5  }
0x129: {  	s5 =	sor.u32 $0x180, s5;
	[tilespmem:s6+$0x0] =	vst.add.f32.msk $0xffff, v0;
	s6 =	sor.u32 $0x10, s17  }
0x12a: {  	[tilespmem:s5+$0x0] =	vst.add.f32.msk $0xffff, v0;
	s5 =	sor.u32 s6, s16;
	s6 =	sor.u32 s6, s2  }
0x12b: {  	v0 =	vld [tilespmem:s5+$0x0];
	_ =	sdelay $0x4  }
0x12c: {  	s5 =	sor.u32 $0x80, s6;
	[tilespmem:s6+$0x0] =	vst.add.f32.msk $0xffff, v0  }
0x12d: {  	[tilespmem:s5+$0x0] =	vst.add.f32.msk $0xffff, v0;
	s5 =	sor.u32 $0x100, s6  }
0x12e: {  	[tilespmem:s5+$0x0] =	vst.add.f32.msk $0xffff, v0;
	s5 =	sor.u32 $0x180, s6;
	s6 =	sor.u32 $0x20, s17  }
0x12f: {  	[tilespmem:s5+$0x0] =	vst.add.f32.msk $0xffff, v0;
	s5 =	sor.u32 s6, s16;
	s6 =	sor.u32 s6, s2  }
0x130: {  	v0 =	vld [tilespmem:s5+$0x0];
	_ =	sdelay $0x4  }
0x131: {  	s5 =	sor.u32 $0x80, s6;
	[tilespmem:s6+$0x0] =	vst.add.f32.msk $0xffff, v0  }
0x132: {  	[tilespmem:s5+$0x0] =	vst.add.f32.msk $0xffff, v0;
	s5 =	sor.u32 $0x100, s6  }
0x133: {  	[tilespmem:s5+$0x0] =	vst.add.f32.msk $0xffff, v0;
	s5 =	sor.u32 $0x180, s6;
	s6 =	sor.u32 $0x30, s17  }
0x134: {  	[tilespmem:s5+$0x0] =	vst.add.f32.msk $0xffff, v0;
	s5 =	sor.u32 s6, s16;
	s2 =	sor.u32 s6, s2  }
0x135: {  	v0 =	vld [tilespmem:s5+$0x0];
	_ =	sdelay $0x2  }
.Ltmp2:
0x136: {  	s12 =	sadd.s32 $0x40, s12;
	s14 =	sadd.s32 $0x100, s14;
	(pc) =	sbr.rel @p0 .LBB2_6-.Ltmp2, $4  }
0x137: {  	s6 =	sshll.u32 s0, $0x8;
	s5 =	sshll.u32 s0, $0x3;
	s0 =	sor.u32 $0x180, s2  }
0x138: {  	s9 =	sand.u32 $0xE00, s14;
	s16 =	sor.u32 $0x80, s2;
	s5 =	sand.u32 $0x3FFFFF80, s5;
	[tilespmem:s2+$0x0] =	vst.add.f32.msk $0xffff, v0  }
0x139: {  	s6 =	sand.u32 $0x3FFFF000, s6;
	s5 =	sadd.s32 s5, s9;
	s2 =	sor.u32 $0x100, s2;
	[tilespmem:s16+$0x0] =	vst.add.f32.msk $0xffff, v0  }
0x13a: {  	s17 =	sand.u32 $0x40, s12;
	s16 =	sadd.s32 $0x2000, s5;
	s5 =	sor.u32 s9, s6;
	[tilespmem:s2+$0x0] =	vst.add.f32.msk $0xffff, v0  }
0x13b: {  	s2 =	sor.u32 s17, s16;
	[tilespmem:s0+$0x0] =	vst.add.f32.msk $0xffff, v0  }
0x13c: {  	v0 =	vld [tilespmem:s2+$0x0];
	_ =	sdelay $0x2  }
0x13d: {  	s0 =	sadd.s32 $0xE000, s5  }
0x13e: {  	s11 =	sor.u32 s17, s0  }
0x13f: {  	s12 =	sor.u32 $0x80, s11;
	[tilespmem:s11+$0x0] =	vst.add.f32.msk $0xffff, v0  }
0x140: {  	s14 =	sor.u32 $0x100, s11;
	[tilespmem:s12+$0x0] =	vst.add.f32.msk $0xffff, v0  }
0x141: {  	s19 =	sor.u32 $0x10, s17;
	s2 =	sor.u32 $0x180, s11;
	[tilespmem:s14+$0x0] =	vst.add.f32.msk $0xffff, v0  }
0x142: {  	s21 =	sor.u32 s19, s16;
	[tilespmem:s2+$0x0] =	vst.add.f32.msk $0xffff, v0  }
0x143: {  	v0 =	vld [tilespmem:s21+$0x0];
	_ =	sdelay $0x3  }
0x144: {  	s22 =	sor.u32 s19, s0  }
0x145: {  	s5 =	sor.u32 $0x80, s22;
	[tilespmem:s22+$0x0] =	vst.add.f32.msk $0xffff, v0  }
0x146: {  	s23 =	sor.u32 $0x100, s22;
	[tilespmem:s5+$0x0] =	vst.add.f32.msk $0xffff, v0  }
0x147: {  	s4 =	sor.u32 $0x20, s17;
	s2 =	sor.u32 $0x180, s22;
	[tilespmem:s23+$0x0] =	vst.add.f32.msk $0xffff, v0  }
0x148: {  	s6 =	sor.u32 s4, s16;
	[tilespmem:s2+$0x0] =	vst.add.f32.msk $0xffff, v0  }
0x149: {  	v0 =	vld [tilespmem:s6+$0x0];
	_ =	sdelay $0x3  }
0x14a: {  	s9 =	sor.u32 s4, s0  }
0x14b: {  	s5 =	sor.u32 $0x80, s9;
	[tilespmem:s9+$0x0] =	vst.add.f32.msk $0xffff, v0  }
0x14c: {  	s11 =	sor.u32 $0x100, s9;
	[tilespmem:s5+$0x0] =	vst.add.f32.msk $0xffff, v0  }
0x14d: {  	s12 =	sor.u32 $0x30, s17;
	s2 =	sor.u32 $0x180, s9;
	[tilespmem:s11+$0x0] =	vst.add.f32.msk $0xffff, v0  }
0x14e: {  	s14 =	sor.u32 s12, s16;
	[tilespmem:s2+$0x0] =	vst.add.f32.msk $0xffff, v0  }
0x14f: {  	v0 =	vld [tilespmem:s14+$0x0];
	_ =	sdelay $0x3  }
0x150: {  	s0 =	sor.u32 s12, s0  }
0x151: {  	s16 =	sor.u32 $0x80, s0;
	[tilespmem:s0+$0x0] =	vst.add.f32.msk $0xffff, v0  }
0x152: {  	s17 =	sor.u32 $0x100, s0;
	[tilespmem:s16+$0x0] =	vst.add.f32.msk $0xffff, v0  }
0x153: {  	s0 =	sor.u32 $0x180, s0;
	[tilespmem:s17+$0x0] =	vst.add.f32.msk $0xffff, v0  }
0x154: {  	s19 =	simm.s32 $0x0;
	s21 =	rddreg [dreg:$0x15];
	s22 =	simm.s32 $0x8;
	[tilespmem:s0+$0x0] =	vst.add.f32.msk $0xffff, v0  }
0x155: {  	[hbm4b:s21+s19] =	stream.linear.scatter [tilespmem:s31], [sflag:$0x9], $0x4000, $0x38;
	[tilespmem:$0x1E000] =	vst v63  }
0x156: {  	_ =	swait.ge [sflag:s22], $0x4000  }
0x157: {  	[sflag:s22] =	ssyncset.done $0x0  }
0x158: {  	s4 =	simm.s32 $0x1000;
	s23 =	rddreg [dreg:$0x16];
	[sflag:s22] =	ssyncadd.s32 $0xFFFFC000  }
0x159: {  	[tilespmem:s4], [sflag:$0x2] =	stream.strided.gather [hbm4b:s23+s28], $0x1000, s30, s28, $0x38;
	[tilespmem:$0x1E000] =	vst v63  }
0x15a: {  	s9 =	simm.s32 $0xA000;
	s6 =	rddreg [dreg:$0x17]  }
0x15b: {  	[tilespmem:s9], [sflag:$0x2] =	stream.linear.gather [hbm4b:s6+s19], $0x4000, $0x38;
	[tilespmem:$0x1E000] =	vst v63  }
0x15c: {  	_ =	swait.ge [sflag:s7], $0x1000  }
0x15d: {  	s11 =	simm.s32 $0x0;
	[sflag:s7] =	ssyncset.done $0x0  }
0x15e: {  	s12 =	sand.u32 $0xE00, s19;
	s2 =	sand.u32 $0x3FFFFF80, s11;
	[sflag:s7] =	ssyncadd.s32 $0xFFFFF000  }
0x15f: {  	s2 =	sadd.s32 s2, s12;
	_ =	swait.ge [sflag:s7], $0x4000  }
0x160: {  	s2 =	sadd.s32 $0x3000, s2;
	s0 =	sand.u32 $0x40, s19;
	[sflag:s7] =	ssyncset.done $0x0  }
0x161: {  	s6 =	sor.u32 s0, s2;
	[sflag:s7] =	ssyncadd.s32 $0xFFFFC000  }
0x162: {  	s9 =	simm.s32 $0x0;
	v0 =	vld [tilespmem:s6+$0x0]  }
0x163: {  	s14 =	sand.u32 $0x3FFFF000, s9  }
0x164: {  	s5 =	sor.u32 s12, s14  }
0x165: {  	s5 =	sadd.s32 $0x12000, s5  }
0x166: {  	s16 =	sor.u32 s0, s5  }
0x167: {  	s17 =	sor.u32 $0x80, s16;
	[tilespmem:s16+$0x0] =	vst.add.f32.msk $0xffff, v0  }
0x168: {  	s19 =	sor.u32 $0x100, s16;
	[tilespmem:s17+$0x0] =	vst.add.f32.msk $0xffff, v0  }
0x169: {  	s21 =	sor.u32 $0x10, s0;
	s6 =	sor.u32 $0x180, s16;
	[tilespmem:s19+$0x0] =	vst.add.f32.msk $0xffff, v0  }
0x16a: {  	s22 =	sor.u32 s21, s2;
	[tilespmem:s6+$0x0] =	vst.add.f32.msk $0xffff, v0  }
0x16b: {  	v0 =	vld [tilespmem:s22+$0x0];
	_ =	sdelay $0x3  }
0x16c: {  	s23 =	sor.u32 s21, s5  }
0x16d: {  	s9 =	sor.u32 $0x80, s23;
	[tilespmem:s23+$0x0] =	vst.add.f32.msk $0xffff, v0  }
0x16e: {  	s4 =	sor.u32 $0x100, s23;
	[tilespmem:s9+$0x0] =	vst.add.f32.msk $0xffff, v0  }
0x16f: {  	s11 =	sor.u32 $0x20, s0;
	s6 =	sor.u32 $0x180, s23;
	[tilespmem:s4+$0x0] =	vst.add.f32.msk $0xffff, v0  }
0x170: {  	s12 =	sor.u32 s11, s2;
	[tilespmem:s6+$0x0] =	vst.add.f32.msk $0xffff, v0  }
0x171: {  	v0 =	vld [tilespmem:s12+$0x0];
	_ =	sdelay $0x3  }
0x172: {  	s14 =	sor.u32 s11, s5  }
0x173: {  	s9 =	sor.u32 $0x80, s14;
	[tilespmem:s14+$0x0] =	vst.add.f32.msk $0xffff, v0  }
0x174: {  	s16 =	sor.u32 $0x100, s14;
	[tilespmem:s9+$0x0] =	vst.add.f32.msk $0xffff, v0  }
0x175: {  	s0 =	sor.u32 $0x30, s0;
	s6 =	sor.u32 $0x180, s14;
	[tilespmem:s16+$0x0] =	vst.add.f32.msk $0xffff, v0  }
0x176: {  	s2 =	sor.u32 s0, s2;
	[tilespmem:s6+$0x0] =	vst.add.f32.msk $0xffff, v0  }
0x177: {  	v0 =	vld [tilespmem:s2+$0x0];
	_ =	sdelay $0x1  }
0x178: {  	s11 =	simm.s32 $0x2  }
0x179: {  	s21 =	simm.s32 $0x100;
	s17 =	sor.u32 s0, s5;
	s19 =	simm.s32 $0x8  }
0x17a: {  	s0 =	sor.u32 $0x180, s17;
	s5 =	sand.u32 $0x3FFFFF80, s19;
	s14 =	simm.s32 $0x100  }
0x17b: {  	s23 =	sor.u32 $0x80, s17;
	s12 =	simm.s32 $0x40;
	s22 =	sand.u32 $0xE00, s14;
	[tilespmem:s17+$0x0] =	vst.add.f32.msk $0xffff, v0  }
0x17c: {  	s5 =	sadd.s32 s5, s22;
	s6 =	sand.u32 $0x3FFFF000, s21;
	s2 =	sor.u32 $0x100, s17;
	[tilespmem:s23+$0x0] =	vst.add.f32.msk $0xffff, v0  }
0x17d: {  	s16 =	sadd.s32 $0x3000, s5;
	s5 =	sor.u32 s22, s6;
	s17 =	sand.u32 $0x40, s12;
	[tilespmem:s2+$0x0] =	vst.add.f32.msk $0xffff, v0  }
.LBB2_8:
0x17e: {  	p0 =	sne.s32 s11, $0x3F  }
0x17f: {  	s2 =	sor.u32 s17, s16;
	[tilespmem:s0+$0x0] =	vst.add.f32.msk $0xffff, v0;
	s0 =	smov.u32 s11;
	s11 =	sadd.s32 $0x1, s11  }
0x180: {  	v0 =	vld [tilespmem:s2+$0x0];
	_ =	sdelay $0x2  }
0x181: {  	s2 =	sadd.s32 $0x12000, s5  }
0x182: {  	s5 =	sor.u32 s17, s2  }
0x183: {  	s6 =	sor.u32 $0x80, s5;
	[tilespmem:s5+$0x0] =	vst.add.f32.msk $0xffff, v0  }
0x184: {  	[tilespmem:s6+$0x0] =	vst.add.f32.msk $0xffff, v0;
	s6 =	sor.u32 $0x100, s5  }
0x185: {  	s5 =	sor.u32 $0x180, s5;
	[tilespmem:s6+$0x0] =	vst.add.f32.msk $0xffff, v0;
	s6 =	sor.u32 $0x10, s17  }
0x186: {  	[tilespmem:s5+$0x0] =	vst.add.f32.msk $0xffff, v0;
	s5 =	sor.u32 s6, s16;
	s6 =	sor.u32 s6, s2  }
0x187: {  	v0 =	vld [tilespmem:s5+$0x0];
	_ =	sdelay $0x4  }
0x188: {  	s5 =	sor.u32 $0x80, s6;
	[tilespmem:s6+$0x0] =	vst.add.f32.msk $0xffff, v0  }
0x189: {  	[tilespmem:s5+$0x0] =	vst.add.f32.msk $0xffff, v0;
	s5 =	sor.u32 $0x100, s6  }
0x18a: {  	[tilespmem:s5+$0x0] =	vst.add.f32.msk $0xffff, v0;
	s5 =	sor.u32 $0x180, s6;
	s6 =	sor.u32 $0x20, s17  }
0x18b: {  	[tilespmem:s5+$0x0] =	vst.add.f32.msk $0xffff, v0;
	s5 =	sor.u32 s6, s16;
	s6 =	sor.u32 s6, s2  }
0x18c: {  	v0 =	vld [tilespmem:s5+$0x0];
	_ =	sdelay $0x4  }
0x18d: {  	s5 =	sor.u32 $0x80, s6;
	[tilespmem:s6+$0x0] =	vst.add.f32.msk $0xffff, v0  }
0x18e: {  	[tilespmem:s5+$0x0] =	vst.add.f32.msk $0xffff, v0;
	s5 =	sor.u32 $0x100, s6  }
0x18f: {  	[tilespmem:s5+$0x0] =	vst.add.f32.msk $0xffff, v0;
	s5 =	sor.u32 $0x180, s6;
	s6 =	sor.u32 $0x30, s17  }
0x190: {  	[tilespmem:s5+$0x0] =	vst.add.f32.msk $0xffff, v0;
	s5 =	sor.u32 s6, s16;
	s2 =	sor.u32 s6, s2  }
0x191: {  	v0 =	vld [tilespmem:s5+$0x0];
	_ =	sdelay $0x2  }
.Ltmp3:
0x192: {  	s12 =	sadd.s32 $0x40, s12;
	s14 =	sadd.s32 $0x100, s14;
	(pc) =	sbr.rel @p0 .LBB2_8-.Ltmp3, $4  }
0x193: {  	s6 =	sshll.u32 s0, $0x8;
	s5 =	sshll.u32 s0, $0x3;
	s0 =	sor.u32 $0x180, s2  }
0x194: {  	s9 =	sand.u32 $0xE00, s14;
	s16 =	sor.u32 $0x80, s2;
	s5 =	sand.u32 $0x3FFFFF80, s5;
	[tilespmem:s2+$0x0] =	vst.add.f32.msk $0xffff, v0  }
0x195: {  	s6 =	sand.u32 $0x3FFFF000, s6;
	s5 =	sadd.s32 s5, s9;
	s2 =	sor.u32 $0x100, s2;
	[tilespmem:s16+$0x0] =	vst.add.f32.msk $0xffff, v0  }
0x196: {  	s17 =	sand.u32 $0x40, s12;
	s16 =	sadd.s32 $0x3000, s5;
	s5 =	sor.u32 s9, s6;
	[tilespmem:s2+$0x0] =	vst.add.f32.msk $0xffff, v0  }
0x197: {  	s2 =	sor.u32 s17, s16;
	[tilespmem:s0+$0x0] =	vst.add.f32.msk $0xffff, v0  }
0x198: {  	v0 =	vld [tilespmem:s2+$0x0];
	_ =	sdelay $0x2  }
0x199: {  	s0 =	sadd.s32 $0x12000, s5  }
0x19a: {  	s14 =	sor.u32 s17, s0  }
0x19b: {  	s19 =	sor.u32 $0x80, s14;
	[tilespmem:s14+$0x0] =	vst.add.f32.msk $0xffff, v0  }
0x19c: {  	s21 =	sor.u32 $0x100, s14;
	[tilespmem:s19+$0x0] =	vst.add.f32.msk $0xffff, v0  }
0x19d: {  	s22 =	sor.u32 $0x10, s17;
	s2 =	sor.u32 $0x180, s14;
	[tilespmem:s21+$0x0] =	vst.add.f32.msk $0xffff, v0  }
0x19e: {  	s23 =	sor.u32 s22, s16;
	[tilespmem:s2+$0x0] =	vst.add.f32.msk $0xffff, v0  }
0x19f: {  	v0 =	vld [tilespmem:s23+$0x0];
	_ =	sdelay $0x3  }
0x1a0: {  	s4 =	sor.u32 s22, s0  }
0x1a1: {  	s5 =	sor.u32 $0x80, s4;
	[tilespmem:s4+$0x0] =	vst.add.f32.msk $0xffff, v0  }
0x1a2: {  	s6 =	sor.u32 $0x100, s4;
	[tilespmem:s5+$0x0] =	vst.add.f32.msk $0xffff, v0  }
0x1a3: {  	s9 =	sor.u32 $0x20, s17;
	s2 =	sor.u32 $0x180, s4;
	[tilespmem:s6+$0x0] =	vst.add.f32.msk $0xffff, v0  }
0x1a4: {  	s11 =	sor.u32 s9, s16;
	[tilespmem:s2+$0x0] =	vst.add.f32.msk $0xffff, v0  }
0x1a5: {  	v0 =	vld [tilespmem:s11+$0x0];
	_ =	sdelay $0x3  }
0x1a6: {  	s12 =	sor.u32 s9, s0  }
0x1a7: {  	s5 =	sor.u32 $0x80, s12;
	[tilespmem:s12+$0x0] =	vst.add.f32.msk $0xffff, v0  }
0x1a8: {  	s14 =	sor.u32 $0x100, s12;
	[tilespmem:s5+$0x0] =	vst.add.f32.msk $0xffff, v0  }
0x1a9: {  	s19 =	sor.u32 $0x30, s17;
	s2 =	sor.u32 $0x180, s12;
	[tilespmem:s14+$0x0] =	vst.add.f32.msk $0xffff, v0  }
0x1aa: {  	s21 =	sor.u32 s19, s16;
	[tilespmem:s2+$0x0] =	vst.add.f32.msk $0xffff, v0  }
0x1ab: {  	v0 =	vld [tilespmem:s21+$0x0];
	_ =	sdelay $0x3  }
0x1ac: {  	s0 =	sor.u32 s19, s0  }
0x1ad: {  	s22 =	sor.u32 $0x80, s0;
	[tilespmem:s0+$0x0] =	vst.add.f32.msk $0xffff, v0  }
0x1ae: {  	s23 =	sor.u32 $0x100, s0;
	[tilespmem:s22+$0x0] =	vst.add.f32.msk $0xffff, v0  }
0x1af: {  	s0 =	sor.u32 $0x180, s0;
	[tilespmem:s23+$0x0] =	vst.add.f32.msk $0xffff, v0  }
0x1b0: {  	s4 =	simm.s32 $0x0;
	s6 =	rddreg [dreg:$0x1a];
	[tilespmem:s0+$0x0] =	vst.add.f32.msk $0xffff, v0  }
0x1b1: {  	[hbm4b:s6+s4] =	stream.linear.scatter [tilespmem:s26], [sflag:$0xA], $0x4000, $0x38;
	[tilespmem:$0x1E000] =	vst v63  }
0x1b2: {  	_ =	swait.ge [sflag:s10], $0x4000  }
0x1b3: {  	[sflag:s10] =	ssyncset.done $0x0  }
0x1b4: {  	s11 =	simm.s32 $0x2000;
	s9 =	rddreg [dreg:$0x1c];
	[sflag:s10] =	ssyncadd.s32 $0xFFFFC000  }
0x1b5: {  	[tilespmem:s11], [sflag:$0x3] =	stream.strided.gather [hbm4b:s9+s28], $0x1000, s30, s28, $0x38;
	[tilespmem:$0x1E000] =	vst v63  }
0x1b6: {  	s12 =	rddreg [dreg:$0x1d]  }
0x1b7: {  	[tilespmem:s31], [sflag:$0x3] =	stream.linear.gather [hbm4b:s12+s4], $0x4000, $0x38;
	[tilespmem:$0x1E000] =	vst v63  }
0x1b8: {  	_ =	swait.ge [sflag:s13], $0x1000  }
0x1b9: {  	s14 =	simm.s32 $0x0;
	[sflag:s13] =	ssyncset.done $0x0  }
0x1ba: {  	s16 =	sand.u32 $0xE00, s4;
	s2 =	sand.u32 $0x3FFFFF80, s14;
	[sflag:s13] =	ssyncadd.s32 $0xFFFFF000  }
0x1bb: {  	s2 =	sadd.s32 s2, s16;
	_ =	swait.ge [sflag:s13], $0x4000  }
0x1bc: {  	s2 =	sadd.s32 $0x4000, s2;
	s0 =	sand.u32 $0x40, s4;
	[sflag:s13] =	ssyncset.done $0x0  }
0x1bd: {  	s6 =	sor.u32 s0, s2;
	[sflag:s13] =	ssyncadd.s32 $0xFFFFC000  }
0x1be: {  	s9 =	simm.s32 $0x0;
	v0 =	vld [tilespmem:s6+$0x0]  }
0x1bf: {  	s17 =	sand.u32 $0x3FFFF000, s9  }
0x1c0: {  	s5 =	sor.u32 s16, s17  }
0x1c1: {  	s5 =	sadd.s32 $0x16000, s5  }
0x1c2: {  	s19 =	sor.u32 s0, s5  }
0x1c3: {  	s21 =	sor.u32 $0x80, s19;
	[tilespmem:s19+$0x0] =	vst.add.f32.msk $0xffff, v0  }
0x1c4: {  	s22 =	sor.u32 $0x100, s19;
	[tilespmem:s21+$0x0] =	vst.add.f32.msk $0xffff, v0  }
0x1c5: {  	s23 =	sor.u32 $0x10, s0;
	s6 =	sor.u32 $0x180, s19;
	[tilespmem:s22+$0x0] =	vst.add.f32.msk $0xffff, v0  }
0x1c6: {  	s31 =	sor.u32 s23, s2;
	[tilespmem:s6+$0x0] =	vst.add.f32.msk $0xffff, v0  }
0x1c7: {  	v0 =	vld [tilespmem:s31+$0x0];
	_ =	sdelay $0x3  }
0x1c8: {  	s4 =	sor.u32 s23, s5  }
0x1c9: {  	s9 =	sor.u32 $0x80, s4;
	[tilespmem:s4+$0x0] =	vst.add.f32.msk $0xffff, v0  }
0x1ca: {  	s11 =	sor.u32 $0x100, s4;
	[tilespmem:s9+$0x0] =	vst.add.f32.msk $0xffff, v0  }
0x1cb: {  	s12 =	sor.u32 $0x20, s0;
	s6 =	sor.u32 $0x180, s4;
	[tilespmem:s11+$0x0] =	vst.add.f32.msk $0xffff, v0  }
0x1cc: {  	s14 =	sor.u32 s12, s2;
	[tilespmem:s6+$0x0] =	vst.add.f32.msk $0xffff, v0  }
0x1cd: {  	v0 =	vld [tilespmem:s14+$0x0];
	_ =	sdelay $0x3  }
0x1ce: {  	s16 =	sor.u32 s12, s5  }
0x1cf: {  	s9 =	sor.u32 $0x80, s16;
	[tilespmem:s16+$0x0] =	vst.add.f32.msk $0xffff, v0  }
0x1d0: {  	s17 =	sor.u32 $0x100, s16;
	[tilespmem:s9+$0x0] =	vst.add.f32.msk $0xffff, v0  }
0x1d1: {  	s0 =	sor.u32 $0x30, s0;
	s6 =	sor.u32 $0x180, s16;
	[tilespmem:s17+$0x0] =	vst.add.f32.msk $0xffff, v0  }
0x1d2: {  	s2 =	sor.u32 s0, s2;
	[tilespmem:s6+$0x0] =	vst.add.f32.msk $0xffff, v0  }
0x1d3: {  	v0 =	vld [tilespmem:s2+$0x0];
	_ =	sdelay $0x1  }
0x1d4: {  	s19 =	sor.u32 s0, s5  }
0x1d5: {  	s12 =	simm.s32 $0x40;
	s21 =	simm.s32 $0x8;
	s0 =	sor.u32 $0x180, s19  }
0x1d6: {  	s22 =	simm.s32 $0x100;
	s5 =	sand.u32 $0x3FFFFF80, s21;
	s14 =	simm.s32 $0x100  }
0x1d7: {  	s31 =	sor.u32 $0x80, s19;
	s11 =	simm.s32 $0x2;
	s23 =	sand.u32 $0xE00, s14;
	[tilespmem:s19+$0x0] =	vst.add.f32.msk $0xffff, v0  }
0x1d8: {  	s5 =	sadd.s32 s5, s23;
	s6 =	sand.u32 $0x3FFFF000, s22;
	s2 =	sor.u32 $0x100, s19;
	[tilespmem:s31+$0x0] =	vst.add.f32.msk $0xffff, v0  }
0x1d9: {  	s16 =	sadd.s32 $0x4000, s5;
	s17 =	sand.u32 $0x40, s12;
	s5 =	sor.u32 s23, s6;
	[tilespmem:s2+$0x0] =	vst.add.f32.msk $0xffff, v0  }
.LBB2_10:
0x1da: {  	p0 =	sne.s32 s11, $0x3F  }
0x1db: {  	s2 =	sor.u32 s17, s16;
	[tilespmem:s0+$0x0] =	vst.add.f32.msk $0xffff, v0;
	s0 =	smov.u32 s11;
	s11 =	sadd.s32 $0x1, s11  }
0x1dc: {  	v0 =	vld [tilespmem:s2+$0x0];
	_ =	sdelay $0x2  }
0x1dd: {  	s2 =	sadd.s32 $0x16000, s5  }
0x1de: {  	s5 =	sor.u32 s17, s2  }
0x1df: {  	s6 =	sor.u32 $0x80, s5;
	[tilespmem:s5+$0x0] =	vst.add.f32.msk $0xffff, v0  }
0x1e0: {  	[tilespmem:s6+$0x0] =	vst.add.f32.msk $0xffff, v0;
	s6 =	sor.u32 $0x100, s5  }
0x1e1: {  	s5 =	sor.u32 $0x180, s5;
	[tilespmem:s6+$0x0] =	vst.add.f32.msk $0xffff, v0;
	s6 =	sor.u32 $0x10, s17  }
0x1e2: {  	[tilespmem:s5+$0x0] =	vst.add.f32.msk $0xffff, v0;
	s5 =	sor.u32 s6, s16;
	s6 =	sor.u32 s6, s2  }
0x1e3: {  	v0 =	vld [tilespmem:s5+$0x0];
	_ =	sdelay $0x4  }
0x1e4: {  	s5 =	sor.u32 $0x80, s6;
	[tilespmem:s6+$0x0] =	vst.add.f32.msk $0xffff, v0  }
0x1e5: {  	[tilespmem:s5+$0x0] =	vst.add.f32.msk $0xffff, v0;
	s5 =	sor.u32 $0x100, s6  }
0x1e6: {  	[tilespmem:s5+$0x0] =	vst.add.f32.msk $0xffff, v0;
	s5 =	sor.u32 $0x180, s6;
	s6 =	sor.u32 $0x20, s17  }
0x1e7: {  	[tilespmem:s5+$0x0] =	vst.add.f32.msk $0xffff, v0;
	s5 =	sor.u32 s6, s16;
	s6 =	sor.u32 s6, s2  }
0x1e8: {  	v0 =	vld [tilespmem:s5+$0x0];
	_ =	sdelay $0x4  }
0x1e9: {  	s5 =	sor.u32 $0x80, s6;
	[tilespmem:s6+$0x0] =	vst.add.f32.msk $0xffff, v0  }
0x1ea: {  	[tilespmem:s5+$0x0] =	vst.add.f32.msk $0xffff, v0;
	s5 =	sor.u32 $0x100, s6  }
0x1eb: {  	[tilespmem:s5+$0x0] =	vst.add.f32.msk $0xffff, v0;
	s5 =	sor.u32 $0x180, s6;
	s6 =	sor.u32 $0x30, s17  }
0x1ec: {  	[tilespmem:s5+$0x0] =	vst.add.f32.msk $0xffff, v0;
	s5 =	sor.u32 s6, s16;
	s2 =	sor.u32 s6, s2  }
0x1ed: {  	v0 =	vld [tilespmem:s5+$0x0];
	_ =	sdelay $0x2  }
.Ltmp4:
0x1ee: {  	s12 =	sadd.s32 $0x40, s12;
	s14 =	sadd.s32 $0x100, s14;
	(pc) =	sbr.rel @p0 .LBB2_10-.Ltmp4, $4  }
0x1ef: {  	s6 =	sshll.u32 s0, $0x8;
	s5 =	sshll.u32 s0, $0x3;
	s0 =	sor.u32 $0x180, s2  }
0x1f0: {  	s9 =	sand.u32 $0xE00, s14;
	s16 =	sor.u32 $0x80, s2;
	s5 =	sand.u32 $0x3FFFFF80, s5;
	[tilespmem:s2+$0x0] =	vst.add.f32.msk $0xffff, v0  }
0x1f1: {  	s6 =	sand.u32 $0x3FFFF000, s6;
	s5 =	sadd.s32 s5, s9;
	s2 =	sor.u32 $0x100, s2;
	[tilespmem:s16+$0x0] =	vst.add.f32.msk $0xffff, v0  }
0x1f2: {  	s17 =	sand.u32 $0x40, s12;
	s16 =	sadd.s32 $0x4000, s5;
	s5 =	sor.u32 s9, s6;
	[tilespmem:s2+$0x0] =	vst.add.f32.msk $0xffff, v0  }
0x1f3: {  	s2 =	sor.u32 s17, s16;
	[tilespmem:s0+$0x0] =	vst.add.f32.msk $0xffff, v0  }
0x1f4: {  	v0 =	vld [tilespmem:s2+$0x0];
	_ =	sdelay $0x2  }
0x1f5: {  	s0 =	sadd.s32 $0x16000, s5  }
0x1f6: {  	s12 =	sor.u32 s17, s0  }
0x1f7: {  	s14 =	sor.u32 $0x80, s12;
	[tilespmem:s12+$0x0] =	vst.add.f32.msk $0xffff, v0  }
0x1f8: {  	s19 =	sor.u32 $0x100, s12;
	[tilespmem:s14+$0x0] =	vst.add.f32.msk $0xffff, v0  }
0x1f9: {  	s21 =	sor.u32 $0x10, s17;
	s2 =	sor.u32 $0x180, s12;
	[tilespmem:s19+$0x0] =	vst.add.f32.msk $0xffff, v0  }
0x1fa: {  	s22 =	sor.u32 s21, s16;
	[tilespmem:s2+$0x0] =	vst.add.f32.msk $0xffff, v0  }
0x1fb: {  	v0 =	vld [tilespmem:s22+$0x0];
	_ =	sdelay $0x3  }
0x1fc: {  	s23 =	sor.u32 s21, s0  }
0x1fd: {  	s5 =	sor.u32 $0x80, s23;
	[tilespmem:s23+$0x0] =	vst.add.f32.msk $0xffff, v0  }
0x1fe: {  	s31 =	sor.u32 $0x100, s23;
	[tilespmem:s5+$0x0] =	vst.add.f32.msk $0xffff, v0  }
0x1ff: {  	s4 =	sor.u32 $0x20, s17;
	s2 =	sor.u32 $0x180, s23;
	[tilespmem:s31+$0x0] =	vst.add.f32.msk $0xffff, v0  }
0x200: {  	s6 =	sor.u32 s4, s16;
	[tilespmem:s2+$0x0] =	vst.add.f32.msk $0xffff, v0  }
0x201: {  	v0 =	vld [tilespmem:s6+$0x0];
	_ =	sdelay $0x3  }
0x202: {  	s9 =	sor.u32 s4, s0  }
0x203: {  	s5 =	sor.u32 $0x80, s9;
	[tilespmem:s9+$0x0] =	vst.add.f32.msk $0xffff, v0  }
0x204: {  	s11 =	sor.u32 $0x100, s9;
	[tilespmem:s5+$0x0] =	vst.add.f32.msk $0xffff, v0  }
0x205: {  	s12 =	sor.u32 $0x30, s17;
	s2 =	sor.u32 $0x180, s9;
	[tilespmem:s11+$0x0] =	vst.add.f32.msk $0xffff, v0  }
0x206: {  	s14 =	sor.u32 s12, s16;
	[tilespmem:s2+$0x0] =	vst.add.f32.msk $0xffff, v0  }
0x207: {  	v0 =	vld [tilespmem:s14+$0x0];
	_ =	sdelay $0x3  }
0x208: {  	s0 =	sor.u32 s12, s0  }
0x209: {  	s16 =	sor.u32 $0x80, s0;
	[tilespmem:s0+$0x0] =	vst.add.f32.msk $0xffff, v0  }
0x20a: {  	s17 =	sor.u32 $0x100, s0;
	[tilespmem:s16+$0x0] =	vst.add.f32.msk $0xffff, v0  }
0x20b: {  	s0 =	sor.u32 $0x180, s0;
	[tilespmem:s17+$0x0] =	vst.add.f32.msk $0xffff, v0  }
0x20c: {  	s21 =	simm.s32 $0x16000;
	s19 =	rddreg [dreg:$0x1f];
	s11 =	simm.s32 $0x0;
	[tilespmem:s0+$0x0] =	vst.add.f32.msk $0xffff, v0  }
0x20d: {  	[hbm4b:s19+s11] =	stream.linear.scatter [tilespmem:s21], [sflag:$0xB], $0x4000, $0x38;
	[tilespmem:$0x1E000] =	vst v63  }
0x20e: {  	_ =	swait.ge [sflag:s18], $0x4000  }
0x20f: {  	s22 =	sld [smem:$0x7F0]  }
0x210: {  	[sflag:s18] =	ssyncset.done $0x0  }
0x211: {  	s23 =	simm.s32 $0x3000;
	s31 =	sld [smem:$0x7F1];
	[sflag:s18] =	ssyncadd.s32 $0xFFFFC000  }
0x212: {  	[tilespmem:s23], [sflag:$0x4] =	stream.strided.gather [hbm4b:s22+s28], $0x1000, s30, s28, $0x38;
	[tilespmem:$0x1E000] =	vst v63  }
0x213: {  	s12 =	simm.s32 $0x0  }
0x214: {  	[tilespmem:s26], [sflag:$0x4] =	stream.linear.gather [hbm4b:s31+s11], $0x4000, $0x38;
	[tilespmem:$0x1E000] =	vst v63  }
.LBB2_12:
0x215: {  	_ =	swait.ge [sflag:s20], $0x1000  }
0x216: {  	s0 =	simm.s32 $0x0;
	[sflag:s20] =	ssyncset.done $0x0  }
0x217: {  	s2 =	sand.u32 $0xE00, s11;
	s0 =	sand.u32 $0x3FFFFF80, s0;
	[sflag:s20] =	ssyncadd.s32 $0xFFFFF000  }
0x218: {  	s0 =	sadd.s32 s0, s2;
	_ =	swait.ge [sflag:s20], $0x4000  }
0x219: {  	s5 =	sand.u32 $0x40, s11;
	s0 =	sadd.s32 $0x5000, s0;
	[sflag:s20] =	ssyncset.done $0x0  }
0x21a: {  	s6 =	sor.u32 s5, s0;
	[sflag:s20] =	ssyncadd.s32 $0xFFFFC000  }
0x21b: {  	s9 =	simm.s32 $0x0;
	v0 =	vld [tilespmem:s6+$0x0]  }
0x21c: {  	s19 =	sand.u32 $0x3FFFF000, s9  }
0x21d: {  	s2 =	sor.u32 s2, s19  }
0x21e: {  	s2 =	sadd.s32 $0x1A000, s2  }
0x21f: {  	s21 =	sor.u32 s5, s2  }
0x220: {  	s22 =	sor.u32 $0x80, s21;
	[tilespmem:s21+$0x0] =	vst.add.f32.msk $0xffff, v0  }
0x221: {  	s23 =	sor.u32 $0x100, s21;
	[tilespmem:s22+$0x0] =	vst.add.f32.msk $0xffff, v0  }
0x222: {  	s26 =	sor.u32 $0x10, s5;
	s6 =	sor.u32 $0x180, s21;
	[tilespmem:s23+$0x0] =	vst.add.f32.msk $0xffff, v0  }
0x223: {  	s31 =	sor.u32 s26, s0;
	[tilespmem:s6+$0x0] =	vst.add.f32.msk $0xffff, v0  }
0x224: {  	v0 =	vld [tilespmem:s31+$0x0];
	_ =	sdelay $0x3  }
0x225: {  	s14 =	sor.u32 s26, s2  }
0x226: {  	s9 =	sor.u32 $0x80, s14;
	[tilespmem:s14+$0x0] =	vst.add.f32.msk $0xffff, v0  }
0x227: {  	s16 =	sor.u32 $0x100, s14;
	[tilespmem:s9+$0x0] =	vst.add.f32.msk $0xffff, v0  }
0x228: {  	s17 =	sor.u32 $0x20, s5;
	s6 =	sor.u32 $0x180, s14;
	[tilespmem:s16+$0x0] =	vst.add.f32.msk $0xffff, v0  }
0x229: {  	s19 =	sor.u32 s17, s0;
	[tilespmem:s6+$0x0] =	vst.add.f32.msk $0xffff, v0  }
0x22a: {  	v0 =	vld [tilespmem:s19+$0x0];
	_ =	sdelay $0x3  }
0x22b: {  	s21 =	sor.u32 s17, s2  }
0x22c: {  	s9 =	sor.u32 $0x80, s21;
	[tilespmem:s21+$0x0] =	vst.add.f32.msk $0xffff, v0  }
0x22d: {  	s22 =	sor.u32 $0x100, s21;
	[tilespmem:s9+$0x0] =	vst.add.f32.msk $0xffff, v0  }
0x22e: {  	s5 =	sor.u32 $0x30, s5;
	s6 =	sor.u32 $0x180, s21;
	[tilespmem:s22+$0x0] =	vst.add.f32.msk $0xffff, v0  }
0x22f: {  	s0 =	sor.u32 s5, s0;
	[tilespmem:s6+$0x0] =	vst.add.f32.msk $0xffff, v0  }
0x230: {  	v0 =	vld [tilespmem:s0+$0x0];
	_ =	sdelay $0x1  }
0x231: {  	s17 =	simm.s32 $0x100;
	s23 =	simm.s32 $0x8  }
0x232: {  	s2 =	sor.u32 s5, s2;
	s5 =	sand.u32 $0x3FFFFF80, s23;
	s31 =	sand.u32 $0xE00, s17  }
0x233: {  	s4 =	simm.s32 $0x12000;
	s26 =	simm.s32 $0x100;
	s5 =	sadd.s32 s5, s31  }
0x234: {  	s14 =	simm.s32 $0x2;
	s16 =	simm.s32 $0x40;
	s19 =	sor.u32 $0x80, s2;
	[tilespmem:s2+$0x0] =	vst.add.f32.msk $0xffff, v0  }
0x235: {  	s6 =	sand.u32 $0x3FFFF000, s26;
	s0 =	sor.u32 $0x180, s2;
	s2 =	sor.u32 $0x100, s2;
	[tilespmem:s19+$0x0] =	vst.add.f32.msk $0xffff, v0  }
0x236: {  	s23 =	sand.u32 $0x40, s16;
	s19 =	sadd.s32 $0x5000, s5;
	s5 =	sor.u32 s31, s6;
	[tilespmem:s2+$0x0] =	vst.add.f32.msk $0xffff, v0  }
.LBB2_13:
0x237: {  	p0 =	sne.s32 s14, $0x3F  }
0x238: {  	s2 =	sor.u32 s23, s19;
	[tilespmem:s0+$0x0] =	vst.add.f32.msk $0xffff, v0;
	s0 =	smov.u32 s14;
	s14 =	sadd.s32 $0x1, s14  }
0x239: {  	v0 =	vld [tilespmem:s2+$0x0];
	_ =	sdelay $0x2  }
0x23a: {  	s2 =	sadd.s32 $0x1A000, s5  }
0x23b: {  	s5 =	sor.u32 s23, s2  }
0x23c: {  	s6 =	sor.u32 $0x80, s5;
	[tilespmem:s5+$0x0] =	vst.add.f32.msk $0xffff, v0  }
0x23d: {  	[tilespmem:s6+$0x0] =	vst.add.f32.msk $0xffff, v0;
	s6 =	sor.u32 $0x100, s5  }
0x23e: {  	s5 =	sor.u32 $0x180, s5;
	[tilespmem:s6+$0x0] =	vst.add.f32.msk $0xffff, v0;
	s6 =	sor.u32 $0x10, s23  }
0x23f: {  	[tilespmem:s5+$0x0] =	vst.add.f32.msk $0xffff, v0;
	s5 =	sor.u32 s6, s19;
	s6 =	sor.u32 s6, s2  }
0x240: {  	v0 =	vld [tilespmem:s5+$0x0];
	_ =	sdelay $0x4  }
0x241: {  	s5 =	sor.u32 $0x80, s6;
	[tilespmem:s6+$0x0] =	vst.add.f32.msk $0xffff, v0  }
0x242: {  	[tilespmem:s5+$0x0] =	vst.add.f32.msk $0xffff, v0;
	s5 =	sor.u32 $0x100, s6  }
0x243: {  	[tilespmem:s5+$0x0] =	vst.add.f32.msk $0xffff, v0;
	s5 =	sor.u32 $0x180, s6;
	s6 =	sor.u32 $0x20, s23  }
0x244: {  	[tilespmem:s5+$0x0] =	vst.add.f32.msk $0xffff, v0;
	s5 =	sor.u32 s6, s19;
	s6 =	sor.u32 s6, s2  }
0x245: {  	v0 =	vld [tilespmem:s5+$0x0];
	_ =	sdelay $0x4  }
0x246: {  	s5 =	sor.u32 $0x80, s6;
	[tilespmem:s6+$0x0] =	vst.add.f32.msk $0xffff, v0  }
0x247: {  	[tilespmem:s5+$0x0] =	vst.add.f32.msk $0xffff, v0;
	s5 =	sor.u32 $0x100, s6  }
0x248: {  	[tilespmem:s5+$0x0] =	vst.add.f32.msk $0xffff, v0;
	s5 =	sor.u32 $0x180, s6;
	s6 =	sor.u32 $0x30, s23  }
0x249: {  	[tilespmem:s5+$0x0] =	vst.add.f32.msk $0xffff, v0;
	s5 =	sor.u32 s6, s19;
	s2 =	sor.u32 s6, s2  }
0x24a: {  	v0 =	vld [tilespmem:s5+$0x0];
	_ =	sdelay $0x2  }
.Ltmp5:
0x24b: {  	s16 =	sadd.s32 $0x40, s16;
	s17 =	sadd.s32 $0x100, s17;
	(pc) =	sbr.rel @p0 .LBB2_13-.Ltmp5, $4  }
0x24c: {  	s6 =	sshll.u32 s0, $0x8;
	s5 =	sshll.u32 s0, $0x3;
	s0 =	sor.u32 $0x180, s2  }
0x24d: {  	s9 =	sand.u32 $0xE00, s17;
	s19 =	sor.u32 $0x80, s2;
	s5 =	sand.u32 $0x3FFFFF80, s5;
	[tilespmem:s2+$0x0] =	vst.add.f32.msk $0xffff, v0  }
0x24e: {  	s6 =	sand.u32 $0x3FFFF000, s6;
	s5 =	sadd.s32 s5, s9;
	s2 =	sor.u32 $0x100, s2;
	[tilespmem:s19+$0x0] =	vst.add.f32.msk $0xffff, v0  }
0x24f: {  	s23 =	sand.u32 $0x40, s16;
	s19 =	sadd.s32 $0x5000, s5;
	s5 =	sor.u32 s9, s6;
	[tilespmem:s2+$0x0] =	vst.add.f32.msk $0xffff, v0  }
0x250: {  	s2 =	sor.u32 s23, s19;
	[tilespmem:s0+$0x0] =	vst.add.f32.msk $0xffff, v0  }
0x251: {  	v0 =	vld [tilespmem:s2+$0x0];
	_ =	sdelay $0x2  }
0x252: {  	s0 =	sadd.s32 $0x1A000, s5  }
0x253: {  	s9 =	sor.u32 s23, s0  }
0x254: {  	s14 =	sor.u32 $0x80, s9;
	[tilespmem:s9+$0x0] =	vst.add.f32.msk $0xffff, v0  }
0x255: {  	s16 =	sor.u32 $0x100, s9;
	[tilespmem:s14+$0x0] =	vst.add.f32.msk $0xffff, v0  }
0x256: {  	s17 =	sor.u32 $0x10, s23;
	s2 =	sor.u32 $0x180, s9;
	[tilespmem:s16+$0x0] =	vst.add.f32.msk $0xffff, v0  }
0x257: {  	s21 =	sor.u32 s17, s19;
	[tilespmem:s2+$0x0] =	vst.add.f32.msk $0xffff, v0  }
0x258: {  	v0 =	vld [tilespmem:s21+$0x0];
	_ =	sdelay $0x3  }
0x259: {  	s22 =	sor.u32 s17, s0  }
0x25a: {  	s5 =	sor.u32 $0x80, s22;
	[tilespmem:s22+$0x0] =	vst.add.f32.msk $0xffff, v0  }
0x25b: {  	s26 =	sor.u32 $0x100, s22;
	[tilespmem:s5+$0x0] =	vst.add.f32.msk $0xffff, v0  }
0x25c: {  	s31 =	sor.u32 $0x20, s23;
	s2 =	sor.u32 $0x180, s22;
	[tilespmem:s26+$0x0] =	vst.add.f32.msk $0xffff, v0  }
0x25d: {  	s6 =	sor.u32 s31, s19;
	[tilespmem:s2+$0x0] =	vst.add.f32.msk $0xffff, v0  }
0x25e: {  	v0 =	vld [tilespmem:s6+$0x0];
	_ =	sdelay $0x3  }
0x25f: {  	s9 =	sor.u32 s31, s0  }
0x260: {  	s5 =	sor.u32 $0x80, s9;
	[tilespmem:s9+$0x0] =	vst.add.f32.msk $0xffff, v0  }
0x261: {  	s14 =	sor.u32 $0x100, s9;
	[tilespmem:s5+$0x0] =	vst.add.f32.msk $0xffff, v0  }
0x262: {  	s16 =	sor.u32 $0x30, s23;
	s2 =	sor.u32 $0x180, s9;
	[tilespmem:s14+$0x0] =	vst.add.f32.msk $0xffff, v0  }
0x263: {  	s17 =	sor.u32 s16, s19;
	[tilespmem:s2+$0x0] =	vst.add.f32.msk $0xffff, v0  }
0x264: {  	v0 =	vld [tilespmem:s17+$0x0];
	_ =	sdelay $0x3  }
0x265: {  	s0 =	sor.u32 s16, s0;
	s14 =	smul.u32 $0x18, s12  }
0x266: {  	s19 =	sor.u32 $0x80, s0;
	s22 =	rddreg [dreg:$0xa];
	[tilespmem:s0+$0x0] =	vst.add.f32.msk $0xffff, v0  }
0x267: {  	s21 =	sor.u32 $0x100, s0;
	s5 =	sadd.s32 s14, s22;
	[tilespmem:s19+$0x0] =	vst.add.f32.msk $0xffff, v0  }
0x268: {  	s23 =	sshll.u32 s5, $0x9;
	s0 =	sor.u32 $0x180, s0;
	[tilespmem:s21+$0x0] =	vst.add.f32.msk $0xffff, v0  }
0x269: {  	s31 =	simm.s32 $0x0;
	s6 =	simm.s32 $0x1A000;
	s26 =	sadd.s32 s3, s23;
	[tilespmem:s0+$0x0] =	vst.add.f32.msk $0xffff, v0  }
0x26a: {  	[hbm4b:s26+s31] =	stream.linear.scatter [tilespmem:s6], [sflag:$0xC], $0x4000, $0x38;
	[tilespmem:$0x1E000] =	vst v63  }
0x26b: {  	s6 =	simm.s32 $0xB  }
0x26c: {  	_ =	swait.ge [sflag:s6], $0x4000  }
0x26d: {  	s9 =	sld [smem:$0x7F2];
	_ =	sdelay $0x2  }
0x26e: {  	s0 =	sadd.s32 s14, s9  }
0x26f: {  	s17 =	simm.s32 $0x4000;
	[sflag:s6] =	ssyncset.done $0x0;
	s16 =	sshll.u32 s0, $0x7  }
0x270: {  	[sflag:s6] =	ssyncadd.s32 $0xFFFFC000;
	s5 =	sadd.s32 s29, s16;
	s16 =	sshll.u32 s0, $0x9  }
0x271: {  	[tilespmem:s17], [sflag:$0x5] =	stream.strided.gather [hbm4b:s5+s28], $0x1000, s30, s28, $0x38;
	[tilespmem:$0x1E000] =	vst v63  }
0x272: {  	s19 =	simm.s32 $0x16000;
	s0 =	sadd.s32 s1, s16  }
0x273: {  	[tilespmem:s19], [sflag:$0x5] =	stream.linear.gather [hbm4b:s0+s31], $0x4000, $0x38;
	[tilespmem:$0x1E000] =	vst v63  }
0x274: {  	_ =	swait.ge [sflag:s24], $0x1000  }
0x275: {  	[sflag:s24] =	ssyncset.done $0x0  }
0x276: {  	s21 =	simm.s32 $0x0;
	[sflag:s24] =	ssyncadd.s32 $0xFFFFF000  }
0x277: {  	s23 =	sand.u32 $0xE00, s31;
	s0 =	sand.u32 $0x3FFFFF80, s21;
	_ =	swait.ge [sflag:s24], $0x4000  }
0x278: {  	s2 =	sand.u32 $0x40, s31;
	s0 =	sadd.s32 s0, s23;
	[sflag:s24] =	ssyncset.done $0x0  }
0x279: {  	s26 =	sor.u32 s2, s0;
	[sflag:s24] =	ssyncadd.s32 $0xFFFFC000  }
0x27a: {  	s9 =	simm.s32 $0x0;
	v0 =	vld [tilespmem:s26+$0x0]  }
0x27b: {  	s22 =	smov.u32 s29;
	s29 =	sand.u32 $0x3FFFF000, s9  }
0x27c: {  	s5 =	sor.u32 s23, s29  }
0x27d: {  	s5 =	sadd.s32 $0x6000, s5  }
0x27e: {  	s31 =	sor.u32 s2, s5  }
0x27f: {  	s17 =	sor.u32 $0x80, s31;
	[tilespmem:s31+$0x0] =	vst.add.f32.msk $0xffff, v0  }
0x280: {  	s19 =	sor.u32 $0x100, s31;
	[tilespmem:s17+$0x0] =	vst.add.f32.msk $0xffff, v0  }
0x281: {  	s6 =	sor.u32 $0x180, s31;
	s17 =	sor.u32 $0x10, s2;
	[tilespmem:s19+$0x0] =	vst.add.f32.msk $0xffff, v0  }
0x282: {  	s21 =	sor.u32 s17, s0;
	[tilespmem:s6+$0x0] =	vst.add.f32.msk $0xffff, v0  }
0x283: {  	v0 =	vld [tilespmem:s21+$0x0];
	_ =	sdelay $0x3  }
0x284: {  	s23 =	sor.u32 s17, s5  }
0x285: {  	s26 =	sor.u32 $0x80, s23;
	[tilespmem:s23+$0x0] =	vst.add.f32.msk $0xffff, v0  }
0x286: {  	s29 =	sor.u32 $0x100, s23;
	[tilespmem:s26+$0x0] =	vst.add.f32.msk $0xffff, v0  }
0x287: {  	s31 =	sor.u32 $0x20, s2;
	s6 =	sor.u32 $0x180, s23;
	[tilespmem:s29+$0x0] =	vst.add.f32.msk $0xffff, v0  }
0x288: {  	s19 =	sor.u32 s31, s0;
	[tilespmem:s6+$0x0] =	vst.add.f32.msk $0xffff, v0  }
0x289: {  	v0 =	vld [tilespmem:s19+$0x0];
	_ =	sdelay $0x3  }
0x28a: {  	s21 =	sor.u32 s31, s5  }
0x28b: {  	s23 =	sor.u32 $0x80, s21;
	[tilespmem:s21+$0x0] =	vst.add.f32.msk $0xffff, v0  }
0x28c: {  	s26 =	sor.u32 $0x100, s21;
	[tilespmem:s23+$0x0] =	vst.add.f32.msk $0xffff, v0  }
0x28d: {  	s2 =	sor.u32 $0x30, s2;
	s6 =	sor.u32 $0x180, s21;
	[tilespmem:s26+$0x0] =	vst.add.f32.msk $0xffff, v0  }
0x28e: {  	s0 =	sor.u32 s2, s0;
	[tilespmem:s6+$0x0] =	vst.add.f32.msk $0xffff, v0  }
0x28f: {  	v0 =	vld [tilespmem:s0+$0x0];
	_ =	sdelay $0x1  }
0x290: {  	s2 =	sor.u32 s2, s5  }
0x291: {  	s9 =	sor.u32 $0x180, s2;
	s31 =	sor.u32 $0x80, s2;
	s29 =	simm.s32 $0x8  }
0x292: {  	s5 =	sand.u32 $0x3FFFFF80, s29;
	s23 =	simm.s32 $0x40;
	s0 =	simm.s32 $0x100  }
0x293: {  	s26 =	simm.s32 $0x2;
	s19 =	sand.u32 $0x40, s23;
	s21 =	sand.u32 $0xE00, s0;
	[tilespmem:s2+$0x0] =	vst.add.f32.msk $0xffff, v0  }
0x294: {  	s6 =	simm.s32 $0x100;
	s17 =	sadd.s32 s5, s21;
	s2 =	sor.u32 $0x100, s2;
	[tilespmem:s31+$0x0] =	vst.add.f32.msk $0xffff, v0  }
.LBB2_15:
0x295: {  	s29 =	sor.u32 s19, s17  }
0x296: {  	s31 =	sand.u32 $0x3FFFF000, s6;
	[tilespmem:s2+$0x0] =	vst.add.f32.msk $0xffff, v0;
	s6 =	smov.u32 s26;
	s5 =	sadd.s32 $0x1, s26  }
0x297: {  	p0 =	sne.s32 s26, $0x3F;
	s2 =	sor.u32 s21, s31;
	[tilespmem:s9+$0x0] =	vst.add.f32.msk $0xffff, v0  }
0x298: {  	v0 =	vld [tilespmem:s29+$0x0];
	s2 =	sadd.s32 $0x6000, s2  }
0x299: {  	s9 =	sor.u32 s19, s2;
	_ =	sdelay $0x3  }
0x29a: {  	s21 =	sor.u32 $0x80, s9;
	[tilespmem:s9+$0x0] =	vst.add.f32.msk $0xffff, v0  }
0x29b: {  	s26 =	sor.u32 $0x10, s19;
	[tilespmem:s21+$0x0] =	vst.add.f32.msk $0xffff, v0;
	s21 =	sor.u32 $0x100, s9  }
0x29c: {  	s9 =	sor.u32 $0x180, s9;
	[tilespmem:s21+$0x0] =	vst.add.f32.msk $0xffff, v0;
	s21 =	sor.u32 s26, s17;
	s26 =	sor.u32 s26, s2  }
0x29d: {  	[tilespmem:s9+$0x0] =	vst.add.f32.msk $0xffff, v0  }
0x29e: {  	v0 =	vld [tilespmem:s21+$0x0];
	_ =	sdelay $0x4  }
0x29f: {  	s9 =	sor.u32 $0x80, s26;
	[tilespmem:s26+$0x0] =	vst.add.f32.msk $0xffff, v0  }
0x2a0: {  	s21 =	sor.u32 $0x20, s19;
	[tilespmem:s9+$0x0] =	vst.add.f32.msk $0xffff, v0;
	s9 =	sor.u32 $0x100, s26  }
0x2a1: {  	[tilespmem:s9+$0x0] =	vst.add.f32.msk $0xffff, v0;
	s9 =	sor.u32 $0x180, s26;
	s26 =	sor.u32 s21, s17;
	s21 =	sor.u32 s21, s2  }
0x2a2: {  	[tilespmem:s9+$0x0] =	vst.add.f32.msk $0xffff, v0  }
0x2a3: {  	v0 =	vld [tilespmem:s26+$0x0];
	_ =	sdelay $0x4  }
0x2a4: {  	s9 =	sor.u32 $0x80, s21;
	[tilespmem:s21+$0x0] =	vst.add.f32.msk $0xffff, v0  }
0x2a5: {  	s19 =	sor.u32 $0x30, s19;
	[tilespmem:s9+$0x0] =	vst.add.f32.msk $0xffff, v0;
	s9 =	sor.u32 $0x100, s21  }
0x2a6: {  	s17 =	sor.u32 s19, s17;
	s2 =	sor.u32 s19, s2;
	[tilespmem:s9+$0x0] =	vst.add.f32.msk $0xffff, v0;
	s9 =	sor.u32 $0x180, s21  }
0x2a7: {  	[tilespmem:s9+$0x0] =	vst.add.f32.msk $0xffff, v0;
	s9 =	sor.u32 $0x180, s2  }
0x2a8: {  	v0 =	vld [tilespmem:s17+$0x0];
	_ =	sdelay $0x1  }
.Ltmp6:
0x2a9: {  	(pc) =	sbr.rel @p0 .LBB2_15-.Ltmp6, $4  }
0x2aa: {  	s23 =	sadd.s32 $0x40, s23;
	s0 =	sadd.s32 $0x100, s0  }
0x2ab: {  	s19 =	sand.u32 $0x40, s23;
	s17 =	sshll.u32 s6, $0x3;
	s6 =	sshll.u32 s6, $0x8  }
0x2ac: {  	s26 =	sor.u32 $0x80, s2;
	s21 =	sand.u32 $0xE00, s0;
	s17 =	sand.u32 $0x3FFFFF80, s17;
	[tilespmem:s2+$0x0] =	vst.add.f32.msk $0xffff, v0  }
0x2ad: {  	s17 =	sadd.s32 s17, s21;
	s2 =	sor.u32 $0x100, s2;
	[tilespmem:s26+$0x0] =	vst.add.f32.msk $0xffff, v0;
	s26 =	smov.u32 s5  }
0x2ae: {  	[tilespmem:s2+$0x0] =	vst.add.f32.msk $0xffff, v0  }
0x2af: {  	s0 =	sor.u32 s19, s17;
	[tilespmem:s9+$0x0] =	vst.add.f32.msk $0xffff, v0  }
0x2b0: {  	v0 =	vld [tilespmem:s0+$0x0]  }
0x2b1: {  	s9 =	sand.u32 $0x3FFFF000, s6  }
0x2b2: {  	s0 =	sor.u32 s21, s9  }
0x2b3: {  	s0 =	sadd.s32 $0x6000, s0  }
0x2b4: {  	s21 =	sor.u32 s19, s0  }
0x2b5: {  	s5 =	sor.u32 $0x80, s21;
	[tilespmem:s21+$0x0] =	vst.add.f32.msk $0xffff, v0  }
0x2b6: {  	s23 =	sor.u32 $0x100, s21;
	[tilespmem:s5+$0x0] =	vst.add.f32.msk $0xffff, v0  }
0x2b7: {  	s26 =	sor.u32 $0x10, s19;
	s2 =	sor.u32 $0x180, s21;
	[tilespmem:s23+$0x0] =	vst.add.f32.msk $0xffff, v0  }
0x2b8: {  	s29 =	sor.u32 s26, s17;
	[tilespmem:s2+$0x0] =	vst.add.f32.msk $0xffff, v0  }
0x2b9: {  	v0 =	vld [tilespmem:s29+$0x0];
	_ =	sdelay $0x3  }
0x2ba: {  	s9 =	sor.u32 s26, s0  }
0x2bb: {  	s21 =	sor.u32 $0x80, s9;
	[tilespmem:s9+$0x0] =	vst.add.f32.msk $0xffff, v0  }
0x2bc: {  	s23 =	sor.u32 $0x100, s9;
	[tilespmem:s21+$0x0] =	vst.add.f32.msk $0xffff, v0  }
0x2bd: {  	s26 =	sor.u32 $0x20, s19;
	s2 =	sor.u32 $0x180, s9;
	[tilespmem:s23+$0x0] =	vst.add.f32.msk $0xffff, v0  }
0x2be: {  	s29 =	sor.u32 s26, s17;
	[tilespmem:s2+$0x0] =	vst.add.f32.msk $0xffff, v0  }
0x2bf: {  	v0 =	vld [tilespmem:s29+$0x0];
	_ =	sdelay $0x3  }
0x2c0: {  	s9 =	sor.u32 s26, s0  }
0x2c1: {  	s21 =	sor.u32 $0x80, s9;
	[tilespmem:s9+$0x0] =	vst.add.f32.msk $0xffff, v0  }
0x2c2: {  	s23 =	sor.u32 $0x100, s9;
	[tilespmem:s21+$0x0] =	vst.add.f32.msk $0xffff, v0  }
0x2c3: {  	s26 =	sor.u32 $0x30, s19;
	s2 =	sor.u32 $0x180, s9;
	[tilespmem:s23+$0x0] =	vst.add.f32.msk $0xffff, v0  }
0x2c4: {  	s29 =	sor.u32 s26, s17;
	[tilespmem:s2+$0x0] =	vst.add.f32.msk $0xffff, v0  }
0x2c5: {  	v0 =	vld [tilespmem:s29+$0x0];
	_ =	sdelay $0x3  }
0x2c6: {  	s19 =	rddreg [dreg:$0xf];
	s0 =	sor.u32 s26, s0  }
0x2c7: {  	s5 =	sadd.s32 s14, s19;
	s26 =	sld [smem:$0x7F3];
	s9 =	sor.u32 $0x80, s0;
	[tilespmem:s0+$0x0] =	vst.add.f32.msk $0xffff, v0  }
0x2c8: {  	s17 =	sor.u32 $0x100, s0;
	s21 =	sshll.u32 s5, $0x9;
	[tilespmem:s9+$0x0] =	vst.add.f32.msk $0xffff, v0  }
0x2c9: {  	s31 =	simm.s32 $0x6000;
	s23 =	sadd.s32 s3, s21;
	s0 =	sor.u32 $0x180, s0;
	[tilespmem:s17+$0x0] =	vst.add.f32.msk $0xffff, v0  }
0x2ca: {  	s2 =	simm.s32 $0x0;
	s29 =	simm.s32 $0xC;
	[tilespmem:s0+$0x0] =	vst.add.f32.msk $0xffff, v0;
	s0 =	sadd.s32 s14, s26  }
0x2cb: {  	[hbm4b:s23+s2] =	stream.linear.scatter [tilespmem:s31], [sflag:$0x7], $0x4000, $0x38;
	[tilespmem:$0x1E000] =	vst v63  }
0x2cc: {  	s9 =	sshll.u32 s0, $0x7;
	_ =	swait.ge [sflag:s29], $0x4000  }
0x2cd: {  	s17 =	simm.s32 $0x5000;
	s5 =	sand.u32 $0x1FFC00, s9;
	[sflag:s29] =	ssyncset.done $0x0  }
0x2ce: {  	s0 =	sshll.u32 s0, $0x9;
	s5 =	sadd.s32 s5, s8;
	[sflag:s29] =	ssyncadd.s32 $0xFFFFC000  }
0x2cf: {  	[tilespmem:s17], [sflag:$0x6] =	stream.strided.gather [hbm4b:s5+s28], $0x1000, s30, s28, $0x38;
	[tilespmem:$0x1E000] =	vst v63  }
0x2d0: {  	s19 =	simm.s32 $0x1A000;
	s0 =	sadd.s32 s1, s0  }
0x2d1: {  	[tilespmem:s19], [sflag:$0x6] =	stream.linear.gather [hbm4b:s0+s2], $0x4000, $0x38;
	[tilespmem:$0x1E000] =	vst v63  }
0x2d2: {  	_ =	swait.ge [sflag:s15], $0x1000  }
0x2d3: {  	s21 =	simm.s32 $0x0;
	[sflag:s15] =	ssyncset.done $0x0  }
0x2d4: {  	s23 =	sand.u32 $0xE00, s2;
	s0 =	sand.u32 $0x3FFFFF80, s21;
	[sflag:s15] =	ssyncadd.s32 $0xFFFFF000  }
0x2d5: {  	s0 =	sadd.s32 s0, s23;
	_ =	swait.ge [sflag:s15], $0x4000  }
0x2d6: {  	s2 =	sand.u32 $0x40, s2;
	s0 =	sadd.s32 $0x1000, s0;
	[sflag:s15] =	ssyncset.done $0x0  }
0x2d7: {  	s26 =	sor.u32 s2, s0;
	[sflag:s15] =	ssyncadd.s32 $0xFFFFC000  }
0x2d8: {  	s29 =	simm.s32 $0x0;
	v0 =	vld [tilespmem:s26+$0x0]  }
0x2d9: {  	s9 =	sand.u32 $0x3FFFF000, s29  }
0x2da: {  	s5 =	sor.u32 s23, s9  }
0x2db: {  	s5 =	sadd.s32 $0xA000, s5  }
0x2dc: {  	s17 =	sor.u32 s2, s5  }
0x2dd: {  	s19 =	sor.u32 $0x80, s17;
	[tilespmem:s17+$0x0] =	vst.add.f32.msk $0xffff, v0  }
0x2de: {  	s21 =	sor.u32 $0x100, s17;
	[tilespmem:s19+$0x0] =	vst.add.f32.msk $0xffff, v0  }
0x2df: {  	s23 =	sor.u32 $0x10, s2;
	s6 =	sor.u32 $0x180, s17;
	[tilespmem:s21+$0x0] =	vst.add.f32.msk $0xffff, v0  }
0x2e0: {  	s26 =	sor.u32 s23, s0;
	[tilespmem:s6+$0x0] =	vst.add.f32.msk $0xffff, v0  }
0x2e1: {  	v0 =	vld [tilespmem:s26+$0x0];
	_ =	sdelay $0x3  }
0x2e2: {  	s29 =	sor.u32 s23, s5  }
0x2e3: {  	s9 =	sor.u32 $0x80, s29;
	[tilespmem:s29+$0x0] =	vst.add.f32.msk $0xffff, v0  }
0x2e4: {  	s17 =	sor.u32 $0x100, s29;
	[tilespmem:s9+$0x0] =	vst.add.f32.msk $0xffff, v0  }
0x2e5: {  	s19 =	sor.u32 $0x20, s2;
	s6 =	sor.u32 $0x180, s29;
	[tilespmem:s17+$0x0] =	vst.add.f32.msk $0xffff, v0  }
0x2e6: {  	s21 =	sor.u32 s19, s0;
	[tilespmem:s6+$0x0] =	vst.add.f32.msk $0xffff, v0  }
0x2e7: {  	v0 =	vld [tilespmem:s21+$0x0];
	_ =	sdelay $0x3  }
0x2e8: {  	s23 =	sor.u32 s19, s5  }
0x2e9: {  	s9 =	sor.u32 $0x80, s23;
	[tilespmem:s23+$0x0] =	vst.add.f32.msk $0xffff, v0  }
0x2ea: {  	s26 =	sor.u32 $0x100, s23;
	[tilespmem:s9+$0x0] =	vst.add.f32.msk $0xffff, v0  }
0x2eb: {  	s2 =	sor.u32 $0x30, s2;
	s6 =	sor.u32 $0x180, s23;
	[tilespmem:s26+$0x0] =	vst.add.f32.msk $0xffff, v0  }
0x2ec: {  	s0 =	sor.u32 s2, s0;
	[tilespmem:s6+$0x0] =	vst.add.f32.msk $0xffff, v0  }
0x2ed: {  	v0 =	vld [tilespmem:s0+$0x0];
	_ =	sdelay $0x1  }
0x2ee: {  	s29 =	sor.u32 s2, s5;
	s5 =	simm.s32 $0x8  }
0x2ef: {  	s19 =	simm.s32 $0x40;
	s2 =	sand.u32 $0x3FFFFF80, s5  }
0x2f0: {  	s17 =	simm.s32 $0x2;
	s21 =	simm.s32 $0x100;
	s23 =	simm.s32 $0x100  }
0x2f1: {  	s5 =	sand.u32 $0x3FFFF000, s21;
	s9 =	sand.u32 $0xE00, s23;
	s26 =	sor.u32 $0x80, s29;
	[tilespmem:s29+$0x0] =	vst.add.f32.msk $0xffff, v0  }
0x2f2: {  	s2 =	sadd.s32 s2, s9;
	s6 =	sor.u32 $0x180, s29;
	s29 =	sor.u32 $0x100, s29;
	[tilespmem:s26+$0x0] =	vst.add.f32.msk $0xffff, v0  }
0x2f3: {  	s5 =	sor.u32 s9, s5;
	s0 =	sand.u32 $0x40, s19;
	s26 =	sadd.s32 $0x1000, s2;
	[tilespmem:s29+$0x0] =	vst.add.f32.msk $0xffff, v0  }
.LBB2_17:
0x2f4: {  	p0 =	sne.s32 s17, $0x3F  }
0x2f5: {  	s2 =	sor.u32 s0, s26;
	[tilespmem:s6+$0x0] =	vst.add.f32.msk $0xffff, v0;
	s6 =	smov.u32 s17;
	s17 =	sadd.s32 $0x1, s17  }
0x2f6: {  	v0 =	vld [tilespmem:s2+$0x0];
	_ =	sdelay $0x2  }
0x2f7: {  	s2 =	sadd.s32 $0xA000, s5  }
0x2f8: {  	s5 =	sor.u32 s0, s2  }
0x2f9: {  	s9 =	sor.u32 $0x80, s5;
	[tilespmem:s5+$0x0] =	vst.add.f32.msk $0xffff, v0  }
0x2fa: {  	[tilespmem:s9+$0x0] =	vst.add.f32.msk $0xffff, v0;
	s9 =	sor.u32 $0x100, s5  }
0x2fb: {  	s5 =	sor.u32 $0x180, s5;
	[tilespmem:s9+$0x0] =	vst.add.f32.msk $0xffff, v0;
	s9 =	sor.u32 $0x10, s0  }
0x2fc: {  	[tilespmem:s5+$0x0] =	vst.add.f32.msk $0xffff, v0;
	s5 =	sor.u32 s9, s26;
	s9 =	sor.u32 s9, s2  }
0x2fd: {  	v0 =	vld [tilespmem:s5+$0x0];
	_ =	sdelay $0x4  }
0x2fe: {  	s5 =	sor.u32 $0x80, s9;
	[tilespmem:s9+$0x0] =	vst.add.f32.msk $0xffff, v0  }
0x2ff: {  	[tilespmem:s5+$0x0] =	vst.add.f32.msk $0xffff, v0;
	s5 =	sor.u32 $0x100, s9  }
0x300: {  	[tilespmem:s5+$0x0] =	vst.add.f32.msk $0xffff, v0;
	s5 =	sor.u32 $0x180, s9;
	s9 =	sor.u32 $0x20, s0  }
0x301: {  	[tilespmem:s5+$0x0] =	vst.add.f32.msk $0xffff, v0;
	s5 =	sor.u32 s9, s26;
	s9 =	sor.u32 s9, s2  }
0x302: {  	v0 =	vld [tilespmem:s5+$0x0];
	_ =	sdelay $0x4  }
0x303: {  	s5 =	sor.u32 $0x80, s9;
	[tilespmem:s9+$0x0] =	vst.add.f32.msk $0xffff, v0  }
0x304: {  	[tilespmem:s5+$0x0] =	vst.add.f32.msk $0xffff, v0;
	s5 =	sor.u32 $0x100, s9  }
0x305: {  	s0 =	sor.u32 $0x30, s0;
	[tilespmem:s5+$0x0] =	vst.add.f32.msk $0xffff, v0;
	s5 =	sor.u32 $0x180, s9  }
0x306: {  	[tilespmem:s5+$0x0] =	vst.add.f32.msk $0xffff, v0;
	s5 =	sor.u32 s0, s26;
	s0 =	sor.u32 s0, s2  }
0x307: {  	v0 =	vld [tilespmem:s5+$0x0];
	_ =	sdelay $0x2  }
.Ltmp7:
0x308: {  	s19 =	sadd.s32 $0x40, s19;
	s23 =	sadd.s32 $0x100, s23;
	(pc) =	sbr.rel @p0 .LBB2_17-.Ltmp7, $4  }
0x309: {  	s2 =	sshll.u32 s6, $0x3;
	s5 =	sshll.u32 s6, $0x8;
	s6 =	sor.u32 $0x180, s0  }
0x30a: {  	s9 =	sand.u32 $0xE00, s23;
	s2 =	sand.u32 $0x3FFFFF80, s2;
	s21 =	sor.u32 $0x80, s0;
	[tilespmem:s0+$0x0] =	vst.add.f32.msk $0xffff, v0  }
0x30b: {  	s2 =	sadd.s32 s2, s9;
	s5 =	sand.u32 $0x3FFFF000, s5;
	[tilespmem:s21+$0x0] =	vst.add.f32.msk $0xffff, v0;
	s21 =	sor.u32 $0x100, s0  }
0x30c: {  	s26 =	sadd.s32 $0x1000, s2;
	s5 =	sor.u32 s9, s5;
	s0 =	sand.u32 $0x40, s19;
	[tilespmem:s21+$0x0] =	vst.add.f32.msk $0xffff, v0  }
0x30d: {  	s2 =	sor.u32 s0, s26;
	[tilespmem:s6+$0x0] =	vst.add.f32.msk $0xffff, v0  }
0x30e: {  	v0 =	vld [tilespmem:s2+$0x0];
	_ =	sdelay $0x2  }
0x30f: {  	s2 =	sadd.s32 $0xA000, s5  }
0x310: {  	s5 =	sor.u32 s0, s2  }
0x311: {  	s19 =	sor.u32 $0x80, s5;
	[tilespmem:s5+$0x0] =	vst.add.f32.msk $0xffff, v0  }
0x312: {  	s21 =	sor.u32 $0x100, s5;
	[tilespmem:s19+$0x0] =	vst.add.f32.msk $0xffff, v0  }
0x313: {  	s23 =	sor.u32 $0x10, s0;
	s5 =	sor.u32 $0x180, s5;
	[tilespmem:s21+$0x0] =	vst.add.f32.msk $0xffff, v0  }
0x314: {  	s9 =	sor.u32 s23, s26;
	[tilespmem:s5+$0x0] =	vst.add.f32.msk $0xffff, v0  }
0x315: {  	v0 =	vld [tilespmem:s9+$0x0];
	_ =	sdelay $0x3  }
0x316: {  	s17 =	sor.u32 s23, s2  }
0x317: {  	s6 =	sor.u32 $0x80, s17;
	[tilespmem:s17+$0x0] =	vst.add.f32.msk $0xffff, v0  }
0x318: {  	s19 =	sor.u32 $0x100, s17;
	[tilespmem:s6+$0x0] =	vst.add.f32.msk $0xffff, v0  }
0x319: {  	s21 =	sor.u32 $0x20, s0;
	s5 =	sor.u32 $0x180, s17;
	[tilespmem:s19+$0x0] =	vst.add.f32.msk $0xffff, v0  }
0x31a: {  	s23 =	sor.u32 s21, s26;
	[tilespmem:s5+$0x0] =	vst.add.f32.msk $0xffff, v0  }
0x31b: {  	v0 =	vld [tilespmem:s23+$0x0];
	_ =	sdelay $0x3  }
0x31c: {  	s9 =	sor.u32 s21, s2  }
0x31d: {  	s6 =	sor.u32 $0x80, s9;
	[tilespmem:s9+$0x0] =	vst.add.f32.msk $0xffff, v0  }
0x31e: {  	s17 =	sor.u32 $0x100, s9;
	[tilespmem:s6+$0x0] =	vst.add.f32.msk $0xffff, v0  }
0x31f: {  	s19 =	sor.u32 $0x30, s0;
	s5 =	sor.u32 $0x180, s9;
	[tilespmem:s17+$0x0] =	vst.add.f32.msk $0xffff, v0  }
0x320: {  	s21 =	sor.u32 s19, s26;
	[tilespmem:s5+$0x0] =	vst.add.f32.msk $0xffff, v0  }
0x321: {  	v0 =	vld [tilespmem:s21+$0x0];
	_ =	sdelay $0x3  }
0x322: {  	s0 =	sor.u32 s19, s2  }
0x323: {  	s26 =	rddreg [dreg:$0x11];
	s2 =	sor.u32 $0x80, s0;
	[tilespmem:s0+$0x0] =	vst.add.f32.msk $0xffff, v0  }
0x324: {  	s23 =	sor.u32 $0x100, s0;
	s5 =	sadd.s32 s14, s26;
	[tilespmem:s2+$0x0] =	vst.add.f32.msk $0xffff, v0  }
0x325: {  	s19 =	simm.s32 $0x7;
	s5 =	sshll.u32 s5, $0x9;
	s0 =	sor.u32 $0x180, s0;
	[tilespmem:s23+$0x0] =	vst.add.f32.msk $0xffff, v0  }
0x326: {  	s9 =	simm.s32 $0x0;
	s17 =	simm.s32 $0xA000;
	s6 =	sadd.s32 s3, s5;
	[tilespmem:s0+$0x0] =	vst.add.f32.msk $0xffff, v0  }
0x327: {  	[hbm4b:s6+s9] =	stream.linear.scatter [tilespmem:s17], [sflag:$0x8], $0x4000, $0x38;
	[tilespmem:$0x1E000] =	vst v63  }
0x328: {  	_ =	swait.ge [sflag:s19], $0x4000  }
0x329: {  	s21 =	sld [smem:$0x7F4];
	_ =	sdelay $0x2  }
0x32a: {  	s0 =	sadd.s32 s14, s21  }
0x32b: {  	[sflag:s19] =	ssyncset.done $0x0;
	s23 =	sshll.u32 s0, $0x7  }
0x32c: {  	[sflag:s19] =	ssyncadd.s32 $0xFFFFC000;
	s0 =	sshll.u32 s0, $0x9;
	s5 =	sadd.s32 s22, s23  }
0x32d: {  	[tilespmem:s9], [sflag:$0x1] =	stream.strided.gather [hbm4b:s5+s28], $0x1000, s30, s28, $0x38;
	[tilespmem:$0x1E000] =	vst v63  }
0x32e: {  	s0 =	sadd.s32 s1, s0  }
0x32f: {  	[tilespmem:s31], [sflag:$0x1] =	stream.linear.gather [hbm4b:s0+s9], $0x4000, $0x38;
	[tilespmem:$0x1E000] =	vst v63  }
0x330: {  	_ =	swait.ge [sflag:s25], $0x1000  }
0x331: {  	s26 =	simm.s32 $0x0;
	[sflag:s25] =	ssyncset.done $0x0  }
0x332: {  	s31 =	sand.u32 $0xE00, s9;
	s0 =	sand.u32 $0x3FFFFF80, s26;
	[sflag:s25] =	ssyncadd.s32 $0xFFFFF000  }
0x333: {  	s0 =	sadd.s32 s0, s31;
	_ =	swait.ge [sflag:s25], $0x4000  }
0x334: {  	s2 =	sand.u32 $0x40, s9;
	s0 =	sadd.s32 $0x2000, s0;
	[sflag:s25] =	ssyncset.done $0x0  }
0x335: {  	s17 =	sor.u32 s2, s0;
	[sflag:s25] =	ssyncadd.s32 $0xFFFFC000  }
0x336: {  	s9 =	simm.s32 $0x0;
	v0 =	vld [tilespmem:s17+$0x0]  }
0x337: {  	s19 =	sand.u32 $0x3FFFF000, s9  }
0x338: {  	s5 =	sor.u32 s31, s19  }
0x339: {  	s5 =	sadd.s32 $0xE000, s5  }
0x33a: {  	s21 =	sor.u32 s2, s5  }
0x33b: {  	s29 =	smov.u32 s22;
	s22 =	sor.u32 $0x80, s21;
	[tilespmem:s21+$0x0] =	vst.add.f32.msk $0xffff, v0  }
0x33c: {  	s23 =	sor.u32 $0x100, s21;
	[tilespmem:s22+$0x0] =	vst.add.f32.msk $0xffff, v0  }
0x33d: {  	s26 =	sor.u32 $0x10, s2;
	s6 =	sor.u32 $0x180, s21;
	[tilespmem:s23+$0x0] =	vst.add.f32.msk $0xffff, v0  }
0x33e: {  	s31 =	sor.u32 s26, s0;
	[tilespmem:s6+$0x0] =	vst.add.f32.msk $0xffff, v0  }
0x33f: {  	v0 =	vld [tilespmem:s31+$0x0];
	_ =	sdelay $0x3  }
0x340: {  	s17 =	sor.u32 s26, s5  }
0x341: {  	s9 =	sor.u32 $0x80, s17;
	[tilespmem:s17+$0x0] =	vst.add.f32.msk $0xffff, v0  }
0x342: {  	s19 =	sor.u32 $0x100, s17;
	[tilespmem:s9+$0x0] =	vst.add.f32.msk $0xffff, v0  }
0x343: {  	s21 =	sor.u32 $0x20, s2;
	s6 =	sor.u32 $0x180, s17;
	[tilespmem:s19+$0x0] =	vst.add.f32.msk $0xffff, v0  }
0x344: {  	s22 =	sor.u32 s21, s0;
	[tilespmem:s6+$0x0] =	vst.add.f32.msk $0xffff, v0  }
0x345: {  	v0 =	vld [tilespmem:s22+$0x0];
	_ =	sdelay $0x3  }
0x346: {  	s23 =	sor.u32 s21, s5  }
0x347: {  	s9 =	sor.u32 $0x80, s23;
	[tilespmem:s23+$0x0] =	vst.add.f32.msk $0xffff, v0  }
0x348: {  	s26 =	sor.u32 $0x100, s23;
	[tilespmem:s9+$0x0] =	vst.add.f32.msk $0xffff, v0  }
0x349: {  	s2 =	sor.u32 $0x30, s2;
	s6 =	sor.u32 $0x180, s23;
	[tilespmem:s26+$0x0] =	vst.add.f32.msk $0xffff, v0  }
0x34a: {  	s0 =	sor.u32 s2, s0;
	[tilespmem:s6+$0x0] =	vst.add.f32.msk $0xffff, v0  }
0x34b: {  	v0 =	vld [tilespmem:s0+$0x0];
	_ =	sdelay $0x1  }
0x34c: {  	s31 =	sor.u32 s2, s5;
	s5 =	simm.s32 $0x8  }
0x34d: {  	s2 =	sand.u32 $0x3FFFFF80, s5;
	s23 =	simm.s32 $0x100  }
0x34e: {  	s21 =	sor.u32 $0x80, s31;
	s17 =	simm.s32 $0x2;
	s22 =	sand.u32 $0xE00, s23  }
0x34f: {  	s19 =	simm.s32 $0x40;
	s9 =	simm.s32 $0x100;
	s2 =	sadd.s32 s2, s22;
	[tilespmem:s31+$0x0] =	vst.add.f32.msk $0xffff, v0  }
0x350: {  	s5 =	sand.u32 $0x3FFFF000, s9;
	s6 =	sor.u32 $0x180, s31;
	s31 =	sor.u32 $0x100, s31;
	[tilespmem:s21+$0x0] =	vst.add.f32.msk $0xffff, v0  }
0x351: {  	s26 =	sadd.s32 $0x2000, s2;
	s5 =	sor.u32 s22, s5;
	s0 =	sand.u32 $0x40, s19;
	[tilespmem:s31+$0x0] =	vst.add.f32.msk $0xffff, v0  }
.LBB2_19:
0x352: {  	p0 =	sne.s32 s17, $0x3F  }
0x353: {  	s2 =	sor.u32 s0, s26;
	[tilespmem:s6+$0x0] =	vst.add.f32.msk $0xffff, v0;
	s6 =	smov.u32 s17;
	s17 =	sadd.s32 $0x1, s17  }
0x354: {  	v0 =	vld [tilespmem:s2+$0x0];
	_ =	sdelay $0x2  }
0x355: {  	s2 =	sadd.s32 $0xE000, s5  }
0x356: {  	s5 =	sor.u32 s0, s2  }
0x357: {  	s9 =	sor.u32 $0x80, s5;
	[tilespmem:s5+$0x0] =	vst.add.f32.msk $0xffff, v0  }
0x358: {  	[tilespmem:s9+$0x0] =	vst.add.f32.msk $0xffff, v0;
	s9 =	sor.u32 $0x100, s5  }
0x359: {  	s5 =	sor.u32 $0x180, s5;
	[tilespmem:s9+$0x0] =	vst.add.f32.msk $0xffff, v0;
	s9 =	sor.u32 $0x10, s0  }
0x35a: {  	[tilespmem:s5+$0x0] =	vst.add.f32.msk $0xffff, v0;
	s5 =	sor.u32 s9, s26;
	s9 =	sor.u32 s9, s2  }
0x35b: {  	v0 =	vld [tilespmem:s5+$0x0];
	_ =	sdelay $0x4  }
0x35c: {  	s5 =	sor.u32 $0x80, s9;
	[tilespmem:s9+$0x0] =	vst.add.f32.msk $0xffff, v0  }
0x35d: {  	[tilespmem:s5+$0x0] =	vst.add.f32.msk $0xffff, v0;
	s5 =	sor.u32 $0x100, s9  }
0x35e: {  	[tilespmem:s5+$0x0] =	vst.add.f32.msk $0xffff, v0;
	s5 =	sor.u32 $0x180, s9;
	s9 =	sor.u32 $0x20, s0  }
0x35f: {  	[tilespmem:s5+$0x0] =	vst.add.f32.msk $0xffff, v0;
	s5 =	sor.u32 s9, s26;
	s9 =	sor.u32 s9, s2  }
0x360: {  	v0 =	vld [tilespmem:s5+$0x0];
	_ =	sdelay $0x4  }
0x361: {  	s5 =	sor.u32 $0x80, s9;
	[tilespmem:s9+$0x0] =	vst.add.f32.msk $0xffff, v0  }
0x362: {  	[tilespmem:s5+$0x0] =	vst.add.f32.msk $0xffff, v0;
	s5 =	sor.u32 $0x100, s9  }
0x363: {  	s0 =	sor.u32 $0x30, s0;
	[tilespmem:s5+$0x0] =	vst.add.f32.msk $0xffff, v0;
	s5 =	sor.u32 $0x180, s9  }
0x364: {  	[tilespmem:s5+$0x0] =	vst.add.f32.msk $0xffff, v0;
	s5 =	sor.u32 s0, s26;
	s0 =	sor.u32 s0, s2  }
0x365: {  	v0 =	vld [tilespmem:s5+$0x0];
	_ =	sdelay $0x2  }
.Ltmp8:
0x366: {  	s19 =	sadd.s32 $0x40, s19;
	s23 =	sadd.s32 $0x100, s23;
	(pc) =	sbr.rel @p0 .LBB2_19-.Ltmp8, $4  }
0x367: {  	s2 =	sshll.u32 s6, $0x3;
	s5 =	sshll.u32 s6, $0x8;
	s6 =	sor.u32 $0x180, s0  }
0x368: {  	s9 =	sand.u32 $0xE00, s23;
	s2 =	sand.u32 $0x3FFFFF80, s2;
	s21 =	sor.u32 $0x80, s0;
	[tilespmem:s0+$0x0] =	vst.add.f32.msk $0xffff, v0  }
0x369: {  	s2 =	sadd.s32 s2, s9;
	s5 =	sand.u32 $0x3FFFF000, s5;
	[tilespmem:s21+$0x0] =	vst.add.f32.msk $0xffff, v0;
	s21 =	sor.u32 $0x100, s0  }
0x36a: {  	s26 =	sadd.s32 $0x2000, s2;
	s5 =	sor.u32 s9, s5;
	s0 =	sand.u32 $0x40, s19;
	[tilespmem:s21+$0x0] =	vst.add.f32.msk $0xffff, v0  }
0x36b: {  	s2 =	sor.u32 s0, s26;
	[tilespmem:s6+$0x0] =	vst.add.f32.msk $0xffff, v0  }
0x36c: {  	v0 =	vld [tilespmem:s2+$0x0];
	_ =	sdelay $0x2  }
0x36d: {  	s2 =	sadd.s32 $0xE000, s5  }
0x36e: {  	s5 =	sor.u32 s0, s2  }
0x36f: {  	s17 =	sor.u32 $0x80, s5;
	[tilespmem:s5+$0x0] =	vst.add.f32.msk $0xffff, v0  }
0x370: {  	s19 =	sor.u32 $0x100, s5;
	[tilespmem:s17+$0x0] =	vst.add.f32.msk $0xffff, v0  }
0x371: {  	s21 =	sor.u32 $0x10, s0;
	s5 =	sor.u32 $0x180, s5;
	[tilespmem:s19+$0x0] =	vst.add.f32.msk $0xffff, v0  }
0x372: {  	s22 =	sor.u32 s21, s26;
	[tilespmem:s5+$0x0] =	vst.add.f32.msk $0xffff, v0  }
0x373: {  	v0 =	vld [tilespmem:s22+$0x0];
	_ =	sdelay $0x3  }
0x374: {  	s23 =	sor.u32 s21, s2  }
0x375: {  	s6 =	sor.u32 $0x80, s23;
	[tilespmem:s23+$0x0] =	vst.add.f32.msk $0xffff, v0  }
0x376: {  	s9 =	sor.u32 $0x100, s23;
	[tilespmem:s6+$0x0] =	vst.add.f32.msk $0xffff, v0  }
0x377: {  	s17 =	sor.u32 $0x20, s0;
	s5 =	sor.u32 $0x180, s23;
	[tilespmem:s9+$0x0] =	vst.add.f32.msk $0xffff, v0  }
0x378: {  	s19 =	sor.u32 s17, s26;
	[tilespmem:s5+$0x0] =	vst.add.f32.msk $0xffff, v0  }
0x379: {  	v0 =	vld [tilespmem:s19+$0x0];
	_ =	sdelay $0x3  }
0x37a: {  	s21 =	sor.u32 s17, s2  }
0x37b: {  	s6 =	sor.u32 $0x80, s21;
	[tilespmem:s21+$0x0] =	vst.add.f32.msk $0xffff, v0  }
0x37c: {  	s22 =	sor.u32 $0x100, s21;
	[tilespmem:s6+$0x0] =	vst.add.f32.msk $0xffff, v0  }
0x37d: {  	s23 =	sor.u32 $0x30, s0;
	s5 =	sor.u32 $0x180, s21;
	[tilespmem:s22+$0x0] =	vst.add.f32.msk $0xffff, v0  }
0x37e: {  	s26 =	sor.u32 s23, s26;
	[tilespmem:s5+$0x0] =	vst.add.f32.msk $0xffff, v0  }
0x37f: {  	v0 =	vld [tilespmem:s26+$0x0];
	_ =	sdelay $0x3  }
0x380: {  	s0 =	sor.u32 s23, s2;
	s9 =	rddreg [dreg:$0x19]  }
0x381: {  	s2 =	sor.u32 $0x80, s0;
	s21 =	sld [smem:$0x7F5];
	[tilespmem:s0+$0x0] =	vst.add.f32.msk $0xffff, v0  }
0x382: {  	s31 =	simm.s32 $0xE000;
	s6 =	sor.u32 $0x100, s0;
	s5 =	sadd.s32 s14, s9;
	[tilespmem:s2+$0x0] =	vst.add.f32.msk $0xffff, v0  }
0x383: {  	s22 =	simm.s32 $0x8;
	s17 =	sshll.u32 s5, $0x9;
	s0 =	sor.u32 $0x180, s0;
	[tilespmem:s6+$0x0] =	vst.add.f32.msk $0xffff, v0  }
0x384: {  	s19 =	sadd.s32 s3, s17;
	s2 =	simm.s32 $0x0;
	[tilespmem:s0+$0x0] =	vst.add.f32.msk $0xffff, v0;
	s0 =	sadd.s32 s14, s21  }
0x385: {  	[hbm4b:s19+s2] =	stream.linear.scatter [tilespmem:s31], [sflag:$0x9], $0x4000, $0x38;
	[tilespmem:$0x1E000] =	vst v63  }
0x386: {  	s23 =	sshll.u32 s0, $0x7;
	_ =	swait.ge [sflag:s22], $0x4000  }
0x387: {  	s26 =	simm.s32 $0x1000;
	s5 =	sand.u32 $0x1FFC00, s23;
	[sflag:s22] =	ssyncset.done $0x0  }
0x388: {  	s0 =	sshll.u32 s0, $0x9;
	s5 =	sadd.s32 s5, s8;
	[sflag:s22] =	ssyncadd.s32 $0xFFFFC000  }
0x389: {  	[tilespmem:s26], [sflag:$0x2] =	stream.strided.gather [hbm4b:s5+s28], $0x1000, s30, s28, $0x38;
	[tilespmem:$0x1E000] =	vst v63  }
0x38a: {  	s9 =	simm.s32 $0xA000;
	s0 =	sadd.s32 s1, s0  }
0x38b: {  	[tilespmem:s9], [sflag:$0x2] =	stream.linear.gather [hbm4b:s0+s2], $0x4000, $0x38;
	[tilespmem:$0x1E000] =	vst v63  }
0x38c: {  	_ =	swait.ge [sflag:s7], $0x1000  }
0x38d: {  	s17 =	simm.s32 $0x0;
	[sflag:s7] =	ssyncset.done $0x0  }
0x38e: {  	s19 =	sand.u32 $0xE00, s2;
	s0 =	sand.u32 $0x3FFFFF80, s17;
	[sflag:s7] =	ssyncadd.s32 $0xFFFFF000  }
0x38f: {  	s0 =	sadd.s32 s0, s19;
	_ =	swait.ge [sflag:s7], $0x4000  }
0x390: {  	s2 =	sand.u32 $0x40, s2;
	s0 =	sadd.s32 $0x3000, s0;
	[sflag:s7] =	ssyncset.done $0x0  }
0x391: {  	s21 =	sor.u32 s2, s0;
	[sflag:s7] =	ssyncadd.s32 $0xFFFFC000  }
0x392: {  	s9 =	simm.s32 $0x0;
	v0 =	vld [tilespmem:s21+$0x0]  }
0x393: {  	s22 =	sand.u32 $0x3FFFF000, s9  }
0x394: {  	s5 =	sor.u32 s19, s22  }
0x395: {  	s5 =	sadd.s32 $0x12000, s5  }
0x396: {  	s23 =	sor.u32 s2, s5  }
0x397: {  	s26 =	sor.u32 $0x80, s23;
	[tilespmem:s23+$0x0] =	vst.add.f32.msk $0xffff, v0  }
0x398: {  	s17 =	sor.u32 $0x100, s23;
	[tilespmem:s26+$0x0] =	vst.add.f32.msk $0xffff, v0  }
0x399: {  	s19 =	sor.u32 $0x10, s2;
	s6 =	sor.u32 $0x180, s23;
	[tilespmem:s17+$0x0] =	vst.add.f32.msk $0xffff, v0  }
0x39a: {  	s21 =	sor.u32 s19, s0;
	[tilespmem:s6+$0x0] =	vst.add.f32.msk $0xffff, v0  }
0x39b: {  	v0 =	vld [tilespmem:s21+$0x0];
	_ =	sdelay $0x3  }
0x39c: {  	s22 =	sor.u32 s19, s5  }
0x39d: {  	s9 =	sor.u32 $0x80, s22;
	[tilespmem:s22+$0x0] =	vst.add.f32.msk $0xffff, v0  }
0x39e: {  	s23 =	sor.u32 $0x100, s22;
	[tilespmem:s9+$0x0] =	vst.add.f32.msk $0xffff, v0  }
0x39f: {  	s26 =	sor.u32 $0x20, s2;
	s6 =	sor.u32 $0x180, s22;
	[tilespmem:s23+$0x0] =	vst.add.f32.msk $0xffff, v0  }
0x3a0: {  	s17 =	sor.u32 s26, s0;
	[tilespmem:s6+$0x0] =	vst.add.f32.msk $0xffff, v0  }
0x3a1: {  	v0 =	vld [tilespmem:s17+$0x0];
	_ =	sdelay $0x3  }
0x3a2: {  	s19 =	sor.u32 s26, s5  }
0x3a3: {  	s9 =	sor.u32 $0x80, s19;
	[tilespmem:s19+$0x0] =	vst.add.f32.msk $0xffff, v0  }
0x3a4: {  	s21 =	sor.u32 $0x100, s19;
	[tilespmem:s9+$0x0] =	vst.add.f32.msk $0xffff, v0  }
0x3a5: {  	s2 =	sor.u32 $0x30, s2;
	s6 =	sor.u32 $0x180, s19;
	[tilespmem:s21+$0x0] =	vst.add.f32.msk $0xffff, v0  }
0x3a6: {  	s0 =	sor.u32 s2, s0;
	[tilespmem:s6+$0x0] =	vst.add.f32.msk $0xffff, v0  }
0x3a7: {  	v0 =	vld [tilespmem:s0+$0x0];
	_ =	sdelay $0x1  }
0x3a8: {  	s26 =	simm.s32 $0x100;
	s22 =	simm.s32 $0x8  }
0x3a9: {  	s23 =	simm.s32 $0x100;
	s17 =	simm.s32 $0x2;
	s19 =	simm.s32 $0x40  }
0x3aa: {  	s9 =	sand.u32 $0xE00, s23;
	s0 =	sor.u32 s2, s5;
	s2 =	sand.u32 $0x3FFFFF80, s22  }
0x3ab: {  	s5 =	sand.u32 $0x3FFFF000, s26;
	s6 =	sor.u32 $0x180, s0;
	s21 =	sor.u32 $0x80, s0;
	[tilespmem:s0+$0x0] =	vst.add.f32.msk $0xffff, v0  }
0x3ac: {  	s2 =	sadd.s32 s2, s9;
	s22 =	sor.u32 $0x100, s0;
	s5 =	sor.u32 s9, s5;
	[tilespmem:s21+$0x0] =	vst.add.f32.msk $0xffff, v0  }
0x3ad: {  	s26 =	sadd.s32 $0x3000, s2;
	s0 =	sand.u32 $0x40, s19;
	[tilespmem:s22+$0x0] =	vst.add.f32.msk $0xffff, v0;
	s22 =	simm.s32 $0x0  }
.LBB2_21:
0x3ae: {  	p0 =	sne.s32 s17, $0x3F  }
0x3af: {  	s2 =	sor.u32 s0, s26;
	[tilespmem:s6+$0x0] =	vst.add.f32.msk $0xffff, v0;
	s6 =	smov.u32 s17;
	s17 =	sadd.s32 $0x1, s17  }
0x3b0: {  	v0 =	vld [tilespmem:s2+$0x0];
	_ =	sdelay $0x2  }
0x3b1: {  	s2 =	sadd.s32 $0x12000, s5  }
0x3b2: {  	s5 =	sor.u32 s0, s2  }
0x3b3: {  	s9 =	sor.u32 $0x80, s5;
	[tilespmem:s5+$0x0] =	vst.add.f32.msk $0xffff, v0  }
0x3b4: {  	[tilespmem:s9+$0x0] =	vst.add.f32.msk $0xffff, v0;
	s9 =	sor.u32 $0x100, s5  }
0x3b5: {  	s5 =	sor.u32 $0x180, s5;
	[tilespmem:s9+$0x0] =	vst.add.f32.msk $0xffff, v0;
	s9 =	sor.u32 $0x10, s0  }
0x3b6: {  	[tilespmem:s5+$0x0] =	vst.add.f32.msk $0xffff, v0;
	s5 =	sor.u32 s9, s26;
	s9 =	sor.u32 s9, s2  }
0x3b7: {  	v0 =	vld [tilespmem:s5+$0x0];
	_ =	sdelay $0x4  }
0x3b8: {  	s5 =	sor.u32 $0x80, s9;
	[tilespmem:s9+$0x0] =	vst.add.f32.msk $0xffff, v0  }
0x3b9: {  	[tilespmem:s5+$0x0] =	vst.add.f32.msk $0xffff, v0;
	s5 =	sor.u32 $0x100, s9  }
0x3ba: {  	[tilespmem:s5+$0x0] =	vst.add.f32.msk $0xffff, v0;
	s5 =	sor.u32 $0x180, s9;
	s9 =	sor.u32 $0x20, s0  }
0x3bb: {  	[tilespmem:s5+$0x0] =	vst.add.f32.msk $0xffff, v0;
	s5 =	sor.u32 s9, s26;
	s9 =	sor.u32 s9, s2  }
0x3bc: {  	v0 =	vld [tilespmem:s5+$0x0];
	_ =	sdelay $0x4  }
0x3bd: {  	s5 =	sor.u32 $0x80, s9;
	[tilespmem:s9+$0x0] =	vst.add.f32.msk $0xffff, v0  }
0x3be: {  	[tilespmem:s5+$0x0] =	vst.add.f32.msk $0xffff, v0;
	s5 =	sor.u32 $0x100, s9  }
0x3bf: {  	s0 =	sor.u32 $0x30, s0;
	[tilespmem:s5+$0x0] =	vst.add.f32.msk $0xffff, v0;
	s5 =	sor.u32 $0x180, s9  }
0x3c0: {  	[tilespmem:s5+$0x0] =	vst.add.f32.msk $0xffff, v0;
	s5 =	sor.u32 s0, s26;
	s0 =	sor.u32 s0, s2  }
0x3c1: {  	v0 =	vld [tilespmem:s5+$0x0];
	_ =	sdelay $0x2  }
.Ltmp9:
0x3c2: {  	s19 =	sadd.s32 $0x40, s19;
	s23 =	sadd.s32 $0x100, s23;
	(pc) =	sbr.rel @p0 .LBB2_21-.Ltmp9, $4  }
0x3c3: {  	s2 =	sshll.u32 s6, $0x3;
	s5 =	sshll.u32 s6, $0x8;
	s6 =	sor.u32 $0x180, s0  }
0x3c4: {  	s9 =	sand.u32 $0xE00, s23;
	s2 =	sand.u32 $0x3FFFFF80, s2;
	s21 =	sor.u32 $0x80, s0;
	[tilespmem:s0+$0x0] =	vst.add.f32.msk $0xffff, v0  }
0x3c5: {  	s2 =	sadd.s32 s2, s9;
	s5 =	sand.u32 $0x3FFFF000, s5;
	[tilespmem:s21+$0x0] =	vst.add.f32.msk $0xffff, v0;
	s21 =	sor.u32 $0x100, s0  }
0x3c6: {  	s26 =	sadd.s32 $0x3000, s2;
	s5 =	sor.u32 s9, s5;
	s0 =	sand.u32 $0x40, s19;
	[tilespmem:s21+$0x0] =	vst.add.f32.msk $0xffff, v0  }
0x3c7: {  	s2 =	sor.u32 s0, s26;
	[tilespmem:s6+$0x0] =	vst.add.f32.msk $0xffff, v0  }
0x3c8: {  	v0 =	vld [tilespmem:s2+$0x0];
	_ =	sdelay $0x2  }
0x3c9: {  	s2 =	sadd.s32 $0x12000, s5  }
0x3ca: {  	s5 =	sor.u32 s0, s2  }
0x3cb: {  	s19 =	sor.u32 $0x80, s5;
	[tilespmem:s5+$0x0] =	vst.add.f32.msk $0xffff, v0  }
0x3cc: {  	s21 =	sor.u32 $0x100, s5;
	[tilespmem:s19+$0x0] =	vst.add.f32.msk $0xffff, v0  }
0x3cd: {  	s23 =	sor.u32 $0x10, s0;
	s5 =	sor.u32 $0x180, s5;
	[tilespmem:s21+$0x0] =	vst.add.f32.msk $0xffff, v0  }
0x3ce: {  	s9 =	sor.u32 s23, s26;
	[tilespmem:s5+$0x0] =	vst.add.f32.msk $0xffff, v0  }
0x3cf: {  	v0 =	vld [tilespmem:s9+$0x0];
	_ =	sdelay $0x3  }
0x3d0: {  	s17 =	sor.u32 s23, s2  }
0x3d1: {  	s6 =	sor.u32 $0x80, s17;
	[tilespmem:s17+$0x0] =	vst.add.f32.msk $0xffff, v0  }
0x3d2: {  	s19 =	sor.u32 $0x100, s17;
	[tilespmem:s6+$0x0] =	vst.add.f32.msk $0xffff, v0  }
0x3d3: {  	s21 =	sor.u32 $0x20, s0;
	s5 =	sor.u32 $0x180, s17;
	[tilespmem:s19+$0x0] =	vst.add.f32.msk $0xffff, v0  }
0x3d4: {  	s23 =	sor.u32 s21, s26;
	[tilespmem:s5+$0x0] =	vst.add.f32.msk $0xffff, v0  }
0x3d5: {  	v0 =	vld [tilespmem:s23+$0x0];
	_ =	sdelay $0x3  }
0x3d6: {  	s9 =	sor.u32 s21, s2  }
0x3d7: {  	s6 =	sor.u32 $0x80, s9;
	[tilespmem:s9+$0x0] =	vst.add.f32.msk $0xffff, v0  }
0x3d8: {  	s17 =	sor.u32 $0x100, s9;
	[tilespmem:s6+$0x0] =	vst.add.f32.msk $0xffff, v0  }
0x3d9: {  	s19 =	sor.u32 $0x30, s0;
	s5 =	sor.u32 $0x180, s9;
	[tilespmem:s17+$0x0] =	vst.add.f32.msk $0xffff, v0  }
0x3da: {  	s21 =	sor.u32 s19, s26;
	[tilespmem:s5+$0x0] =	vst.add.f32.msk $0xffff, v0  }
0x3db: {  	v0 =	vld [tilespmem:s21+$0x0];
	_ =	sdelay $0x3  }
0x3dc: {  	s0 =	sor.u32 s19, s2  }
0x3dd: {  	s26 =	rddreg [dreg:$0x1b];
	s2 =	sor.u32 $0x80, s0;
	[tilespmem:s0+$0x0] =	vst.add.f32.msk $0xffff, v0  }
0x3de: {  	s23 =	sor.u32 $0x100, s0;
	s5 =	sadd.s32 s14, s26;
	[tilespmem:s2+$0x0] =	vst.add.f32.msk $0xffff, v0  }
0x3df: {  	s5 =	sshll.u32 s5, $0x9;
	s0 =	sor.u32 $0x180, s0;
	[tilespmem:s23+$0x0] =	vst.add.f32.msk $0xffff, v0  }
0x3e0: {  	s9 =	simm.s32 $0x0;
	s6 =	sadd.s32 s3, s5;
	[tilespmem:s0+$0x0] =	vst.add.f32.msk $0xffff, v0  }
0x3e1: {  	[hbm4b:s6+s9] =	stream.linear.scatter [tilespmem:s4], [sflag:$0xA], $0x4000, $0x38;
	[tilespmem:$0x1E000] =	vst v63  }
0x3e2: {  	_ =	swait.ge [sflag:s10], $0x4000  }
0x3e3: {  	s17 =	sld [smem:$0x7F6];
	_ =	sdelay $0x2  }
0x3e4: {  	s0 =	sadd.s32 s14, s17  }
0x3e5: {  	s21 =	simm.s32 $0x2000;
	[sflag:s10] =	ssyncset.done $0x0;
	s19 =	sshll.u32 s0, $0x7  }
0x3e6: {  	[sflag:s10] =	ssyncadd.s32 $0xFFFFC000;
	s0 =	sshll.u32 s0, $0x9;
	s5 =	sadd.s32 s29, s19  }
0x3e7: {  	[tilespmem:s21], [sflag:$0x3] =	stream.strided.gather [hbm4b:s5+s28], $0x1000, s30, s28, $0x38;
	[tilespmem:$0x1E000] =	vst v63  }
0x3e8: {  	s0 =	sadd.s32 s1, s0  }
0x3e9: {  	[tilespmem:s31], [sflag:$0x3] =	stream.linear.gather [hbm4b:s0+s9], $0x4000, $0x38;
	[tilespmem:$0x1E000] =	vst v63  }
0x3ea: {  	_ =	swait.ge [sflag:s13], $0x1000  }
0x3eb: {  	s23 =	simm.s32 $0x0;
	[sflag:s13] =	ssyncset.done $0x0  }
0x3ec: {  	s26 =	sand.u32 $0xE00, s9;
	s0 =	sand.u32 $0x3FFFFF80, s23;
	[sflag:s13] =	ssyncadd.s32 $0xFFFFF000  }
0x3ed: {  	s0 =	sadd.s32 s0, s26;
	_ =	swait.ge [sflag:s13], $0x4000  }
0x3ee: {  	s2 =	sand.u32 $0x40, s9;
	s0 =	sadd.s32 $0x4000, s0;
	[sflag:s13] =	ssyncset.done $0x0  }
0x3ef: {  	s4 =	sor.u32 s2, s0;
	[sflag:s13] =	ssyncadd.s32 $0xFFFFC000  }
0x3f0: {  	s9 =	simm.s32 $0x0;
	v0 =	vld [tilespmem:s4+$0x0]  }
0x3f1: {  	s9 =	sand.u32 $0x3FFFF000, s9  }
0x3f2: {  	s5 =	sor.u32 s26, s9  }
0x3f3: {  	s5 =	sadd.s32 $0x16000, s5  }
0x3f4: {  	s17 =	sor.u32 s2, s5  }
0x3f5: {  	s19 =	sor.u32 $0x80, s17;
	[tilespmem:s17+$0x0] =	vst.add.f32.msk $0xffff, v0  }
0x3f6: {  	s21 =	sor.u32 $0x100, s17;
	[tilespmem:s19+$0x0] =	vst.add.f32.msk $0xffff, v0  }
0x3f7: {  	s23 =	sor.u32 $0x10, s2;
	s6 =	sor.u32 $0x180, s17;
	[tilespmem:s21+$0x0] =	vst.add.f32.msk $0xffff, v0  }
0x3f8: {  	s26 =	sor.u32 s23, s0;
	[tilespmem:s6+$0x0] =	vst.add.f32.msk $0xffff, v0  }
0x3f9: {  	v0 =	vld [tilespmem:s26+$0x0];
	_ =	sdelay $0x3  }
0x3fa: {  	s4 =	sor.u32 s23, s5  }
0x3fb: {  	s9 =	sor.u32 $0x80, s4;
	[tilespmem:s4+$0x0] =	vst.add.f32.msk $0xffff, v0  }
0x3fc: {  	s17 =	sor.u32 $0x100, s4;
	[tilespmem:s9+$0x0] =	vst.add.f32.msk $0xffff, v0  }
0x3fd: {  	s19 =	sor.u32 $0x20, s2;
	s6 =	sor.u32 $0x180, s4;
	[tilespmem:s17+$0x0] =	vst.add.f32.msk $0xffff, v0  }
0x3fe: {  	s21 =	sor.u32 s19, s0;
	[tilespmem:s6+$0x0] =	vst.add.f32.msk $0xffff, v0  }
0x3ff: {  	v0 =	vld [tilespmem:s21+$0x0];
	_ =	sdelay $0x3  }
0x400: {  	s23 =	sor.u32 s19, s5  }
0x401: {  	s9 =	sor.u32 $0x80, s23;
	[tilespmem:s23+$0x0] =	vst.add.f32.msk $0xffff, v0  }
0x402: {  	s26 =	sor.u32 $0x100, s23;
	[tilespmem:s9+$0x0] =	vst.add.f32.msk $0xffff, v0  }
0x403: {  	s2 =	sor.u32 $0x30, s2;
	s6 =	sor.u32 $0x180, s23;
	[tilespmem:s26+$0x0] =	vst.add.f32.msk $0xffff, v0  }
0x404: {  	s0 =	sor.u32 s2, s0;
	[tilespmem:s6+$0x0] =	vst.add.f32.msk $0xffff, v0  }
0x405: {  	v0 =	vld [tilespmem:s0+$0x0];
	_ =	sdelay $0x1  }
0x406: {  	s19 =	simm.s32 $0x40  }
0x407: {  	s4 =	sor.u32 s2, s5;
	s21 =	simm.s32 $0x8;
	s23 =	simm.s32 $0x100  }
0x408: {  	s17 =	simm.s32 $0x2;
	s2 =	sand.u32 $0x3FFFFF80, s21;
	s9 =	sand.u32 $0xE00, s23  }
0x409: {  	s21 =	sor.u32 $0x80, s4;
	s26 =	simm.s32 $0x100;
	s2 =	sadd.s32 s2, s9;
	[tilespmem:s4+$0x0] =	vst.add.f32.msk $0xffff, v0  }
0x40a: {  	s6 =	sor.u32 $0x180, s4;
	s5 =	sand.u32 $0x3FFFF000, s26;
	s4 =	sor.u32 $0x100, s4;
	[tilespmem:s21+$0x0] =	vst.add.f32.msk $0xffff, v0  }
0x40b: {  	s26 =	sadd.s32 $0x4000, s2;
	s0 =	sand.u32 $0x40, s19;
	s5 =	sor.u32 s9, s5;
	[tilespmem:s4+$0x0] =	vst.add.f32.msk $0xffff, v0  }
.LBB2_23:
0x40c: {  	p0 =	sne.s32 s17, $0x3F  }
0x40d: {  	s2 =	sor.u32 s0, s26;
	[tilespmem:s6+$0x0] =	vst.add.f32.msk $0xffff, v0;
	s6 =	smov.u32 s17;
	s17 =	sadd.s32 $0x1, s17  }
0x40e: {  	v0 =	vld [tilespmem:s2+$0x0];
	_ =	sdelay $0x2  }
0x40f: {  	s2 =	sadd.s32 $0x16000, s5  }
0x410: {  	s5 =	sor.u32 s0, s2  }
0x411: {  	s9 =	sor.u32 $0x80, s5;
	[tilespmem:s5+$0x0] =	vst.add.f32.msk $0xffff, v0  }
0x412: {  	[tilespmem:s9+$0x0] =	vst.add.f32.msk $0xffff, v0;
	s9 =	sor.u32 $0x100, s5  }
0x413: {  	s5 =	sor.u32 $0x180, s5;
	[tilespmem:s9+$0x0] =	vst.add.f32.msk $0xffff, v0;
	s9 =	sor.u32 $0x10, s0  }
0x414: {  	[tilespmem:s5+$0x0] =	vst.add.f32.msk $0xffff, v0;
	s5 =	sor.u32 s9, s26;
	s9 =	sor.u32 s9, s2  }
0x415: {  	v0 =	vld [tilespmem:s5+$0x0];
	_ =	sdelay $0x4  }
0x416: {  	s5 =	sor.u32 $0x80, s9;
	[tilespmem:s9+$0x0] =	vst.add.f32.msk $0xffff, v0  }
0x417: {  	[tilespmem:s5+$0x0] =	vst.add.f32.msk $0xffff, v0;
	s5 =	sor.u32 $0x100, s9  }
0x418: {  	[tilespmem:s5+$0x0] =	vst.add.f32.msk $0xffff, v0;
	s5 =	sor.u32 $0x180, s9;
	s9 =	sor.u32 $0x20, s0  }
0x419: {  	[tilespmem:s5+$0x0] =	vst.add.f32.msk $0xffff, v0;
	s5 =	sor.u32 s9, s26;
	s9 =	sor.u32 s9, s2  }
0x41a: {  	v0 =	vld [tilespmem:s5+$0x0];
	_ =	sdelay $0x4  }
0x41b: {  	s5 =	sor.u32 $0x80, s9;
	[tilespmem:s9+$0x0] =	vst.add.f32.msk $0xffff, v0  }
0x41c: {  	[tilespmem:s5+$0x0] =	vst.add.f32.msk $0xffff, v0;
	s5 =	sor.u32 $0x100, s9  }
0x41d: {  	s0 =	sor.u32 $0x30, s0;
	[tilespmem:s5+$0x0] =	vst.add.f32.msk $0xffff, v0;
	s5 =	sor.u32 $0x180, s9  }
0x41e: {  	[tilespmem:s5+$0x0] =	vst.add.f32.msk $0xffff, v0;
	s5 =	sor.u32 s0, s26;
	s0 =	sor.u32 s0, s2  }
0x41f: {  	v0 =	vld [tilespmem:s5+$0x0];
	_ =	sdelay $0x2  }
.Ltmp10:
0x420: {  	s19 =	sadd.s32 $0x40, s19;
	s23 =	sadd.s32 $0x100, s23;
	(pc) =	sbr.rel @p0 .LBB2_23-.Ltmp10, $4  }
0x421: {  	s2 =	sshll.u32 s6, $0x3;
	s5 =	sshll.u32 s6, $0x8;
	s6 =	sor.u32 $0x180, s0  }
0x422: {  	s9 =	sand.u32 $0xE00, s23;
	s2 =	sand.u32 $0x3FFFFF80, s2;
	s21 =	sor.u32 $0x80, s0;
	[tilespmem:s0+$0x0] =	vst.add.f32.msk $0xffff, v0  }
0x423: {  	s2 =	sadd.s32 s2, s9;
	s5 =	sand.u32 $0x3FFFF000, s5;
	[tilespmem:s21+$0x0] =	vst.add.f32.msk $0xffff, v0;
	s21 =	sor.u32 $0x100, s0  }
0x424: {  	s26 =	sadd.s32 $0x4000, s2;
	s5 =	sor.u32 s9, s5;
	s0 =	sand.u32 $0x40, s19;
	[tilespmem:s21+$0x0] =	vst.add.f32.msk $0xffff, v0  }
0x425: {  	s2 =	sor.u32 s0, s26;
	[tilespmem:s6+$0x0] =	vst.add.f32.msk $0xffff, v0  }
0x426: {  	v0 =	vld [tilespmem:s2+$0x0];
	_ =	sdelay $0x2  }
0x427: {  	s2 =	sadd.s32 $0x16000, s5  }
0x428: {  	s5 =	sor.u32 s0, s2  }
0x429: {  	s17 =	sor.u32 $0x80, s5;
	[tilespmem:s5+$0x0] =	vst.add.f32.msk $0xffff, v0  }
0x42a: {  	s19 =	sor.u32 $0x100, s5;
	[tilespmem:s17+$0x0] =	vst.add.f32.msk $0xffff, v0  }
0x42b: {  	s21 =	sor.u32 $0x10, s0;
	s5 =	sor.u32 $0x180, s5;
	[tilespmem:s19+$0x0] =	vst.add.f32.msk $0xffff, v0  }
0x42c: {  	s23 =	sor.u32 s21, s26;
	[tilespmem:s5+$0x0] =	vst.add.f32.msk $0xffff, v0  }
0x42d: {  	v0 =	vld [tilespmem:s23+$0x0];
	_ =	sdelay $0x3  }
0x42e: {  	s4 =	sor.u32 s21, s2  }
0x42f: {  	s6 =	sor.u32 $0x80, s4;
	[tilespmem:s4+$0x0] =	vst.add.f32.msk $0xffff, v0  }
0x430: {  	s9 =	sor.u32 $0x100, s4;
	[tilespmem:s6+$0x0] =	vst.add.f32.msk $0xffff, v0  }
0x431: {  	s17 =	sor.u32 $0x20, s0;
	s5 =	sor.u32 $0x180, s4;
	[tilespmem:s9+$0x0] =	vst.add.f32.msk $0xffff, v0  }
0x432: {  	s19 =	sor.u32 s17, s26;
	[tilespmem:s5+$0x0] =	vst.add.f32.msk $0xffff, v0  }
0x433: {  	v0 =	vld [tilespmem:s19+$0x0];
	_ =	sdelay $0x3  }
0x434: {  	s21 =	sor.u32 s17, s2  }
0x435: {  	s6 =	sor.u32 $0x80, s21;
	[tilespmem:s21+$0x0] =	vst.add.f32.msk $0xffff, v0  }
0x436: {  	s23 =	sor.u32 $0x100, s21;
	[tilespmem:s6+$0x0] =	vst.add.f32.msk $0xffff, v0  }
0x437: {  	s4 =	sor.u32 $0x30, s0;
	s5 =	sor.u32 $0x180, s21;
	[tilespmem:s23+$0x0] =	vst.add.f32.msk $0xffff, v0  }
0x438: {  	s6 =	sor.u32 s4, s26;
	[tilespmem:s5+$0x0] =	vst.add.f32.msk $0xffff, v0  }
0x439: {  	v0 =	vld [tilespmem:s6+$0x0];
	_ =	sdelay $0x3  }
0x43a: {  	s0 =	sor.u32 s4, s2  }
0x43b: {  	s2 =	sor.u32 $0x80, s0;
	s21 =	sld [smem:$0x7F7];
	[tilespmem:s0+$0x0] =	vst.add.f32.msk $0xffff, v0  }
0x43c: {  	s12 =	sadd.s32 $0x1, s12;
	s9 =	sor.u32 $0x100, s0;
	[tilespmem:s2+$0x0] =	vst.add.f32.msk $0xffff, v0  }
0x43d: {  	p0 =	sne.s32 s12, $0x9;
	s0 =	sor.u32 $0x180, s0;
	[tilespmem:s9+$0x0] =	vst.add.f32.msk $0xffff, v0  }
0x43e: {  	s17 =	sadd.s32 s3, s16;
	s19 =	simm.s32 $0x16000;
	[tilespmem:s0+$0x0] =	vst.add.f32.msk $0xffff, v0;
	s0 =	sadd.s32 s14, s21  }
0x43f: {  	[hbm4b:s17+s22] =	stream.linear.scatter [tilespmem:s19], [sflag:$0xB], $0x4000, $0x38;
	[tilespmem:$0x1E000] =	vst v63  }
0x440: {  	s26 =	simm.s32 $0x3000;
	s23 =	sshll.u32 s0, $0x7;
	_ =	swait.ge [sflag:s18], $0x4000  }
.Ltmp11:
0x441: {  	s2 =	sand.u32 $0x1FFC00, s23;
	[sflag:s18] =	ssyncset.done $0x0;
	(pc) =	sbr.rel @p0 .LBB2_12-.Ltmp11, $4  }
0x442: {  	s0 =	sshll.u32 s0, $0x9;
	s2 =	sadd.s32 s2, s8;
	[sflag:s18] =	ssyncadd.s32 $0xFFFFC000  }
0x443: {  	[tilespmem:s26], [sflag:$0x4] =	stream.strided.gather [hbm4b:s2+s28], $0x1000, s30, s28, $0x38;
	[tilespmem:$0x1E000] =	vst v63  }
0x444: {  	s0 =	sadd.s32 s1, s0;
	s26 =	simm.s32 $0x12000  }
0x445: {  	[tilespmem:s26], [sflag:$0x4] =	stream.linear.gather [hbm4b:s0+s22], $0x4000, $0x38;
	[tilespmem:$0x1E000] =	vst v63  }
0x446: {  	_ =	swait.ge [sflag:s20], $0x1000  }
0x447: {  	s0 =	simm.s32 $0x0;
	s2 =	simm.s32 $0x0;
	[sflag:s20] =	ssyncset.done $0x0  }
0x448: {  	s5 =	sand.u32 $0xE00, s0;
	s2 =	sand.u32 $0x3FFFFF80, s2;
	[sflag:s20] =	ssyncadd.s32 $0xFFFFF000  }
0x449: {  	s2 =	sadd.s32 s2, s5;
	_ =	swait.ge [sflag:s20], $0x4000  }
0x44a: {  	s0 =	sand.u32 $0x40, s0;
	s2 =	sadd.s32 $0x5000, s2;
	[sflag:s20] =	ssyncset.done $0x0  }
0x44b: {  	s6 =	sor.u32 s0, s2;
	[sflag:s20] =	ssyncadd.s32 $0xFFFFC000  }
0x44c: {  	s9 =	simm.s32 $0x0;
	v0 =	vld [tilespmem:s6+$0x0]  }
0x44d: {  	s14 =	sand.u32 $0x3FFFF000, s9  }
0x44e: {  	s5 =	sor.u32 s5, s14  }
0x44f: {  	s5 =	sadd.s32 $0x1A000, s5  }
0x450: {  	s16 =	sor.u32 s0, s5  }
0x451: {  	s17 =	sor.u32 $0x80, s16;
	[tilespmem:s16+$0x0] =	vst.add.f32.msk $0xffff, v0  }
0x452: {  	s19 =	sor.u32 $0x100, s16;
	[tilespmem:s17+$0x0] =	vst.add.f32.msk $0xffff, v0  }
0x453: {  	s21 =	sor.u32 $0x10, s0;
	s6 =	sor.u32 $0x180, s16;
	[tilespmem:s19+$0x0] =	vst.add.f32.msk $0xffff, v0  }
0x454: {  	s23 =	sor.u32 s21, s2;
	[tilespmem:s6+$0x0] =	vst.add.f32.msk $0xffff, v0  }
0x455: {  	v0 =	vld [tilespmem:s23+$0x0];
	_ =	sdelay $0x3  }
0x456: {  	s4 =	sor.u32 s21, s5  }
0x457: {  	s9 =	sor.u32 $0x80, s4;
	[tilespmem:s4+$0x0] =	vst.add.f32.msk $0xffff, v0  }
0x458: {  	s11 =	sor.u32 $0x100, s4;
	[tilespmem:s9+$0x0] =	vst.add.f32.msk $0xffff, v0  }
0x459: {  	s12 =	sor.u32 $0x20, s0;
	s6 =	sor.u32 $0x180, s4;
	[tilespmem:s11+$0x0] =	vst.add.f32.msk $0xffff, v0  }
0x45a: {  	s14 =	sor.u32 s12, s2;
	[tilespmem:s6+$0x0] =	vst.add.f32.msk $0xffff, v0  }
0x45b: {  	v0 =	vld [tilespmem:s14+$0x0];
	_ =	sdelay $0x3  }
0x45c: {  	s16 =	sor.u32 s12, s5  }
0x45d: {  	s9 =	sor.u32 $0x80, s16;
	[tilespmem:s16+$0x0] =	vst.add.f32.msk $0xffff, v0  }
0x45e: {  	s17 =	sor.u32 $0x100, s16;
	[tilespmem:s9+$0x0] =	vst.add.f32.msk $0xffff, v0  }
0x45f: {  	s0 =	sor.u32 $0x30, s0;
	s6 =	sor.u32 $0x180, s16;
	[tilespmem:s17+$0x0] =	vst.add.f32.msk $0xffff, v0  }
0x460: {  	s2 =	sor.u32 s0, s2;
	[tilespmem:s6+$0x0] =	vst.add.f32.msk $0xffff, v0  }
0x461: {  	v0 =	vld [tilespmem:s2+$0x0];
	_ =	sdelay $0x1  }
0x462: {  	s21 =	simm.s32 $0x100;
	s0 =	sor.u32 s0, s5  }
0x463: {  	s12 =	simm.s32 $0x40;
	s5 =	sand.u32 $0x3FFFF000, s21;
	s14 =	simm.s32 $0x100  }
0x464: {  	s19 =	simm.s32 $0x8;
	s11 =	simm.s32 $0x2;
	s23 =	sand.u32 $0xE00, s14  }
0x465: {  	s5 =	sor.u32 s23, s5;
	s16 =	sor.u32 $0x80, s0;
	s2 =	sand.u32 $0x3FFFFF80, s19;
	[tilespmem:s0+$0x0] =	vst.add.f32.msk $0xffff, v0  }
0x466: {  	s17 =	sor.u32 $0x100, s0;
	s6 =	sor.u32 $0x180, s0;
	s2 =	sadd.s32 s2, s23;
	[tilespmem:s16+$0x0] =	vst.add.f32.msk $0xffff, v0  }
0x467: {  	s23 =	simm.s32 $0x6000;
	s0 =	sand.u32 $0x40, s12;
	s16 =	sadd.s32 $0x5000, s2;
	[tilespmem:s17+$0x0] =	vst.add.f32.msk $0xffff, v0  }
.LBB2_26:
0x468: {  	p0 =	sne.s32 s11, $0x3F  }
0x469: {  	s2 =	sor.u32 s0, s16;
	[tilespmem:s6+$0x0] =	vst.add.f32.msk $0xffff, v0;
	s6 =	smov.u32 s11;
	s11 =	sadd.s32 $0x1, s11  }
0x46a: {  	v0 =	vld [tilespmem:s2+$0x0];
	_ =	sdelay $0x2  }
0x46b: {  	s2 =	sadd.s32 $0x1A000, s5  }
0x46c: {  	s5 =	sor.u32 s0, s2  }
0x46d: {  	s9 =	sor.u32 $0x80, s5;
	[tilespmem:s5+$0x0] =	vst.add.f32.msk $0xffff, v0  }
0x46e: {  	[tilespmem:s9+$0x0] =	vst.add.f32.msk $0xffff, v0;
	s9 =	sor.u32 $0x100, s5  }
0x46f: {  	s5 =	sor.u32 $0x180, s5;
	[tilespmem:s9+$0x0] =	vst.add.f32.msk $0xffff, v0;
	s9 =	sor.u32 $0x10, s0  }
0x470: {  	[tilespmem:s5+$0x0] =	vst.add.f32.msk $0xffff, v0;
	s5 =	sor.u32 s9, s16;
	s9 =	sor.u32 s9, s2  }
0x471: {  	v0 =	vld [tilespmem:s5+$0x0];
	_ =	sdelay $0x4  }
0x472: {  	s5 =	sor.u32 $0x80, s9;
	[tilespmem:s9+$0x0] =	vst.add.f32.msk $0xffff, v0  }
0x473: {  	[tilespmem:s5+$0x0] =	vst.add.f32.msk $0xffff, v0;
	s5 =	sor.u32 $0x100, s9  }
0x474: {  	[tilespmem:s5+$0x0] =	vst.add.f32.msk $0xffff, v0;
	s5 =	sor.u32 $0x180, s9;
	s9 =	sor.u32 $0x20, s0  }
0x475: {  	[tilespmem:s5+$0x0] =	vst.add.f32.msk $0xffff, v0;
	s5 =	sor.u32 s9, s16;
	s9 =	sor.u32 s9, s2  }
0x476: {  	v0 =	vld [tilespmem:s5+$0x0];
	_ =	sdelay $0x4  }
0x477: {  	s5 =	sor.u32 $0x80, s9;
	[tilespmem:s9+$0x0] =	vst.add.f32.msk $0xffff, v0  }
0x478: {  	[tilespmem:s5+$0x0] =	vst.add.f32.msk $0xffff, v0;
	s5 =	sor.u32 $0x100, s9  }
0x479: {  	s0 =	sor.u32 $0x30, s0;
	[tilespmem:s5+$0x0] =	vst.add.f32.msk $0xffff, v0;
	s5 =	sor.u32 $0x180, s9  }
0x47a: {  	[tilespmem:s5+$0x0] =	vst.add.f32.msk $0xffff, v0;
	s5 =	sor.u32 s0, s16;
	s0 =	sor.u32 s0, s2  }
0x47b: {  	v0 =	vld [tilespmem:s5+$0x0];
	_ =	sdelay $0x2  }
.Ltmp12:
0x47c: {  	s12 =	sadd.s32 $0x40, s12;
	s14 =	sadd.s32 $0x100, s14;
	(pc) =	sbr.rel @p0 .LBB2_26-.Ltmp12, $4  }
0x47d: {  	s2 =	sshll.u32 s6, $0x3;
	s5 =	sshll.u32 s6, $0x8;
	s6 =	sor.u32 $0x180, s0  }
0x47e: {  	s9 =	sand.u32 $0xE00, s14;
	s2 =	sand.u32 $0x3FFFFF80, s2;
	s16 =	sor.u32 $0x80, s0;
	[tilespmem:s0+$0x0] =	vst.add.f32.msk $0xffff, v0  }
0x47f: {  	s17 =	sor.u32 $0x100, s0;
	s2 =	sadd.s32 s2, s9;
	s5 =	sand.u32 $0x3FFFF000, s5;
	[tilespmem:s16+$0x0] =	vst.add.f32.msk $0xffff, v0  }
0x480: {  	s5 =	sor.u32 s9, s5;
	s0 =	sand.u32 $0x40, s12;
	s16 =	sadd.s32 $0x5000, s2;
	[tilespmem:s17+$0x0] =	vst.add.f32.msk $0xffff, v0  }
0x481: {  	s2 =	sor.u32 s0, s16;
	[tilespmem:s6+$0x0] =	vst.add.f32.msk $0xffff, v0  }
0x482: {  	v0 =	vld [tilespmem:s2+$0x0];
	_ =	sdelay $0x2  }
0x483: {  	s2 =	sadd.s32 $0x1A000, s5  }
0x484: {  	s5 =	sor.u32 s0, s2  }
0x485: {  	s14 =	sor.u32 $0x80, s5;
	[tilespmem:s5+$0x0] =	vst.add.f32.msk $0xffff, v0  }
0x486: {  	s17 =	sor.u32 $0x100, s5;
	[tilespmem:s14+$0x0] =	vst.add.f32.msk $0xffff, v0  }
0x487: {  	s19 =	sor.u32 $0x10, s0;
	s5 =	sor.u32 $0x180, s5;
	[tilespmem:s17+$0x0] =	vst.add.f32.msk $0xffff, v0  }
0x488: {  	s21 =	sor.u32 s19, s16;
	[tilespmem:s5+$0x0] =	vst.add.f32.msk $0xffff, v0  }
0x489: {  	v0 =	vld [tilespmem:s21+$0x0];
	_ =	sdelay $0x3  }
0x48a: {  	s4 =	sor.u32 s19, s2  }
0x48b: {  	s6 =	sor.u32 $0x80, s4;
	[tilespmem:s4+$0x0] =	vst.add.f32.msk $0xffff, v0  }
0x48c: {  	s9 =	sor.u32 $0x100, s4;
	[tilespmem:s6+$0x0] =	vst.add.f32.msk $0xffff, v0  }
0x48d: {  	s11 =	sor.u32 $0x20, s0;
	s5 =	sor.u32 $0x180, s4;
	[tilespmem:s9+$0x0] =	vst.add.f32.msk $0xffff, v0  }
0x48e: {  	s12 =	sor.u32 s11, s16;
	[tilespmem:s5+$0x0] =	vst.add.f32.msk $0xffff, v0  }
0x48f: {  	v0 =	vld [tilespmem:s12+$0x0];
	_ =	sdelay $0x3  }
0x490: {  	s14 =	sor.u32 s11, s2  }
0x491: {  	s6 =	sor.u32 $0x80, s14;
	[tilespmem:s14+$0x0] =	vst.add.f32.msk $0xffff, v0  }
0x492: {  	s17 =	sor.u32 $0x100, s14;
	[tilespmem:s6+$0x0] =	vst.add.f32.msk $0xffff, v0  }
0x493: {  	s19 =	sor.u32 $0x30, s0;
	s5 =	sor.u32 $0x180, s14;
	[tilespmem:s17+$0x0] =	vst.add.f32.msk $0xffff, v0  }
0x494: {  	s21 =	sor.u32 s19, s16;
	[tilespmem:s5+$0x0] =	vst.add.f32.msk $0xffff, v0  }
0x495: {  	v0 =	vld [tilespmem:s21+$0x0];
	_ =	sdelay $0x3  }
0x496: {  	s0 =	sor.u32 s19, s2  }
0x497: {  	s2 =	sor.u32 $0x80, s0;
	[tilespmem:s0+$0x0] =	vst.add.f32.msk $0xffff, v0  }
0x498: {  	s4 =	sor.u32 $0x100, s0;
	s6 =	sld [smem:$0x7F9];
	[tilespmem:s2+$0x0] =	vst.add.f32.msk $0xffff, v0  }
0x499: {  	s0 =	sor.u32 $0x180, s0;
	[tilespmem:s4+$0x0] =	vst.add.f32.msk $0xffff, v0  }
0x49a: {  	s5 =	simm.s32 $0x0;
	s4 =	simm.s32 $0x1A000;
	[tilespmem:s0+$0x0] =	vst.add.f32.msk $0xffff, v0  }
0x49b: {  	[hbm4b:s6+s5] =	stream.linear.scatter [tilespmem:s4], [sflag:$0xC], $0x4000, $0x38;
	[tilespmem:$0x1E000] =	vst v63  }
0x49c: {  	_ =	swait.ge [sflag:s24], $0x1000  }
0x49d: {  	[sflag:s24] =	ssyncset.done $0x0  }
0x49e: {  	s9 =	simm.s32 $0x0;
	[sflag:s24] =	ssyncadd.s32 $0xFFFFF000  }
0x49f: {  	s11 =	sand.u32 $0xE00, s5;
	s2 =	sand.u32 $0x3FFFFF80, s9;
	_ =	swait.ge [sflag:s24], $0x4000  }
0x4a0: {  	s2 =	sadd.s32 s2, s11;
	s0 =	sand.u32 $0x40, s5;
	[sflag:s24] =	ssyncset.done $0x0  }
0x4a1: {  	s12 =	sor.u32 s0, s2;
	[sflag:s24] =	ssyncadd.s32 $0xFFFFC000  }
0x4a2: {  	s9 =	simm.s32 $0x0;
	v0 =	vld [tilespmem:s12+$0x0]  }
0x4a3: {  	s14 =	sand.u32 $0x3FFFF000, s9  }
0x4a4: {  	s5 =	sor.u32 s11, s14  }
0x4a5: {  	s5 =	sadd.s32 $0x6000, s5  }
0x4a6: {  	s16 =	sor.u32 s0, s5  }
0x4a7: {  	s17 =	sor.u32 $0x80, s16;
	[tilespmem:s16+$0x0] =	vst.add.f32.msk $0xffff, v0  }
0x4a8: {  	s19 =	sor.u32 $0x100, s16;
	[tilespmem:s17+$0x0] =	vst.add.f32.msk $0xffff, v0  }
0x4a9: {  	s11 =	sor.u32 $0x10, s0;
	s6 =	sor.u32 $0x180, s16;
	[tilespmem:s19+$0x0] =	vst.add.f32.msk $0xffff, v0  }
0x4aa: {  	s21 =	sor.u32 s11, s2;
	[tilespmem:s6+$0x0] =	vst.add.f32.msk $0xffff, v0  }
0x4ab: {  	v0 =	vld [tilespmem:s21+$0x0];
	_ =	sdelay $0x3  }
0x4ac: {  	s4 =	sor.u32 s11, s5  }
0x4ad: {  	s11 =	sor.u32 $0x80, s4;
	[tilespmem:s4+$0x0] =	vst.add.f32.msk $0xffff, v0  }
0x4ae: {  	s12 =	sor.u32 $0x100, s4;
	[tilespmem:s11+$0x0] =	vst.add.f32.msk $0xffff, v0  }
0x4af: {  	s14 =	sor.u32 $0x20, s0;
	s6 =	sor.u32 $0x180, s4;
	[tilespmem:s12+$0x0] =	vst.add.f32.msk $0xffff, v0  }
0x4b0: {  	s16 =	sor.u32 s14, s2;
	[tilespmem:s6+$0x0] =	vst.add.f32.msk $0xffff, v0  }
0x4b1: {  	v0 =	vld [tilespmem:s16+$0x0];
	_ =	sdelay $0x3  }
0x4b2: {  	s17 =	sor.u32 s14, s5  }
0x4b3: {  	s19 =	sor.u32 $0x80, s17;
	[tilespmem:s17+$0x0] =	vst.add.f32.msk $0xffff, v0  }
0x4b4: {  	s21 =	sor.u32 $0x100, s17;
	[tilespmem:s19+$0x0] =	vst.add.f32.msk $0xffff, v0  }
0x4b5: {  	s0 =	sor.u32 $0x30, s0;
	s6 =	sor.u32 $0x180, s17;
	[tilespmem:s21+$0x0] =	vst.add.f32.msk $0xffff, v0  }
0x4b6: {  	s2 =	sor.u32 s0, s2;
	[tilespmem:s6+$0x0] =	vst.add.f32.msk $0xffff, v0  }
0x4b7: {  	v0 =	vld [tilespmem:s2+$0x0];
	_ =	sdelay $0x1  }
0x4b8: {  	s14 =	simm.s32 $0x40  }
0x4b9: {  	s4 =	sor.u32 s0, s5;
	s5 =	simm.s32 $0x2;
	s0 =	simm.s32 $0x100  }
0x4ba: {  	s9 =	sor.u32 $0x180, s4;
	s12 =	sand.u32 $0x40, s14;
	s19 =	simm.s32 $0x8  }
0x4bb: {  	s17 =	sand.u32 $0xE00, s0;
	s11 =	sand.u32 $0x3FFFFF80, s19;
	s21 =	sor.u32 $0x80, s4;
	[tilespmem:s4+$0x0] =	vst.add.f32.msk $0xffff, v0  }
0x4bc: {  	s6 =	simm.s32 $0x100;
	s11 =	sadd.s32 s11, s17;
	s2 =	sor.u32 $0x100, s4;
	[tilespmem:s21+$0x0] =	vst.add.f32.msk $0xffff, v0  }
.LBB2_28:
0x4bd: {  	s19 =	sor.u32 s12, s11  }
0x4be: {  	s21 =	sand.u32 $0x3FFFF000, s6;
	[tilespmem:s2+$0x0] =	vst.add.f32.msk $0xffff, v0;
	s6 =	smov.u32 s5;
	s16 =	sadd.s32 $0x1, s5  }
0x4bf: {  	p0 =	sne.s32 s5, $0x3F;
	s2 =	sor.u32 s17, s21;
	[tilespmem:s9+$0x0] =	vst.add.f32.msk $0xffff, v0  }
0x4c0: {  	v0 =	vld [tilespmem:s19+$0x0];
	s2 =	sadd.s32 $0x6000, s2  }
0x4c1: {  	s5 =	sor.u32 s12, s2;
	_ =	sdelay $0x3  }
0x4c2: {  	s9 =	sor.u32 $0x80, s5;
	[tilespmem:s5+$0x0] =	vst.add.f32.msk $0xffff, v0  }
0x4c3: {  	s17 =	sor.u32 $0x10, s12;
	[tilespmem:s9+$0x0] =	vst.add.f32.msk $0xffff, v0;
	s9 =	sor.u32 $0x100, s5  }
0x4c4: {  	s5 =	sor.u32 $0x180, s5;
	[tilespmem:s9+$0x0] =	vst.add.f32.msk $0xffff, v0;
	s9 =	sor.u32 s17, s11;
	s17 =	sor.u32 s17, s2  }
0x4c5: {  	[tilespmem:s5+$0x0] =	vst.add.f32.msk $0xffff, v0  }
0x4c6: {  	v0 =	vld [tilespmem:s9+$0x0];
	_ =	sdelay $0x4  }
0x4c7: {  	s5 =	sor.u32 $0x80, s17;
	[tilespmem:s17+$0x0] =	vst.add.f32.msk $0xffff, v0  }
0x4c8: {  	s9 =	sor.u32 $0x20, s12;
	[tilespmem:s5+$0x0] =	vst.add.f32.msk $0xffff, v0;
	s5 =	sor.u32 $0x100, s17  }
0x4c9: {  	[tilespmem:s5+$0x0] =	vst.add.f32.msk $0xffff, v0;
	s5 =	sor.u32 $0x180, s17;
	s17 =	sor.u32 s9, s11;
	s9 =	sor.u32 s9, s2  }
0x4ca: {  	[tilespmem:s5+$0x0] =	vst.add.f32.msk $0xffff, v0  }
0x4cb: {  	v0 =	vld [tilespmem:s17+$0x0];
	_ =	sdelay $0x4  }
0x4cc: {  	s5 =	sor.u32 $0x80, s9;
	[tilespmem:s9+$0x0] =	vst.add.f32.msk $0xffff, v0  }
0x4cd: {  	s12 =	sor.u32 $0x30, s12;
	[tilespmem:s5+$0x0] =	vst.add.f32.msk $0xffff, v0;
	s5 =	sor.u32 $0x100, s9  }
0x4ce: {  	s11 =	sor.u32 s12, s11;
	s2 =	sor.u32 s12, s2;
	[tilespmem:s5+$0x0] =	vst.add.f32.msk $0xffff, v0;
	s5 =	sor.u32 $0x180, s9  }
0x4cf: {  	s9 =	sor.u32 $0x180, s2;
	[tilespmem:s5+$0x0] =	vst.add.f32.msk $0xffff, v0  }
0x4d0: {  	v0 =	vld [tilespmem:s11+$0x0];
	_ =	sdelay $0x1  }
.Ltmp13:
0x4d1: {  	(pc) =	sbr.rel @p0 .LBB2_28-.Ltmp13, $4  }
0x4d2: {  	s14 =	sadd.s32 $0x40, s14;
	s0 =	sadd.s32 $0x100, s0  }
0x4d3: {  	s12 =	sand.u32 $0x40, s14;
	s5 =	sshll.u32 s6, $0x3;
	s6 =	sshll.u32 s6, $0x8  }
0x4d4: {  	s19 =	sor.u32 $0x80, s2;
	s17 =	sand.u32 $0xE00, s0;
	s5 =	sand.u32 $0x3FFFFF80, s5;
	[tilespmem:s2+$0x0] =	vst.add.f32.msk $0xffff, v0  }
0x4d5: {  	s11 =	sadd.s32 s5, s17;
	s5 =	smov.u32 s16;
	s2 =	sor.u32 $0x100, s2;
	[tilespmem:s19+$0x0] =	vst.add.f32.msk $0xffff, v0  }
0x4d6: {  	[tilespmem:s2+$0x0] =	vst.add.f32.msk $0xffff, v0  }
0x4d7: {  	s0 =	sor.u32 s12, s11;
	[tilespmem:s9+$0x0] =	vst.add.f32.msk $0xffff, v0  }
0x4d8: {  	v0 =	vld [tilespmem:s0+$0x0]  }
0x4d9: {  	s14 =	sand.u32 $0x3FFFF000, s6  }
0x4da: {  	s0 =	sor.u32 s17, s14  }
0x4db: {  	s0 =	sadd.s32 $0x6000, s0  }
0x4dc: {  	s16 =	sor.u32 s12, s0  }
0x4dd: {  	s5 =	sor.u32 $0x80, s16;
	[tilespmem:s16+$0x0] =	vst.add.f32.msk $0xffff, v0  }
0x4de: {  	s17 =	sor.u32 $0x100, s16;
	[tilespmem:s5+$0x0] =	vst.add.f32.msk $0xffff, v0  }
0x4df: {  	s19 =	sor.u32 $0x10, s12;
	s2 =	sor.u32 $0x180, s16;
	[tilespmem:s17+$0x0] =	vst.add.f32.msk $0xffff, v0  }
0x4e0: {  	s21 =	sor.u32 s19, s11;
	[tilespmem:s2+$0x0] =	vst.add.f32.msk $0xffff, v0  }
0x4e1: {  	v0 =	vld [tilespmem:s21+$0x0];
	_ =	sdelay $0x3  }
0x4e2: {  	s4 =	sor.u32 s19, s0  }
0x4e3: {  	s6 =	sor.u32 $0x80, s4;
	[tilespmem:s4+$0x0] =	vst.add.f32.msk $0xffff, v0  }
0x4e4: {  	s9 =	sor.u32 $0x100, s4;
	[tilespmem:s6+$0x0] =	vst.add.f32.msk $0xffff, v0  }
0x4e5: {  	s14 =	sor.u32 $0x20, s12;
	s2 =	sor.u32 $0x180, s4;
	[tilespmem:s9+$0x0] =	vst.add.f32.msk $0xffff, v0  }
0x4e6: {  	s16 =	sor.u32 s14, s11;
	[tilespmem:s2+$0x0] =	vst.add.f32.msk $0xffff, v0  }
0x4e7: {  	v0 =	vld [tilespmem:s16+$0x0];
	_ =	sdelay $0x3  }
0x4e8: {  	s17 =	sor.u32 s14, s0  }
0x4e9: {  	s19 =	sor.u32 $0x80, s17;
	[tilespmem:s17+$0x0] =	vst.add.f32.msk $0xffff, v0  }
0x4ea: {  	s21 =	sor.u32 $0x100, s17;
	[tilespmem:s19+$0x0] =	vst.add.f32.msk $0xffff, v0  }
0x4eb: {  	s4 =	sor.u32 $0x30, s12;
	s2 =	sor.u32 $0x180, s17;
	[tilespmem:s21+$0x0] =	vst.add.f32.msk $0xffff, v0  }
0x4ec: {  	s9 =	sor.u32 s4, s11;
	[tilespmem:s2+$0x0] =	vst.add.f32.msk $0xffff, v0  }
0x4ed: {  	v0 =	vld [tilespmem:s9+$0x0];
	_ =	sdelay $0x3  }
0x4ee: {  	s0 =	sor.u32 s4, s0  }
0x4ef: {  	s11 =	sor.u32 $0x80, s0;
	[tilespmem:s0+$0x0] =	vst.add.f32.msk $0xffff, v0  }
0x4f0: {  	s12 =	sor.u32 $0x100, s0;
	s16 =	sld [smem:$0x7FA];
	[tilespmem:s11+$0x0] =	vst.add.f32.msk $0xffff, v0  }
0x4f1: {  	s0 =	sor.u32 $0x180, s0;
	[tilespmem:s12+$0x0] =	vst.add.f32.msk $0xffff, v0  }
0x4f2: {  	s14 =	simm.s32 $0x0;
	[tilespmem:s0+$0x0] =	vst.add.f32.msk $0xffff, v0  }
0x4f3: {  	[hbm4b:s16+s14] =	stream.linear.scatter [tilespmem:s23], [sflag:$0x7], $0x4000, $0x38;
	[tilespmem:$0x1E000] =	vst v63  }
0x4f4: {  	_ =	swait.ge [sflag:s15], $0x1000  }
0x4f5: {  	s17 =	simm.s32 $0x0;
	[sflag:s15] =	ssyncset.done $0x0  }
0x4f6: {  	s19 =	sand.u32 $0xE00, s14;
	s2 =	sand.u32 $0x3FFFFF80, s17;
	[sflag:s15] =	ssyncadd.s32 $0xFFFFF000  }
0x4f7: {  	s2 =	sadd.s32 s2, s19;
	_ =	swait.ge [sflag:s15], $0x4000  }
0x4f8: {  	s2 =	sadd.s32 $0x1000, s2;
	s0 =	sand.u32 $0x40, s14;
	[sflag:s15] =	ssyncset.done $0x0  }
0x4f9: {  	s21 =	sor.u32 s0, s2;
	[sflag:s15] =	ssyncadd.s32 $0xFFFFC000  }
0x4fa: {  	s4 =	simm.s32 $0x0;
	v0 =	vld [tilespmem:s21+$0x0]  }
0x4fb: {  	s9 =	sand.u32 $0x3FFFF000, s4  }
0x4fc: {  	s5 =	sor.u32 s19, s9  }
0x4fd: {  	s5 =	sadd.s32 $0xA000, s5  }
0x4fe: {  	s11 =	sor.u32 s0, s5  }
0x4ff: {  	s12 =	sor.u32 $0x80, s11;
	[tilespmem:s11+$0x0] =	vst.add.f32.msk $0xffff, v0  }
0x500: {  	s14 =	sor.u32 $0x100, s11;
	[tilespmem:s12+$0x0] =	vst.add.f32.msk $0xffff, v0  }
0x501: {  	s16 =	sor.u32 $0x10, s0;
	s6 =	sor.u32 $0x180, s11;
	[tilespmem:s14+$0x0] =	vst.add.f32.msk $0xffff, v0  }
0x502: {  	s17 =	sor.u32 s16, s2;
	[tilespmem:s6+$0x0] =	vst.add.f32.msk $0xffff, v0  }
0x503: {  	v0 =	vld [tilespmem:s17+$0x0];
	_ =	sdelay $0x3  }
0x504: {  	s19 =	sor.u32 s16, s5  }
0x505: {  	s9 =	sor.u32 $0x80, s19;
	[tilespmem:s19+$0x0] =	vst.add.f32.msk $0xffff, v0  }
0x506: {  	s21 =	sor.u32 $0x100, s19;
	[tilespmem:s9+$0x0] =	vst.add.f32.msk $0xffff, v0  }
0x507: {  	s4 =	sor.u32 $0x20, s0;
	s6 =	sor.u32 $0x180, s19;
	[tilespmem:s21+$0x0] =	vst.add.f32.msk $0xffff, v0  }
0x508: {  	s11 =	sor.u32 s4, s2;
	[tilespmem:s6+$0x0] =	vst.add.f32.msk $0xffff, v0  }
0x509: {  	v0 =	vld [tilespmem:s11+$0x0];
	_ =	sdelay $0x3  }
0x50a: {  	s12 =	sor.u32 s4, s5  }
0x50b: {  	s9 =	sor.u32 $0x80, s12;
	[tilespmem:s12+$0x0] =	vst.add.f32.msk $0xffff, v0  }
0x50c: {  	s14 =	sor.u32 $0x100, s12;
	[tilespmem:s9+$0x0] =	vst.add.f32.msk $0xffff, v0  }
0x50d: {  	s0 =	sor.u32 $0x30, s0;
	s6 =	sor.u32 $0x180, s12;
	[tilespmem:s14+$0x0] =	vst.add.f32.msk $0xffff, v0  }
0x50e: {  	s2 =	sor.u32 s0, s2;
	[tilespmem:s6+$0x0] =	vst.add.f32.msk $0xffff, v0  }
0x50f: {  	v0 =	vld [tilespmem:s2+$0x0];
	_ =	sdelay $0x1  }
0x510: {  	s16 =	simm.s32 $0x8;
	s17 =	simm.s32 $0x100  }
0x511: {  	s0 =	sor.u32 s0, s5;
	s4 =	sld [smem:$0x7EF];
	s5 =	sand.u32 $0x3FFFF000, s17  }
0x512: {  	s21 =	sor.u32 $0x100, s0;
	s11 =	simm.s32 $0x2;
	s14 =	simm.s32 $0x100  }
0x513: {  	s19 =	sand.u32 $0xE00, s14;
	s2 =	sand.u32 $0x3FFFFF80, s16;
	s16 =	sor.u32 $0x80, s0;
	[tilespmem:s0+$0x0] =	vst.add.f32.msk $0xffff, v0  }
0x514: {  	s12 =	simm.s32 $0x40;
	s6 =	sor.u32 $0x180, s0;
	s2 =	sadd.s32 s2, s19;
	[tilespmem:s16+$0x0] =	vst.add.f32.msk $0xffff, v0  }
0x515: {  	s5 =	sor.u32 s19, s5;
	s0 =	sand.u32 $0x40, s12;
	s16 =	sadd.s32 $0x1000, s2;
	[tilespmem:s21+$0x0] =	vst.add.f32.msk $0xffff, v0  }
.LBB2_30:
0x516: {  	p0 =	sne.s32 s11, $0x3F  }
0x517: {  	s2 =	sor.u32 s0, s16;
	[tilespmem:s6+$0x0] =	vst.add.f32.msk $0xffff, v0;
	s6 =	smov.u32 s11;
	s11 =	sadd.s32 $0x1, s11  }
0x518: {  	v0 =	vld [tilespmem:s2+$0x0];
	_ =	sdelay $0x2  }
0x519: {  	s2 =	sadd.s32 $0xA000, s5  }
0x51a: {  	s5 =	sor.u32 s0, s2  }
0x51b: {  	s9 =	sor.u32 $0x80, s5;
	[tilespmem:s5+$0x0] =	vst.add.f32.msk $0xffff, v0  }
0x51c: {  	[tilespmem:s9+$0x0] =	vst.add.f32.msk $0xffff, v0;
	s9 =	sor.u32 $0x100, s5  }
0x51d: {  	s5 =	sor.u32 $0x180, s5;
	[tilespmem:s9+$0x0] =	vst.add.f32.msk $0xffff, v0;
	s9 =	sor.u32 $0x10, s0  }
0x51e: {  	[tilespmem:s5+$0x0] =	vst.add.f32.msk $0xffff, v0;
	s5 =	sor.u32 s9, s16;
	s9 =	sor.u32 s9, s2  }
0x51f: {  	v0 =	vld [tilespmem:s5+$0x0];
	_ =	sdelay $0x4  }
0x520: {  	s5 =	sor.u32 $0x80, s9;
	[tilespmem:s9+$0x0] =	vst.add.f32.msk $0xffff, v0  }
0x521: {  	[tilespmem:s5+$0x0] =	vst.add.f32.msk $0xffff, v0;
	s5 =	sor.u32 $0x100, s9  }
0x522: {  	[tilespmem:s5+$0x0] =	vst.add.f32.msk $0xffff, v0;
	s5 =	sor.u32 $0x180, s9;
	s9 =	sor.u32 $0x20, s0  }
0x523: {  	[tilespmem:s5+$0x0] =	vst.add.f32.msk $0xffff, v0;
	s5 =	sor.u32 s9, s16;
	s9 =	sor.u32 s9, s2  }
0x524: {  	v0 =	vld [tilespmem:s5+$0x0];
	_ =	sdelay $0x4  }
0x525: {  	s5 =	sor.u32 $0x80, s9;
	[tilespmem:s9+$0x0] =	vst.add.f32.msk $0xffff, v0  }
0x526: {  	[tilespmem:s5+$0x0] =	vst.add.f32.msk $0xffff, v0;
	s5 =	sor.u32 $0x100, s9  }
0x527: {  	s0 =	sor.u32 $0x30, s0;
	[tilespmem:s5+$0x0] =	vst.add.f32.msk $0xffff, v0;
	s5 =	sor.u32 $0x180, s9  }
0x528: {  	[tilespmem:s5+$0x0] =	vst.add.f32.msk $0xffff, v0;
	s5 =	sor.u32 s0, s16;
	s0 =	sor.u32 s0, s2  }
0x529: {  	v0 =	vld [tilespmem:s5+$0x0];
	_ =	sdelay $0x2  }
.Ltmp14:
0x52a: {  	s12 =	sadd.s32 $0x40, s12;
	s14 =	sadd.s32 $0x100, s14;
	(pc) =	sbr.rel @p0 .LBB2_30-.Ltmp14, $4  }
0x52b: {  	s2 =	sshll.u32 s6, $0x3;
	s5 =	sshll.u32 s6, $0x8;
	s6 =	sor.u32 $0x180, s0  }
0x52c: {  	s9 =	sand.u32 $0xE00, s14;
	s2 =	sand.u32 $0x3FFFFF80, s2;
	s16 =	sor.u32 $0x80, s0;
	[tilespmem:s0+$0x0] =	vst.add.f32.msk $0xffff, v0  }
0x52d: {  	s17 =	sor.u32 $0x100, s0;
	s2 =	sadd.s32 s2, s9;
	s5 =	sand.u32 $0x3FFFF000, s5;
	[tilespmem:s16+$0x0] =	vst.add.f32.msk $0xffff, v0  }
0x52e: {  	s5 =	sor.u32 s9, s5;
	s0 =	sand.u32 $0x40, s12;
	s16 =	sadd.s32 $0x1000, s2;
	[tilespmem:s17+$0x0] =	vst.add.f32.msk $0xffff, v0  }
0x52f: {  	s2 =	sor.u32 s0, s16;
	[tilespmem:s6+$0x0] =	vst.add.f32.msk $0xffff, v0  }
0x530: {  	v0 =	vld [tilespmem:s2+$0x0];
	_ =	sdelay $0x2  }
0x531: {  	s2 =	sadd.s32 $0xA000, s5  }
0x532: {  	s5 =	sor.u32 s0, s2  }
0x533: {  	s12 =	sor.u32 $0x80, s5;
	[tilespmem:s5+$0x0] =	vst.add.f32.msk $0xffff, v0  }
0x534: {  	s14 =	sor.u32 $0x100, s5;
	[tilespmem:s12+$0x0] =	vst.add.f32.msk $0xffff, v0  }
0x535: {  	s17 =	sor.u32 $0x10, s0;
	s5 =	sor.u32 $0x180, s5;
	[tilespmem:s14+$0x0] =	vst.add.f32.msk $0xffff, v0  }
0x536: {  	s19 =	sor.u32 s17, s16;
	[tilespmem:s5+$0x0] =	vst.add.f32.msk $0xffff, v0  }
0x537: {  	v0 =	vld [tilespmem:s19+$0x0];
	_ =	sdelay $0x3  }
0x538: {  	s21 =	sor.u32 s17, s2  }
0x539: {  	s6 =	sor.u32 $0x80, s21;
	[tilespmem:s21+$0x0] =	vst.add.f32.msk $0xffff, v0  }
0x53a: {  	s9 =	sor.u32 $0x100, s21;
	[tilespmem:s6+$0x0] =	vst.add.f32.msk $0xffff, v0  }
0x53b: {  	s11 =	sor.u32 $0x20, s0;
	s5 =	sor.u32 $0x180, s21;
	[tilespmem:s9+$0x0] =	vst.add.f32.msk $0xffff, v0  }
0x53c: {  	s12 =	sor.u32 s11, s16;
	[tilespmem:s5+$0x0] =	vst.add.f32.msk $0xffff, v0  }
0x53d: {  	v0 =	vld [tilespmem:s12+$0x0];
	_ =	sdelay $0x3  }
0x53e: {  	s14 =	sor.u32 s11, s2  }
0x53f: {  	s6 =	sor.u32 $0x80, s14;
	[tilespmem:s14+$0x0] =	vst.add.f32.msk $0xffff, v0  }
0x540: {  	s17 =	sor.u32 $0x100, s14;
	[tilespmem:s6+$0x0] =	vst.add.f32.msk $0xffff, v0  }
0x541: {  	s19 =	sor.u32 $0x30, s0;
	s5 =	sor.u32 $0x180, s14;
	[tilespmem:s17+$0x0] =	vst.add.f32.msk $0xffff, v0  }
0x542: {  	s21 =	sor.u32 s19, s16;
	[tilespmem:s5+$0x0] =	vst.add.f32.msk $0xffff, v0  }
0x543: {  	v0 =	vld [tilespmem:s21+$0x0];
	_ =	sdelay $0x3  }
0x544: {  	s0 =	sor.u32 s19, s2  }
0x545: {  	s2 =	sor.u32 $0x80, s0;
	[tilespmem:s0+$0x0] =	vst.add.f32.msk $0xffff, v0  }
0x546: {  	s11 =	sld [smem:$0x7FB];
	s6 =	sor.u32 $0x100, s0;
	[tilespmem:s2+$0x0] =	vst.add.f32.msk $0xffff, v0  }
0x547: {  	s0 =	sor.u32 $0x180, s0;
	[tilespmem:s6+$0x0] =	vst.add.f32.msk $0xffff, v0  }
0x548: {  	s9 =	simm.s32 $0x0;
	s12 =	simm.s32 $0xA000;
	[tilespmem:s0+$0x0] =	vst.add.f32.msk $0xffff, v0  }
0x549: {  	[hbm4b:s11+s9] =	stream.linear.scatter [tilespmem:s12], [sflag:$0x8], $0x4000, $0x38;
	[tilespmem:$0x1E000] =	vst v63  }
0x54a: {  	_ =	swait.ge [sflag:s25], $0x1000  }
0x54b: {  	s14 =	simm.s32 $0x0;
	[sflag:s25] =	ssyncset.done $0x0  }
0x54c: {  	s16 =	sand.u32 $0xE00, s9;
	s2 =	sand.u32 $0x3FFFFF80, s14;
	[sflag:s25] =	ssyncadd.s32 $0xFFFFF000  }
0x54d: {  	s2 =	sadd.s32 s2, s16;
	_ =	swait.ge [sflag:s25], $0x4000  }
0x54e: {  	s0 =	sand.u32 $0x40, s9;
	s2 =	sadd.s32 $0x2000, s2;
	[sflag:s25] =	ssyncset.done $0x0  }
0x54f: {  	s17 =	sor.u32 s0, s2;
	[sflag:s25] =	ssyncadd.s32 $0xFFFFC000  }
0x550: {  	s9 =	simm.s32 $0x0;
	v0 =	vld [tilespmem:s17+$0x0]  }
0x551: {  	s19 =	sand.u32 $0x3FFFF000, s9  }
0x552: {  	s5 =	sor.u32 s16, s19  }
0x553: {  	s5 =	sadd.s32 $0xE000, s5  }
0x554: {  	s21 =	sor.u32 s0, s5  }
0x555: {  	s11 =	sor.u32 $0x80, s21;
	[tilespmem:s21+$0x0] =	vst.add.f32.msk $0xffff, v0  }
0x556: {  	s12 =	sor.u32 $0x100, s21;
	[tilespmem:s11+$0x0] =	vst.add.f32.msk $0xffff, v0  }
0x557: {  	s14 =	sor.u32 $0x10, s0;
	s6 =	sor.u32 $0x180, s21;
	[tilespmem:s12+$0x0] =	vst.add.f32.msk $0xffff, v0  }
0x558: {  	s16 =	sor.u32 s14, s2;
	[tilespmem:s6+$0x0] =	vst.add.f32.msk $0xffff, v0  }
0x559: {  	v0 =	vld [tilespmem:s16+$0x0];
	_ =	sdelay $0x3  }
0x55a: {  	s17 =	sor.u32 s14, s5  }
0x55b: {  	s9 =	sor.u32 $0x80, s17;
	[tilespmem:s17+$0x0] =	vst.add.f32.msk $0xffff, v0  }
0x55c: {  	s19 =	sor.u32 $0x100, s17;
	[tilespmem:s9+$0x0] =	vst.add.f32.msk $0xffff, v0  }
0x55d: {  	s21 =	sor.u32 $0x20, s0;
	s6 =	sor.u32 $0x180, s17;
	[tilespmem:s19+$0x0] =	vst.add.f32.msk $0xffff, v0  }
0x55e: {  	s11 =	sor.u32 s21, s2;
	[tilespmem:s6+$0x0] =	vst.add.f32.msk $0xffff, v0  }
0x55f: {  	v0 =	vld [tilespmem:s11+$0x0];
	_ =	sdelay $0x3  }
0x560: {  	s12 =	sor.u32 s21, s5  }
0x561: {  	s9 =	sor.u32 $0x80, s12;
	[tilespmem:s12+$0x0] =	vst.add.f32.msk $0xffff, v0  }
0x562: {  	s14 =	sor.u32 $0x100, s12;
	[tilespmem:s9+$0x0] =	vst.add.f32.msk $0xffff, v0  }
0x563: {  	s0 =	sor.u32 $0x30, s0;
	s6 =	sor.u32 $0x180, s12;
	[tilespmem:s14+$0x0] =	vst.add.f32.msk $0xffff, v0  }
0x564: {  	s2 =	sor.u32 s0, s2;
	[tilespmem:s6+$0x0] =	vst.add.f32.msk $0xffff, v0  }
0x565: {  	v0 =	vld [tilespmem:s2+$0x0];
	_ =	sdelay $0x1  }
0x566: {  	s0 =	sor.u32 s0, s5  }
0x567: {  	s21 =	sor.u32 $0x80, s0;
	s16 =	simm.s32 $0x8;
	s17 =	simm.s32 $0x100  }
0x568: {  	s5 =	sand.u32 $0x3FFFF000, s17;
	s17 =	sor.u32 $0x100, s0;
	s14 =	simm.s32 $0x100  }
0x569: {  	s11 =	simm.s32 $0x2;
	s19 =	sand.u32 $0xE00, s14;
	s2 =	sand.u32 $0x3FFFFF80, s16;
	[tilespmem:s0+$0x0] =	vst.add.f32.msk $0xffff, v0  }
0x56a: {  	s12 =	simm.s32 $0x40;
	s6 =	sor.u32 $0x180, s0;
	s2 =	sadd.s32 s2, s19;
	[tilespmem:s21+$0x0] =	vst.add.f32.msk $0xffff, v0  }
0x56b: {  	s5 =	sor.u32 s19, s5;
	s16 =	sadd.s32 $0x2000, s2;
	s0 =	sand.u32 $0x40, s12;
	[tilespmem:s17+$0x0] =	vst.add.f32.msk $0xffff, v0  }
.LBB2_32:
0x56c: {  	p0 =	sne.s32 s11, $0x3F  }
0x56d: {  	s2 =	sor.u32 s0, s16;
	[tilespmem:s6+$0x0] =	vst.add.f32.msk $0xffff, v0;
	s6 =	smov.u32 s11;
	s11 =	sadd.s32 $0x1, s11  }
0x56e: {  	v0 =	vld [tilespmem:s2+$0x0];
	_ =	sdelay $0x2  }
0x56f: {  	s2 =	sadd.s32 $0xE000, s5  }
0x570: {  	s5 =	sor.u32 s0, s2  }
0x571: {  	s9 =	sor.u32 $0x80, s5;
	[tilespmem:s5+$0x0] =	vst.add.f32.msk $0xffff, v0  }
0x572: {  	[tilespmem:s9+$0x0] =	vst.add.f32.msk $0xffff, v0;
	s9 =	sor.u32 $0x100, s5  }
0x573: {  	s5 =	sor.u32 $0x180, s5;
	[tilespmem:s9+$0x0] =	vst.add.f32.msk $0xffff, v0;
	s9 =	sor.u32 $0x10, s0  }
0x574: {  	[tilespmem:s5+$0x0] =	vst.add.f32.msk $0xffff, v0;
	s5 =	sor.u32 s9, s16;
	s9 =	sor.u32 s9, s2  }
0x575: {  	v0 =	vld [tilespmem:s5+$0x0];
	_ =	sdelay $0x4  }
0x576: {  	s5 =	sor.u32 $0x80, s9;
	[tilespmem:s9+$0x0] =	vst.add.f32.msk $0xffff, v0  }
0x577: {  	[tilespmem:s5+$0x0] =	vst.add.f32.msk $0xffff, v0;
	s5 =	sor.u32 $0x100, s9  }
0x578: {  	[tilespmem:s5+$0x0] =	vst.add.f32.msk $0xffff, v0;
	s5 =	sor.u32 $0x180, s9;
	s9 =	sor.u32 $0x20, s0  }
0x579: {  	[tilespmem:s5+$0x0] =	vst.add.f32.msk $0xffff, v0;
	s5 =	sor.u32 s9, s16;
	s9 =	sor.u32 s9, s2  }
0x57a: {  	v0 =	vld [tilespmem:s5+$0x0];
	_ =	sdelay $0x4  }
0x57b: {  	s5 =	sor.u32 $0x80, s9;
	[tilespmem:s9+$0x0] =	vst.add.f32.msk $0xffff, v0  }
0x57c: {  	[tilespmem:s5+$0x0] =	vst.add.f32.msk $0xffff, v0;
	s5 =	sor.u32 $0x100, s9  }
0x57d: {  	s0 =	sor.u32 $0x30, s0;
	[tilespmem:s5+$0x0] =	vst.add.f32.msk $0xffff, v0;
	s5 =	sor.u32 $0x180, s9  }
0x57e: {  	[tilespmem:s5+$0x0] =	vst.add.f32.msk $0xffff, v0;
	s5 =	sor.u32 s0, s16;
	s0 =	sor.u32 s0, s2  }
0x57f: {  	v0 =	vld [tilespmem:s5+$0x0];
	_ =	sdelay $0x2  }
.Ltmp15:
0x580: {  	s12 =	sadd.s32 $0x40, s12;
	s14 =	sadd.s32 $0x100, s14;
	(pc) =	sbr.rel @p0 .LBB2_32-.Ltmp15, $4  }
0x581: {  	s2 =	sshll.u32 s6, $0x3;
	s5 =	sshll.u32 s6, $0x8;
	s6 =	sor.u32 $0x180, s0  }
0x582: {  	s9 =	sand.u32 $0xE00, s14;
	s2 =	sand.u32 $0x3FFFFF80, s2;
	s16 =	sor.u32 $0x80, s0;
	[tilespmem:s0+$0x0] =	vst.add.f32.msk $0xffff, v0  }
0x583: {  	s17 =	sor.u32 $0x100, s0;
	s2 =	sadd.s32 s2, s9;
	s5 =	sand.u32 $0x3FFFF000, s5;
	[tilespmem:s16+$0x0] =	vst.add.f32.msk $0xffff, v0  }
0x584: {  	s5 =	sor.u32 s9, s5;
	s0 =	sand.u32 $0x40, s12;
	s16 =	sadd.s32 $0x2000, s2;
	[tilespmem:s17+$0x0] =	vst.add.f32.msk $0xffff, v0  }
0x585: {  	s2 =	sor.u32 s0, s16;
	[tilespmem:s6+$0x0] =	vst.add.f32.msk $0xffff, v0  }
0x586: {  	v0 =	vld [tilespmem:s2+$0x0];
	_ =	sdelay $0x2  }
0x587: {  	s2 =	sadd.s32 $0xE000, s5  }
0x588: {  	s5 =	sor.u32 s0, s2  }
0x589: {  	s14 =	sor.u32 $0x80, s5;
	[tilespmem:s5+$0x0] =	vst.add.f32.msk $0xffff, v0  }
0x58a: {  	s17 =	sor.u32 $0x100, s5;
	[tilespmem:s14+$0x0] =	vst.add.f32.msk $0xffff, v0  }
0x58b: {  	s19 =	sor.u32 $0x10, s0;
	s5 =	sor.u32 $0x180, s5;
	[tilespmem:s17+$0x0] =	vst.add.f32.msk $0xffff, v0  }
0x58c: {  	s21 =	sor.u32 s19, s16;
	[tilespmem:s5+$0x0] =	vst.add.f32.msk $0xffff, v0  }
0x58d: {  	v0 =	vld [tilespmem:s21+$0x0];
	_ =	sdelay $0x3  }
0x58e: {  	s9 =	sor.u32 s19, s2  }
0x58f: {  	s6 =	sor.u32 $0x80, s9;
	[tilespmem:s9+$0x0] =	vst.add.f32.msk $0xffff, v0  }
0x590: {  	s11 =	sor.u32 $0x100, s9;
	[tilespmem:s6+$0x0] =	vst.add.f32.msk $0xffff, v0  }
0x591: {  	s12 =	sor.u32 $0x20, s0;
	s5 =	sor.u32 $0x180, s9;
	[tilespmem:s11+$0x0] =	vst.add.f32.msk $0xffff, v0  }
0x592: {  	s14 =	sor.u32 s12, s16;
	[tilespmem:s5+$0x0] =	vst.add.f32.msk $0xffff, v0  }
0x593: {  	v0 =	vld [tilespmem:s14+$0x0];
	_ =	sdelay $0x3  }
0x594: {  	s17 =	sor.u32 s12, s2  }
0x595: {  	s6 =	sor.u32 $0x80, s17;
	[tilespmem:s17+$0x0] =	vst.add.f32.msk $0xffff, v0  }
0x596: {  	s19 =	sor.u32 $0x100, s17;
	[tilespmem:s6+$0x0] =	vst.add.f32.msk $0xffff, v0  }
0x597: {  	s21 =	sor.u32 $0x30, s0;
	s5 =	sor.u32 $0x180, s17;
	[tilespmem:s19+$0x0] =	vst.add.f32.msk $0xffff, v0  }
0x598: {  	s6 =	sor.u32 s21, s16;
	[tilespmem:s5+$0x0] =	vst.add.f32.msk $0xffff, v0  }
0x599: {  	v0 =	vld [tilespmem:s6+$0x0];
	_ =	sdelay $0x3  }
0x59a: {  	s0 =	sor.u32 s21, s2  }
0x59b: {  	s2 =	sor.u32 $0x80, s0;
	[tilespmem:s0+$0x0] =	vst.add.f32.msk $0xffff, v0  }
0x59c: {  	s12 =	sld [smem:$0x7FC];
	s9 =	sor.u32 $0x100, s0;
	[tilespmem:s2+$0x0] =	vst.add.f32.msk $0xffff, v0  }
0x59d: {  	s0 =	sor.u32 $0x180, s0;
	[tilespmem:s9+$0x0] =	vst.add.f32.msk $0xffff, v0  }
0x59e: {  	s11 =	simm.s32 $0x0;
	[tilespmem:s0+$0x0] =	vst.add.f32.msk $0xffff, v0  }
0x59f: {  	[hbm4b:s12+s11] =	stream.linear.scatter [tilespmem:s31], [sflag:$0x9], $0x4000, $0x38;
	[tilespmem:$0x1E000] =	vst v63  }
0x5a0: {  	_ =	swait.ge [sflag:s7], $0x1000  }
0x5a1: {  	s14 =	simm.s32 $0x0;
	[sflag:s7] =	ssyncset.done $0x0  }
0x5a2: {  	s16 =	sand.u32 $0xE00, s11;
	s2 =	sand.u32 $0x3FFFFF80, s14;
	[sflag:s7] =	ssyncadd.s32 $0xFFFFF000  }
0x5a3: {  	s2 =	sadd.s32 s2, s16;
	_ =	swait.ge [sflag:s7], $0x4000  }
0x5a4: {  	s0 =	sand.u32 $0x40, s11;
	s2 =	sadd.s32 $0x3000, s2;
	[sflag:s7] =	ssyncset.done $0x0  }
0x5a5: {  	s17 =	sor.u32 s0, s2;
	[sflag:s7] =	ssyncadd.s32 $0xFFFFC000  }
0x5a6: {  	s9 =	simm.s32 $0x0;
	v0 =	vld [tilespmem:s17+$0x0]  }
0x5a7: {  	s19 =	sand.u32 $0x3FFFF000, s9  }
0x5a8: {  	s5 =	sor.u32 s16, s19  }
0x5a9: {  	s5 =	sadd.s32 $0x12000, s5  }
0x5aa: {  	s21 =	sor.u32 s0, s5  }
0x5ab: {  	s11 =	sor.u32 $0x80, s21;
	[tilespmem:s21+$0x0] =	vst.add.f32.msk $0xffff, v0  }
0x5ac: {  	s12 =	sor.u32 $0x100, s21;
	[tilespmem:s11+$0x0] =	vst.add.f32.msk $0xffff, v0  }
0x5ad: {  	s14 =	sor.u32 $0x10, s0;
	s6 =	sor.u32 $0x180, s21;
	[tilespmem:s12+$0x0] =	vst.add.f32.msk $0xffff, v0  }
0x5ae: {  	s16 =	sor.u32 s14, s2;
	[tilespmem:s6+$0x0] =	vst.add.f32.msk $0xffff, v0  }
0x5af: {  	v0 =	vld [tilespmem:s16+$0x0];
	_ =	sdelay $0x3  }
0x5b0: {  	s17 =	sor.u32 s14, s5  }
0x5b1: {  	s9 =	sor.u32 $0x80, s17;
	[tilespmem:s17+$0x0] =	vst.add.f32.msk $0xffff, v0  }
0x5b2: {  	s19 =	sor.u32 $0x100, s17;
	[tilespmem:s9+$0x0] =	vst.add.f32.msk $0xffff, v0  }
0x5b3: {  	s21 =	sor.u32 $0x20, s0;
	s6 =	sor.u32 $0x180, s17;
	[tilespmem:s19+$0x0] =	vst.add.f32.msk $0xffff, v0  }
0x5b4: {  	s11 =	sor.u32 s21, s2;
	[tilespmem:s6+$0x0] =	vst.add.f32.msk $0xffff, v0  }
0x5b5: {  	v0 =	vld [tilespmem:s11+$0x0];
	_ =	sdelay $0x3  }
0x5b6: {  	s12 =	sor.u32 s21, s5  }
0x5b7: {  	s9 =	sor.u32 $0x80, s12;
	[tilespmem:s12+$0x0] =	vst.add.f32.msk $0xffff, v0  }
0x5b8: {  	s14 =	sor.u32 $0x100, s12;
	[tilespmem:s9+$0x0] =	vst.add.f32.msk $0xffff, v0  }
0x5b9: {  	s0 =	sor.u32 $0x30, s0;
	s6 =	sor.u32 $0x180, s12;
	[tilespmem:s14+$0x0] =	vst.add.f32.msk $0xffff, v0  }
0x5ba: {  	s2 =	sor.u32 s0, s2;
	[tilespmem:s6+$0x0] =	vst.add.f32.msk $0xffff, v0  }
0x5bb: {  	v0 =	vld [tilespmem:s2+$0x0];
	_ =	sdelay $0x1  }
0x5bc: {  	s0 =	sor.u32 s0, s5  }
0x5bd: {  	s21 =	sor.u32 $0x80, s0;
	s16 =	simm.s32 $0x8;
	s17 =	simm.s32 $0x100  }
0x5be: {  	s5 =	sand.u32 $0x3FFFF000, s17;
	s17 =	sor.u32 $0x100, s0;
	s14 =	simm.s32 $0x100  }
0x5bf: {  	s11 =	simm.s32 $0x2;
	s19 =	sand.u32 $0xE00, s14;
	s2 =	sand.u32 $0x3FFFFF80, s16;
	[tilespmem:s0+$0x0] =	vst.add.f32.msk $0xffff, v0  }
0x5c0: {  	s12 =	simm.s32 $0x40;
	s6 =	sor.u32 $0x180, s0;
	s2 =	sadd.s32 s2, s19;
	[tilespmem:s21+$0x0] =	vst.add.f32.msk $0xffff, v0  }
0x5c1: {  	s5 =	sor.u32 s19, s5;
	s16 =	sadd.s32 $0x3000, s2;
	s0 =	sand.u32 $0x40, s12;
	[tilespmem:s17+$0x0] =	vst.add.f32.msk $0xffff, v0  }
.LBB2_34:
0x5c2: {  	p0 =	sne.s32 s11, $0x3F  }
0x5c3: {  	s2 =	sor.u32 s0, s16;
	[tilespmem:s6+$0x0] =	vst.add.f32.msk $0xffff, v0;
	s6 =	smov.u32 s11;
	s11 =	sadd.s32 $0x1, s11  }
0x5c4: {  	v0 =	vld [tilespmem:s2+$0x0];
	_ =	sdelay $0x2  }
0x5c5: {  	s2 =	sadd.s32 $0x12000, s5  }
0x5c6: {  	s5 =	sor.u32 s0, s2  }
0x5c7: {  	s9 =	sor.u32 $0x80, s5;
	[tilespmem:s5+$0x0] =	vst.add.f32.msk $0xffff, v0  }
0x5c8: {  	[tilespmem:s9+$0x0] =	vst.add.f32.msk $0xffff, v0;
	s9 =	sor.u32 $0x100, s5  }
0x5c9: {  	s5 =	sor.u32 $0x180, s5;
	[tilespmem:s9+$0x0] =	vst.add.f32.msk $0xffff, v0;
	s9 =	sor.u32 $0x10, s0  }
0x5ca: {  	[tilespmem:s5+$0x0] =	vst.add.f32.msk $0xffff, v0;
	s5 =	sor.u32 s9, s16;
	s9 =	sor.u32 s9, s2  }
0x5cb: {  	v0 =	vld [tilespmem:s5+$0x0];
	_ =	sdelay $0x4  }
0x5cc: {  	s5 =	sor.u32 $0x80, s9;
	[tilespmem:s9+$0x0] =	vst.add.f32.msk $0xffff, v0  }
0x5cd: {  	[tilespmem:s5+$0x0] =	vst.add.f32.msk $0xffff, v0;
	s5 =	sor.u32 $0x100, s9  }
0x5ce: {  	[tilespmem:s5+$0x0] =	vst.add.f32.msk $0xffff, v0;
	s5 =	sor.u32 $0x180, s9;
	s9 =	sor.u32 $0x20, s0  }
0x5cf: {  	[tilespmem:s5+$0x0] =	vst.add.f32.msk $0xffff, v0;
	s5 =	sor.u32 s9, s16;
	s9 =	sor.u32 s9, s2  }
0x5d0: {  	v0 =	vld [tilespmem:s5+$0x0];
	_ =	sdelay $0x4  }
0x5d1: {  	s5 =	sor.u32 $0x80, s9;
	[tilespmem:s9+$0x0] =	vst.add.f32.msk $0xffff, v0  }
0x5d2: {  	[tilespmem:s5+$0x0] =	vst.add.f32.msk $0xffff, v0;
	s5 =	sor.u32 $0x100, s9  }
0x5d3: {  	s0 =	sor.u32 $0x30, s0;
	[tilespmem:s5+$0x0] =	vst.add.f32.msk $0xffff, v0;
	s5 =	sor.u32 $0x180, s9  }
0x5d4: {  	[tilespmem:s5+$0x0] =	vst.add.f32.msk $0xffff, v0;
	s5 =	sor.u32 s0, s16;
	s0 =	sor.u32 s0, s2  }
0x5d5: {  	v0 =	vld [tilespmem:s5+$0x0];
	_ =	sdelay $0x2  }
.Ltmp16:
0x5d6: {  	s12 =	sadd.s32 $0x40, s12;
	s14 =	sadd.s32 $0x100, s14;
	(pc) =	sbr.rel @p0 .LBB2_34-.Ltmp16, $4  }
0x5d7: {  	s2 =	sshll.u32 s6, $0x3;
	s5 =	sshll.u32 s6, $0x8;
	s6 =	sor.u32 $0x180, s0  }
0x5d8: {  	s9 =	sand.u32 $0xE00, s14;
	s2 =	sand.u32 $0x3FFFFF80, s2;
	s16 =	sor.u32 $0x80, s0;
	[tilespmem:s0+$0x0] =	vst.add.f32.msk $0xffff, v0  }
0x5d9: {  	s17 =	sor.u32 $0x100, s0;
	s2 =	sadd.s32 s2, s9;
	s5 =	sand.u32 $0x3FFFF000, s5;
	[tilespmem:s16+$0x0] =	vst.add.f32.msk $0xffff, v0  }
0x5da: {  	s5 =	sor.u32 s9, s5;
	s0 =	sand.u32 $0x40, s12;
	s16 =	sadd.s32 $0x3000, s2;
	[tilespmem:s17+$0x0] =	vst.add.f32.msk $0xffff, v0  }
0x5db: {  	s2 =	sor.u32 s0, s16;
	[tilespmem:s6+$0x0] =	vst.add.f32.msk $0xffff, v0  }
0x5dc: {  	v0 =	vld [tilespmem:s2+$0x0];
	_ =	sdelay $0x2  }
0x5dd: {  	s2 =	sadd.s32 $0x12000, s5  }
0x5de: {  	s5 =	sor.u32 s0, s2  }
0x5df: {  	s17 =	sor.u32 $0x80, s5;
	[tilespmem:s5+$0x0] =	vst.add.f32.msk $0xffff, v0  }
0x5e0: {  	s19 =	sor.u32 $0x100, s5;
	[tilespmem:s17+$0x0] =	vst.add.f32.msk $0xffff, v0  }
0x5e1: {  	s21 =	sor.u32 $0x10, s0;
	s5 =	sor.u32 $0x180, s5;
	[tilespmem:s19+$0x0] =	vst.add.f32.msk $0xffff, v0  }
0x5e2: {  	s9 =	sor.u32 s21, s16;
	[tilespmem:s5+$0x0] =	vst.add.f32.msk $0xffff, v0  }
0x5e3: {  	v0 =	vld [tilespmem:s9+$0x0];
	_ =	sdelay $0x3  }
0x5e4: {  	s11 =	sor.u32 s21, s2  }
0x5e5: {  	s6 =	sor.u32 $0x80, s11;
	[tilespmem:s11+$0x0] =	vst.add.f32.msk $0xffff, v0  }
0x5e6: {  	s12 =	sor.u32 $0x100, s11;
	[tilespmem:s6+$0x0] =	vst.add.f32.msk $0xffff, v0  }
0x5e7: {  	s14 =	sor.u32 $0x20, s0;
	s5 =	sor.u32 $0x180, s11;
	[tilespmem:s12+$0x0] =	vst.add.f32.msk $0xffff, v0  }
0x5e8: {  	s17 =	sor.u32 s14, s16;
	[tilespmem:s5+$0x0] =	vst.add.f32.msk $0xffff, v0  }
0x5e9: {  	v0 =	vld [tilespmem:s17+$0x0];
	_ =	sdelay $0x3  }
0x5ea: {  	s19 =	sor.u32 s14, s2  }
0x5eb: {  	s6 =	sor.u32 $0x80, s19;
	[tilespmem:s19+$0x0] =	vst.add.f32.msk $0xffff, v0  }
0x5ec: {  	s21 =	sor.u32 $0x100, s19;
	[tilespmem:s6+$0x0] =	vst.add.f32.msk $0xffff, v0  }
0x5ed: {  	s5 =	sor.u32 $0x180, s19;
	s6 =	sor.u32 $0x30, s0;
	[tilespmem:s21+$0x0] =	vst.add.f32.msk $0xffff, v0  }
0x5ee: {  	s9 =	sor.u32 s6, s16;
	[tilespmem:s5+$0x0] =	vst.add.f32.msk $0xffff, v0  }
0x5ef: {  	v0 =	vld [tilespmem:s9+$0x0];
	_ =	sdelay $0x3  }
0x5f0: {  	s0 =	sor.u32 s6, s2  }
0x5f1: {  	s2 =	sor.u32 $0x80, s0;
	[tilespmem:s0+$0x0] =	vst.add.f32.msk $0xffff, v0  }
0x5f2: {  	s12 =	sld [smem:$0x7FD];
	s11 =	sor.u32 $0x100, s0;
	[tilespmem:s2+$0x0] =	vst.add.f32.msk $0xffff, v0  }
0x5f3: {  	s0 =	sor.u32 $0x180, s0;
	[tilespmem:s11+$0x0] =	vst.add.f32.msk $0xffff, v0  }
0x5f4: {  	s14 =	simm.s32 $0x7;
	[tilespmem:s0+$0x0] =	vst.add.f32.msk $0xffff, v0  }
0x5f5: {  	[hbm4b:s12+s22] =	stream.linear.scatter [tilespmem:s26], [sflag:$0xA], $0x4000, $0x38;
	[tilespmem:$0x1E000] =	vst v63  }
0x5f6: {  	_ =	swait.ge [sflag:s14], $0x4000  }
0x5f7: {  	[sflag:s14] =	ssyncset.done $0x0  }
0x5f8: {  	s16 =	simm.s32 $0x8;
	[sflag:s14] =	ssyncadd.s32 $0xFFFFC000  }
0x5f9: {  	_ =	swait.ge [sflag:s16], $0x4000  }
0x5fa: {  	[sflag:s16] =	ssyncset.done $0x0  }
0x5fb: {  	[sflag:s16] =	ssyncadd.s32 $0xFFFFC000  }
0x5fc: {  	_ =	swait.ge [sflag:s10], $0x4000  }
0x5fd: {  	[sflag:s10] =	ssyncset.done $0x0  }
0x5fe: {  	[sflag:s10] =	ssyncadd.s32 $0xFFFFC000  }
0x5ff: {  	_ =	swait.ge [sflag:s18], $0x4000  }
0x600: {  	[sflag:s18] =	ssyncset.done $0x0  }
0x601: {  	s17 =	simm.s32 $0xB;
	[sflag:s18] =	ssyncadd.s32 $0xFFFFC000  }
0x602: {  	_ =	swait.ge [sflag:s17], $0x4000  }
0x603: {  	[sflag:s17] =	ssyncset.done $0x0  }
0x604: {  	s19 =	simm.s32 $0xC;
	[sflag:s17] =	ssyncadd.s32 $0xFFFFC000  }
0x605: {  	_ =	swait.ge [sflag:s19], $0x4000  }
0x606: {  	s21 =	sld [smem:$0x7F8];
	_ =	sdelay $0x1  }
0x607: {  	s4 =	sadd.s32 $0x1, s4  }
0x608: {  	p0 =	sne.s32 s4, s21  }
.Ltmp17:
0x609: {  	_ = 	snop;
	(pc) =	sbr.rel @p0 .LBB2_1-.Ltmp17, $3  }
0x60a: {  	_ =	sdelay $0x1  }
0x60b: {  	[sflag:s19] =	ssyncset.done $0x0  }
0x60c: {  	[sflag:s19] =	ssyncadd.s32 $0xFFFFC000  }
0x60d: {  	_ =	sfence.sel $0x180000  }
0x60e: {  	[bflag:$0x0] =	sbarrier.arrive $0xFFFF  }
0x60f: {  	_ =	strace $0x90000047  }
0x610: {  	s0 =	stileid.u32;
	[bflag:$0x2] =	sbarrier.arrive $0xFFFF  }
0x611: {  	p0 =	sne.s32 s0, $0x0;
	s0 =	rddreg [dreg:$0x3]  }
0x612: {  	s0 =	sadd.s32 @!p0 $0x100000, s0  }
0x613: {  	[sflag:s0] =	ssyncadd.tile.s32 @!p0 $0x1;
	_ =	shalt  }
.Lfunc_end2:
_tile_overlayer_lowered:
.L_overlay_start_2:
0x614: {  	(tag) =	ssettag $0x2  }
0x615: {  	s0 =	rddreg [dreg:$0x0];
	s2 =	stileid.u32  }
0x616: {  	s1 =	rddreg [dreg:$0x1];
	p0 =	sne.s32 s2, $0x0  }
0x617: {  	s3 =	rddreg [dreg:$0x2];
	[bflag:$0x3] =	sbarrier.arrive $0xFFFF;
	s2 =	simm.s32 @!p0 $0x1C0D  }
0x618: {  	[timem:s3], [sflag:s2] =	dma.local @!p0 [hbm:s0], s1  }
0x619: {  	s0 =	simm.s32 @!p0 $0xD  }
0x61a: {  	_ =	swait.ge @!p0 [sflag:s0], s1  }
0x61b: {  	s1 =	ssub.s32 @!p0 $0x0, s1;
	[sflag:s0] =	ssyncset.done @!p0 $0x0  }
0x61c: {  	[sflag:s0] =	ssyncadd.s32 @!p0 s1  }
0x61d: {  	[bflag:$0x3] =	sbarrier.arrive $0xFFFF  }
0x61e: {  	_ =	shalt  }

</sc_bundles>
